<compile_context>
chip_gen: v7x
topology: tpu7x:2x2x1
jax: 0.10.2.dev20260603
libtpu: 0.0.44.dev20260713+nightly
codegen_flags: <defaults>
</compile_context>

<pallas_src>
import functools

import jax
import jax.numpy as jnp
import numpy as np
from jax import lax
from jax.experimental import pallas as pl
from jax.experimental.pallas import tpu as pltpu
from jax.experimental.pallas import tpu_sc as plsc

B, T, N, F, H, HEADS, HOR, E = 2, 12, 1024, 3, 128, 8, 12, 8192
DH = H // HEADS
NB = 256
SCALE = 1.0 / np.sqrt(DH)


_NC, _NS, _L = 2, 16, 16
_NW = _NC * _NS
_ROWS = N // _NW
_CHUNKS = E // _L


def _adj_body(src_hbm, dst_hbm, w_hbm, zeros_hbm, out_hbm, src_v, dst_v, w_v,
              acc_v):
    wid = lax.axis_index("s") * _NC + lax.axis_index("c")
    base = wid * _ROWS
    pltpu.sync_copy(src_hbm, src_v)
    pltpu.sync_copy(dst_hbm, dst_v)
    pltpu.sync_copy(w_hbm, w_v)
    pltpu.sync_copy(zeros_hbm, acc_v)

    def body(c, carry):
        off = c * _L
        dstc = dst_v[pl.ds(off, _L)]
        srcc = src_v[pl.ds(off, _L)]
        wc = w_v[pl.ds(off, _L)]
        msk = (dstc >= base) & (dstc < base + _ROWS)
        idx = (dstc - base) * N + srcc
        plsc.addupdate_scatter(acc_v, [idx], wc, mask=msk)
        return carry

    lax.fori_loop(0, _CHUNKS, body, 0)
    pltpu.sync_copy(acc_v, out_hbm.at[pl.ds(base * N, _ROWS * N)])


def _build_adj(src, dst, w):
    zeros = jnp.zeros((_ROWS * N,), jnp.float32)
    k = functools.partial(
        pl.kernel,
        mesh=plsc.VectorSubcoreMesh(core_axis_name="c", subcore_axis_name="s"),
        out_type=jax.ShapeDtypeStruct((N * N,), jnp.float32),
        compiler_params=pltpu.CompilerParams(needs_layout_passes=False),
        scratch_types=[
            pltpu.VMEM((E,), jnp.int32),
            pltpu.VMEM((E,), jnp.int32),
            pltpu.VMEM((E,), jnp.float32),
            pltpu.VMEM((_ROWS * N,), jnp.float32),
        ],
    )(_adj_body)
    return k(src, dst, w, zeros).reshape(N, N)



def _spatial_body(x_ref, cos_ref, sin_ref, adj_ref, we_ref, be_ref, wq_ref,
                  wk_ref, wv_ref, wo_ref, out_ref, lmask_ref):
    b = pl.program_id(0)
    t = pl.program_id(1)

    @pl.when((b == 0) & (t == 0))
    def _():
        lmask_ref[...] = jnp.log(adj_ref[...])

    xb = x_ref[0, 0]
    h = jnp.dot(xb, we_ref[...], preferred_element_type=jnp.float32)
    h = h + be_ref[...]
    cos = cos_ref[0]
    sin = sin_ref[0]
    hsw = jnp.concatenate([h[:, H // 2:], h[:, :H // 2]], axis=1)
    hr = h * cos + hsw * sin
    q = jnp.dot(hr, wq_ref[...], preferred_element_type=jnp.float32)
    k = jnp.dot(hr, wk_ref[...], preferred_element_type=jnp.float32)
    v = jnp.dot(hr, wv_ref[...], preferred_element_type=jnp.float32)
    lmask = lmask_ref[...]
    ones_col = jnp.ones((N, 1), jnp.float32)
    outs = []
    for i in range(HEADS):
        sl = slice(i * DH, (i + 1) * DH)
        qh, kh, vh = q[:, sl], k[:, sl], v[:, sl]
        s = lax.dot_general(qh, kh, (((1,), (1,)), ((), ())),
                            preferred_element_type=jnp.float32)
        c = s + lmask
        m = jnp.max(c, axis=1, keepdims=True)
        e = jnp.exp(c - jnp.maximum(m, -1e30))
        vext = jnp.concatenate([vh, ones_col], axis=1)
        nd = jnp.dot(e, vext, preferred_element_type=jnp.float32)
        outs.append(nd[:, :DH] * (1.0 / (nd[:, DH:DH + 1] + 1e-16)))
    agg = jnp.concatenate(outs, axis=1)
    agg = jnp.dot(agg, wo_ref[...], preferred_element_type=jnp.float32)
    y = hr + agg
    mu = jnp.mean(y, axis=1, keepdims=True)
    var = jnp.mean((y - mu) ** 2, axis=1, keepdims=True)
    out_ref[0, 0] = (y - mu) * lax.rsqrt(var + 1e-5)


def _spatial_call(x, cos2, sin2, adj, We, be2, Wq, Wk, Wv, Wo):
    cw = lambda b, t: (b, t, 0, 0)
    ct = lambda b, t: (t, 0, 0)
    c0 = lambda b, t: (0, 0)
    return pl.pallas_call(
        _spatial_body,
        grid=(B, T),
        in_specs=[
            pl.BlockSpec((1, 1, N, F), cw),
            pl.BlockSpec((1, 1, H), ct),
            pl.BlockSpec((1, 1, H), ct),
            pl.BlockSpec((N, N), c0),
            pl.BlockSpec((F, H), c0),
            pl.BlockSpec((1, H), c0),
            pl.BlockSpec((H, H), c0),
            pl.BlockSpec((H, H), c0),
            pl.BlockSpec((H, H), c0),
            pl.BlockSpec((H, H), c0),
        ],
        out_specs=pl.BlockSpec((1, 1, N, H), cw),
        out_shape=jax.ShapeDtypeStruct((B, T, N, H), jnp.float32),
        scratch_shapes=[pltpu.VMEM((N, N), jnp.float32)],
    )(x, cos2, sin2, adj, We, be2, Wq, Wk, Wv, Wo)



def _temporal_body(h_ref, wtq_ref, wtk_ref, wtv_ref, wto_ref, wd_ref, bd_ref,
                   wh_ref, bh_ref, out_ref):
    hb = h_ref[0]
    h2 = hb.reshape(T * NB, H)
    tq = jnp.dot(h2, wtq_ref[...], preferred_element_type=jnp.float32)
    tk = jnp.dot(h2, wtk_ref[...], preferred_element_type=jnp.float32)
    tv = jnp.dot(h2, wtv_ref[...], preferred_element_type=jnp.float32)
    tq3 = tq.reshape(T, NB, H)
    tk3 = tk.reshape(T, NB, H)
    tv3 = tv.reshape(T, NB, H)
    d_idx = lax.broadcasted_iota(jnp.int32, (H, HEADS), 0)
    h_idx = lax.broadcasted_iota(jnp.int32, (H, HEADS), 1)
    hmat = (d_idx // DH == h_idx).astype(jnp.float32)
    hexp = jnp.transpose(hmat)
    rows = [[None] * T for _ in range(T)]
    for t in range(T):
        for s in range(T):
            rows[t][s] = jnp.dot(tq3[t] * tk3[s], hmat,
                                 preferred_element_type=jnp.float32)
    touts = []
    for t in range(T):
        m = rows[t][0]
        for s in range(1, T):
            m = jnp.maximum(m, rows[t][s])
        es = [jnp.exp(rows[t][s] - m) for s in range(T)]
        den = es[0]
        for s in range(1, T):
            den = den + es[s]
        recip = 1.0 / den
        acc = None
        for s in range(T):
            a = jnp.dot(es[s] * recip, hexp,
                        preferred_element_type=jnp.float32)
            term = a * tv3[s]
            acc = term if acc is None else acc + term
        touts.append(acc)
    tout = jnp.concatenate([a[None] for a in touts], axis=0)
    to2 = jnp.dot(tout.reshape(T * NB, H), wto_ref[...],
                  preferred_element_type=jnp.float32)
    y = h2 + to2
    mu = jnp.mean(y, axis=1, keepdims=True)
    var = jnp.mean((y - mu) ** 2, axis=1, keepdims=True)
    hf = (y - mu) * lax.rsqrt(var + 1e-5)
    d = jnp.dot(hf, wd_ref[...], preferred_element_type=jnp.float32)
    d = d + bd_ref[...]
    d3 = d.reshape(T, NB, F)
    for hor in range(HOR):
        acc = d3[0] * wh_ref[0, hor]
        for t in range(1, T):
            acc = acc + d3[t] * wh_ref[t, hor]
        out_ref[0, hor] = acc + bh_ref[hor]


def _temporal_call(hsp, Wtq, Wtk, Wtv, Wto, Wd, bd2, Wh, bh):
    ch = lambda b, nb: (b, 0, nb, 0)
    c0 = lambda b, nb: (0, 0)
    return pl.pallas_call(
        _temporal_body,
        grid=(B, N // NB),
        in_specs=[
            pl.BlockSpec((1, T, NB, H), ch),
            pl.BlockSpec((H, H), c0),
            pl.BlockSpec((H, H), c0),
            pl.BlockSpec((H, H), c0),
            pl.BlockSpec((H, H), c0),
            pl.BlockSpec((H, F), c0),
            pl.BlockSpec((1, F), c0),
            pl.BlockSpec(memory_space=pltpu.SMEM),
            pl.BlockSpec(memory_space=pltpu.SMEM),
        ],
        out_specs=pl.BlockSpec((1, HOR, NB, F), ch),
        out_shape=jax.ShapeDtypeStruct((B, HOR, N, F), jnp.float32),
    )(hsp, Wtq, Wtk, Wtv, Wto, Wd, bd2, Wh, bh)




def _rope_tables():
    half = H // 2
    t = np.arange(T, dtype=np.float32)
    freqs = 1.0 / (10000.0 ** (np.arange(half, dtype=np.float32) / half))
    ang = t[:, None] * freqs[None, :]
    cos = np.cos(ang).astype(np.float32)
    sin = np.sin(ang).astype(np.float32)
    cos2 = np.concatenate([cos, cos], axis=1).reshape(T, 1, H)
    sin2 = np.concatenate([-sin, sin], axis=1).reshape(T, 1, H)
    return jnp.asarray(cos2), jnp.asarray(sin2)


def kernel(x, edge_index, edge_weight, We, be, Wq, Wk, Wv, Wo, Wtq, Wtk, Wtv,
           Wto, Wd, bd, Wh, bh):
    adj = _build_adj(edge_index[0], edge_index[1], edge_weight)
    cos2, sin2 = _rope_tables()
    Wq = Wq * SCALE
    Wtq = Wtq * SCALE
    hsp = _spatial_call(x, cos2, sin2, adj, We, be.reshape(1, H), Wq, Wk, Wv,
                        Wo)
    return _temporal_call(hsp, Wtq, Wtk, Wtv, Wto, Wd, bd.reshape(1, F), Wh,
                          bh)

# --- scband reference (transcript-rebuilt; emitter-appended) ---
"""Pipeline reference for scband-mp-dstan-21071109554591 (READ-ONLY COPY).

The authoritative reference and input builder live on the scoring server;
editing this copy changes nothing except your own understanding.
"""

import jax, jax.numpy as jnp
import numpy as np

B, T, N, F, H, HEADS, HOR, E = 2, 12, 1024, 3, 128, 8, 12, 8192
DH = H // HEADS


def rope(x):
    half = x.shape[-1] // 2
    t = jnp.arange(x.shape[1], dtype=jnp.float32)
    freqs = 1.0 / (10000.0 ** (jnp.arange(half, dtype=jnp.float32) / half))
    ang = t[:, None] * freqs[None, :]
    cos = jnp.cos(ang)[None, :, None, :]
    sin = jnp.sin(ang)[None, :, None, :]
    x1, x2 = x[..., :half], x[..., half:]
    return jnp.concatenate([x1 * cos - x2 * sin, x1 * sin + x2 * cos], axis=-1)


def _ln(x):
    mu = x.mean(-1, keepdims=True)
    var = x.var(-1, keepdims=True)
    return (x - mu) / jnp.sqrt(var + 1e-5)


def setup_inputs(seed: int = 0):
    key = jax.random.key(seed)
    ks = jax.random.split(key, 16)
    def lin(k, i, o):
        return jax.random.normal(k, (i, o), dtype=jnp.float32) * (1.0 / np.sqrt(i))
    inp = {}
    inp['x'] = jax.random.normal(ks[0], (B, T, N, F), dtype=jnp.float32)
    inp['edge_index'] = jax.random.randint(ks[1], (2, E), 0, N, dtype=jnp.int32)
    inp['edge_weight'] = jax.random.uniform(ks[2], (E,), dtype=jnp.float32)
    inp['We'] = lin(ks[3], F, H); inp['be'] = jnp.zeros((H,), jnp.float32)
    inp['Wq'] = lin(ks[4], H, H); inp['Wk'] = lin(ks[5], H, H)
    inp['Wv'] = lin(ks[6], H, H); inp['Wo'] = lin(ks[7], H, H)
    inp['Wtq'] = lin(ks[8], H, H); inp['Wtk'] = lin(ks[9], H, H)
    inp['Wtv'] = lin(ks[10], H, H); inp['Wto'] = lin(ks[11], H, H)
    inp['Wd'] = lin(ks[12], H, F); inp['bd'] = jnp.zeros((F,), jnp.float32)
    inp['Wh'] = lin(ks[13], T, HOR); inp['bh'] = jnp.zeros((HOR,), jnp.float32)
    return inp


def _forward(x, edge_weight, We, be, Wq, Wk, Wv, Wo, Wtq, Wtk, Wtv, Wto, Wd, bd, Wh, bh, edge_index):
    h = x @ We + be
    h = rope(h)
    src = edge_index[0]
    dst = edge_index[1]
    def heads(y, W):
        return (y @ W).reshape(B, T, N, HEADS, DH)
    q = heads(h, Wq); k = heads(h, Wk); v = heads(h, Wv)
    q_dst = jnp.moveaxis(q[:, :, dst], 2, 0)
    k_src = jnp.moveaxis(k[:, :, src], 2, 0)
    v_src = jnp.moveaxis(v[:, :, src], 2, 0)
    scores = (q_dst * k_src).sum(-1) / np.sqrt(DH)
    smax = jax.ops.segment_max(scores, dst, num_segments=N)
    smax = jnp.where(jnp.isfinite(smax), smax, 0.0)
    ex = jnp.exp(scores - smax[dst]) * edge_weight[:, None, None, None]
    den = jax.ops.segment_sum(ex, dst, num_segments=N)
    alpha = ex / (den[dst] + 1e-16)
    msg = alpha[..., None] * v_src
    agg = jax.ops.segment_sum(msg, dst, num_segments=N)
    agg = jnp.moveaxis(agg, 0, 2).reshape(B, T, N, H) @ Wo
    h = _ln(h + agg)
    ht = jnp.swapaxes(h, 1, 2)
    def theads(y, W):
        return (y @ W).reshape(B, N, T, HEADS, DH).transpose(0, 1, 3, 2, 4)
    tq = theads(ht, Wtq); tk = theads(ht, Wtk); tv = theads(ht, Wtv)
    ts = jnp.einsum('bnhtd,bnhsd->bnhts', tq, tk) / np.sqrt(DH)
    ta = jax.nn.softmax(ts, axis=-1)
    tout = jnp.einsum('bnhts,bnhsd->bnhtd', ta, tv)
    tout = tout.transpose(0, 1, 3, 2, 4).reshape(B, N, T, H) @ Wto
    h = _ln(ht + tout)
    h = jnp.swapaxes(h, 1, 2)
    x_out = h @ Wd + bd
    x_out = x_out.transpose(0, 2, 3, 1)
    x_out = x_out @ Wh + bh
    x_out = x_out.transpose(0, 3, 1, 2)
    return x_out


def reference(x, edge_index, edge_weight, We, be, Wq, Wk, Wv, Wo, Wtq, Wtk, Wtv, Wto, Wd, bd, Wh, bh):
    return _forward(x, edge_weight, We, be, Wq, Wk, Wv, Wo, Wtq, Wtk, Wtv, Wto, Wd, bd, Wh, bh, edge_index)

if __name__ == "__main__":
    import jax
    _d = setup_inputs()
    print(jax.jit(kernel)(*tuple(_d.values())))

</pallas_src>

<mosaic_0001>
#map = affine_map<(d0, d1) -> (0)>
module attributes {stable_mosaic.version = 14 : i64} {
  func.func @_adj_body(%arg0: i32, %arg1: i32, %arg2: memref<8192xi32, #tpu.memory_space<hbm>>, %arg3: memref<8192xi32, #tpu.memory_space<hbm>>, %arg4: memref<8192xf32, #tpu.memory_space<hbm>>, %arg5: memref<32768xf32, #tpu.memory_space<hbm>>, %arg6: memref<1048576xf32, #tpu.memory_space<hbm>>, %arg7: memref<8192xi32, #tpu.memory_space<vmem>>, %arg8: memref<8192xi32, #tpu.memory_space<vmem>>, %arg9: memref<8192xf32, #tpu.memory_space<vmem>>, %arg10: memref<32768xf32, #tpu.memory_space<vmem>>) attributes {dimension_semantics = [#tpu.dimension_semantics<core_parallel>, #tpu.dimension_semantics<subcore_parallel>], iteration_bounds = array<i64: 2, 16>, scalar_prefetch = 0 : i64, scratch_operands = 4 : i64, tpu.core_type = #tpu.core_type<sc_vector_subcore>, window_params = [{transform_indices = #map}, {transform_indices = #map}, {transform_indices = #map}, {transform_indices = #map}, {transform_indices = #map}]} {
    %mul3A = arith.constant 2 : i32
    %mul3A_0 = arith.muli %arg1, %mul3A : i32
    %add3A = arith.addi %mul3A_0, %arg0 : i32
    %mul3A_1 = arith.constant 32 : i32
    %mul3A_2 = arith.muli %add3A, %mul3A_1 : i32
    "tpu.region"() ({
      %run_scoped3A = tpu.sem_alloc : memref<!tpu.dma_semaphore, #tpu.memory_space<semaphore_mem>>
      tpu.enqueue_dma source(%arg2 : memref<8192xi32, #tpu.memory_space<hbm>>) target(%arg7 : memref<8192xi32, #tpu.memory_space<vmem>>) target_semaphore(%run_scoped3A : memref<!tpu.dma_semaphore, #tpu.memory_space<semaphore_mem>>)
      tpu.wait_dma2 semaphore(%run_scoped3A : memref<!tpu.dma_semaphore, #tpu.memory_space<semaphore_mem>>) src(%arg2 : memref<8192xi32, #tpu.memory_space<hbm>>) dst(%arg7 : memref<8192xi32, #tpu.memory_space<vmem>>)
      tpu.yield
    }) : () -> ()
    "tpu.region"() ({
      %run_scoped3A = tpu.sem_alloc : memref<!tpu.dma_semaphore, #tpu.memory_space<semaphore_mem>>
      tpu.enqueue_dma source(%arg3 : memref<8192xi32, #tpu.memory_space<hbm>>) target(%arg8 : memref<8192xi32, #tpu.memory_space<vmem>>) target_semaphore(%run_scoped3A : memref<!tpu.dma_semaphore, #tpu.memory_space<semaphore_mem>>)
      tpu.wait_dma2 semaphore(%run_scoped3A : memref<!tpu.dma_semaphore, #tpu.memory_space<semaphore_mem>>) src(%arg3 : memref<8192xi32, #tpu.memory_space<hbm>>) dst(%arg8 : memref<8192xi32, #tpu.memory_space<vmem>>)
      tpu.yield
    }) : () -> ()
    "tpu.region"() ({
      %run_scoped3A = tpu.sem_alloc : memref<!tpu.dma_semaphore, #tpu.memory_space<semaphore_mem>>
      tpu.enqueue_dma source(%arg4 : memref<8192xf32, #tpu.memory_space<hbm>>) target(%arg9 : memref<8192xf32, #tpu.memory_space<vmem>>) target_semaphore(%run_scoped3A : memref<!tpu.dma_semaphore, #tpu.memory_space<semaphore_mem>>)
      tpu.wait_dma2 semaphore(%run_scoped3A : memref<!tpu.dma_semaphore, #tpu.memory_space<semaphore_mem>>) src(%arg4 : memref<8192xf32, #tpu.memory_space<hbm>>) dst(%arg9 : memref<8192xf32, #tpu.memory_space<vmem>>)
      tpu.yield
    }) : () -> ()
    "tpu.region"() ({
      %run_scoped3A = tpu.sem_alloc : memref<!tpu.dma_semaphore, #tpu.memory_space<semaphore_mem>>
      tpu.enqueue_dma source(%arg5 : memref<32768xf32, #tpu.memory_space<hbm>>) target(%arg10 : memref<32768xf32, #tpu.memory_space<vmem>>) target_semaphore(%run_scoped3A : memref<!tpu.dma_semaphore, #tpu.memory_space<semaphore_mem>>)
      tpu.wait_dma2 semaphore(%run_scoped3A : memref<!tpu.dma_semaphore, #tpu.memory_space<semaphore_mem>>) src(%arg5 : memref<32768xf32, #tpu.memory_space<hbm>>) dst(%arg10 : memref<32768xf32, #tpu.memory_space<vmem>>)
      tpu.yield
    }) : () -> ()
    %scan3A = arith.constant 0 : i32
    %scan3A_3 = arith.constant 0 : i32
    %scan3A_4 = arith.constant 512 : i32
    %scan3A_5 = arith.addi %scan3A_3, %scan3A_4 : i32
    %scan3A_6 = arith.constant 1 : i32
    scf.for %scan3A_10 = %scan3A_3 to %scan3A_5 step %scan3A_6  : i32 {
      %mul3A_11 = arith.constant 16 : i32
      %mul3A_12 = arith.muli %scan3A_10, %mul3A_11 : i32
      %get3A = arith.index_cast %mul3A_12 : i32 to index
      %get3A_13 = tpu.vector_load %arg8[%get3A] {strides = array<i32>} : memref<8192xi32, #tpu.memory_space<vmem>>, vector<16xi32>,
      %get3A_14 = arith.index_cast %mul3A_12 : i32 to index
      %get3A_15 = tpu.vector_load %arg7[%get3A_14] {strides = array<i32>} : memref<8192xi32, #tpu.memory_space<vmem>>, vector<16xi32>,
      %get3A_16 = arith.index_cast %mul3A_12 : i32 to index
      %get3A_17 = tpu.vector_load %arg9[%get3A_16] {strides = array<i32>} : memref<8192xf32, #tpu.memory_space<vmem>>, vector<16xf32>,
      %ge3A = vector.broadcast %mul3A_2 : i32 to vector<16xi32>
      %ge3A_18 = arith.cmpi sge, %get3A_13, %ge3A : vector<16xi32>
      %add3A_19 = arith.constant 32 : i32
      %add3A_20 = arith.addi %mul3A_2, %add3A_19 : i32
      %lt3A = vector.broadcast %add3A_20 : i32 to vector<16xi32>
      %lt3A_21 = arith.cmpi slt, %get3A_13, %lt3A : vector<16xi32>
      %and3A = arith.andi %ge3A_18, %lt3A_21 : vector<16xi1>
      %sub3A = vector.broadcast %mul3A_2 : i32 to vector<16xi32>
      %sub3A_22 = arith.subi %get3A_13, %sub3A : vector<16xi32>
      %mul3A_23 = arith.constant 1024 : i32
      %mul3A_24 = vector.broadcast %mul3A_23 : i32 to vector<16xi32>
      %mul3A_25 = arith.muli %sub3A_22, %mul3A_24 : vector<16xi32>
      %add3A_26 = arith.addi %mul3A_25, %get3A_15 : vector<16xi32>
      tpu.vector_store_idx %arg10[%add3A_26], %get3A_17 masked %and3A {add = true} : memref<32768xf32, #tpu.memory_space<vmem>>[vector<16xi32>], vector<16xf32>, vector<16xi1>
    }
    %scan3A_7 = arith.constant 512 : i32
    %mul3A_8 = arith.constant 1024 : i32
    %mul3A_9 = arith.muli %mul3A_2, %mul3A_8 : i32
    "tpu.region"() ({
      %run_scoped3A = tpu.sem_alloc : memref<!tpu.dma_semaphore, #tpu.memory_space<semaphore_mem>>
      %dma_start3A = tpu.memref_slice %arg6[%mul3A_9] : memref<1048576xf32, #tpu.memory_space<hbm>> -> memref<32768xf32, #tpu.memory_space<hbm>>
      %dma_start3A_10 = tpu.memref_slice %arg6[%mul3A_9] : memref<1048576xf32, #tpu.memory_space<hbm>> -> memref<32768xf32, #tpu.memory_space<hbm>>
      tpu.enqueue_dma source(%arg10 : memref<32768xf32, #tpu.memory_space<vmem>>) target(%dma_start3A_10 : memref<32768xf32, #tpu.memory_space<hbm>>) target_semaphore(%run_scoped3A : memref<!tpu.dma_semaphore, #tpu.memory_space<semaphore_mem>>)
      %dma_wait3A = tpu.memref_slice %arg6[%mul3A_9] : memref<1048576xf32, #tpu.memory_space<hbm>> -> memref<32768xf32, #tpu.memory_space<hbm>>
      %dma_wait3A_11 = tpu.memref_slice %arg6[%mul3A_9] : memref<1048576xf32, #tpu.memory_space<hbm>> -> memref<32768xf32, #tpu.memory_space<hbm>>
      tpu.wait_dma2 semaphore(%run_scoped3A : memref<!tpu.dma_semaphore, #tpu.memory_space<semaphore_mem>>) src(%arg10 : memref<32768xf32, #tpu.memory_space<vmem>>) dst(%dma_wait3A_11 : memref<32768xf32, #tpu.memory_space<hbm>>)
      tpu.yield
    }) : () -> ()
    return
  }
}

module attributes {stable_mosaic.version = 14 : i64} {
  func.func @_spatial_body(%arg0: i32, %arg1: i32, %arg2: memref<1x1x1024x3xf32, #tpu.memory_space<vmem>>, %arg3: memref<1x1x128xf32, #tpu.memory_space<vmem>>, %arg4: memref<1x1x128xf32, #tpu.memory_space<vmem>>, %arg5: memref<1024x1024xf32, #tpu.memory_space<vmem>>, %arg6: memref<3x128xf32, #tpu.memory_space<vmem>>, %arg7: memref<1x128xf32, #tpu.memory_space<vmem>>, %arg8: memref<128x128xf32, #tpu.memory_space<vmem>>, %arg9: memref<128x128xf32, #tpu.memory_space<vmem>>, %arg10: memref<128x128xf32, #tpu.memory_space<vmem>>, %arg11: memref<128x128xf32, #tpu.memory_space<vmem>>, %arg12: memref<1x1x1024x128xf32, #tpu.memory_space<vmem>>, %arg13: memref<1024x1024xf32, #tpu.memory_space<vmem>>) attributes {dimension_semantics = [#tpu.dimension_semantics<arbitrary>, #tpu.dimension_semantics<arbitrary>], iteration_bounds = array<i64: 2, 12>, scalar_prefetch = 0 : i64, scratch_operands = 1 : i64, tpu.core_type = #tpu.core_type<tc>, window_params = [{transform_indices = @transform_0, window_bounds = array<i64: 1, 1, 1024, 3>}, {transform_indices = @transform_1, window_bounds = array<i64: 1, 1, 128>}, {transform_indices = @transform_2, window_bounds = array<i64: 1, 1, 128>}, {pipeline_mode = #tpu.pipeline_mode<synchronous>, transform_indices = @transform_3, window_bounds = array<i64: 1024, 1024>}, {pipeline_mode = #tpu.pipeline_mode<synchronous>, transform_indices = @transform_4, window_bounds = array<i64: 3, 128>}, {pipeline_mode = #tpu.pipeline_mode<synchronous>, transform_indices = @transform_5, window_bounds = array<i64: 1, 128>}, {pipeline_mode = #tpu.pipeline_mode<synchronous>, transform_indices = @transform_6, window_bounds = array<i64: 128, 128>}, {pipeline_mode = #tpu.pipeline_mode<synchronous>, transform_indices = @transform_7, window_bounds = array<i64: 128, 128>}, {pipeline_mode = #tpu.pipeline_mode<synchronous>, transform_indices = @transform_8, window_bounds = array<i64: 128, 128>}, {pipeline_mode = #tpu.pipeline_mode<synchronous>, transform_indices = @transform_9, window_bounds = array<i64: 128, 128>}, {transform_indices = @transform_10, window_bounds = array<i64: 1, 1, 1024, 128>}]} {
    %eq3A = arith.constant 0 : i32
    %eq3A_0 = arith.cmpi eq, %arg0, %eq3A : i32
    %eq3A_1 = arith.constant 0 : i32
    %eq3A_2 = arith.cmpi eq, %arg1, %eq3A_1 : i32
    %and3A = arith.andi %eq3A_0, %eq3A_2 : i1
    %convert_element_type3A = arith.extui %and3A : i1 to i32
    %cond3A = arith.constant 0 : i32
    %cond3A_3 = arith.cmpi ne, %convert_element_type3A, %cond3A : i32
    scf.if %cond3A_3 {
      %get3A_303 = arith.constant 0 : index
      %get3A_304 = arith.constant 0 : index
      %get3A_305 = vector.load %arg5[%get3A_303, %get3A_304] : memref<1024x1024xf32, #tpu.memory_space<vmem>>, vector<1024x1024xf32>
      %log3A = math.log %get3A_305 : vector<1024x1024xf32>
      %swap3A_306 = arith.constant 0 : index
      %swap3A_307 = arith.constant 0 : index
      %swap3A_308 = vector.load %arg13[%swap3A_306, %swap3A_307] : memref<1024x1024xf32, #tpu.memory_space<vmem>>, vector<1024x1024xf32>
      tpu.vector_store %arg13[%swap3A_306, %swap3A_307], %log3A {strides = array<i32>} : memref<1024x1024xf32, #tpu.memory_space<vmem>>, vector<1024x1024xf32>,
    } else {
    }
    %get3A = arith.constant 0 : index
    %get3A_4 = arith.constant 0 : index
    %get3A_5 = arith.constant 0 : index
    %get3A_6 = arith.constant 0 : index
    %get3A_7 = vector.load %arg2[%get3A, %get3A_4, %get3A_5, %get3A_6] : memref<1x1x1024x3xf32, #tpu.memory_space<vmem>>, vector<1x1x1024x3xf32>
    %get3A_8 = vector.shape_cast %get3A_7 : vector<1x1x1024x3xf32> to vector<1024x3xf32>
    %get3A_9 = arith.constant 0 : index
    %get3A_10 = arith.constant 0 : index
    %get3A_11 = vector.load %arg6[%get3A_9, %get3A_10] : memref<3x128xf32, #tpu.memory_space<vmem>>, vector<3x128xf32>
    %dot_general3A = arith.constant dense<0.000000e+00> : vector<1024x128xf32>
    %dot_general3A_12 = tpu.matmul %get3A_8, %get3A_11, %dot_general3A {dimension_numbers = #tpu.dot_dimension_numbers<[1], [0], [0], [1], [0, 0, 1, 1], [], []>, transpose_lhs_hint = false} : vector<1024x3xf32>, vector<3x128xf32>, vector<1024x128xf32> -> vector<1024x128xf32>
    %get3A_13 = arith.constant 0 : index
    %get3A_14 = arith.constant 0 : index
    %get3A_15 = vector.load %arg7[%get3A_13, %get3A_14] : memref<1x128xf32, #tpu.memory_space<vmem>>, vector<1x128xf32>
    %add3A = vector.broadcast %get3A_15 : vector<1x128xf32> to vector<1024x128xf32>
    %add3A_16 = arith.addf %dot_general3A_12, %add3A : vector<1024x128xf32>
    %get3A_17 = arith.constant 0 : index
    %get3A_18 = arith.constant 0 : index
    %get3A_19 = arith.constant 0 : index
    %get3A_20 = vector.load %arg3[%get3A_17, %get3A_18, %get3A_19] : memref<1x1x128xf32, #tpu.memory_space<vmem>>, vector<1x1x128xf32>
    %get3A_21 = vector.shape_cast %get3A_20 : vector<1x1x128xf32> to vector<1x128xf32>
    %get3A_22 = arith.constant 0 : index
    %get3A_23 = arith.constant 0 : index
    %get3A_24 = arith.constant 0 : index
    %get3A_25 = vector.load %arg4[%get3A_22, %get3A_23, %get3A_24] : memref<1x1x128xf32, #tpu.memory_space<vmem>>, vector<1x1x128xf32>
    %get3A_26 = vector.shape_cast %get3A_25 : vector<1x1x128xf32> to vector<1x128xf32>
    %slice3A = vector.extract_strided_slice %add3A_16 {offsets = [0, 64], sizes = [1024, 64], strides = [1, 1]} : vector<1024x128xf32> to vector<1024x64xf32>
    %slice3A_27 = vector.extract_strided_slice %add3A_16 {offsets = [0, 0], sizes = [1024, 64], strides = [1, 1]} : vector<1024x128xf32> to vector<1024x64xf32>
    %concatenate3A = tpu.concatenate %slice3A, %slice3A_27 in 1 : vector<1024x64xf32>, vector<1024x64xf32> -> vector<1024x128xf32>
    %mul3A = vector.broadcast %get3A_21 : vector<1x128xf32> to vector<1024x128xf32>
    %mul3A_28 = arith.mulf %add3A_16, %mul3A : vector<1024x128xf32>
    %mul3A_29 = vector.broadcast %get3A_26 : vector<1x128xf32> to vector<1024x128xf32>
    %mul3A_30 = arith.mulf %concatenate3A, %mul3A_29 : vector<1024x128xf32>
    %add3A_31 = arith.addf %mul3A_28, %mul3A_30 : vector<1024x128xf32>
    %get3A_32 = arith.constant 0 : index
    %get3A_33 = arith.constant 0 : index
    %get3A_34 = vector.load %arg8[%get3A_32, %get3A_33] : memref<128x128xf32, #tpu.memory_space<vmem>>, vector<128x128xf32>
    %dot_general3A_35 = arith.constant dense<0.000000e+00> : vector<1024x128xf32>
    %dot_general3A_36 = tpu.matmul %add3A_31, %get3A_34, %dot_general3A_35 {dimension_numbers = #tpu.dot_dimension_numbers<[1], [0], [0], [1], [0, 0, 1, 1], [], []>, transpose_lhs_hint = false} : vector<1024x128xf32>, vector<128x128xf32>, vector<1024x128xf32> -> vector<1024x128xf32>
    %get3A_37 = arith.constant 0 : index
    %get3A_38 = arith.constant 0 : index
    %get3A_39 = vector.load %arg9[%get3A_37, %get3A_38] : memref<128x128xf32, #tpu.memory_space<vmem>>, vector<128x128xf32>
    %dot_general3A_40 = arith.constant dense<0.000000e+00> : vector<1024x128xf32>
    %dot_general3A_41 = tpu.matmul %add3A_31, %get3A_39, %dot_general3A_40 {dimension_numbers = #tpu.dot_dimension_numbers<[1], [0], [0], [1], [0, 0, 1, 1], [], []>, transpose_lhs_hint = false} : vector<1024x128xf32>, vector<128x128xf32>, vector<1024x128xf32> -> vector<1024x128xf32>
    %get3A_42 = arith.constant 0 : index
    %get3A_43 = arith.constant 0 : index
    %get3A_44 = vector.load %arg10[%get3A_42, %get3A_43] : memref<128x128xf32, #tpu.memory_space<vmem>>, vector<128x128xf32>
    %dot_general3A_45 = arith.constant dense<0.000000e+00> : vector<1024x128xf32>
    %dot_general3A_46 = tpu.matmul %add3A_31, %get3A_44, %dot_general3A_45 {dimension_numbers = #tpu.dot_dimension_numbers<[1], [0], [0], [1], [0, 0, 1, 1], [], []>, transpose_lhs_hint = false} : vector<1024x128xf32>, vector<128x128xf32>, vector<1024x128xf32> -> vector<1024x128xf32>
    %get3A_47 = arith.constant 0 : index
    %get3A_48 = arith.constant 0 : index
    %get3A_49 = vector.load %arg13[%get3A_47, %get3A_48] : memref<1024x1024xf32, #tpu.memory_space<vmem>>, vector<1024x1024xf32>
    %broadcast_in_dim3A = arith.constant 1.000000e+00 : f32
    %broadcast_in_dim3A_50 = vector.broadcast %broadcast_in_dim3A : f32 to vector<1024x1xf32>
    %slice3A_51 = vector.extract_strided_slice %dot_general3A_36 {offsets = [0, 0], sizes = [1024, 16], strides = [1, 1]} : vector<1024x128xf32> to vector<1024x16xf32>
    %slice3A_52 = vector.extract_strided_slice %dot_general3A_41 {offsets = [0, 0], sizes = [1024, 16], strides = [1, 1]} : vector<1024x128xf32> to vector<1024x16xf32>
    %slice3A_53 = vector.extract_strided_slice %dot_general3A_46 {offsets = [0, 0], sizes = [1024, 16], strides = [1, 1]} : vector<1024x128xf32> to vector<1024x16xf32>
    %dot_general3A_54 = arith.constant dense<0.000000e+00> : vector<1024x1024xf32>
    %dot_general3A_55 = tpu.matmul %slice3A_51, %slice3A_52, %dot_general3A_54 {dimension_numbers = #tpu.dot_dimension_numbers<[1], [1], [0], [0], [0, 0, 1, 0], [], []>, transpose_lhs_hint = false} : vector<1024x16xf32>, vector<1024x16xf32>, vector<1024x1024xf32> -> vector<1024x1024xf32>
    %add3A_56 = arith.addf %dot_general3A_55, %get3A_49 : vector<1024x1024xf32>
    %reduce_max3A = arith.constant dense<0xFF800000> : vector<1024xf32>
    %reduce_max3A_57 = vector.multi_reduction <maximumf>, %add3A_56, %reduce_max3A [1] : vector<1024x1024xf32> to vector<1024xf32>
    %broadcast_in_dim3A_58 = vector.shape_cast %reduce_max3A_57 : vector<1024xf32> to vector<1024x1xf32>
    %max3A = arith.constant -1.000000e+30 : f32
    %max3A_59 = vector.broadcast %max3A : f32 to vector<1024x1xf32>
    %max3A_60 = arith.maximumf %broadcast_in_dim3A_58, %max3A_59 : vector<1024x1xf32>
    %sub3A = vector.broadcast %max3A_60 : vector<1024x1xf32> to vector<1024x1024xf32>
    %sub3A_61 = arith.subf %add3A_56, %sub3A : vector<1024x1024xf32>
    %exp3A = math.exp %sub3A_61 : vector<1024x1024xf32>
    %concatenate3A_62 = tpu.concatenate %slice3A_53, %broadcast_in_dim3A_50 in 1 : vector<1024x16xf32>, vector<1024x1xf32> -> vector<1024x17xf32>
    %dot_general3A_63 = arith.constant dense<0.000000e+00> : vector<1024x17xf32>
    %dot_general3A_64 = tpu.matmul %exp3A, %concatenate3A_62, %dot_general3A_63 {dimension_numbers = #tpu.dot_dimension_numbers<[1], [0], [0], [1], [0, 0, 1, 1], [], []>, transpose_lhs_hint = false} : vector<1024x1024xf32>, vector<1024x17xf32>, vector<1024x17xf32> -> vector<1024x17xf32>
    %slice3A_65 = vector.extract_strided_slice %dot_general3A_64 {offsets = [0, 0], sizes = [1024, 16], strides = [1, 1]} : vector<1024x17xf32> to vector<1024x16xf32>
    %slice3A_66 = vector.extract_strided_slice %dot_general3A_64 {offsets = [0, 16], sizes = [1024, 1], strides = [1, 1]} : vector<1024x17xf32> to vector<1024x1xf32>
    %add3A_67 = arith.constant 1.000000e-16 : f32
    %add3A_68 = vector.broadcast %add3A_67 : f32 to vector<1024x1xf32>
    %add3A_69 = arith.addf %slice3A_66, %add3A_68 : vector<1024x1xf32>
    %div3A = arith.constant 1.000000e+00 : f32
    %div3A_70 = vector.broadcast %div3A : f32 to vector<1024x1xf32>
    %div3A_71 = arith.divf %div3A_70, %add3A_69 : vector<1024x1xf32>
    %mul3A_72 = vector.broadcast %div3A_71 : vector<1024x1xf32> to vector<1024x16xf32>
    %mul3A_73 = arith.mulf %slice3A_65, %mul3A_72 : vector<1024x16xf32>
    %slice3A_74 = vector.extract_strided_slice %dot_general3A_36 {offsets = [0, 16], sizes = [1024, 16], strides = [1, 1]} : vector<1024x128xf32> to vector<1024x16xf32>
    %slice3A_75 = vector.extract_strided_slice %dot_general3A_41 {offsets = [0, 16], sizes = [1024, 16], strides = [1, 1]} : vector<1024x128xf32> to vector<1024x16xf32>
    %slice3A_76 = vector.extract_strided_slice %dot_general3A_46 {offsets = [0, 16], sizes = [1024, 16], strides = [1, 1]} : vector<1024x128xf32> to vector<1024x16xf32>
    %dot_general3A_77 = arith.constant dense<0.000000e+00> : vector<1024x1024xf32>
    %dot_general3A_78 = tpu.matmul %slice3A_74, %slice3A_75, %dot_general3A_77 {dimension_numbers = #tpu.dot_dimension_numbers<[1], [1], [0], [0], [0, 0, 1, 0], [], []>, transpose_lhs_hint = false} : vector<1024x16xf32>, vector<1024x16xf32>, vector<1024x1024xf32> -> vector<1024x1024xf32>
    %add3A_79 = arith.addf %dot_general3A_78, %get3A_49 : vector<1024x1024xf32>
    %reduce_max3A_80 = arith.constant dense<0xFF800000> : vector<1024xf32>
    %reduce_max3A_81 = vector.multi_reduction <maximumf>, %add3A_79, %reduce_max3A_80 [1] : vector<1024x1024xf32> to vector<1024xf32>
    %broadcast_in_dim3A_82 = vector.shape_cast %reduce_max3A_81 : vector<1024xf32> to vector<1024x1xf32>
    %max3A_83 = arith.constant -1.000000e+30 : f32
    %max3A_84 = vector.broadcast %max3A_83 : f32 to vector<1024x1xf32>
    %max3A_85 = arith.maximumf %broadcast_in_dim3A_82, %max3A_84 : vector<1024x1xf32>
    %sub3A_86 = vector.broadcast %max3A_85 : vector<1024x1xf32> to vector<1024x1024xf32>
    %sub3A_87 = arith.subf %add3A_79, %sub3A_86 : vector<1024x1024xf32>
    %exp3A_88 = math.exp %sub3A_87 : vector<1024x1024xf32>
    %concatenate3A_89 = tpu.concatenate %slice3A_76, %broadcast_in_dim3A_50 in 1 : vector<1024x16xf32>, vector<1024x1xf32> -> vector<1024x17xf32>
    %dot_general3A_90 = arith.constant dense<0.000000e+00> : vector<1024x17xf32>
    %dot_general3A_91 = tpu.matmul %exp3A_88, %concatenate3A_89, %dot_general3A_90 {dimension_numbers = #tpu.dot_dimension_numbers<[1], [0], [0], [1], [0, 0, 1, 1], [], []>, transpose_lhs_hint = false} : vector<1024x1024xf32>, vector<1024x17xf32>, vector<1024x17xf32> -> vector<1024x17xf32>
    %slice3A_92 = vector.extract_strided_slice %dot_general3A_91 {offsets = [0, 0], sizes = [1024, 16], strides = [1, 1]} : vector<1024x17xf32> to vector<1024x16xf32>
    %slice3A_93 = vector.extract_strided_slice %dot_general3A_91 {offsets = [0, 16], sizes = [1024, 1], strides = [1, 1]} : vector<1024x17xf32> to vector<1024x1xf32>
    %add3A_94 = arith.constant 1.000000e-16 : f32
    %add3A_95 = vector.broadcast %add3A_94 : f32 to vector<1024x1xf32>
    %add3A_96 = arith.addf %slice3A_93, %add3A_95 : vector<1024x1xf32>
    %div3A_97 = arith.constant 1.000000e+00 : f32
    %div3A_98 = vector.broadcast %div3A_97 : f32 to vector<1024x1xf32>
    %div3A_99 = arith.divf %div3A_98, %add3A_96 : vector<1024x1xf32>
    %mul3A_100 = vector.broadcast %div3A_99 : vector<1024x1xf32> to vector<1024x16xf32>
    %mul3A_101 = arith.mulf %slice3A_92, %mul3A_100 : vector<1024x16xf32>
    %slice3A_102 = vector.extract_strided_slice %dot_general3A_36 {offsets = [0, 32], sizes = [1024, 16], strides = [1, 1]} : vector<1024x128xf32> to vector<1024x16xf32>
    %slice3A_103 = vector.extract_strided_slice %dot_general3A_41 {offsets = [0, 32], sizes = [1024, 16], strides = [1, 1]} : vector<1024x128xf32> to vector<1024x16xf32>
    %slice3A_104 = vector.extract_strided_slice %dot_general3A_46 {offsets = [0, 32], sizes = [1024, 16], strides = [1, 1]} : vector<1024x128xf32> to vector<1024x16xf32>
    %dot_general3A_105 = arith.constant dense<0.000000e+00> : vector<1024x1024xf32>
    %dot_general3A_106 = tpu.matmul %slice3A_102, %slice3A_103, %dot_general3A_105 {dimension_numbers = #tpu.dot_dimension_numbers<[1], [1], [0], [0], [0, 0, 1, 0], [], []>, transpose_lhs_hint = false} : vector<1024x16xf32>, vector<1024x16xf32>, vector<1024x1024xf32> -> vector<1024x1024xf32>
    %add3A_107 = arith.addf %dot_general3A_106, %get3A_49 : vector<1024x1024xf32>
    %reduce_max3A_108 = arith.constant dense<0xFF800000> : vector<1024xf32>
    %reduce_max3A_109 = vector.multi_reduction <maximumf>, %add3A_107, %reduce_max3A_108 [1] : vector<1024x1024xf32> to vector<1024xf32>
    %broadcast_in_dim3A_110 = vector.shape_cast %reduce_max3A_109 : vector<1024xf32> to vector<1024x1xf32>
    %max3A_111 = arith.constant -1.000000e+30 : f32
    %max3A_112 = vector.broadcast %max3A_111 : f32 to vector<1024x1xf32>
    %max3A_113 = arith.maximumf %broadcast_in_dim3A_110, %max3A_112 : vector<1024x1xf32>
    %sub3A_114 = vector.broadcast %max3A_113 : vector<1024x1xf32> to vector<1024x1024xf32>
    %sub3A_115 = arith.subf %add3A_107, %sub3A_114 : vector<1024x1024xf32>
    %exp3A_116 = math.exp %sub3A_115 : vector<1024x1024xf32>
    %concatenate3A_117 = tpu.concatenate %slice3A_104, %broadcast_in_dim3A_50 in 1 : vector<1024x16xf32>, vector<1024x1xf32> -> vector<1024x17xf32>
    %dot_general3A_118 = arith.constant dense<0.000000e+00> : vector<1024x17xf32>
    %dot_general3A_119 = tpu.matmul %exp3A_116, %concatenate3A_117, %dot_general3A_118 {dimension_numbers = #tpu.dot_dimension_numbers<[1], [0], [0], [1], [0, 0, 1, 1], [], []>, transpose_lhs_hint = false} : vector<1024x1024xf32>, vector<1024x17xf32>, vector<1024x17xf32> -> vector<1024x17xf32>
    %slice3A_120 = vector.extract_strided_slice %dot_general3A_119 {offsets = [0, 0], sizes = [1024, 16], strides = [1, 1]} : vector<1024x17xf32> to vector<1024x16xf32>
    %slice3A_121 = vector.extract_strided_slice %dot_general3A_119 {offsets = [0, 16], sizes = [1024, 1], strides = [1, 1]} : vector<1024x17xf32> to vector<1024x1xf32>
    %add3A_122 = arith.constant 1.000000e-16 : f32
    %add3A_123 = vector.broadcast %add3A_122 : f32 to vector<1024x1xf32>
    %add3A_124 = arith.addf %slice3A_121, %add3A_123 : vector<1024x1xf32>
    %div3A_125 = arith.constant 1.000000e+00 : f32
    %div3A_126 = vector.broadcast %div3A_125 : f32 to vector<1024x1xf32>
    %div3A_127 = arith.divf %div3A_126, %add3A_124 : vector<1024x1xf32>
    %mul3A_128 = vector.broadcast %div3A_127 : vector<1024x1xf32> to vector<1024x16xf32>
    %mul3A_129 = arith.mulf %slice3A_120, %mul3A_128 : vector<1024x16xf32>
    %slice3A_130 = vector.extract_strided_slice %dot_general3A_36 {offsets = [0, 48], sizes = [1024, 16], strides = [1, 1]} : vector<1024x128xf32> to vector<1024x16xf32>
    %slice3A_131 = vector.extract_strided_slice %dot_general3A_41 {offsets = [0, 48], sizes = [1024, 16], strides = [1, 1]} : vector<1024x128xf32> to vector<1024x16xf32>
    %slice3A_132 = vector.extract_strided_slice %dot_general3A_46 {offsets = [0, 48], sizes = [1024, 16], strides = [1, 1]} : vector<1024x128xf32> to vector<1024x16xf32>
    %dot_general3A_133 = arith.constant dense<0.000000e+00> : vector<1024x1024xf32>
    %dot_general3A_134 = tpu.matmul %slice3A_130, %slice3A_131, %dot_general3A_133 {dimension_numbers = #tpu.dot_dimension_numbers<[1], [1], [0], [0], [0, 0, 1, 0], [], []>, transpose_lhs_hint = false} : vector<1024x16xf32>, vector<1024x16xf32>, vector<1024x1024xf32> -> vector<1024x1024xf32>
    %add3A_135 = arith.addf %dot_general3A_134, %get3A_49 : vector<1024x1024xf32>
    %reduce_max3A_136 = arith.constant dense<0xFF800000> : vector<1024xf32>
    %reduce_max3A_137 = vector.multi_reduction <maximumf>, %add3A_135, %reduce_max3A_136 [1] : vector<1024x1024xf32> to vector<1024xf32>
    %broadcast_in_dim3A_138 = vector.shape_cast %reduce_max3A_137 : vector<1024xf32> to vector<1024x1xf32>
    %max3A_139 = arith.constant -1.000000e+30 : f32
    %max3A_140 = vector.broadcast %max3A_139 : f32 to vector<1024x1xf32>
    %max3A_141 = arith.maximumf %broadcast_in_dim3A_138, %max3A_140 : vector<1024x1xf32>
    %sub3A_142 = vector.broadcast %max3A_141 : vector<1024x1xf32> to vector<1024x1024xf32>
    %sub3A_143 = arith.subf %add3A_135, %sub3A_142 : vector<1024x1024xf32>
    %exp3A_144 = math.exp %sub3A_143 : vector<1024x1024xf32>
    %concatenate3A_145 = tpu.concatenate %slice3A_132, %broadcast_in_dim3A_50 in 1 : vector<1024x16xf32>, vector<1024x1xf32> -> vector<1024x17xf32>
    %dot_general3A_146 = arith.constant dense<0.000000e+00> : vector<1024x17xf32>
    %dot_general3A_147 = tpu.matmul %exp3A_144, %concatenate3A_145, %dot_general3A_146 {dimension_numbers = #tpu.dot_dimension_numbers<[1], [0], [0], [1], [0, 0, 1, 1], [], []>, transpose_lhs_hint = false} : vector<1024x1024xf32>, vector<1024x17xf32>, vector<1024x17xf32> -> vector<1024x17xf32>
    %slice3A_148 = vector.extract_strided_slice %dot_general3A_147 {offsets = [0, 0], sizes = [1024, 16], strides = [1, 1]} : vector<1024x17xf32> to vector<1024x16xf32>
    %slice3A_149 = vector.extract_strided_slice %dot_general3A_147 {offsets = [0, 16], sizes = [1024, 1], strides = [1, 1]} : vector<1024x17xf32> to vector<1024x1xf32>
    %add3A_150 = arith.constant 1.000000e-16 : f32
    %add3A_151 = vector.broadcast %add3A_150 : f32 to vector<1024x1xf32>
    %add3A_152 = arith.addf %slice3A_149, %add3A_151 : vector<1024x1xf32>
    %div3A_153 = arith.constant 1.000000e+00 : f32
    %div3A_154 = vector.broadcast %div3A_153 : f32 to vector<1024x1xf32>
    %div3A_155 = arith.divf %div3A_154, %add3A_152 : vector<1024x1xf32>
    %mul3A_156 = vector.broadcast %div3A_155 : vector<1024x1xf32> to vector<1024x16xf32>
    %mul3A_157 = arith.mulf %slice3A_148, %mul3A_156 : vector<1024x16xf32>
    %slice3A_158 = vector.extract_strided_slice %dot_general3A_36 {offsets = [0, 64], sizes = [1024, 16], strides = [1, 1]} : vector<1024x128xf32> to vector<1024x16xf32>
    %slice3A_159 = vector.extract_strided_slice %dot_general3A_41 {offsets = [0, 64], sizes = [1024, 16], strides = [1, 1]} : vector<1024x128xf32> to vector<1024x16xf32>
    %slice3A_160 = vector.extract_strided_slice %dot_general3A_46 {offsets = [0, 64], sizes = [1024, 16], strides = [1, 1]} : vector<1024x128xf32> to vector<1024x16xf32>
    %dot_general3A_161 = arith.constant dense<0.000000e+00> : vector<1024x1024xf32>
    %dot_general3A_162 = tpu.matmul %slice3A_158, %slice3A_159, %dot_general3A_161 {dimension_numbers = #tpu.dot_dimension_numbers<[1], [1], [0], [0], [0, 0, 1, 0], [], []>, transpose_lhs_hint = false} : vector<1024x16xf32>, vector<1024x16xf32>, vector<1024x1024xf32> -> vector<1024x1024xf32>
    %add3A_163 = arith.addf %dot_general3A_162, %get3A_49 : vector<1024x1024xf32>
    %reduce_max3A_164 = arith.constant dense<0xFF800000> : vector<1024xf32>
    %reduce_max3A_165 = vector.multi_reduction <maximumf>, %add3A_163, %reduce_max3A_164 [1] : vector<1024x1024xf32> to vector<1024xf32>
    %broadcast_in_dim3A_166 = vector.shape_cast %reduce_max3A_165 : vector<1024xf32> to vector<1024x1xf32>
    %max3A_167 = arith.constant -1.000000e+30 : f32
    %max3A_168 = vector.broadcast %max3A_167 : f32 to vector<1024x1xf32>
    %max3A_169 = arith.maximumf %broadcast_in_dim3A_166, %max3A_168 : vector<1024x1xf32>
    %sub3A_170 = vector.broadcast %max3A_169 : vector<1024x1xf32> to vector<1024x1024xf32>
    %sub3A_171 = arith.subf %add3A_163, %sub3A_170 : vector<1024x1024xf32>
    %exp3A_172 = math.exp %sub3A_171 : vector<1024x1024xf32>
    %concatenate3A_173 = tpu.concatenate %slice3A_160, %broadcast_in_dim3A_50 in 1 : vector<1024x16xf32>, vector<1024x1xf32> -> vector<1024x17xf32>
    %dot_general3A_174 = arith.constant dense<0.000000e+00> : vector<1024x17xf32>
    %dot_general3A_175 = tpu.matmul %exp3A_172, %concatenate3A_173, %dot_general3A_174 {dimension_numbers = #tpu.dot_dimension_numbers<[1], [0], [0], [1], [0, 0, 1, 1], [], []>, transpose_lhs_hint = false} : vector<1024x1024xf32>, vector<1024x17xf32>, vector<1024x17xf32> -> vector<1024x17xf32>
    %slice3A_176 = vector.extract_strided_slice %dot_general3A_175 {offsets = [0, 0], sizes = [1024, 16], strides = [1, 1]} : vector<1024x17xf32> to vector<1024x16xf32>
    %slice3A_177 = vector.extract_strided_slice %dot_general3A_175 {offsets = [0, 16], sizes = [1024, 1], strides = [1, 1]} : vector<1024x17xf32> to vector<1024x1xf32>
    %add3A_178 = arith.constant 1.000000e-16 : f32
    %add3A_179 = vector.broadcast %add3A_178 : f32 to vector<1024x1xf32>
    %add3A_180 = arith.addf %slice3A_177, %add3A_179 : vector<1024x1xf32>
    %div3A_181 = arith.constant 1.000000e+00 : f32
    %div3A_182 = vector.broadcast %div3A_181 : f32 to vector<1024x1xf32>
    %div3A_183 = arith.divf %div3A_182, %add3A_180 : vector<1024x1xf32>
    %mul3A_184 = vector.broadcast %div3A_183 : vector<1024x1xf32> to vector<1024x16xf32>
    %mul3A_185 = arith.mulf %slice3A_176, %mul3A_184 : vector<1024x16xf32>
    %slice3A_186 = vector.extract_strided_slice %dot_general3A_36 {offsets = [0, 80], sizes = [1024, 16], strides = [1, 1]} : vector<1024x128xf32> to vector<1024x16xf32>
    %slice3A_187 = vector.extract_strided_slice %dot_general3A_41 {offsets = [0, 80], sizes = [1024, 16], strides = [1, 1]} : vector<1024x128xf32> to vector<1024x16xf32>
    %slice3A_188 = vector.extract_strided_slice %dot_general3A_46 {offsets = [0, 80], sizes = [1024, 16], strides = [1, 1]} : vector<1024x128xf32> to vector<1024x16xf32>
    %dot_general3A_189 = arith.constant dense<0.000000e+00> : vector<1024x1024xf32>
    %dot_general3A_190 = tpu.matmul %slice3A_186, %slice3A_187, %dot_general3A_189 {dimension_numbers = #tpu.dot_dimension_numbers<[1], [1], [0], [0], [0, 0, 1, 0], [], []>, transpose_lhs_hint = false} : vector<1024x16xf32>, vector<1024x16xf32>, vector<1024x1024xf32> -> vector<1024x1024xf32>
    %add3A_191 = arith.addf %dot_general3A_190, %get3A_49 : vector<1024x1024xf32>
    %reduce_max3A_192 = arith.constant dense<0xFF800000> : vector<1024xf32>
    %reduce_max3A_193 = vector.multi_reduction <maximumf>, %add3A_191, %reduce_max3A_192 [1] : vector<1024x1024xf32> to vector<1024xf32>
    %broadcast_in_dim3A_194 = vector.shape_cast %reduce_max3A_193 : vector<1024xf32> to vector<1024x1xf32>
    %max3A_195 = arith.constant -1.000000e+30 : f32
    %max3A_196 = vector.broadcast %max3A_195 : f32 to vector<1024x1xf32>
    %max3A_197 = arith.maximumf %broadcast_in_dim3A_194, %max3A_196 : vector<1024x1xf32>
    %sub3A_198 = vector.broadcast %max3A_197 : vector<1024x1xf32> to vector<1024x1024xf32>
    %sub3A_199 = arith.subf %add3A_191, %sub3A_198 : vector<1024x1024xf32>
    %exp3A_200 = math.exp %sub3A_199 : vector<1024x1024xf32>
    %concatenate3A_201 = tpu.concatenate %slice3A_188, %broadcast_in_dim3A_50 in 1 : vector<1024x16xf32>, vector<1024x1xf32> -> vector<1024x17xf32>
    %dot_general3A_202 = arith.constant dense<0.000000e+00> : vector<1024x17xf32>
    %dot_general3A_203 = tpu.matmul %exp3A_200, %concatenate3A_201, %dot_general3A_202 {dimension_numbers = #tpu.dot_dimension_numbers<[1], [0], [0], [1], [0, 0, 1, 1], [], []>, transpose_lhs_hint = false} : vector<1024x1024xf32>, vector<1024x17xf32>, vector<1024x17xf32> -> vector<1024x17xf32>
    %slice3A_204 = vector.extract_strided_slice %dot_general3A_203 {offsets = [0, 0], sizes = [1024, 16], strides = [1, 1]} : vector<1024x17xf32> to vector<1024x16xf32>
    %slice3A_205 = vector.extract_strided_slice %dot_general3A_203 {offsets = [0, 16], sizes = [1024, 1], strides = [1, 1]} : vector<1024x17xf32> to vector<1024x1xf32>
    %add3A_206 = arith.constant 1.000000e-16 : f32
    %add3A_207 = vector.broadcast %add3A_206 : f32 to vector<1024x1xf32>
    %add3A_208 = arith.addf %slice3A_205, %add3A_207 : vector<1024x1xf32>
    %div3A_209 = arith.constant 1.000000e+00 : f32
    %div3A_210 = vector.broadcast %div3A_209 : f32 to vector<1024x1xf32>
    %div3A_211 = arith.divf %div3A_210, %add3A_208 : vector<1024x1xf32>
    %mul3A_212 = vector.broadcast %div3A_211 : vector<1024x1xf32> to vector<1024x16xf32>
    %mul3A_213 = arith.mulf %slice3A_204, %mul3A_212 : vector<1024x16xf32>
    %slice3A_214 = vector.extract_strided_slice %dot_general3A_36 {offsets = [0, 96], sizes = [1024, 16], strides = [1, 1]} : vector<1024x128xf32> to vector<1024x16xf32>
    %slice3A_215 = vector.extract_strided_slice %dot_general3A_41 {offsets = [0, 96], sizes = [1024, 16], strides = [1, 1]} : vector<1024x128xf32> to vector<1024x16xf32>
    %slice3A_216 = vector.extract_strided_slice %dot_general3A_46 {offsets = [0, 96], sizes = [1024, 16], strides = [1, 1]} : vector<1024x128xf32> to vector<1024x16xf32>
    %dot_general3A_217 = arith.constant dense<0.000000e+00> : vector<1024x1024xf32>
    %dot_general3A_218 = tpu.matmul %slice3A_214, %slice3A_215, %dot_general3A_217 {dimension_numbers = #tpu.dot_dimension_numbers<[1], [1], [0], [0], [0, 0, 1, 0], [], []>, transpose_lhs_hint = false} : vector<1024x16xf32>, vector<1024x16xf32>, vector<1024x1024xf32> -> vector<1024x1024xf32>
    %add3A_219 = arith.addf %dot_general3A_218, %get3A_49 : vector<1024x1024xf32>
    %reduce_max3A_220 = arith.constant dense<0xFF800000> : vector<1024xf32>
    %reduce_max3A_221 = vector.multi_reduction <maximumf>, %add3A_219, %reduce_max3A_220 [1] : vector<1024x1024xf32> to vector<1024xf32>
    %broadcast_in_dim3A_222 = vector.shape_cast %reduce_max3A_221 : vector<1024xf32> to vector<1024x1xf32>
    %max3A_223 = arith.constant -1.000000e+30 : f32
    %max3A_224 = vector.broadcast %max3A_223 : f32 to vector<1024x1xf32>
    %max3A_225 = arith.maximumf %broadcast_in_dim3A_222, %max3A_224 : vector<1024x1xf32>
    %sub3A_226 = vector.broadcast %max3A_225 : vector<1024x1xf32> to vector<1024x1024xf32>
    %sub3A_227 = arith.subf %add3A_219, %sub3A_226 : vector<1024x1024xf32>
    %exp3A_228 = math.exp %sub3A_227 : vector<1024x1024xf32>
    %concatenate3A_229 = tpu.concatenate %slice3A_216, %broadcast_in_dim3A_50 in 1 : vector<1024x16xf32>, vector<1024x1xf32> -> vector<1024x17xf32>
    %dot_general3A_230 = arith.constant dense<0.000000e+00> : vector<1024x17xf32>
    %dot_general3A_231 = tpu.matmul %exp3A_228, %concatenate3A_229, %dot_general3A_230 {dimension_numbers = #tpu.dot_dimension_numbers<[1], [0], [0], [1], [0, 0, 1, 1], [], []>, transpose_lhs_hint = false} : vector<1024x1024xf32>, vector<1024x17xf32>, vector<1024x17xf32> -> vector<1024x17xf32>
    %slice3A_232 = vector.extract_strided_slice %dot_general3A_231 {offsets = [0, 0], sizes = [1024, 16], strides = [1, 1]} : vector<1024x17xf32> to vector<1024x16xf32>
    %slice3A_233 = vector.extract_strided_slice %dot_general3A_231 {offsets = [0, 16], sizes = [1024, 1], strides = [1, 1]} : vector<1024x17xf32> to vector<1024x1xf32>
    %add3A_234 = arith.constant 1.000000e-16 : f32
    %add3A_235 = vector.broadcast %add3A_234 : f32 to vector<1024x1xf32>
    %add3A_236 = arith.addf %slice3A_233, %add3A_235 : vector<1024x1xf32>
    %div3A_237 = arith.constant 1.000000e+00 : f32
    %div3A_238 = vector.broadcast %div3A_237 : f32 to vector<1024x1xf32>
    %div3A_239 = arith.divf %div3A_238, %add3A_236 : vector<1024x1xf32>
    %mul3A_240 = vector.broadcast %div3A_239 : vector<1024x1xf32> to vector<1024x16xf32>
    %mul3A_241 = arith.mulf %slice3A_232, %mul3A_240 : vector<1024x16xf32>
    %slice3A_242 = vector.extract_strided_slice %dot_general3A_36 {offsets = [0, 112], sizes = [1024, 16], strides = [1, 1]} : vector<1024x128xf32> to vector<1024x16xf32>
    %slice3A_243 = vector.extract_strided_slice %dot_general3A_41 {offsets = [0, 112], sizes = [1024, 16], strides = [1, 1]} : vector<1024x128xf32> to vector<1024x16xf32>
    %slice3A_244 = vector.extract_strided_slice %dot_general3A_46 {offsets = [0, 112], sizes = [1024, 16], strides = [1, 1]} : vector<1024x128xf32> to vector<1024x16xf32>
    %dot_general3A_245 = arith.constant dense<0.000000e+00> : vector<1024x1024xf32>
    %dot_general3A_246 = tpu.matmul %slice3A_242, %slice3A_243, %dot_general3A_245 {dimension_numbers = #tpu.dot_dimension_numbers<[1], [1], [0], [0], [0, 0, 1, 0], [], []>, transpose_lhs_hint = false} : vector<1024x16xf32>, vector<1024x16xf32>, vector<1024x1024xf32> -> vector<1024x1024xf32>
    %add3A_247 = arith.addf %dot_general3A_246, %get3A_49 : vector<1024x1024xf32>
    %reduce_max3A_248 = arith.constant dense<0xFF800000> : vector<1024xf32>
    %reduce_max3A_249 = vector.multi_reduction <maximumf>, %add3A_247, %reduce_max3A_248 [1] : vector<1024x1024xf32> to vector<1024xf32>
    %broadcast_in_dim3A_250 = vector.shape_cast %reduce_max3A_249 : vector<1024xf32> to vector<1024x1xf32>
    %max3A_251 = arith.constant -1.000000e+30 : f32
    %max3A_252 = vector.broadcast %max3A_251 : f32 to vector<1024x1xf32>
    %max3A_253 = arith.maximumf %broadcast_in_dim3A_250, %max3A_252 : vector<1024x1xf32>
    %sub3A_254 = vector.broadcast %max3A_253 : vector<1024x1xf32> to vector<1024x1024xf32>
    %sub3A_255 = arith.subf %add3A_247, %sub3A_254 : vector<1024x1024xf32>
    %exp3A_256 = math.exp %sub3A_255 : vector<1024x1024xf32>
    %concatenate3A_257 = tpu.concatenate %slice3A_244, %broadcast_in_dim3A_50 in 1 : vector<1024x16xf32>, vector<1024x1xf32> -> vector<1024x17xf32>
    %dot_general3A_258 = arith.constant dense<0.000000e+00> : vector<1024x17xf32>
    %dot_general3A_259 = tpu.matmul %exp3A_256, %concatenate3A_257, %dot_general3A_258 {dimension_numbers = #tpu.dot_dimension_numbers<[1], [0], [0], [1], [0, 0, 1, 1], [], []>, transpose_lhs_hint = false} : vector<1024x1024xf32>, vector<1024x17xf32>, vector<1024x17xf32> -> vector<1024x17xf32>
    %slice3A_260 = vector.extract_strided_slice %dot_general3A_259 {offsets = [0, 0], sizes = [1024, 16], strides = [1, 1]} : vector<1024x17xf32> to vector<1024x16xf32>
    %slice3A_261 = vector.extract_strided_slice %dot_general3A_259 {offsets = [0, 16], sizes = [1024, 1], strides = [1, 1]} : vector<1024x17xf32> to vector<1024x1xf32>
    %add3A_262 = arith.constant 1.000000e-16 : f32
    %add3A_263 = vector.broadcast %add3A_262 : f32 to vector<1024x1xf32>
    %add3A_264 = arith.addf %slice3A_261, %add3A_263 : vector<1024x1xf32>
    %div3A_265 = arith.constant 1.000000e+00 : f32
    %div3A_266 = vector.broadcast %div3A_265 : f32 to vector<1024x1xf32>
    %div3A_267 = arith.divf %div3A_266, %add3A_264 : vector<1024x1xf32>
    %mul3A_268 = vector.broadcast %div3A_267 : vector<1024x1xf32> to vector<1024x16xf32>
    %mul3A_269 = arith.mulf %slice3A_260, %mul3A_268 : vector<1024x16xf32>
    %concatenate3A_270 = tpu.concatenate %mul3A_73, %mul3A_101, %mul3A_129, %mul3A_157, %mul3A_185, %mul3A_213, %mul3A_241, %mul3A_269 in 1 : vector<1024x16xf32>, vector<1024x16xf32>, vector<1024x16xf32>, vector<1024x16xf32>, vector<1024x16xf32>, vector<1024x16xf32>, vector<1024x16xf32>, vector<1024x16xf32> -> vector<1024x128xf32>
    %get3A_271 = arith.constant 0 : index
    %get3A_272 = arith.constant 0 : index
    %get3A_273 = vector.load %arg11[%get3A_271, %get3A_272] : memref<128x128xf32, #tpu.memory_space<vmem>>, vector<128x128xf32>
    %dot_general3A_274 = arith.constant dense<0.000000e+00> : vector<1024x128xf32>
    %dot_general3A_275 = tpu.matmul %concatenate3A_270, %get3A_273, %dot_general3A_274 {dimension_numbers = #tpu.dot_dimension_numbers<[1], [0], [0], [1], [0, 0, 1, 1], [], []>, transpose_lhs_hint = false} : vector<1024x128xf32>, vector<128x128xf32>, vector<1024x128xf32> -> vector<1024x128xf32>
    %add3A_276 = arith.addf %add3A_31, %dot_general3A_275 : vector<1024x128xf32>
    %reduce_sum3A = arith.constant dense<0.000000e+00> : vector<1024xf32>
    %reduce_sum3A_277 = vector.multi_reduction <add>, %add3A_276, %reduce_sum3A [1] : vector<1024x128xf32> to vector<1024xf32>
    %broadcast_in_dim3A_278 = vector.shape_cast %reduce_sum3A_277 : vector<1024xf32> to vector<1024x1xf32>
    %div3A_279 = arith.constant 1.280000e+02 : f32
    %div3A_280 = vector.broadcast %div3A_279 : f32 to vector<1024x1xf32>
    %div3A_281 = arith.divf %broadcast_in_dim3A_278, %div3A_280 : vector<1024x1xf32>
    %sub3A_282 = vector.broadcast %div3A_281 : vector<1024x1xf32> to vector<1024x128xf32>
    %sub3A_283 = arith.subf %add3A_276, %sub3A_282 : vector<1024x128xf32>
    %integer_pow3A = arith.mulf %sub3A_283, %sub3A_283 : vector<1024x128xf32>
    %reduce_sum3A_284 = arith.constant dense<0.000000e+00> : vector<1024xf32>
    %reduce_sum3A_285 = vector.multi_reduction <add>, %integer_pow3A, %reduce_sum3A_284 [1] : vector<1024x128xf32> to vector<1024xf32>
    %broadcast_in_dim3A_286 = vector.shape_cast %reduce_sum3A_285 : vector<1024xf32> to vector<1024x1xf32>
    %div3A_287 = arith.constant 1.280000e+02 : f32
    %div3A_288 = vector.broadcast %div3A_287 : f32 to vector<1024x1xf32>
    %div3A_289 = arith.divf %broadcast_in_dim3A_286, %div3A_288 : vector<1024x1xf32>
    %sub3A_290 = vector.broadcast %div3A_281 : vector<1024x1xf32> to vector<1024x128xf32>
    %sub3A_291 = arith.subf %add3A_276, %sub3A_290 : vector<1024x128xf32>
    %add3A_292 = arith.constant 9.99999974E-6 : f32
    %add3A_293 = vector.broadcast %add3A_292 : f32 to vector<1024x1xf32>
    %add3A_294 = arith.addf %div3A_289, %add3A_293 : vector<1024x1xf32>
    %rsqrt3A = math.rsqrt %add3A_294 : vector<1024x1xf32>
    %mul3A_295 = vector.broadcast %rsqrt3A : vector<1024x1xf32> to vector<1024x128xf32>
    %mul3A_296 = arith.mulf %sub3A_291, %mul3A_295 : vector<1024x128xf32>
    %swap3A = arith.constant 0 : index
    %swap3A_297 = arith.constant 0 : index
    %swap3A_298 = arith.constant 0 : index
    %swap3A_299 = arith.constant 0 : index
    %swap3A_300 = vector.load %arg12[%swap3A, %swap3A_297, %swap3A_298, %swap3A_299] : memref<1x1x1024x128xf32, #tpu.memory_space<vmem>>, vector<1x1x1024x128xf32>
    %swap3A_301 = vector.shape_cast %swap3A_300 : vector<1x1x1024x128xf32> to vector<1024x128xf32>
    %swap3A_302 = vector.shape_cast %mul3A_296 : vector<1024x128xf32> to vector<1x1x1024x128xf32>
    tpu.vector_store %arg12[%swap3A, %swap3A_297, %swap3A_298, %swap3A_299], %swap3A_302 {strides = array<i32>} : memref<1x1x1024x128xf32, #tpu.memory_space<vmem>>, vector<1x1x1024x128xf32>,
    return
  }
  func.func @transform_0(%arg0: i32, %arg1: i32) -> (i32, i32, i32, i32) {
    %c0_i32 = arith.constant 0 : i32
    %c0_i32_0 = arith.constant 0 : i32
    %c0_i32_1 = arith.constant 0 : i32
    return %arg0, %arg1, %c0_i32, %c0_i32_0 : i32, i32, i32, i32
  }
  func.func @transform_1(%arg0: i32, %arg1: i32) -> (i32, i32, i32) {
    %c0_i32 = arith.constant 0 : i32
    %c0_i32_0 = arith.constant 0 : i32
    %c0_i32_1 = arith.constant 0 : i32
    return %arg1, %c0_i32, %c0_i32_0 : i32, i32, i32
  }
  func.func @transform_2(%arg0: i32, %arg1: i32) -> (i32, i32, i32) {
    %c0_i32 = arith.constant 0 : i32
    %c0_i32_0 = arith.constant 0 : i32
    %c0_i32_1 = arith.constant 0 : i32
    return %arg1, %c0_i32, %c0_i32_0 : i32, i32, i32
  }
  func.func @transform_3(%arg0: i32, %arg1: i32) -> (i32, i32) {
    %c0_i32 = arith.constant 0 : i32
    %c0_i32_0 = arith.constant 0 : i32
    %c0_i32_1 = arith.constant 0 : i32
    return %c0_i32, %c0_i32_0 : i32, i32
  }
  func.func @transform_4(%arg0: i32, %arg1: i32) -> (i32, i32) {
    %c0_i32 = arith.constant 0 : i32
    %c0_i32_0 = arith.constant 0 : i32
    %c0_i32_1 = arith.constant 0 : i32
    return %c0_i32, %c0_i32_0 : i32, i32
  }
  func.func @transform_5(%arg0: i32, %arg1: i32) -> (i32, i32) {
    %c0_i32 = arith.constant 0 : i32
    %c0_i32_0 = arith.constant 0 : i32
    %c0_i32_1 = arith.constant 0 : i32
    return %c0_i32, %c0_i32_0 : i32, i32
  }
  func.func @transform_6(%arg0: i32, %arg1: i32) -> (i32, i32) {
    %c0_i32 = arith.constant 0 : i32
    %c0_i32_0 = arith.constant 0 : i32
    %c0_i32_1 = arith.constant 0 : i32
    return %c0_i32, %c0_i32_0 : i32, i32
  }
  func.func @transform_7(%arg0: i32, %arg1: i32) -> (i32, i32) {
    %c0_i32 = arith.constant 0 : i32
    %c0_i32_0 = arith.constant 0 : i32
    %c0_i32_1 = arith.constant 0 : i32
    return %c0_i32, %c0_i32_0 : i32, i32
  }
  func.func @transform_8(%arg0: i32, %arg1: i32) -> (i32, i32) {
    %c0_i32 = arith.constant 0 : i32
    %c0_i32_0 = arith.constant 0 : i32
    %c0_i32_1 = arith.constant 0 : i32
    return %c0_i32, %c0_i32_0 : i32, i32
  }
  func.func @transform_9(%arg0: i32, %arg1: i32) -> (i32, i32) {
    %c0_i32 = arith.constant 0 : i32
    %c0_i32_0 = arith.constant 0 : i32
    %c0_i32_1 = arith.constant 0 : i32
    return %c0_i32, %c0_i32_0 : i32, i32
  }
  func.func @transform_10(%arg0: i32, %arg1: i32) -> (i32, i32, i32, i32) {
    %c0_i32 = arith.constant 0 : i32
    %c0_i32_0 = arith.constant 0 : i32
    %c0_i32_1 = arith.constant 0 : i32
    return %arg0, %arg1, %c0_i32, %c0_i32_0 : i32, i32, i32, i32
  }
}

module attributes {stable_mosaic.version = 14 : i64} {
  func.func @_temporal_body(%arg0: i32, %arg1: i32, %arg2: memref<1x12x256x128xf32, #tpu.memory_space<vmem>>, %arg3: memref<128x128xf32, #tpu.memory_space<vmem>>, %arg4: memref<128x128xf32, #tpu.memory_space<vmem>>, %arg5: memref<128x128xf32, #tpu.memory_space<vmem>>, %arg6: memref<128x128xf32, #tpu.memory_space<vmem>>, %arg7: memref<128x3xf32, #tpu.memory_space<vmem>>, %arg8: memref<1x3xf32, #tpu.memory_space<vmem>>, %arg9: memref<12x12xf32, #tpu.memory_space<smem>>, %arg10: memref<12xf32, #tpu.memory_space<smem>>, %arg11: memref<1x12x256x3xf32, #tpu.memory_space<vmem>>) attributes {dimension_semantics = [#tpu.dimension_semantics<arbitrary>, #tpu.dimension_semantics<arbitrary>], iteration_bounds = array<i64: 2, 4>, scalar_prefetch = 0 : i64, scratch_operands = 0 : i64, tpu.core_type = #tpu.core_type<tc>, window_params = [{transform_indices = @transform_0, window_bounds = array<i64: 1, 12, 256, 128>}, {pipeline_mode = #tpu.pipeline_mode<synchronous>, transform_indices = @transform_1, window_bounds = array<i64: 128, 128>}, {pipeline_mode = #tpu.pipeline_mode<synchronous>, transform_indices = @transform_2, window_bounds = array<i64: 128, 128>}, {pipeline_mode = #tpu.pipeline_mode<synchronous>, transform_indices = @transform_3, window_bounds = array<i64: 128, 128>}, {pipeline_mode = #tpu.pipeline_mode<synchronous>, transform_indices = @transform_4, window_bounds = array<i64: 128, 128>}, {pipeline_mode = #tpu.pipeline_mode<synchronous>, transform_indices = @transform_5, window_bounds = array<i64: 128, 3>}, {pipeline_mode = #tpu.pipeline_mode<synchronous>, transform_indices = @transform_6, window_bounds = array<i64: 1, 3>}, {transform_indices = @transform_7, window_bounds = array<i64: 12, 12>}, {transform_indices = @transform_8, window_bounds = array<i64: 12>}, {transform_indices = @transform_9, window_bounds = array<i64: 1, 12, 256, 3>}]} {
    %get3A = arith.constant 0 : index
    %get3A_0 = arith.constant 0 : index
    %get3A_1 = arith.constant 0 : index
    %get3A_2 = arith.constant 0 : index
    %get3A_3 = vector.load %arg2[%get3A, %get3A_0, %get3A_1, %get3A_2] : memref<1x12x256x128xf32, #tpu.memory_space<vmem>>, vector<1x12x256x128xf32>
    %get3A_4 = vector.shape_cast %get3A_3 : vector<1x12x256x128xf32> to vector<12x256x128xf32>
    %reshape3A = vector.shape_cast %get3A_4 : vector<12x256x128xf32> to vector<3072x128xf32>
    %get3A_5 = arith.constant 0 : index
    %get3A_6 = arith.constant 0 : index
    %get3A_7 = vector.load %arg3[%get3A_5, %get3A_6] : memref<128x128xf32, #tpu.memory_space<vmem>>, vector<128x128xf32>
    %dot_general3A = arith.constant dense<0.000000e+00> : vector<3072x128xf32>
    %dot_general3A_8 = tpu.matmul %reshape3A, %get3A_7, %dot_general3A {dimension_numbers = #tpu.dot_dimension_numbers<[1], [0], [0], [1], [0, 0, 1, 1], [], []>, transpose_lhs_hint = false} : vector<3072x128xf32>, vector<128x128xf32>, vector<3072x128xf32> -> vector<3072x128xf32>
    %get3A_9 = arith.constant 0 : index
    %get3A_10 = arith.constant 0 : index
    %get3A_11 = vector.load %arg4[%get3A_9, %get3A_10] : memref<128x128xf32, #tpu.memory_space<vmem>>, vector<128x128xf32>
    %dot_general3A_12 = arith.constant dense<0.000000e+00> : vector<3072x128xf32>
    %dot_general3A_13 = tpu.matmul %reshape3A, %get3A_11, %dot_general3A_12 {dimension_numbers = #tpu.dot_dimension_numbers<[1], [0], [0], [1], [0, 0, 1, 1], [], []>, transpose_lhs_hint = false} : vector<3072x128xf32>, vector<128x128xf32>, vector<3072x128xf32> -> vector<3072x128xf32>
    %get3A_14 = arith.constant 0 : index
    %get3A_15 = arith.constant 0 : index
    %get3A_16 = vector.load %arg5[%get3A_14, %get3A_15] : memref<128x128xf32, #tpu.memory_space<vmem>>, vector<128x128xf32>
    %dot_general3A_17 = arith.constant dense<0.000000e+00> : vector<3072x128xf32>
    %dot_general3A_18 = tpu.matmul %reshape3A, %get3A_16, %dot_general3A_17 {dimension_numbers = #tpu.dot_dimension_numbers<[1], [0], [0], [1], [0, 0, 1, 1], [], []>, transpose_lhs_hint = false} : vector<3072x128xf32>, vector<128x128xf32>, vector<3072x128xf32> -> vector<3072x128xf32>
    %reshape3A_19 = vector.shape_cast %dot_general3A_8 : vector<3072x128xf32> to vector<12x256x128xf32>
    %reshape3A_20 = vector.shape_cast %dot_general3A_13 : vector<3072x128xf32> to vector<12x256x128xf32>
    %reshape3A_21 = vector.shape_cast %dot_general3A_18 : vector<3072x128xf32> to vector<12x256x128xf32>
    %iota3A = tpu.iota {dimensions = array<i32: 0>} : vector<128x8xi32>
    %iota3A_22 = tpu.iota {dimensions = array<i32: 1>} : vector<128x8xi32>
    %jit3A = arith.constant 16 : i32
    %div3A = vector.broadcast %jit3A : i32 to vector<128x8xi32>
    %div3A_23 = arith.divsi %iota3A, %div3A : vector<128x8xi32>
    %sign3A = arith.constant 0 : i32
    %sign3A_24 = vector.broadcast %sign3A : i32 to vector<128x8xi32>
    %sign3A_25 = arith.cmpi sgt, %iota3A, %sign3A_24 : vector<128x8xi32>
    %sign3A_26 = arith.extui %sign3A_25 : vector<128x8xi1> to vector<128x8xi32>
    %sign3A_27 = arith.constant 0 : i32
    %sign3A_28 = vector.broadcast %sign3A_27 : i32 to vector<128x8xi32>
    %sign3A_29 = arith.cmpi slt, %iota3A, %sign3A_28 : vector<128x8xi32>
    %sign3A_30 = arith.extui %sign3A_29 : vector<128x8xi1> to vector<128x8xi32>
    %sign3A_31 = arith.subi %sign3A_26, %sign3A_30 : vector<128x8xi32>
    %sign3A_32 = arith.constant 0 : i32
    %sign3A_33 = arith.cmpi sgt, %jit3A, %sign3A_32 : i32
    %sign3A_34 = arith.extui %sign3A_33 : i1 to i32
    %sign3A_35 = arith.constant 0 : i32
    %sign3A_36 = arith.cmpi slt, %jit3A, %sign3A_35 : i32
    %sign3A_37 = arith.extui %sign3A_36 : i1 to i32
    %sign3A_38 = arith.subi %sign3A_34, %sign3A_37 : i32
    %ne3A = vector.broadcast %sign3A_38 : i32 to vector<128x8xi32>
    %ne3A_39 = arith.cmpi ne, %sign3A_31, %ne3A : vector<128x8xi32>
    %rem3A = vector.broadcast %jit3A : i32 to vector<128x8xi32>
    %rem3A_40 = arith.remsi %iota3A, %rem3A : vector<128x8xi32>
    %ne3A_41 = arith.constant 0 : i32
    %ne3A_42 = vector.broadcast %ne3A_41 : i32 to vector<128x8xi32>
    %ne3A_43 = arith.cmpi ne, %rem3A_40, %ne3A_42 : vector<128x8xi32>
    %and3A = arith.andi %ne3A_39, %ne3A_43 : vector<128x8xi1>
    %sub3A = arith.constant 1 : i32
    %sub3A_44 = vector.broadcast %sub3A : i32 to vector<128x8xi32>
    %sub3A_45 = arith.subi %div3A_23, %sub3A_44 : vector<128x8xi32>
    %select_n3A = arith.select %and3A, %sub3A_45, %div3A_23 : vector<128x8xi1>, vector<128x8xi32>
    %eq3A = arith.cmpi eq, %select_n3A, %iota3A_22 : vector<128x8xi32>
    %convert_element_type3A = arith.extui %eq3A : vector<128x8xi1> to vector<128x8xi32>
    %convert_element_type3A_46 = arith.sitofp %convert_element_type3A : vector<128x8xi32> to vector<128x8xf32>
    %transpose3A = tpu.transpose %convert_element_type3A_46, [1, 0] : vector<128x8xf32> -> vector<8x128xf32>
    %slice3A = vector.extract_strided_slice %reshape3A_19 {offsets = [0, 0, 0], sizes = [1, 256, 128], strides = [1, 1, 1]} : vector<12x256x128xf32> to vector<1x256x128xf32>
    %squeeze3A = vector.shape_cast %slice3A : vector<1x256x128xf32> to vector<256x128xf32>
    %slice3A_47 = vector.extract_strided_slice %reshape3A_20 {offsets = [0, 0, 0], sizes = [1, 256, 128], strides = [1, 1, 1]} : vector<12x256x128xf32> to vector<1x256x128xf32>
    %squeeze3A_48 = vector.shape_cast %slice3A_47 : vector<1x256x128xf32> to vector<256x128xf32>
    %mul3A = arith.mulf %squeeze3A, %squeeze3A_48 : vector<256x128xf32>
    %dot_general3A_49 = arith.constant dense<0.000000e+00> : vector<256x8xf32>
    %dot_general3A_50 = tpu.matmul %mul3A, %convert_element_type3A_46, %dot_general3A_49 {dimension_numbers = #tpu.dot_dimension_numbers<[1], [0], [0], [1], [0, 0, 1, 1], [], []>, transpose_lhs_hint = false} : vector<256x128xf32>, vector<128x8xf32>, vector<256x8xf32> -> vector<256x8xf32>
    %slice3A_51 = vector.extract_strided_slice %reshape3A_19 {offsets = [0, 0, 0], sizes = [1, 256, 128], strides = [1, 1, 1]} : vector<12x256x128xf32> to vector<1x256x128xf32>
    %squeeze3A_52 = vector.shape_cast %slice3A_51 : vector<1x256x128xf32> to vector<256x128xf32>
    %slice3A_53 = vector.extract_strided_slice %reshape3A_20 {offsets = [1, 0, 0], sizes = [1, 256, 128], strides = [1, 1, 1]} : vector<12x256x128xf32> to vector<1x256x128xf32>
    %squeeze3A_54 = vector.shape_cast %slice3A_53 : vector<1x256x128xf32> to vector<256x128xf32>
    %mul3A_55 = arith.mulf %squeeze3A_52, %squeeze3A_54 : vector<256x128xf32>
    %dot_general3A_56 = arith.constant dense<0.000000e+00> : vector<256x8xf32>
    %dot_general3A_57 = tpu.matmul %mul3A_55, %convert_element_type3A_46, %dot_general3A_56 {dimension_numbers = #tpu.dot_dimension_numbers<[1], [0], [0], [1], [0, 0, 1, 1], [], []>, transpose_lhs_hint = false} : vector<256x128xf32>, vector<128x8xf32>, vector<256x8xf32> -> vector<256x8xf32>
    %slice3A_58 = vector.extract_strided_slice %reshape3A_19 {offsets = [0, 0, 0], sizes = [1, 256, 128], strides = [1, 1, 1]} : vector<12x256x128xf32> to vector<1x256x128xf32>
    %squeeze3A_59 = vector.shape_cast %slice3A_58 : vector<1x256x128xf32> to vector<256x128xf32>
    %slice3A_60 = vector.extract_strided_slice %reshape3A_20 {offsets = [2, 0, 0], sizes = [1, 256, 128], strides = [1, 1, 1]} : vector<12x256x128xf32> to vector<1x256x128xf32>
    %squeeze3A_61 = vector.shape_cast %slice3A_60 : vector<1x256x128xf32> to vector<256x128xf32>
    %mul3A_62 = arith.mulf %squeeze3A_59, %squeeze3A_61 : vector<256x128xf32>
    %dot_general3A_63 = arith.constant dense<0.000000e+00> : vector<256x8xf32>
    %dot_general3A_64 = tpu.matmul %mul3A_62, %convert_element_type3A_46, %dot_general3A_63 {dimension_numbers = #tpu.dot_dimension_numbers<[1], [0], [0], [1], [0, 0, 1, 1], [], []>, transpose_lhs_hint = false} : vector<256x128xf32>, vector<128x8xf32>, vector<256x8xf32> -> vector<256x8xf32>
    %slice3A_65 = vector.extract_strided_slice %reshape3A_19 {offsets = [0, 0, 0], sizes = [1, 256, 128], strides = [1, 1, 1]} : vector<12x256x128xf32> to vector<1x256x128xf32>
    %squeeze3A_66 = vector.shape_cast %slice3A_65 : vector<1x256x128xf32> to vector<256x128xf32>
    %slice3A_67 = vector.extract_strided_slice %reshape3A_20 {offsets = [3, 0, 0], sizes = [1, 256, 128], strides = [1, 1, 1]} : vector<12x256x128xf32> to vector<1x256x128xf32>
    %squeeze3A_68 = vector.shape_cast %slice3A_67 : vector<1x256x128xf32> to vector<256x128xf32>
    %mul3A_69 = arith.mulf %squeeze3A_66, %squeeze3A_68 : vector<256x128xf32>
    %dot_general3A_70 = arith.constant dense<0.000000e+00> : vector<256x8xf32>
    %dot_general3A_71 = tpu.matmul %mul3A_69, %convert_element_type3A_46, %dot_general3A_70 {dimension_numbers = #tpu.dot_dimension_numbers<[1], [0], [0], [1], [0, 0, 1, 1], [], []>, transpose_lhs_hint = false} : vector<256x128xf32>, vector<128x8xf32>, vector<256x8xf32> -> vector<256x8xf32>
    %slice3A_72 = vector.extract_strided_slice %reshape3A_19 {offsets = [0, 0, 0], sizes = [1, 256, 128], strides = [1, 1, 1]} : vector<12x256x128xf32> to vector<1x256x128xf32>
    %squeeze3A_73 = vector.shape_cast %slice3A_72 : vector<1x256x128xf32> to vector<256x128xf32>
    %slice3A_74 = vector.extract_strided_slice %reshape3A_20 {offsets = [4, 0, 0], sizes = [1, 256, 128], strides = [1, 1, 1]} : vector<12x256x128xf32> to vector<1x256x128xf32>
    %squeeze3A_75 = vector.shape_cast %slice3A_74 : vector<1x256x128xf32> to vector<256x128xf32>
    %mul3A_76 = arith.mulf %squeeze3A_73, %squeeze3A_75 : vector<256x128xf32>
    %dot_general3A_77 = arith.constant dense<0.000000e+00> : vector<256x8xf32>
    %dot_general3A_78 = tpu.matmul %mul3A_76, %convert_element_type3A_46, %dot_general3A_77 {dimension_numbers = #tpu.dot_dimension_numbers<[1], [0], [0], [1], [0, 0, 1, 1], [], []>, transpose_lhs_hint = false} : vector<256x128xf32>, vector<128x8xf32>, vector<256x8xf32> -> vector<256x8xf32>
    %slice3A_79 = vector.extract_strided_slice %reshape3A_19 {offsets = [0, 0, 0], sizes = [1, 256, 128], strides = [1, 1, 1]} : vector<12x256x128xf32> to vector<1x256x128xf32>
    %squeeze3A_80 = vector.shape_cast %slice3A_79 : vector<1x256x128xf32> to vector<256x128xf32>
    %slice3A_81 = vector.extract_strided_slice %reshape3A_20 {offsets = [5, 0, 0], sizes = [1, 256, 128], strides = [1, 1, 1]} : vector<12x256x128xf32> to vector<1x256x128xf32>
    %squeeze3A_82 = vector.shape_cast %slice3A_81 : vector<1x256x128xf32> to vector<256x128xf32>
    %mul3A_83 = arith.mulf %squeeze3A_80, %squeeze3A_82 : vector<256x128xf32>
    %dot_general3A_84 = arith.constant dense<0.000000e+00> : vector<256x8xf32>
    %dot_general3A_85 = tpu.matmul %mul3A_83, %convert_element_type3A_46, %dot_general3A_84 {dimension_numbers = #tpu.dot_dimension_numbers<[1], [0], [0], [1], [0, 0, 1, 1], [], []>, transpose_lhs_hint = false} : vector<256x128xf32>, vector<128x8xf32>, vector<256x8xf32> -> vector<256x8xf32>
    %slice3A_86 = vector.extract_strided_slice %reshape3A_19 {offsets = [0, 0, 0], sizes = [1, 256, 128], strides = [1, 1, 1]} : vector<12x256x128xf32> to vector<1x256x128xf32>
    %squeeze3A_87 = vector.shape_cast %slice3A_86 : vector<1x256x128xf32> to vector<256x128xf32>
    %slice3A_88 = vector.extract_strided_slice %reshape3A_20 {offsets = [6, 0, 0], sizes = [1, 256, 128], strides = [1, 1, 1]} : vector<12x256x128xf32> to vector<1x256x128xf32>
    %squeeze3A_89 = vector.shape_cast %slice3A_88 : vector<1x256x128xf32> to vector<256x128xf32>
    %mul3A_90 = arith.mulf %squeeze3A_87, %squeeze3A_89 : vector<256x128xf32>
    %dot_general3A_91 = arith.constant dense<0.000000e+00> : vector<256x8xf32>
    %dot_general3A_92 = tpu.matmul %mul3A_90, %convert_element_type3A_46, %dot_general3A_91 {dimension_numbers = #tpu.dot_dimension_numbers<[1], [0], [0], [1], [0, 0, 1, 1], [], []>, transpose_lhs_hint = false} : vector<256x128xf32>, vector<128x8xf32>, vector<256x8xf32> -> vector<256x8xf32>
    %slice3A_93 = vector.extract_strided_slice %reshape3A_19 {offsets = [0, 0, 0], sizes = [1, 256, 128], strides = [1, 1, 1]} : vector<12x256x128xf32> to vector<1x256x128xf32>
    %squeeze3A_94 = vector.shape_cast %slice3A_93 : vector<1x256x128xf32> to vector<256x128xf32>
    %slice3A_95 = vector.extract_strided_slice %reshape3A_20 {offsets = [7, 0, 0], sizes = [1, 256, 128], strides = [1, 1, 1]} : vector<12x256x128xf32> to vector<1x256x128xf32>
    %squeeze3A_96 = vector.shape_cast %slice3A_95 : vector<1x256x128xf32> to vector<256x128xf32>
    %mul3A_97 = arith.mulf %squeeze3A_94, %squeeze3A_96 : vector<256x128xf32>
    %dot_general3A_98 = arith.constant dense<0.000000e+00> : vector<256x8xf32>
    %dot_general3A_99 = tpu.matmul %mul3A_97, %convert_element_type3A_46, %dot_general3A_98 {dimension_numbers = #tpu.dot_dimension_numbers<[1], [0], [0], [1], [0, 0, 1, 1], [], []>, transpose_lhs_hint = false} : vector<256x128xf32>, vector<128x8xf32>, vector<256x8xf32> -> vector<256x8xf32>
    %slice3A_100 = vector.extract_strided_slice %reshape3A_19 {offsets = [0, 0, 0], sizes = [1, 256, 128], strides = [1, 1, 1]} : vector<12x256x128xf32> to vector<1x256x128xf32>
    %squeeze3A_101 = vector.shape_cast %slice3A_100 : vector<1x256x128xf32> to vector<256x128xf32>
    %slice3A_102 = vector.extract_strided_slice %reshape3A_20 {offsets = [8, 0, 0], sizes = [1, 256, 128], strides = [1, 1, 1]} : vector<12x256x128xf32> to vector<1x256x128xf32>
    %squeeze3A_103 = vector.shape_cast %slice3A_102 : vector<1x256x128xf32> to vector<256x128xf32>
    %mul3A_104 = arith.mulf %squeeze3A_101, %squeeze3A_103 : vector<256x128xf32>
    %dot_general3A_105 = arith.constant dense<0.000000e+00> : vector<256x8xf32>
    %dot_general3A_106 = tpu.matmul %mul3A_104, %convert_element_type3A_46, %dot_general3A_105 {dimension_numbers = #tpu.dot_dimension_numbers<[1], [0], [0], [1], [0, 0, 1, 1], [], []>, transpose_lhs_hint = false} : vector<256x128xf32>, vector<128x8xf32>, vector<256x8xf32> -> vector<256x8xf32>
    %slice3A_107 = vector.extract_strided_slice %reshape3A_19 {offsets = [0, 0, 0], sizes = [1, 256, 128], strides = [1, 1, 1]} : vector<12x256x128xf32> to vector<1x256x128xf32>
    %squeeze3A_108 = vector.shape_cast %slice3A_107 : vector<1x256x128xf32> to vector<256x128xf32>
    %slice3A_109 = vector.extract_strided_slice %reshape3A_20 {offsets = [9, 0, 0], sizes = [1, 256, 128], strides = [1, 1, 1]} : vector<12x256x128xf32> to vector<1x256x128xf32>
    %squeeze3A_110 = vector.shape_cast %slice3A_109 : vector<1x256x128xf32> to vector<256x128xf32>
    %mul3A_111 = arith.mulf %squeeze3A_108, %squeeze3A_110 : vector<256x128xf32>
    %dot_general3A_112 = arith.constant dense<0.000000e+00> : vector<256x8xf32>
    %dot_general3A_113 = tpu.matmul %mul3A_111, %convert_element_type3A_46, %dot_general3A_112 {dimension_numbers = #tpu.dot_dimension_numbers<[1], [0], [0], [1], [0, 0, 1, 1], [], []>, transpose_lhs_hint = false} : vector<256x128xf32>, vector<128x8xf32>, vector<256x8xf32> -> vector<256x8xf32>
    %slice3A_114 = vector.extract_strided_slice %reshape3A_19 {offsets = [0, 0, 0], sizes = [1, 256, 128], strides = [1, 1, 1]} : vector<12x256x128xf32> to vector<1x256x128xf32>
    %squeeze3A_115 = vector.shape_cast %slice3A_114 : vector<1x256x128xf32> to vector<256x128xf32>
    %slice3A_116 = vector.extract_strided_slice %reshape3A_20 {offsets = [10, 0, 0], sizes = [1, 256, 128], strides = [1, 1, 1]} : vector<12x256x128xf32> to vector<1x256x128xf32>
    %squeeze3A_117 = vector.shape_cast %slice3A_116 : vector<1x256x128xf32> to vector<256x128xf32>
    %mul3A_118 = arith.mulf %squeeze3A_115, %squeeze3A_117 : vector<256x128xf32>
    %dot_general3A_119 = arith.constant dense<0.000000e+00> : vector<256x8xf32>
    %dot_general3A_120 = tpu.matmul %mul3A_118, %convert_element_type3A_46, %dot_general3A_119 {dimension_numbers = #tpu.dot_dimension_numbers<[1], [0], [0], [1], [0, 0, 1, 1], [], []>, transpose_lhs_hint = false} : vector<256x128xf32>, vector<128x8xf32>, vector<256x8xf32> -> vector<256x8xf32>
    %slice3A_121 = vector.extract_strided_slice %reshape3A_19 {offsets = [0, 0, 0], sizes = [1, 256, 128], strides = [1, 1, 1]} : vector<12x256x128xf32> to vector<1x256x128xf32>
    %squeeze3A_122 = vector.shape_cast %slice3A_121 : vector<1x256x128xf32> to vector<256x128xf32>
    %slice3A_123 = vector.extract_strided_slice %reshape3A_20 {offsets = [11, 0, 0], sizes = [1, 256, 128], strides = [1, 1, 1]} : vector<12x256x128xf32> to vector<1x256x128xf32>
    %squeeze3A_124 = vector.shape_cast %slice3A_123 : vector<1x256x128xf32> to vector<256x128xf32>
    %mul3A_125 = arith.mulf %squeeze3A_122, %squeeze3A_124 : vector<256x128xf32>
    %dot_general3A_126 = arith.constant dense<0.000000e+00> : vector<256x8xf32>
    %dot_general3A_127 = tpu.matmul %mul3A_125, %convert_element_type3A_46, %dot_general3A_126 {dimension_numbers = #tpu.dot_dimension_numbers<[1], [0], [0], [1], [0, 0, 1, 1], [], []>, transpose_lhs_hint = false} : vector<256x128xf32>, vector<128x8xf32>, vector<256x8xf32> -> vector<256x8xf32>
    %slice3A_128 = vector.extract_strided_slice %reshape3A_19 {offsets = [1, 0, 0], sizes = [1, 256, 128], strides = [1, 1, 1]} : vector<12x256x128xf32> to vector<1x256x128xf32>
    %squeeze3A_129 = vector.shape_cast %slice3A_128 : vector<1x256x128xf32> to vector<256x128xf32>
    %slice3A_130 = vector.extract_strided_slice %reshape3A_20 {offsets = [0, 0, 0], sizes = [1, 256, 128], strides = [1, 1, 1]} : vector<12x256x128xf32> to vector<1x256x128xf32>
    %squeeze3A_131 = vector.shape_cast %slice3A_130 : vector<1x256x128xf32> to vector<256x128xf32>
    %mul3A_132 = arith.mulf %squeeze3A_129, %squeeze3A_131 : vector<256x128xf32>
    %dot_general3A_133 = arith.constant dense<0.000000e+00> : vector<256x8xf32>
    %dot_general3A_134 = tpu.matmul %mul3A_132, %convert_element_type3A_46, %dot_general3A_133 {dimension_numbers = #tpu.dot_dimension_numbers<[1], [0], [0], [1], [0, 0, 1, 1], [], []>, transpose_lhs_hint = false} : vector<256x128xf32>, vector<128x8xf32>, vector<256x8xf32> -> vector<256x8xf32>
    %slice3A_135 = vector.extract_strided_slice %reshape3A_19 {offsets = [1, 0, 0], sizes = [1, 256, 128], strides = [1, 1, 1]} : vector<12x256x128xf32> to vector<1x256x128xf32>
    %squeeze3A_136 = vector.shape_cast %slice3A_135 : vector<1x256x128xf32> to vector<256x128xf32>
    %slice3A_137 = vector.extract_strided_slice %reshape3A_20 {offsets = [1, 0, 0], sizes = [1, 256, 128], strides = [1, 1, 1]} : vector<12x256x128xf32> to vector<1x256x128xf32>
    %squeeze3A_138 = vector.shape_cast %slice3A_137 : vector<1x256x128xf32> to vector<256x128xf32>
    %mul3A_139 = arith.mulf %squeeze3A_136, %squeeze3A_138 : vector<256x128xf32>
    %dot_general3A_140 = arith.constant dense<0.000000e+00> : vector<256x8xf32>
    %dot_general3A_141 = tpu.matmul %mul3A_139, %convert_element_type3A_46, %dot_general3A_140 {dimension_numbers = #tpu.dot_dimension_numbers<[1], [0], [0], [1], [0, 0, 1, 1], [], []>, transpose_lhs_hint = false} : vector<256x128xf32>, vector<128x8xf32>, vector<256x8xf32> -> vector<256x8xf32>
    %slice3A_142 = vector.extract_strided_slice %reshape3A_19 {offsets = [1, 0, 0], sizes = [1, 256, 128], strides = [1, 1, 1]} : vector<12x256x128xf32> to vector<1x256x128xf32>
    %squeeze3A_143 = vector.shape_cast %slice3A_142 : vector<1x256x128xf32> to vector<256x128xf32>
    %slice3A_144 = vector.extract_strided_slice %reshape3A_20 {offsets = [2, 0, 0], sizes = [1, 256, 128], strides = [1, 1, 1]} : vector<12x256x128xf32> to vector<1x256x128xf32>
    %squeeze3A_145 = vector.shape_cast %slice3A_144 : vector<1x256x128xf32> to vector<256x128xf32>
    %mul3A_146 = arith.mulf %squeeze3A_143, %squeeze3A_145 : vector<256x128xf32>
    %dot_general3A_147 = arith.constant dense<0.000000e+00> : vector<256x8xf32>
    %dot_general3A_148 = tpu.matmul %mul3A_146, %convert_element_type3A_46, %dot_general3A_147 {dimension_numbers = #tpu.dot_dimension_numbers<[1], [0], [0], [1], [0, 0, 1, 1], [], []>, transpose_lhs_hint = false} : vector<256x128xf32>, vector<128x8xf32>, vector<256x8xf32> -> vector<256x8xf32>
    %slice3A_149 = vector.extract_strided_slice %reshape3A_19 {offsets = [1, 0, 0], sizes = [1, 256, 128], strides = [1, 1, 1]} : vector<12x256x128xf32> to vector<1x256x128xf32>
    %squeeze3A_150 = vector.shape_cast %slice3A_149 : vector<1x256x128xf32> to vector<256x128xf32>
    %slice3A_151 = vector.extract_strided_slice %reshape3A_20 {offsets = [3, 0, 0], sizes = [1, 256, 128], strides = [1, 1, 1]} : vector<12x256x128xf32> to vector<1x256x128xf32>
    %squeeze3A_152 = vector.shape_cast %slice3A_151 : vector<1x256x128xf32> to vector<256x128xf32>
    %mul3A_153 = arith.mulf %squeeze3A_150, %squeeze3A_152 : vector<256x128xf32>
    %dot_general3A_154 = arith.constant dense<0.000000e+00> : vector<256x8xf32>
    %dot_general3A_155 = tpu.matmul %mul3A_153, %convert_element_type3A_46, %dot_general3A_154 {dimension_numbers = #tpu.dot_dimension_numbers<[1], [0], [0], [1], [0, 0, 1, 1], [], []>, transpose_lhs_hint = false} : vector<256x128xf32>, vector<128x8xf32>, vector<256x8xf32> -> vector<256x8xf32>
    %slice3A_156 = vector.extract_strided_slice %reshape3A_19 {offsets = [1, 0, 0], sizes = [1, 256, 128], strides = [1, 1, 1]} : vector<12x256x128xf32> to vector<1x256x128xf32>
    %squeeze3A_157 = vector.shape_cast %slice3A_156 : vector<1x256x128xf32> to vector<256x128xf32>
    %slice3A_158 = vector.extract_strided_slice %reshape3A_20 {offsets = [4, 0, 0], sizes = [1, 256, 128], strides = [1, 1, 1]} : vector<12x256x128xf32> to vector<1x256x128xf32>
    %squeeze3A_159 = vector.shape_cast %slice3A_158 : vector<1x256x128xf32> to vector<256x128xf32>
    %mul3A_160 = arith.mulf %squeeze3A_157, %squeeze3A_159 : vector<256x128xf32>
    %dot_general3A_161 = arith.constant dense<0.000000e+00> : vector<256x8xf32>
    %dot_general3A_162 = tpu.matmul %mul3A_160, %convert_element_type3A_46, %dot_general3A_161 {dimension_numbers = #tpu.dot_dimension_numbers<[1], [0], [0], [1], [0, 0, 1, 1], [], []>, transpose_lhs_hint = false} : vector<256x128xf32>, vector<128x8xf32>, vector<256x8xf32> -> vector<256x8xf32>
    %slice3A_163 = vector.extract_strided_slice %reshape3A_19 {offsets = [1, 0, 0], sizes = [1, 256, 128], strides = [1, 1, 1]} : vector<12x256x128xf32> to vector<1x256x128xf32>
    %squeeze3A_164 = vector.shape_cast %slice3A_163 : vector<1x256x128xf32> to vector<256x128xf32>
    %slice3A_165 = vector.extract_strided_slice %reshape3A_20 {offsets = [5, 0, 0], sizes = [1, 256, 128], strides = [1, 1, 1]} : vector<12x256x128xf32> to vector<1x256x128xf32>
    %squeeze3A_166 = vector.shape_cast %slice3A_165 : vector<1x256x128xf32> to vector<256x128xf32>
    %mul3A_167 = arith.mulf %squeeze3A_164, %squeeze3A_166 : vector<256x128xf32>
    %dot_general3A_168 = arith.constant dense<0.000000e+00> : vector<256x8xf32>
    %dot_general3A_169 = tpu.matmul %mul3A_167, %convert_element_type3A_46, %dot_general3A_168 {dimension_numbers = #tpu.dot_dimension_numbers<[1], [0], [0], [1], [0, 0, 1, 1], [], []>, transpose_lhs_hint = false} : vector<256x128xf32>, vector<128x8xf32>, vector<256x8xf32> -> vector<256x8xf32>
    %slice3A_170 = vector.extract_strided_slice %reshape3A_19 {offsets = [1, 0, 0], sizes = [1, 256, 128], strides = [1, 1, 1]} : vector<12x256x128xf32> to vector<1x256x128xf32>
    %squeeze3A_171 = vector.shape_cast %slice3A_170 : vector<1x256x128xf32> to vector<256x128xf32>
    %slice3A_172 = vector.extract_strided_slice %reshape3A_20 {offsets = [6, 0, 0], sizes = [1, 256, 128], strides = [1, 1, 1]} : vector<12x256x128xf32> to vector<1x256x128xf32>
    %squeeze3A_173 = vector.shape_cast %slice3A_172 : vector<1x256x128xf32> to vector<256x128xf32>
    %mul3A_174 = arith.mulf %squeeze3A_171, %squeeze3A_173 : vector<256x128xf32>
    %dot_general3A_175 = arith.constant dense<0.000000e+00> : vector<256x8xf32>
    %dot_general3A_176 = tpu.matmul %mul3A_174, %convert_element_type3A_46, %dot_general3A_175 {dimension_numbers = #tpu.dot_dimension_numbers<[1], [0], [0], [1], [0, 0, 1, 1], [], []>, transpose_lhs_hint = false} : vector<256x128xf32>, vector<128x8xf32>, vector<256x8xf32> -> vector<256x8xf32>
    %slice3A_177 = vector.extract_strided_slice %reshape3A_19 {offsets = [1, 0, 0], sizes = [1, 256, 128], strides = [1, 1, 1]} : vector<12x256x128xf32> to vector<1x256x128xf32>
    %squeeze3A_178 = vector.shape_cast %slice3A_177 : vector<1x256x128xf32> to vector<256x128xf32>
    %slice3A_179 = vector.extract_strided_slice %reshape3A_20 {offsets = [7, 0, 0], sizes = [1, 256, 128], strides = [1, 1, 1]} : vector<12x256x128xf32> to vector<1x256x128xf32>
    %squeeze3A_180 = vector.shape_cast %slice3A_179 : vector<1x256x128xf32> to vector<256x128xf32>
    %mul3A_181 = arith.mulf %squeeze3A_178, %squeeze3A_180 : vector<256x128xf32>
    %dot_general3A_182 = arith.constant dense<0.000000e+00> : vector<256x8xf32>
    %dot_general3A_183 = tpu.matmul %mul3A_181, %convert_element_type3A_46, %dot_general3A_182 {dimension_numbers = #tpu.dot_dimension_numbers<[1], [0], [0], [1], [0, 0, 1, 1], [], []>, transpose_lhs_hint = false} : vector<256x128xf32>, vector<128x8xf32>, vector<256x8xf32> -> vector<256x8xf32>
    %slice3A_184 = vector.extract_strided_slice %reshape3A_19 {offsets = [1, 0, 0], sizes = [1, 256, 128], strides = [1, 1, 1]} : vector<12x256x128xf32> to vector<1x256x128xf32>
    %squeeze3A_185 = vector.shape_cast %slice3A_184 : vector<1x256x128xf32> to vector<256x128xf32>
    %slice3A_186 = vector.extract_strided_slice %reshape3A_20 {offsets = [8, 0, 0], sizes = [1, 256, 128], strides = [1, 1, 1]} : vector<12x256x128xf32> to vector<1x256x128xf32>
    %squeeze3A_187 = vector.shape_cast %slice3A_186 : vector<1x256x128xf32> to vector<256x128xf32>
    %mul3A_188 = arith.mulf %squeeze3A_185, %squeeze3A_187 : vector<256x128xf32>
    %dot_general3A_189 = arith.constant dense<0.000000e+00> : vector<256x8xf32>
    %dot_general3A_190 = tpu.matmul %mul3A_188, %convert_element_type3A_46, %dot_general3A_189 {dimension_numbers = #tpu.dot_dimension_numbers<[1], [0], [0], [1], [0, 0, 1, 1], [], []>, transpose_lhs_hint = false} : vector<256x128xf32>, vector<128x8xf32>, vector<256x8xf32> -> vector<256x8xf32>
    %slice3A_191 = vector.extract_strided_slice %reshape3A_19 {offsets = [1, 0, 0], sizes = [1, 256, 128], strides = [1, 1, 1]} : vector<12x256x128xf32> to vector<1x256x128xf32>
    %squeeze3A_192 = vector.shape_cast %slice3A_191 : vector<1x256x128xf32> to vector<256x128xf32>
    %slice3A_193 = vector.extract_strided_slice %reshape3A_20 {offsets = [9, 0, 0], sizes = [1, 256, 128], strides = [1, 1, 1]} : vector<12x256x128xf32> to vector<1x256x128xf32>
    %squeeze3A_194 = vector.shape_cast %slice3A_193 : vector<1x256x128xf32> to vector<256x128xf32>
    %mul3A_195 = arith.mulf %squeeze3A_192, %squeeze3A_194 : vector<256x128xf32>
    %dot_general3A_196 = arith.constant dense<0.000000e+00> : vector<256x8xf32>
    %dot_general3A_197 = tpu.matmul %mul3A_195, %convert_element_type3A_46, %dot_general3A_196 {dimension_numbers = #tpu.dot_dimension_numbers<[1], [0], [0], [1], [0, 0, 1, 1], [], []>, transpose_lhs_hint = false} : vector<256x128xf32>, vector<128x8xf32>, vector<256x8xf32> -> vector<256x8xf32>
    %slice3A_198 = vector.extract_strided_slice %reshape3A_19 {offsets = [1, 0, 0], sizes = [1, 256, 128], strides = [1, 1, 1]} : vector<12x256x128xf32> to vector<1x256x128xf32>
    %squeeze3A_199 = vector.shape_cast %slice3A_198 : vector<1x256x128xf32> to vector<256x128xf32>
    %slice3A_200 = vector.extract_strided_slice %reshape3A_20 {offsets = [10, 0, 0], sizes = [1, 256, 128], strides = [1, 1, 1]} : vector<12x256x128xf32> to vector<1x256x128xf32>
    %squeeze3A_201 = vector.shape_cast %slice3A_200 : vector<1x256x128xf32> to vector<256x128xf32>
    %mul3A_202 = arith.mulf %squeeze3A_199, %squeeze3A_201 : vector<256x128xf32>
    %dot_general3A_203 = arith.constant dense<0.000000e+00> : vector<256x8xf32>
    %dot_general3A_204 = tpu.matmul %mul3A_202, %convert_element_type3A_46, %dot_general3A_203 {dimension_numbers = #tpu.dot_dimension_numbers<[1], [0], [0], [1], [0, 0, 1, 1], [], []>, transpose_lhs_hint = false} : vector<256x128xf32>, vector<128x8xf32>, vector<256x8xf32> -> vector<256x8xf32>
    %slice3A_205 = vector.extract_strided_slice %reshape3A_19 {offsets = [1, 0, 0], sizes = [1, 256, 128], strides = [1, 1, 1]} : vector<12x256x128xf32> to vector<1x256x128xf32>
    %squeeze3A_206 = vector.shape_cast %slice3A_205 : vector<1x256x128xf32> to vector<256x128xf32>
    %slice3A_207 = vector.extract_strided_slice %reshape3A_20 {offsets = [11, 0, 0], sizes = [1, 256, 128], strides = [1, 1, 1]} : vector<12x256x128xf32> to vector<1x256x128xf32>
    %squeeze3A_208 = vector.shape_cast %slice3A_207 : vector<1x256x128xf32> to vector<256x128xf32>
    %mul3A_209 = arith.mulf %squeeze3A_206, %squeeze3A_208 : vector<256x128xf32>
    %dot_general3A_210 = arith.constant dense<0.000000e+00> : vector<256x8xf32>
    %dot_general3A_211 = tpu.matmul %mul3A_209, %convert_element_type3A_46, %dot_general3A_210 {dimension_numbers = #tpu.dot_dimension_numbers<[1], [0], [0], [1], [0, 0, 1, 1], [], []>, transpose_lhs_hint = false} : vector<256x128xf32>, vector<128x8xf32>, vector<256x8xf32> -> vector<256x8xf32>
    %slice3A_212 = vector.extract_strided_slice %reshape3A_19 {offsets = [2, 0, 0], sizes = [1, 256, 128], strides = [1, 1, 1]} : vector<12x256x128xf32> to vector<1x256x128xf32>
    %squeeze3A_213 = vector.shape_cast %slice3A_212 : vector<1x256x128xf32> to vector<256x128xf32>
    %slice3A_214 = vector.extract_strided_slice %reshape3A_20 {offsets = [0, 0, 0], sizes = [1, 256, 128], strides = [1, 1, 1]} : vector<12x256x128xf32> to vector<1x256x128xf32>
    %squeeze3A_215 = vector.shape_cast %slice3A_214 : vector<1x256x128xf32> to vector<256x128xf32>
    %mul3A_216 = arith.mulf %squeeze3A_213, %squeeze3A_215 : vector<256x128xf32>
    %dot_general3A_217 = arith.constant dense<0.000000e+00> : vector<256x8xf32>
    %dot_general3A_218 = tpu.matmul %mul3A_216, %convert_element_type3A_46, %dot_general3A_217 {dimension_numbers = #tpu.dot_dimension_numbers<[1], [0], [0], [1], [0, 0, 1, 1], [], []>, transpose_lhs_hint = false} : vector<256x128xf32>, vector<128x8xf32>, vector<256x8xf32> -> vector<256x8xf32>
    %slice3A_219 = vector.extract_strided_slice %reshape3A_19 {offsets = [2, 0, 0], sizes = [1, 256, 128], strides = [1, 1, 1]} : vector<12x256x128xf32> to vector<1x256x128xf32>
    %squeeze3A_220 = vector.shape_cast %slice3A_219 : vector<1x256x128xf32> to vector<256x128xf32>
    %slice3A_221 = vector.extract_strided_slice %reshape3A_20 {offsets = [1, 0, 0], sizes = [1, 256, 128], strides = [1, 1, 1]} : vector<12x256x128xf32> to vector<1x256x128xf32>
    %squeeze3A_222 = vector.shape_cast %slice3A_221 : vector<1x256x128xf32> to vector<256x128xf32>
    %mul3A_223 = arith.mulf %squeeze3A_220, %squeeze3A_222 : vector<256x128xf32>
    %dot_general3A_224 = arith.constant dense<0.000000e+00> : vector<256x8xf32>
    %dot_general3A_225 = tpu.matmul %mul3A_223, %convert_element_type3A_46, %dot_general3A_224 {dimension_numbers = #tpu.dot_dimension_numbers<[1], [0], [0], [1], [0, 0, 1, 1], [], []>, transpose_lhs_hint = false} : vector<256x128xf32>, vector<128x8xf32>, vector<256x8xf32> -> vector<256x8xf32>
    %slice3A_226 = vector.extract_strided_slice %reshape3A_19 {offsets = [2, 0, 0], sizes = [1, 256, 128], strides = [1, 1, 1]} : vector<12x256x128xf32> to vector<1x256x128xf32>
    %squeeze3A_227 = vector.shape_cast %slice3A_226 : vector<1x256x128xf32> to vector<256x128xf32>
    %slice3A_228 = vector.extract_strided_slice %reshape3A_20 {offsets = [2, 0, 0], sizes = [1, 256, 128], strides = [1, 1, 1]} : vector<12x256x128xf32> to vector<1x256x128xf32>
    %squeeze3A_229 = vector.shape_cast %slice3A_228 : vector<1x256x128xf32> to vector<256x128xf32>
    %mul3A_230 = arith.mulf %squeeze3A_227, %squeeze3A_229 : vector<256x128xf32>
    %dot_general3A_231 = arith.constant dense<0.000000e+00> : vector<256x8xf32>
    %dot_general3A_232 = tpu.matmul %mul3A_230, %convert_element_type3A_46, %dot_general3A_231 {dimension_numbers = #tpu.dot_dimension_numbers<[1], [0], [0], [1], [0, 0, 1, 1], [], []>, transpose_lhs_hint = false} : vector<256x128xf32>, vector<128x8xf32>, vector<256x8xf32> -> vector<256x8xf32>
    %slice3A_233 = vector.extract_strided_slice %reshape3A_19 {offsets = [2, 0, 0], sizes = [1, 256, 128], strides = [1, 1, 1]} : vector<12x256x128xf32> to vector<1x256x128xf32>
    %squeeze3A_234 = vector.shape_cast %slice3A_233 : vector<1x256x128xf32> to vector<256x128xf32>
    %slice3A_235 = vector.extract_strided_slice %reshape3A_20 {offsets = [3, 0, 0], sizes = [1, 256, 128], strides = [1, 1, 1]} : vector<12x256x128xf32> to vector<1x256x128xf32>
    %squeeze3A_236 = vector.shape_cast %slice3A_235 : vector<1x256x128xf32> to vector<256x128xf32>
    %mul3A_237 = arith.mulf %squeeze3A_234, %squeeze3A_236 : vector<256x128xf32>
    %dot_general3A_238 = arith.constant dense<0.000000e+00> : vector<256x8xf32>
    %dot_general3A_239 = tpu.matmul %mul3A_237, %convert_element_type3A_46, %dot_general3A_238 {dimension_numbers = #tpu.dot_dimension_numbers<[1], [0], [0], [1], [0, 0, 1, 1], [], []>, transpose_lhs_hint = false} : vector<256x128xf32>, vector<128x8xf32>, vector<256x8xf32> -> vector<256x8xf32>
    %slice3A_240 = vector.extract_strided_slice %reshape3A_19 {offsets = [2, 0, 0], sizes = [1, 256, 128], strides = [1, 1, 1]} : vector<12x256x128xf32> to vector<1x256x128xf32>
    %squeeze3A_241 = vector.shape_cast %slice3A_240 : vector<1x256x128xf32> to vector<256x128xf32>
    %slice3A_242 = vector.extract_strided_slice %reshape3A_20 {offsets = [4, 0, 0], sizes = [1, 256, 128], strides = [1, 1, 1]} : vector<12x256x128xf32> to vector<1x256x128xf32>
    %squeeze3A_243 = vector.shape_cast %slice3A_242 : vector<1x256x128xf32> to vector<256x128xf32>
    %mul3A_244 = arith.mulf %squeeze3A_241, %squeeze3A_243 : vector<256x128xf32>
    %dot_general3A_245 = arith.constant dense<0.000000e+00> : vector<256x8xf32>
    %dot_general3A_246 = tpu.matmul %mul3A_244, %convert_element_type3A_46, %dot_general3A_245 {dimension_numbers = #tpu.dot_dimension_numbers<[1], [0], [0], [1], [0, 0, 1, 1], [], []>, transpose_lhs_hint = false} : vector<256x128xf32>, vector<128x8xf32>, vector<256x8xf32> -> vector<256x8xf32>
    %slice3A_247 = vector.extract_strided_slice %reshape3A_19 {offsets = [2, 0, 0], sizes = [1, 256, 128], strides = [1, 1, 1]} : vector<12x256x128xf32> to vector<1x256x128xf32>
    %squeeze3A_248 = vector.shape_cast %slice3A_247 : vector<1x256x128xf32> to vector<256x128xf32>
    %slice3A_249 = vector.extract_strided_slice %reshape3A_20 {offsets = [5, 0, 0], sizes = [1, 256, 128], strides = [1, 1, 1]} : vector<12x256x128xf32> to vector<1x256x128xf32>
    %squeeze3A_250 = vector.shape_cast %slice3A_249 : vector<1x256x128xf32> to vector<256x128xf32>
    %mul3A_251 = arith.mulf %squeeze3A_248, %squeeze3A_250 : vector<256x128xf32>
    %dot_general3A_252 = arith.constant dense<0.000000e+00> : vector<256x8xf32>
    %dot_general3A_253 = tpu.matmul %mul3A_251, %convert_element_type3A_46, %dot_general3A_252 {dimension_numbers = #tpu.dot_dimension_numbers<[1], [0], [0], [1], [0, 0, 1, 1], [], []>, transpose_lhs_hint = false} : vector<256x128xf32>, vector<128x8xf32>, vector<256x8xf32> -> vector<256x8xf32>
    %slice3A_254 = vector.extract_strided_slice %reshape3A_19 {offsets = [2, 0, 0], sizes = [1, 256, 128], strides = [1, 1, 1]} : vector<12x256x128xf32> to vector<1x256x128xf32>
    %squeeze3A_255 = vector.shape_cast %slice3A_254 : vector<1x256x128xf32> to vector<256x128xf32>
    %slice3A_256 = vector.extract_strided_slice %reshape3A_20 {offsets = [6, 0, 0], sizes = [1, 256, 128], strides = [1, 1, 1]} : vector<12x256x128xf32> to vector<1x256x128xf32>
    %squeeze3A_257 = vector.shape_cast %slice3A_256 : vector<1x256x128xf32> to vector<256x128xf32>
    %mul3A_258 = arith.mulf %squeeze3A_255, %squeeze3A_257 : vector<256x128xf32>
    %dot_general3A_259 = arith.constant dense<0.000000e+00> : vector<256x8xf32>
    %dot_general3A_260 = tpu.matmul %mul3A_258, %convert_element_type3A_46, %dot_general3A_259 {dimension_numbers = #tpu.dot_dimension_numbers<[1], [0], [0], [1], [0, 0, 1, 1], [], []>, transpose_lhs_hint = false} : vector<256x128xf32>, vector<128x8xf32>, vector<256x8xf32> -> vector<256x8xf32>
    %slice3A_261 = vector.extract_strided_slice %reshape3A_19 {offsets = [2, 0, 0], sizes = [1, 256, 128], strides = [1, 1, 1]} : vector<12x256x128xf32> to vector<1x256x128xf32>
    %squeeze3A_262 = vector.shape_cast %slice3A_261 : vector<1x256x128xf32> to vector<256x128xf32>
    %slice3A_263 = vector.extract_strided_slice %reshape3A_20 {offsets = [7, 0, 0], sizes = [1, 256, 128], strides = [1, 1, 1]} : vector<12x256x128xf32> to vector<1x256x128xf32>
    %squeeze3A_264 = vector.shape_cast %slice3A_263 : vector<1x256x128xf32> to vector<256x128xf32>
    %mul3A_265 = arith.mulf %squeeze3A_262, %squeeze3A_264 : vector<256x128xf32>
    %dot_general3A_266 = arith.constant dense<0.000000e+00> : vector<256x8xf32>
    %dot_general3A_267 = tpu.matmul %mul3A_265, %convert_element_type3A_46, %dot_general3A_266 {dimension_numbers = #tpu.dot_dimension_numbers<[1], [0], [0], [1], [0, 0, 1, 1], [], []>, transpose_lhs_hint = false} : vector<256x128xf32>, vector<128x8xf32>, vector<256x8xf32> -> vector<256x8xf32>
    %slice3A_268 = vector.extract_strided_slice %reshape3A_19 {offsets = [2, 0, 0], sizes = [1, 256, 128], strides = [1, 1, 1]} : vector<12x256x128xf32> to vector<1x256x128xf32>
    %squeeze3A_269 = vector.shape_cast %slice3A_268 : vector<1x256x128xf32> to vector<256x128xf32>
    %slice3A_270 = vector.extract_strided_slice %reshape3A_20 {offsets = [8, 0, 0], sizes = [1, 256, 128], strides = [1, 1, 1]} : vector<12x256x128xf32> to vector<1x256x128xf32>
    %squeeze3A_271 = vector.shape_cast %slice3A_270 : vector<1x256x128xf32> to vector<256x128xf32>
    %mul3A_272 = arith.mulf %squeeze3A_269, %squeeze3A_271 : vector<256x128xf32>
    %dot_general3A_273 = arith.constant dense<0.000000e+00> : vector<256x8xf32>
    %dot_general3A_274 = tpu.matmul %mul3A_272, %convert_element_type3A_46, %dot_general3A_273 {dimension_numbers = #tpu.dot_dimension_numbers<[1], [0], [0], [1], [0, 0, 1, 1], [], []>, transpose_lhs_hint = false} : vector<256x128xf32>, vector<128x8xf32>, vector<256x8xf32> -> vector<256x8xf32>
    %slice3A_275 = vector.extract_strided_slice %reshape3A_19 {offsets = [2, 0, 0], sizes = [1, 256, 128], strides = [1, 1, 1]} : vector<12x256x128xf32> to vector<1x256x128xf32>
    %squeeze3A_276 = vector.shape_cast %slice3A_275 : vector<1x256x128xf32> to vector<256x128xf32>
    %slice3A_277 = vector.extract_strided_slice %reshape3A_20 {offsets = [9, 0, 0], sizes = [1, 256, 128], strides = [1, 1, 1]} : vector<12x256x128xf32> to vector<1x256x128xf32>
    %squeeze3A_278 = vector.shape_cast %slice3A_277 : vector<1x256x128xf32> to vector<256x128xf32>
    %mul3A_279 = arith.mulf %squeeze3A_276, %squeeze3A_278 : vector<256x128xf32>
    %dot_general3A_280 = arith.constant dense<0.000000e+00> : vector<256x8xf32>
    %dot_general3A_281 = tpu.matmul %mul3A_279, %convert_element_type3A_46, %dot_general3A_280 {dimension_numbers = #tpu.dot_dimension_numbers<[1], [0], [0], [1], [0, 0, 1, 1], [], []>, transpose_lhs_hint = false} : vector<256x128xf32>, vector<128x8xf32>, vector<256x8xf32> -> vector<256x8xf32>
    %slice3A_282 = vector.extract_strided_slice %reshape3A_19 {offsets = [2, 0, 0], sizes = [1, 256, 128], strides = [1, 1, 1]} : vector<12x256x128xf32> to vector<1x256x128xf32>
    %squeeze3A_283 = vector.shape_cast %slice3A_282 : vector<1x256x128xf32> to vector<256x128xf32>
    %slice3A_284 = vector.extract_strided_slice %reshape3A_20 {offsets = [10, 0, 0], sizes = [1, 256, 128], strides = [1, 1, 1]} : vector<12x256x128xf32> to vector<1x256x128xf32>
    %squeeze3A_285 = vector.shape_cast %slice3A_284 : vector<1x256x128xf32> to vector<256x128xf32>
    %mul3A_286 = arith.mulf %squeeze3A_283, %squeeze3A_285 : vector<256x128xf32>
    %dot_general3A_287 = arith.constant dense<0.000000e+00> : vector<256x8xf32>
    %dot_general3A_288 = tpu.matmul %mul3A_286, %convert_element_type3A_46, %dot_general3A_287 {dimension_numbers = #tpu.dot_dimension_numbers<[1], [0], [0], [1], [0, 0, 1, 1], [], []>, transpose_lhs_hint = false} : vector<256x128xf32>, vector<128x8xf32>, vector<256x8xf32> -> vector<256x8xf32>
    %slice3A_289 = vector.extract_strided_slice %reshape3A_19 {offsets = [2, 0, 0], sizes = [1, 256, 128], strides = [1, 1, 1]} : vector<12x256x128xf32> to vector<1x256x128xf32>
    %squeeze3A_290 = vector.shape_cast %slice3A_289 : vector<1x256x128xf32> to vector<256x128xf32>
    %slice3A_291 = vector.extract_strided_slice %reshape3A_20 {offsets = [11, 0, 0], sizes = [1, 256, 128], strides = [1, 1, 1]} : vector<12x256x128xf32> to vector<1x256x128xf32>
    %squeeze3A_292 = vector.shape_cast %slice3A_291 : vector<1x256x128xf32> to vector<256x128xf32>
    %mul3A_293 = arith.mulf %squeeze3A_290, %squeeze3A_292 : vector<256x128xf32>
    %dot_general3A_294 = arith.constant dense<0.000000e+00> : vector<256x8xf32>
    %dot_general3A_295 = tpu.matmul %mul3A_293, %convert_element_type3A_46, %dot_general3A_294 {dimension_numbers = #tpu.dot_dimension_numbers<[1], [0], [0], [1], [0, 0, 1, 1], [], []>, transpose_lhs_hint = false} : vector<256x128xf32>, vector<128x8xf32>, vector<256x8xf32> -> vector<256x8xf32>
    %slice3A_296 = vector.extract_strided_slice %reshape3A_19 {offsets = [3, 0, 0], sizes = [1, 256, 128], strides = [1, 1, 1]} : vector<12x256x128xf32> to vector<1x256x128xf32>
    %squeeze3A_297 = vector.shape_cast %slice3A_296 : vector<1x256x128xf32> to vector<256x128xf32>
    %slice3A_298 = vector.extract_strided_slice %reshape3A_20 {offsets = [0, 0, 0], sizes = [1, 256, 128], strides = [1, 1, 1]} : vector<12x256x128xf32> to vector<1x256x128xf32>
    %squeeze3A_299 = vector.shape_cast %slice3A_298 : vector<1x256x128xf32> to vector<256x128xf32>
    %mul3A_300 = arith.mulf %squeeze3A_297, %squeeze3A_299 : vector<256x128xf32>
    %dot_general3A_301 = arith.constant dense<0.000000e+00> : vector<256x8xf32>
    %dot_general3A_302 = tpu.matmul %mul3A_300, %convert_element_type3A_46, %dot_general3A_301 {dimension_numbers = #tpu.dot_dimension_numbers<[1], [0], [0], [1], [0, 0, 1, 1], [], []>, transpose_lhs_hint = false} : vector<256x128xf32>, vector<128x8xf32>, vector<256x8xf32> -> vector<256x8xf32>
    %slice3A_303 = vector.extract_strided_slice %reshape3A_19 {offsets = [3, 0, 0], sizes = [1, 256, 128], strides = [1, 1, 1]} : vector<12x256x128xf32> to vector<1x256x128xf32>
    %squeeze3A_304 = vector.shape_cast %slice3A_303 : vector<1x256x128xf32> to vector<256x128xf32>
    %slice3A_305 = vector.extract_strided_slice %reshape3A_20 {offsets = [1, 0, 0], sizes = [1, 256, 128], strides = [1, 1, 1]} : vector<12x256x128xf32> to vector<1x256x128xf32>
    %squeeze3A_306 = vector.shape_cast %slice3A_305 : vector<1x256x128xf32> to vector<256x128xf32>
    %mul3A_307 = arith.mulf %squeeze3A_304, %squeeze3A_306 : vector<256x128xf32>
    %dot_general3A_308 = arith.constant dense<0.000000e+00> : vector<256x8xf32>
    %dot_general3A_309 = tpu.matmul %mul3A_307, %convert_element_type3A_46, %dot_general3A_308 {dimension_numbers = #tpu.dot_dimension_numbers<[1], [0], [0], [1], [0, 0, 1, 1], [], []>, transpose_lhs_hint = false} : vector<256x128xf32>, vector<128x8xf32>, vector<256x8xf32> -> vector<256x8xf32>
    %slice3A_310 = vector.extract_strided_slice %reshape3A_19 {offsets = [3, 0, 0], sizes = [1, 256, 128], strides = [1, 1, 1]} : vector<12x256x128xf32> to vector<1x256x128xf32>
    %squeeze3A_311 = vector.shape_cast %slice3A_310 : vector<1x256x128xf32> to vector<256x128xf32>
    %slice3A_312 = vector.extract_strided_slice %reshape3A_20 {offsets = [2, 0, 0], sizes = [1, 256, 128], strides = [1, 1, 1]} : vector<12x256x128xf32> to vector<1x256x128xf32>
    %squeeze3A_313 = vector.shape_cast %slice3A_312 : vector<1x256x128xf32> to vector<256x128xf32>
    %mul3A_314 = arith.mulf %squeeze3A_311, %squeeze3A_313 : vector<256x128xf32>
    %dot_general3A_315 = arith.constant dense<0.000000e+00> : vector<256x8xf32>
    %dot_general3A_316 = tpu.matmul %mul3A_314, %convert_element_type3A_46, %dot_general3A_315 {dimension_numbers = #tpu.dot_dimension_numbers<[1], [0], [0], [1], [0, 0, 1, 1], [], []>, transpose_lhs_hint = false} : vector<256x128xf32>, vector<128x8xf32>, vector<256x8xf32> -> vector<256x8xf32>
    %slice3A_317 = vector.extract_strided_slice %reshape3A_19 {offsets = [3, 0, 0], sizes = [1, 256, 128], strides = [1, 1, 1]} : vector<12x256x128xf32> to vector<1x256x128xf32>
    %squeeze3A_318 = vector.shape_cast %slice3A_317 : vector<1x256x128xf32> to vector<256x128xf32>
    %slice3A_319 = vector.extract_strided_slice %reshape3A_20 {offsets = [3, 0, 0], sizes = [1, 256, 128], strides = [1, 1, 1]} : vector<12x256x128xf32> to vector<1x256x128xf32>
    %squeeze3A_320 = vector.shape_cast %slice3A_319 : vector<1x256x128xf32> to vector<256x128xf32>
    %mul3A_321 = arith.mulf %squeeze3A_318, %squeeze3A_320 : vector<256x128xf32>
    %dot_general3A_322 = arith.constant dense<0.000000e+00> : vector<256x8xf32>
    %dot_general3A_323 = tpu.matmul %mul3A_321, %convert_element_type3A_46, %dot_general3A_322 {dimension_numbers = #tpu.dot_dimension_numbers<[1], [0], [0], [1], [0, 0, 1, 1], [], []>, transpose_lhs_hint = false} : vector<256x128xf32>, vector<128x8xf32>, vector<256x8xf32> -> vector<256x8xf32>
    %slice3A_324 = vector.extract_strided_slice %reshape3A_19 {offsets = [3, 0, 0], sizes = [1, 256, 128], strides = [1, 1, 1]} : vector<12x256x128xf32> to vector<1x256x128xf32>
    %squeeze3A_325 = vector.shape_cast %slice3A_324 : vector<1x256x128xf32> to vector<256x128xf32>
    %slice3A_326 = vector.extract_strided_slice %reshape3A_20 {offsets = [4, 0, 0], sizes = [1, 256, 128], strides = [1, 1, 1]} : vector<12x256x128xf32> to vector<1x256x128xf32>
    %squeeze3A_327 = vector.shape_cast %slice3A_326 : vector<1x256x128xf32> to vector<256x128xf32>
    %mul3A_328 = arith.mulf %squeeze3A_325, %squeeze3A_327 : vector<256x128xf32>
    %dot_general3A_329 = arith.constant dense<0.000000e+00> : vector<256x8xf32>
    %dot_general3A_330 = tpu.matmul %mul3A_328, %convert_element_type3A_46, %dot_general3A_329 {dimension_numbers = #tpu.dot_dimension_numbers<[1], [0], [0], [1], [0, 0, 1, 1], [], []>, transpose_lhs_hint = false} : vector<256x128xf32>, vector<128x8xf32>, vector<256x8xf32> -> vector<256x8xf32>
    %slice3A_331 = vector.extract_strided_slice %reshape3A_19 {offsets = [3, 0, 0], sizes = [1, 256, 128], strides = [1, 1, 1]} : vector<12x256x128xf32> to vector<1x256x128xf32>
    %squeeze3A_332 = vector.shape_cast %slice3A_331 : vector<1x256x128xf32> to vector<256x128xf32>
    %slice3A_333 = vector.extract_strided_slice %reshape3A_20 {offsets = [5, 0, 0], sizes = [1, 256, 128], strides = [1, 1, 1]} : vector<12x256x128xf32> to vector<1x256x128xf32>
    %squeeze3A_334 = vector.shape_cast %slice3A_333 : vector<1x256x128xf32> to vector<256x128xf32>
    %mul3A_335 = arith.mulf %squeeze3A_332, %squeeze3A_334 : vector<256x128xf32>
    %dot_general3A_336 = arith.constant dense<0.000000e+00> : vector<256x8xf32>
    %dot_general3A_337 = tpu.matmul %mul3A_335, %convert_element_type3A_46, %dot_general3A_336 {dimension_numbers = #tpu.dot_dimension_numbers<[1], [0], [0], [1], [0, 0, 1, 1], [], []>, transpose_lhs_hint = false} : vector<256x128xf32>, vector<128x8xf32>, vector<256x8xf32> -> vector<256x8xf32>
    %slice3A_338 = vector.extract_strided_slice %reshape3A_19 {offsets = [3, 0, 0], sizes = [1, 256, 128], strides = [1, 1, 1]} : vector<12x256x128xf32> to vector<1x256x128xf32>
    %squeeze3A_339 = vector.shape_cast %slice3A_338 : vector<1x256x128xf32> to vector<256x128xf32>
    %slice3A_340 = vector.extract_strided_slice %reshape3A_20 {offsets = [6, 0, 0], sizes = [1, 256, 128], strides = [1, 1, 1]} : vector<12x256x128xf32> to vector<1x256x128xf32>
    %squeeze3A_341 = vector.shape_cast %slice3A_340 : vector<1x256x128xf32> to vector<256x128xf32>
    %mul3A_342 = arith.mulf %squeeze3A_339, %squeeze3A_341 : vector<256x128xf32>
    %dot_general3A_343 = arith.constant dense<0.000000e+00> : vector<256x8xf32>
    %dot_general3A_344 = tpu.matmul %mul3A_342, %convert_element_type3A_46, %dot_general3A_343 {dimension_numbers = #tpu.dot_dimension_numbers<[1], [0], [0], [1], [0, 0, 1, 1], [], []>, transpose_lhs_hint = false} : vector<256x128xf32>, vector<128x8xf32>, vector<256x8xf32> -> vector<256x8xf32>
    %slice3A_345 = vector.extract_strided_slice %reshape3A_19 {offsets = [3, 0, 0], sizes = [1, 256, 128], strides = [1, 1, 1]} : vector<12x256x128xf32> to vector<1x256x128xf32>
    %squeeze3A_346 = vector.shape_cast %slice3A_345 : vector<1x256x128xf32> to vector<256x128xf32>
    %slice3A_347 = vector.extract_strided_slice %reshape3A_20 {offsets = [7, 0, 0], sizes = [1, 256, 128], strides = [1, 1, 1]} : vector<12x256x128xf32> to vector<1x256x128xf32>
    %squeeze3A_348 = vector.shape_cast %slice3A_347 : vector<1x256x128xf32> to vector<256x128xf32>
    %mul3A_349 = arith.mulf %squeeze3A_346, %squeeze3A_348 : vector<256x128xf32>
    %dot_general3A_350 = arith.constant dense<0.000000e+00> : vector<256x8xf32>
    %dot_general3A_351 = tpu.matmul %mul3A_349, %convert_element_type3A_46, %dot_general3A_350 {dimension_numbers = #tpu.dot_dimension_numbers<[1], [0], [0], [1], [0, 0, 1, 1], [], []>, transpose_lhs_hint = false} : vector<256x128xf32>, vector<128x8xf32>, vector<256x8xf32> -> vector<256x8xf32>
    %slice3A_352 = vector.extract_strided_slice %reshape3A_19 {offsets = [3, 0, 0], sizes = [1, 256, 128], strides = [1, 1, 1]} : vector<12x256x128xf32> to vector<1x256x128xf32>
    %squeeze3A_353 = vector.shape_cast %slice3A_352 : vector<1x256x128xf32> to vector<256x128xf32>
    %slice3A_354 = vector.extract_strided_slice %reshape3A_20 {offsets = [8, 0, 0], sizes = [1, 256, 128], strides = [1, 1, 1]} : vector<12x256x128xf32> to vector<1x256x128xf32>
    %squeeze3A_355 = vector.shape_cast %slice3A_354 : vector<1x256x128xf32> to vector<256x128xf32>
    %mul3A_356 = arith.mulf %squeeze3A_353, %squeeze3A_355 : vector<256x128xf32>
    %dot_general3A_357 = arith.constant dense<0.000000e+00> : vector<256x8xf32>
    %dot_general3A_358 = tpu.matmul %mul3A_356, %convert_element_type3A_46, %dot_general3A_357 {dimension_numbers = #tpu.dot_dimension_numbers<[1], [0], [0], [1], [0, 0, 1, 1], [], []>, transpose_lhs_hint = false} : vector<256x128xf32>, vector<128x8xf32>, vector<256x8xf32> -> vector<256x8xf32>
    %slice3A_359 = vector.extract_strided_slice %reshape3A_19 {offsets = [3, 0, 0], sizes = [1, 256, 128], strides = [1, 1, 1]} : vector<12x256x128xf32> to vector<1x256x128xf32>
    %squeeze3A_360 = vector.shape_cast %slice3A_359 : vector<1x256x128xf32> to vector<256x128xf32>
    %slice3A_361 = vector.extract_strided_slice %reshape3A_20 {offsets = [9, 0, 0], sizes = [1, 256, 128], strides = [1, 1, 1]} : vector<12x256x128xf32> to vector<1x256x128xf32>
    %squeeze3A_362 = vector.shape_cast %slice3A_361 : vector<1x256x128xf32> to vector<256x128xf32>
    %mul3A_363 = arith.mulf %squeeze3A_360, %squeeze3A_362 : vector<256x128xf32>
    %dot_general3A_364 = arith.constant dense<0.000000e+00> : vector<256x8xf32>
    %dot_general3A_365 = tpu.matmul %mul3A_363, %convert_element_type3A_46, %dot_general3A_364 {dimension_numbers = #tpu.dot_dimension_numbers<[1], [0], [0], [1], [0, 0, 1, 1], [], []>, transpose_lhs_hint = false} : vector<256x128xf32>, vector<128x8xf32>, vector<256x8xf32> -> vector<256x8xf32>
    %slice3A_366 = vector.extract_strided_slice %reshape3A_19 {offsets = [3, 0, 0], sizes = [1, 256, 128], strides = [1, 1, 1]} : vector<12x256x128xf32> to vector<1x256x128xf32>
    %squeeze3A_367 = vector.shape_cast %slice3A_366 : vector<1x256x128xf32> to vector<256x128xf32>
    %slice3A_368 = vector.extract_strided_slice %reshape3A_20 {offsets = [10, 0, 0], sizes = [1, 256, 128], strides = [1, 1, 1]} : vector<12x256x128xf32> to vector<1x256x128xf32>
    %squeeze3A_369 = vector.shape_cast %slice3A_368 : vector<1x256x128xf32> to vector<256x128xf32>
    %mul3A_370 = arith.mulf %squeeze3A_367, %squeeze3A_369 : vector<256x128xf32>
    %dot_general3A_371 = arith.constant dense<0.000000e+00> : vector<256x8xf32>
    %dot_general3A_372 = tpu.matmul %mul3A_370, %convert_element_type3A_46, %dot_general3A_371 {dimension_numbers = #tpu.dot_dimension_numbers<[1], [0], [0], [1], [0, 0, 1, 1], [], []>, transpose_lhs_hint = false} : vector<256x128xf32>, vector<128x8xf32>, vector<256x8xf32> -> vector<256x8xf32>
    %slice3A_373 = vector.extract_strided_slice %reshape3A_19 {offsets = [3, 0, 0], sizes = [1, 256, 128], strides = [1, 1, 1]} : vector<12x256x128xf32> to vector<1x256x128xf32>
    %squeeze3A_374 = vector.shape_cast %slice3A_373 : vector<1x256x128xf32> to vector<256x128xf32>
    %slice3A_375 = vector.extract_strided_slice %reshape3A_20 {offsets = [11, 0, 0], sizes = [1, 256, 128], strides = [1, 1, 1]} : vector<12x256x128xf32> to vector<1x256x128xf32>
    %squeeze3A_376 = vector.shape_cast %slice3A_375 : vector<1x256x128xf32> to vector<256x128xf32>
    %mul3A_377 = arith.mulf %squeeze3A_374, %squeeze3A_376 : vector<256x128xf32>
    %dot_general3A_378 = arith.constant dense<0.000000e+00> : vector<256x8xf32>
    %dot_general3A_379 = tpu.matmul %mul3A_377, %convert_element_type3A_46, %dot_general3A_378 {dimension_numbers = #tpu.dot_dimension_numbers<[1], [0], [0], [1], [0, 0, 1, 1], [], []>, transpose_lhs_hint = false} : vector<256x128xf32>, vector<128x8xf32>, vector<256x8xf32> -> vector<256x8xf32>
    %slice3A_380 = vector.extract_strided_slice %reshape3A_19 {offsets = [4, 0, 0], sizes = [1, 256, 128], strides = [1, 1, 1]} : vector<12x256x128xf32> to vector<1x256x128xf32>
    %squeeze3A_381 = vector.shape_cast %slice3A_380 : vector<1x256x128xf32> to vector<256x128xf32>
    %slice3A_382 = vector.extract_strided_slice %reshape3A_20 {offsets = [0, 0, 0], sizes = [1, 256, 128], strides = [1, 1, 1]} : vector<12x256x128xf32> to vector<1x256x128xf32>
    %squeeze3A_383 = vector.shape_cast %slice3A_382 : vector<1x256x128xf32> to vector<256x128xf32>
    %mul3A_384 = arith.mulf %squeeze3A_381, %squeeze3A_383 : vector<256x128xf32>
    %dot_general3A_385 = arith.constant dense<0.000000e+00> : vector<256x8xf32>
    %dot_general3A_386 = tpu.matmul %mul3A_384, %convert_element_type3A_46, %dot_general3A_385 {dimension_numbers = #tpu.dot_dimension_numbers<[1], [0], [0], [1], [0, 0, 1, 1], [], []>, transpose_lhs_hint = false} : vector<256x128xf32>, vector<128x8xf32>, vector<256x8xf32> -> vector<256x8xf32>
    %slice3A_387 = vector.extract_strided_slice %reshape3A_19 {offsets = [4, 0, 0], sizes = [1, 256, 128], strides = [1, 1, 1]} : vector<12x256x128xf32> to vector<1x256x128xf32>
    %squeeze3A_388 = vector.shape_cast %slice3A_387 : vector<1x256x128xf32> to vector<256x128xf32>
    %slice3A_389 = vector.extract_strided_slice %reshape3A_20 {offsets = [1, 0, 0], sizes = [1, 256, 128], strides = [1, 1, 1]} : vector<12x256x128xf32> to vector<1x256x128xf32>
    %squeeze3A_390 = vector.shape_cast %slice3A_389 : vector<1x256x128xf32> to vector<256x128xf32>
    %mul3A_391 = arith.mulf %squeeze3A_388, %squeeze3A_390 : vector<256x128xf32>
    %dot_general3A_392 = arith.constant dense<0.000000e+00> : vector<256x8xf32>
    %dot_general3A_393 = tpu.matmul %mul3A_391, %convert_element_type3A_46, %dot_general3A_392 {dimension_numbers = #tpu.dot_dimension_numbers<[1], [0], [0], [1], [0, 0, 1, 1], [], []>, transpose_lhs_hint = false} : vector<256x128xf32>, vector<128x8xf32>, vector<256x8xf32> -> vector<256x8xf32>
    %slice3A_394 = vector.extract_strided_slice %reshape3A_19 {offsets = [4, 0, 0], sizes = [1, 256, 128], strides = [1, 1, 1]} : vector<12x256x128xf32> to vector<1x256x128xf32>
    %squeeze3A_395 = vector.shape_cast %slice3A_394 : vector<1x256x128xf32> to vector<256x128xf32>
    %slice3A_396 = vector.extract_strided_slice %reshape3A_20 {offsets = [2, 0, 0], sizes = [1, 256, 128], strides = [1, 1, 1]} : vector<12x256x128xf32> to vector<1x256x128xf32>
    %squeeze3A_397 = vector.shape_cast %slice3A_396 : vector<1x256x128xf32> to vector<256x128xf32>
    %mul3A_398 = arith.mulf %squeeze3A_395, %squeeze3A_397 : vector<256x128xf32>
    %dot_general3A_399 = arith.constant dense<0.000000e+00> : vector<256x8xf32>
    %dot_general3A_400 = tpu.matmul %mul3A_398, %convert_element_type3A_46, %dot_general3A_399 {dimension_numbers = #tpu.dot_dimension_numbers<[1], [0], [0], [1], [0, 0, 1, 1], [], []>, transpose_lhs_hint = false} : vector<256x128xf32>, vector<128x8xf32>, vector<256x8xf32> -> vector<256x8xf32>
    %slice3A_401 = vector.extract_strided_slice %reshape3A_19 {offsets = [4, 0, 0], sizes = [1, 256, 128], strides = [1, 1, 1]} : vector<12x256x128xf32> to vector<1x256x128xf32>
    %squeeze3A_402 = vector.shape_cast %slice3A_401 : vector<1x256x128xf32> to vector<256x128xf32>
    %slice3A_403 = vector.extract_strided_slice %reshape3A_20 {offsets = [3, 0, 0], sizes = [1, 256, 128], strides = [1, 1, 1]} : vector<12x256x128xf32> to vector<1x256x128xf32>
    %squeeze3A_404 = vector.shape_cast %slice3A_403 : vector<1x256x128xf32> to vector<256x128xf32>
    %mul3A_405 = arith.mulf %squeeze3A_402, %squeeze3A_404 : vector<256x128xf32>
    %dot_general3A_406 = arith.constant dense<0.000000e+00> : vector<256x8xf32>
    %dot_general3A_407 = tpu.matmul %mul3A_405, %convert_element_type3A_46, %dot_general3A_406 {dimension_numbers = #tpu.dot_dimension_numbers<[1], [0], [0], [1], [0, 0, 1, 1], [], []>, transpose_lhs_hint = false} : vector<256x128xf32>, vector<128x8xf32>, vector<256x8xf32> -> vector<256x8xf32>
    %slice3A_408 = vector.extract_strided_slice %reshape3A_19 {offsets = [4, 0, 0], sizes = [1, 256, 128], strides = [1, 1, 1]} : vector<12x256x128xf32> to vector<1x256x128xf32>
    %squeeze3A_409 = vector.shape_cast %slice3A_408 : vector<1x256x128xf32> to vector<256x128xf32>
    %slice3A_410 = vector.extract_strided_slice %reshape3A_20 {offsets = [4, 0, 0], sizes = [1, 256, 128], strides = [1, 1, 1]} : vector<12x256x128xf32> to vector<1x256x128xf32>
    %squeeze3A_411 = vector.shape_cast %slice3A_410 : vector<1x256x128xf32> to vector<256x128xf32>
    %mul3A_412 = arith.mulf %squeeze3A_409, %squeeze3A_411 : vector<256x128xf32>
    %dot_general3A_413 = arith.constant dense<0.000000e+00> : vector<256x8xf32>
    %dot_general3A_414 = tpu.matmul %mul3A_412, %convert_element_type3A_46, %dot_general3A_413 {dimension_numbers = #tpu.dot_dimension_numbers<[1], [0], [0], [1], [0, 0, 1, 1], [], []>, transpose_lhs_hint = false} : vector<256x128xf32>, vector<128x8xf32>, vector<256x8xf32> -> vector<256x8xf32>
    %slice3A_415 = vector.extract_strided_slice %reshape3A_19 {offsets = [4, 0, 0], sizes = [1, 256, 128], strides = [1, 1, 1]} : vector<12x256x128xf32> to vector<1x256x128xf32>
    %squeeze3A_416 = vector.shape_cast %slice3A_415 : vector<1x256x128xf32> to vector<256x128xf32>
    %slice3A_417 = vector.extract_strided_slice %reshape3A_20 {offsets = [5, 0, 0], sizes = [1, 256, 128], strides = [1, 1, 1]} : vector<12x256x128xf32> to vector<1x256x128xf32>
    %squeeze3A_418 = vector.shape_cast %slice3A_417 : vector<1x256x128xf32> to vector<256x128xf32>
    %mul3A_419 = arith.mulf %squeeze3A_416, %squeeze3A_418 : vector<256x128xf32>
    %dot_general3A_420 = arith.constant dense<0.000000e+00> : vector<256x8xf32>
    %dot_general3A_421 = tpu.matmul %mul3A_419, %convert_element_type3A_46, %dot_general3A_420 {dimension_numbers = #tpu.dot_dimension_numbers<[1], [0], [0], [1], [0, 0, 1, 1], [], []>, transpose_lhs_hint = false} : vector<256x128xf32>, vector<128x8xf32>, vector<256x8xf32> -> vector<256x8xf32>
    %slice3A_422 = vector.extract_strided_slice %reshape3A_19 {offsets = [4, 0, 0], sizes = [1, 256, 128], strides = [1, 1, 1]} : vector<12x256x128xf32> to vector<1x256x128xf32>
    %squeeze3A_423 = vector.shape_cast %slice3A_422 : vector<1x256x128xf32> to vector<256x128xf32>
    %slice3A_424 = vector.extract_strided_slice %reshape3A_20 {offsets = [6, 0, 0], sizes = [1, 256, 128], strides = [1, 1, 1]} : vector<12x256x128xf32> to vector<1x256x128xf32>
    %squeeze3A_425 = vector.shape_cast %slice3A_424 : vector<1x256x128xf32> to vector<256x128xf32>
    %mul3A_426 = arith.mulf %squeeze3A_423, %squeeze3A_425 : vector<256x128xf32>
    %dot_general3A_427 = arith.constant dense<0.000000e+00> : vector<256x8xf32>
    %dot_general3A_428 = tpu.matmul %mul3A_426, %convert_element_type3A_46, %dot_general3A_427 {dimension_numbers = #tpu.dot_dimension_numbers<[1], [0], [0], [1], [0, 0, 1, 1], [], []>, transpose_lhs_hint = false} : vector<256x128xf32>, vector<128x8xf32>, vector<256x8xf32> -> vector<256x8xf32>
    %slice3A_429 = vector.extract_strided_slice %reshape3A_19 {offsets = [4, 0, 0], sizes = [1, 256, 128], strides = [1, 1, 1]} : vector<12x256x128xf32> to vector<1x256x128xf32>
    %squeeze3A_430 = vector.shape_cast %slice3A_429 : vector<1x256x128xf32> to vector<256x128xf32>
    %slice3A_431 = vector.extract_strided_slice %reshape3A_20 {offsets = [7, 0, 0], sizes = [1, 256, 128], strides = [1, 1, 1]} : vector<12x256x128xf32> to vector<1x256x128xf32>
    %squeeze3A_432 = vector.shape_cast %slice3A_431 : vector<1x256x128xf32> to vector<256x128xf32>
    %mul3A_433 = arith.mulf %squeeze3A_430, %squeeze3A_432 : vector<256x128xf32>
    %dot_general3A_434 = arith.constant dense<0.000000e+00> : vector<256x8xf32>
    %dot_general3A_435 = tpu.matmul %mul3A_433, %convert_element_type3A_46, %dot_general3A_434 {dimension_numbers = #tpu.dot_dimension_numbers<[1], [0], [0], [1], [0, 0, 1, 1], [], []>, transpose_lhs_hint = false} : vector<256x128xf32>, vector<128x8xf32>, vector<256x8xf32> -> vector<256x8xf32>
    %slice3A_436 = vector.extract_strided_slice %reshape3A_19 {offsets = [4, 0, 0], sizes = [1, 256, 128], strides = [1, 1, 1]} : vector<12x256x128xf32> to vector<1x256x128xf32>
    %squeeze3A_437 = vector.shape_cast %slice3A_436 : vector<1x256x128xf32> to vector<256x128xf32>
    %slice3A_438 = vector.extract_strided_slice %reshape3A_20 {offsets = [8, 0, 0], sizes = [1, 256, 128], strides = [1, 1, 1]} : vector<12x256x128xf32> to vector<1x256x128xf32>
    %squeeze3A_439 = vector.shape_cast %slice3A_438 : vector<1x256x128xf32> to vector<256x128xf32>
    %mul3A_440 = arith.mulf %squeeze3A_437, %squeeze3A_439 : vector<256x128xf32>
    %dot_general3A_441 = arith.constant dense<0.000000e+00> : vector<256x8xf32>
    %dot_general3A_442 = tpu.matmul %mul3A_440, %convert_element_type3A_46, %dot_general3A_441 {dimension_numbers = #tpu.dot_dimension_numbers<[1], [0], [0], [1], [0, 0, 1, 1], [], []>, transpose_lhs_hint = false} : vector<256x128xf32>, vector<128x8xf32>, vector<256x8xf32> -> vector<256x8xf32>
    %slice3A_443 = vector.extract_strided_slice %reshape3A_19 {offsets = [4, 0, 0], sizes = [1, 256, 128], strides = [1, 1, 1]} : vector<12x256x128xf32> to vector<1x256x128xf32>
    %squeeze3A_444 = vector.shape_cast %slice3A_443 : vector<1x256x128xf32> to vector<256x128xf32>
    %slice3A_445 = vector.extract_strided_slice %reshape3A_20 {offsets = [9, 0, 0], sizes = [1, 256, 128], strides = [1, 1, 1]} : vector<12x256x128xf32> to vector<1x256x128xf32>
    %squeeze3A_446 = vector.shape_cast %slice3A_445 : vector<1x256x128xf32> to vector<256x128xf32>
    %mul3A_447 = arith.mulf %squeeze3A_444, %squeeze3A_446 : vector<256x128xf32>
    %dot_general3A_448 = arith.constant dense<0.000000e+00> : vector<256x8xf32>
    %dot_general3A_449 = tpu.matmul %mul3A_447, %convert_element_type3A_46, %dot_general3A_448 {dimension_numbers = #tpu.dot_dimension_numbers<[1], [0], [0], [1], [0, 0, 1, 1], [], []>, transpose_lhs_hint = false} : vector<256x128xf32>, vector<128x8xf32>, vector<256x8xf32> -> vector<256x8xf32>
    %slice3A_450 = vector.extract_strided_slice %reshape3A_19 {offsets = [4, 0, 0], sizes = [1, 256, 128], strides = [1, 1, 1]} : vector<12x256x128xf32> to vector<1x256x128xf32>
    %squeeze3A_451 = vector.shape_cast %slice3A_450 : vector<1x256x128xf32> to vector<256x128xf32>
    %slice3A_452 = vector.extract_strided_slice %reshape3A_20 {offsets = [10, 0, 0], sizes = [1, 256, 128], strides = [1, 1, 1]} : vector<12x256x128xf32> to vector<1x256x128xf32>
    %squeeze3A_453 = vector.shape_cast %slice3A_452 : vector<1x256x128xf32> to vector<256x128xf32>
    %mul3A_454 = arith.mulf %squeeze3A_451, %squeeze3A_453 : vector<256x128xf32>
    %dot_general3A_455 = arith.constant dense<0.000000e+00> : vector<256x8xf32>
    %dot_general3A_456 = tpu.matmul %mul3A_454, %convert_element_type3A_46, %dot_general3A_455 {dimension_numbers = #tpu.dot_dimension_numbers<[1], [0], [0], [1], [0, 0, 1, 1], [], []>, transpose_lhs_hint = false} : vector<256x128xf32>, vector<128x8xf32>, vector<256x8xf32> -> vector<256x8xf32>
    %slice3A_457 = vector.extract_strided_slice %reshape3A_19 {offsets = [4, 0, 0], sizes = [1, 256, 128], strides = [1, 1, 1]} : vector<12x256x128xf32> to vector<1x256x128xf32>
    %squeeze3A_458 = vector.shape_cast %slice3A_457 : vector<1x256x128xf32> to vector<256x128xf32>
    %slice3A_459 = vector.extract_strided_slice %reshape3A_20 {offsets = [11, 0, 0], sizes = [1, 256, 128], strides = [1, 1, 1]} : vector<12x256x128xf32> to vector<1x256x128xf32>
    %squeeze3A_460 = vector.shape_cast %slice3A_459 : vector<1x256x128xf32> to vector<256x128xf32>
    %mul3A_461 = arith.mulf %squeeze3A_458, %squeeze3A_460 : vector<256x128xf32>
    %dot_general3A_462 = arith.constant dense<0.000000e+00> : vector<256x8xf32>
    %dot_general3A_463 = tpu.matmul %mul3A_461, %convert_element_type3A_46, %dot_general3A_462 {dimension_numbers = #tpu.dot_dimension_numbers<[1], [0], [0], [1], [0, 0, 1, 1], [], []>, transpose_lhs_hint = false} : vector<256x128xf32>, vector<128x8xf32>, vector<256x8xf32> -> vector<256x8xf32>
    %slice3A_464 = vector.extract_strided_slice %reshape3A_19 {offsets = [5, 0, 0], sizes = [1, 256, 128], strides = [1, 1, 1]} : vector<12x256x128xf32> to vector<1x256x128xf32>
    %squeeze3A_465 = vector.shape_cast %slice3A_464 : vector<1x256x128xf32> to vector<256x128xf32>
    %slice3A_466 = vector.extract_strided_slice %reshape3A_20 {offsets = [0, 0, 0], sizes = [1, 256, 128], strides = [1, 1, 1]} : vector<12x256x128xf32> to vector<1x256x128xf32>
    %squeeze3A_467 = vector.shape_cast %slice3A_466 : vector<1x256x128xf32> to vector<256x128xf32>
    %mul3A_468 = arith.mulf %squeeze3A_465, %squeeze3A_467 : vector<256x128xf32>
    %dot_general3A_469 = arith.constant dense<0.000000e+00> : vector<256x8xf32>
    %dot_general3A_470 = tpu.matmul %mul3A_468, %convert_element_type3A_46, %dot_general3A_469 {dimension_numbers = #tpu.dot_dimension_numbers<[1], [0], [0], [1], [0, 0, 1, 1], [], []>, transpose_lhs_hint = false} : vector<256x128xf32>, vector<128x8xf32>, vector<256x8xf32> -> vector<256x8xf32>
    %slice3A_471 = vector.extract_strided_slice %reshape3A_19 {offsets = [5, 0, 0], sizes = [1, 256, 128], strides = [1, 1, 1]} : vector<12x256x128xf32> to vector<1x256x128xf32>
    %squeeze3A_472 = vector.shape_cast %slice3A_471 : vector<1x256x128xf32> to vector<256x128xf32>
    %slice3A_473 = vector.extract_strided_slice %reshape3A_20 {offsets = [1, 0, 0], sizes = [1, 256, 128], strides = [1, 1, 1]} : vector<12x256x128xf32> to vector<1x256x128xf32>
    %squeeze3A_474 = vector.shape_cast %slice3A_473 : vector<1x256x128xf32> to vector<256x128xf32>
    %mul3A_475 = arith.mulf %squeeze3A_472, %squeeze3A_474 : vector<256x128xf32>
    %dot_general3A_476 = arith.constant dense<0.000000e+00> : vector<256x8xf32>
    %dot_general3A_477 = tpu.matmul %mul3A_475, %convert_element_type3A_46, %dot_general3A_476 {dimension_numbers = #tpu.dot_dimension_numbers<[1], [0], [0], [1], [0, 0, 1, 1], [], []>, transpose_lhs_hint = false} : vector<256x128xf32>, vector<128x8xf32>, vector<256x8xf32> -> vector<256x8xf32>
    %slice3A_478 = vector.extract_strided_slice %reshape3A_19 {offsets = [5, 0, 0], sizes = [1, 256, 128], strides = [1, 1, 1]} : vector<12x256x128xf32> to vector<1x256x128xf32>
    %squeeze3A_479 = vector.shape_cast %slice3A_478 : vector<1x256x128xf32> to vector<256x128xf32>
    %slice3A_480 = vector.extract_strided_slice %reshape3A_20 {offsets = [2, 0, 0], sizes = [1, 256, 128], strides = [1, 1, 1]} : vector<12x256x128xf32> to vector<1x256x128xf32>
    %squeeze3A_481 = vector.shape_cast %slice3A_480 : vector<1x256x128xf32> to vector<256x128xf32>
    %mul3A_482 = arith.mulf %squeeze3A_479, %squeeze3A_481 : vector<256x128xf32>
    %dot_general3A_483 = arith.constant dense<0.000000e+00> : vector<256x8xf32>
    %dot_general3A_484 = tpu.matmul %mul3A_482, %convert_element_type3A_46, %dot_general3A_483 {dimension_numbers = #tpu.dot_dimension_numbers<[1], [0], [0], [1], [0, 0, 1, 1], [], []>, transpose_lhs_hint = false} : vector<256x128xf32>, vector<128x8xf32>, vector<256x8xf32> -> vector<256x8xf32>
    %slice3A_485 = vector.extract_strided_slice %reshape3A_19 {offsets = [5, 0, 0], sizes = [1, 256, 128], strides = [1, 1, 1]} : vector<12x256x128xf32> to vector<1x256x128xf32>
    %squeeze3A_486 = vector.shape_cast %slice3A_485 : vector<1x256x128xf32> to vector<256x128xf32>
    %slice3A_487 = vector.extract_strided_slice %reshape3A_20 {offsets = [3, 0, 0], sizes = [1, 256, 128], strides = [1, 1, 1]} : vector<12x256x128xf32> to vector<1x256x128xf32>
    %squeeze3A_488 = vector.shape_cast %slice3A_487 : vector<1x256x128xf32> to vector<256x128xf32>
    %mul3A_489 = arith.mulf %squeeze3A_486, %squeeze3A_488 : vector<256x128xf32>
    %dot_general3A_490 = arith.constant dense<0.000000e+00> : vector<256x8xf32>
    %dot_general3A_491 = tpu.matmul %mul3A_489, %convert_element_type3A_46, %dot_general3A_490 {dimension_numbers = #tpu.dot_dimension_numbers<[1], [0], [0], [1], [0, 0, 1, 1], [], []>, transpose_lhs_hint = false} : vector<256x128xf32>, vector<128x8xf32>, vector<256x8xf32> -> vector<256x8xf32>
    %slice3A_492 = vector.extract_strided_slice %reshape3A_19 {offsets = [5, 0, 0], sizes = [1, 256, 128], strides = [1, 1, 1]} : vector<12x256x128xf32> to vector<1x256x128xf32>
    %squeeze3A_493 = vector.shape_cast %slice3A_492 : vector<1x256x128xf32> to vector<256x128xf32>
    %slice3A_494 = vector.extract_strided_slice %reshape3A_20 {offsets = [4, 0, 0], sizes = [1, 256, 128], strides = [1, 1, 1]} : vector<12x256x128xf32> to vector<1x256x128xf32>
    %squeeze3A_495 = vector.shape_cast %slice3A_494 : vector<1x256x128xf32> to vector<256x128xf32>
    %mul3A_496 = arith.mulf %squeeze3A_493, %squeeze3A_495 : vector<256x128xf32>
    %dot_general3A_497 = arith.constant dense<0.000000e+00> : vector<256x8xf32>
    %dot_general3A_498 = tpu.matmul %mul3A_496, %convert_element_type3A_46, %dot_general3A_497 {dimension_numbers = #tpu.dot_dimension_numbers<[1], [0], [0], [1], [0, 0, 1, 1], [], []>, transpose_lhs_hint = false} : vector<256x128xf32>, vector<128x8xf32>, vector<256x8xf32> -> vector<256x8xf32>
    %slice3A_499 = vector.extract_strided_slice %reshape3A_19 {offsets = [5, 0, 0], sizes = [1, 256, 128], strides = [1, 1, 1]} : vector<12x256x128xf32> to vector<1x256x128xf32>
    %squeeze3A_500 = vector.shape_cast %slice3A_499 : vector<1x256x128xf32> to vector<256x128xf32>
    %slice3A_501 = vector.extract_strided_slice %reshape3A_20 {offsets = [5, 0, 0], sizes = [1, 256, 128], strides = [1, 1, 1]} : vector<12x256x128xf32> to vector<1x256x128xf32>
    %squeeze3A_502 = vector.shape_cast %slice3A_501 : vector<1x256x128xf32> to vector<256x128xf32>
    %mul3A_503 = arith.mulf %squeeze3A_500, %squeeze3A_502 : vector<256x128xf32>
    %dot_general3A_504 = arith.constant dense<0.000000e+00> : vector<256x8xf32>
    %dot_general3A_505 = tpu.matmul %mul3A_503, %convert_element_type3A_46, %dot_general3A_504 {dimension_numbers = #tpu.dot_dimension_numbers<[1], [0], [0], [1], [0, 0, 1, 1], [], []>, transpose_lhs_hint = false} : vector<256x128xf32>, vector<128x8xf32>, vector<256x8xf32> -> vector<256x8xf32>
    %slice3A_506 = vector.extract_strided_slice %reshape3A_19 {offsets = [5, 0, 0], sizes = [1, 256, 128], strides = [1, 1, 1]} : vector<12x256x128xf32> to vector<1x256x128xf32>
    %squeeze3A_507 = vector.shape_cast %slice3A_506 : vector<1x256x128xf32> to vector<256x128xf32>
    %slice3A_508 = vector.extract_strided_slice %reshape3A_20 {offsets = [6, 0, 0], sizes = [1, 256, 128], strides = [1, 1, 1]} : vector<12x256x128xf32> to vector<1x256x128xf32>
    %squeeze3A_509 = vector.shape_cast %slice3A_508 : vector<1x256x128xf32> to vector<256x128xf32>
    %mul3A_510 = arith.mulf %squeeze3A_507, %squeeze3A_509 : vector<256x128xf32>
    %dot_general3A_511 = arith.constant dense<0.000000e+00> : vector<256x8xf32>
    %dot_general3A_512 = tpu.matmul %mul3A_510, %convert_element_type3A_46, %dot_general3A_511 {dimension_numbers = #tpu.dot_dimension_numbers<[1], [0], [0], [1], [0, 0, 1, 1], [], []>, transpose_lhs_hint = false} : vector<256x128xf32>, vector<128x8xf32>, vector<256x8xf32> -> vector<256x8xf32>
    %slice3A_513 = vector.extract_strided_slice %reshape3A_19 {offsets = [5, 0, 0], sizes = [1, 256, 128], strides = [1, 1, 1]} : vector<12x256x128xf32> to vector<1x256x128xf32>
    %squeeze3A_514 = vector.shape_cast %slice3A_513 : vector<1x256x128xf32> to vector<256x128xf32>
    %slice3A_515 = vector.extract_strided_slice %reshape3A_20 {offsets = [7, 0, 0], sizes = [1, 256, 128], strides = [1, 1, 1]} : vector<12x256x128xf32> to vector<1x256x128xf32>
    %squeeze3A_516 = vector.shape_cast %slice3A_515 : vector<1x256x128xf32> to vector<256x128xf32>
    %mul3A_517 = arith.mulf %squeeze3A_514, %squeeze3A_516 : vector<256x128xf32>
    %dot_general3A_518 = arith.constant dense<0.000000e+00> : vector<256x8xf32>
    %dot_general3A_519 = tpu.matmul %mul3A_517, %convert_element_type3A_46, %dot_general3A_518 {dimension_numbers = #tpu.dot_dimension_numbers<[1], [0], [0], [1], [0, 0, 1, 1], [], []>, transpose_lhs_hint = false} : vector<256x128xf32>, vector<128x8xf32>, vector<256x8xf32> -> vector<256x8xf32>
    %slice3A_520 = vector.extract_strided_slice %reshape3A_19 {offsets = [5, 0, 0], sizes = [1, 256, 128], strides = [1, 1, 1]} : vector<12x256x128xf32> to vector<1x256x128xf32>
    %squeeze3A_521 = vector.shape_cast %slice3A_520 : vector<1x256x128xf32> to vector<256x128xf32>
    %slice3A_522 = vector.extract_strided_slice %reshape3A_20 {offsets = [8, 0, 0], sizes = [1, 256, 128], strides = [1, 1, 1]} : vector<12x256x128xf32> to vector<1x256x128xf32>
    %squeeze3A_523 = vector.shape_cast %slice3A_522 : vector<1x256x128xf32> to vector<256x128xf32>
    %mul3A_524 = arith.mulf %squeeze3A_521, %squeeze3A_523 : vector<256x128xf32>
    %dot_general3A_525 = arith.constant dense<0.000000e+00> : vector<256x8xf32>
    %dot_general3A_526 = tpu.matmul %mul3A_524, %convert_element_type3A_46, %dot_general3A_525 {dimension_numbers = #tpu.dot_dimension_numbers<[1], [0], [0], [1], [0, 0, 1, 1], [], []>, transpose_lhs_hint = false} : vector<256x128xf32>, vector<128x8xf32>, vector<256x8xf32> -> vector<256x8xf32>
    %slice3A_527 = vector.extract_strided_slice %reshape3A_19 {offsets = [5, 0, 0], sizes = [1, 256, 128], strides = [1, 1, 1]} : vector<12x256x128xf32> to vector<1x256x128xf32>
    %squeeze3A_528 = vector.shape_cast %slice3A_527 : vector<1x256x128xf32> to vector<256x128xf32>
    %slice3A_529 = vector.extract_strided_slice %reshape3A_20 {offsets = [9, 0, 0], sizes = [1, 256, 128], strides = [1, 1, 1]} : vector<12x256x128xf32> to vector<1x256x128xf32>
    %squeeze3A_530 = vector.shape_cast %slice3A_529 : vector<1x256x128xf32> to vector<256x128xf32>
    %mul3A_531 = arith.mulf %squeeze3A_528, %squeeze3A_530 : vector<256x128xf32>
    %dot_general3A_532 = arith.constant dense<0.000000e+00> : vector<256x8xf32>
    %dot_general3A_533 = tpu.matmul %mul3A_531, %convert_element_type3A_46, %dot_general3A_532 {dimension_numbers = #tpu.dot_dimension_numbers<[1], [0], [0], [1], [0, 0, 1, 1], [], []>, transpose_lhs_hint = false} : vector<256x128xf32>, vector<128x8xf32>, vector<256x8xf32> -> vector<256x8xf32>
    %slice3A_534 = vector.extract_strided_slice %reshape3A_19 {offsets = [5, 0, 0], sizes = [1, 256, 128], strides = [1, 1, 1]} : vector<12x256x128xf32> to vector<1x256x128xf32>
    %squeeze3A_535 = vector.shape_cast %slice3A_534 : vector<1x256x128xf32> to vector<256x128xf32>
    %slice3A_536 = vector.extract_strided_slice %reshape3A_20 {offsets = [10, 0, 0], sizes = [1, 256, 128], strides = [1, 1, 1]} : vector<12x256x128xf32> to vector<1x256x128xf32>
    %squeeze3A_537 = vector.shape_cast %slice3A_536 : vector<1x256x128xf32> to vector<256x128xf32>
    %mul3A_538 = arith.mulf %squeeze3A_535, %squeeze3A_537 : vector<256x128xf32>
    %dot_general3A_539 = arith.constant dense<0.000000e+00> : vector<256x8xf32>
    %dot_general3A_540 = tpu.matmul %mul3A_538, %convert_element_type3A_46, %dot_general3A_539 {dimension_numbers = #tpu.dot_dimension_numbers<[1], [0], [0], [1], [0, 0, 1, 1], [], []>, transpose_lhs_hint = false} : vector<256x128xf32>, vector<128x8xf32>, vector<256x8xf32> -> vector<256x8xf32>
    %slice3A_541 = vector.extract_strided_slice %reshape3A_19 {offsets = [5, 0, 0], sizes = [1, 256, 128], strides = [1, 1, 1]} : vector<12x256x128xf32> to vector<1x256x128xf32>
    %squeeze3A_542 = vector.shape_cast %slice3A_541 : vector<1x256x128xf32> to vector<256x128xf32>
    %slice3A_543 = vector.extract_strided_slice %reshape3A_20 {offsets = [11, 0, 0], sizes = [1, 256, 128], strides = [1, 1, 1]} : vector<12x256x128xf32> to vector<1x256x128xf32>
    %squeeze3A_544 = vector.shape_cast %slice3A_543 : vector<1x256x128xf32> to vector<256x128xf32>
    %mul3A_545 = arith.mulf %squeeze3A_542, %squeeze3A_544 : vector<256x128xf32>
    %dot_general3A_546 = arith.constant dense<0.000000e+00> : vector<256x8xf32>
    %dot_general3A_547 = tpu.matmul %mul3A_545, %convert_element_type3A_46, %dot_general3A_546 {dimension_numbers = #tpu.dot_dimension_numbers<[1], [0], [0], [1], [0, 0, 1, 1], [], []>, transpose_lhs_hint = false} : vector<256x128xf32>, vector<128x8xf32>, vector<256x8xf32> -> vector<256x8xf32>
    %slice3A_548 = vector.extract_strided_slice %reshape3A_19 {offsets = [6, 0, 0], sizes = [1, 256, 128], strides = [1, 1, 1]} : vector<12x256x128xf32> to vector<1x256x128xf32>
    %squeeze3A_549 = vector.shape_cast %slice3A_548 : vector<1x256x128xf32> to vector<256x128xf32>
    %slice3A_550 = vector.extract_strided_slice %reshape3A_20 {offsets = [0, 0, 0], sizes = [1, 256, 128], strides = [1, 1, 1]} : vector<12x256x128xf32> to vector<1x256x128xf32>
    %squeeze3A_551 = vector.shape_cast %slice3A_550 : vector<1x256x128xf32> to vector<256x128xf32>
    %mul3A_552 = arith.mulf %squeeze3A_549, %squeeze3A_551 : vector<256x128xf32>
    %dot_general3A_553 = arith.constant dense<0.000000e+00> : vector<256x8xf32>
    %dot_general3A_554 = tpu.matmul %mul3A_552, %convert_element_type3A_46, %dot_general3A_553 {dimension_numbers = #tpu.dot_dimension_numbers<[1], [0], [0], [1], [0, 0, 1, 1], [], []>, transpose_lhs_hint = false} : vector<256x128xf32>, vector<128x8xf32>, vector<256x8xf32> -> vector<256x8xf32>
    %slice3A_555 = vector.extract_strided_slice %reshape3A_19 {offsets = [6, 0, 0], sizes = [1, 256, 128], strides = [1, 1, 1]} : vector<12x256x128xf32> to vector<1x256x128xf32>
    %squeeze3A_556 = vector.shape_cast %slice3A_555 : vector<1x256x128xf32> to vector<256x128xf32>
    %slice3A_557 = vector.extract_strided_slice %reshape3A_20 {offsets = [1, 0, 0], sizes = [1, 256, 128], strides = [1, 1, 1]} : vector<12x256x128xf32> to vector<1x256x128xf32>
    %squeeze3A_558 = vector.shape_cast %slice3A_557 : vector<1x256x128xf32> to vector<256x128xf32>
    %mul3A_559 = arith.mulf %squeeze3A_556, %squeeze3A_558 : vector<256x128xf32>
    %dot_general3A_560 = arith.constant dense<0.000000e+00> : vector<256x8xf32>
    %dot_general3A_561 = tpu.matmul %mul3A_559, %convert_element_type3A_46, %dot_general3A_560 {dimension_numbers = #tpu.dot_dimension_numbers<[1], [0], [0], [1], [0, 0, 1, 1], [], []>, transpose_lhs_hint = false} : vector<256x128xf32>, vector<128x8xf32>, vector<256x8xf32> -> vector<256x8xf32>
    %slice3A_562 = vector.extract_strided_slice %reshape3A_19 {offsets = [6, 0, 0], sizes = [1, 256, 128], strides = [1, 1, 1]} : vector<12x256x128xf32> to vector<1x256x128xf32>
    %squeeze3A_563 = vector.shape_cast %slice3A_562 : vector<1x256x128xf32> to vector<256x128xf32>
    %slice3A_564 = vector.extract_strided_slice %reshape3A_20 {offsets = [2, 0, 0], sizes = [1, 256, 128], strides = [1, 1, 1]} : vector<12x256x128xf32> to vector<1x256x128xf32>
    %squeeze3A_565 = vector.shape_cast %slice3A_564 : vector<1x256x128xf32> to vector<256x128xf32>
    %mul3A_566 = arith.mulf %squeeze3A_563, %squeeze3A_565 : vector<256x128xf32>
    %dot_general3A_567 = arith.constant dense<0.000000e+00> : vector<256x8xf32>
    %dot_general3A_568 = tpu.matmul %mul3A_566, %convert_element_type3A_46, %dot_general3A_567 {dimension_numbers = #tpu.dot_dimension_numbers<[1], [0], [0], [1], [0, 0, 1, 1], [], []>, transpose_lhs_hint = false} : vector<256x128xf32>, vector<128x8xf32>, vector<256x8xf32> -> vector<256x8xf32>
    %slice3A_569 = vector.extract_strided_slice %reshape3A_19 {offsets = [6, 0, 0], sizes = [1, 256, 128], strides = [1, 1, 1]} : vector<12x256x128xf32> to vector<1x256x128xf32>
    %squeeze3A_570 = vector.shape_cast %slice3A_569 : vector<1x256x128xf32> to vector<256x128xf32>
    %slice3A_571 = vector.extract_strided_slice %reshape3A_20 {offsets = [3, 0, 0], sizes = [1, 256, 128], strides = [1, 1, 1]} : vector<12x256x128xf32> to vector<1x256x128xf32>
    %squeeze3A_572 = vector.shape_cast %slice3A_571 : vector<1x256x128xf32> to vector<256x128xf32>
    %mul3A_573 = arith.mulf %squeeze3A_570, %squeeze3A_572 : vector<256x128xf32>
    %dot_general3A_574 = arith.constant dense<0.000000e+00> : vector<256x8xf32>
    %dot_general3A_575 = tpu.matmul %mul3A_573, %convert_element_type3A_46, %dot_general3A_574 {dimension_numbers = #tpu.dot_dimension_numbers<[1], [0], [0], [1], [0, 0, 1, 1], [], []>, transpose_lhs_hint = false} : vector<256x128xf32>, vector<128x8xf32>, vector<256x8xf32> -> vector<256x8xf32>
    %slice3A_576 = vector.extract_strided_slice %reshape3A_19 {offsets = [6, 0, 0], sizes = [1, 256, 128], strides = [1, 1, 1]} : vector<12x256x128xf32> to vector<1x256x128xf32>
    %squeeze3A_577 = vector.shape_cast %slice3A_576 : vector<1x256x128xf32> to vector<256x128xf32>
    %slice3A_578 = vector.extract_strided_slice %reshape3A_20 {offsets = [4, 0, 0], sizes = [1, 256, 128], strides = [1, 1, 1]} : vector<12x256x128xf32> to vector<1x256x128xf32>
    %squeeze3A_579 = vector.shape_cast %slice3A_578 : vector<1x256x128xf32> to vector<256x128xf32>
    %mul3A_580 = arith.mulf %squeeze3A_577, %squeeze3A_579 : vector<256x128xf32>
    %dot_general3A_581 = arith.constant dense<0.000000e+00> : vector<256x8xf32>
    %dot_general3A_582 = tpu.matmul %mul3A_580, %convert_element_type3A_46, %dot_general3A_581 {dimension_numbers = #tpu.dot_dimension_numbers<[1], [0], [0], [1], [0, 0, 1, 1], [], []>, transpose_lhs_hint = false} : vector<256x128xf32>, vector<128x8xf32>, vector<256x8xf32> -> vector<256x8xf32>
    %slice3A_583 = vector.extract_strided_slice %reshape3A_19 {offsets = [6, 0, 0], sizes = [1, 256, 128], strides = [1, 1, 1]} : vector<12x256x128xf32> to vector<1x256x128xf32>
    %squeeze3A_584 = vector.shape_cast %slice3A_583 : vector<1x256x128xf32> to vector<256x128xf32>
    %slice3A_585 = vector.extract_strided_slice %reshape3A_20 {offsets = [5, 0, 0], sizes = [1, 256, 128], strides = [1, 1, 1]} : vector<12x256x128xf32> to vector<1x256x128xf32>
    %squeeze3A_586 = vector.shape_cast %slice3A_585 : vector<1x256x128xf32> to vector<256x128xf32>
    %mul3A_587 = arith.mulf %squeeze3A_584, %squeeze3A_586 : vector<256x128xf32>
    %dot_general3A_588 = arith.constant dense<0.000000e+00> : vector<256x8xf32>
    %dot_general3A_589 = tpu.matmul %mul3A_587, %convert_element_type3A_46, %dot_general3A_588 {dimension_numbers = #tpu.dot_dimension_numbers<[1], [0], [0], [1], [0, 0, 1, 1], [], []>, transpose_lhs_hint = false} : vector<256x128xf32>, vector<128x8xf32>, vector<256x8xf32> -> vector<256x8xf32>
    %slice3A_590 = vector.extract_strided_slice %reshape3A_19 {offsets = [6, 0, 0], sizes = [1, 256, 128], strides = [1, 1, 1]} : vector<12x256x128xf32> to vector<1x256x128xf32>
    %squeeze3A_591 = vector.shape_cast %slice3A_590 : vector<1x256x128xf32> to vector<256x128xf32>
    %slice3A_592 = vector.extract_strided_slice %reshape3A_20 {offsets = [6, 0, 0], sizes = [1, 256, 128], strides = [1, 1, 1]} : vector<12x256x128xf32> to vector<1x256x128xf32>
    %squeeze3A_593 = vector.shape_cast %slice3A_592 : vector<1x256x128xf32> to vector<256x128xf32>
    %mul3A_594 = arith.mulf %squeeze3A_591, %squeeze3A_593 : vector<256x128xf32>
    %dot_general3A_595 = arith.constant dense<0.000000e+00> : vector<256x8xf32>
    %dot_general3A_596 = tpu.matmul %mul3A_594, %convert_element_type3A_46, %dot_general3A_595 {dimension_numbers = #tpu.dot_dimension_numbers<[1], [0], [0], [1], [0, 0, 1, 1], [], []>, transpose_lhs_hint = false} : vector<256x128xf32>, vector<128x8xf32>, vector<256x8xf32> -> vector<256x8xf32>
    %slice3A_597 = vector.extract_strided_slice %reshape3A_19 {offsets = [6, 0, 0], sizes = [1, 256, 128], strides = [1, 1, 1]} : vector<12x256x128xf32> to vector<1x256x128xf32>
    %squeeze3A_598 = vector.shape_cast %slice3A_597 : vector<1x256x128xf32> to vector<256x128xf32>
    %slice3A_599 = vector.extract_strided_slice %reshape3A_20 {offsets = [7, 0, 0], sizes = [1, 256, 128], strides = [1, 1, 1]} : vector<12x256x128xf32> to vector<1x256x128xf32>
    %squeeze3A_600 = vector.shape_cast %slice3A_599 : vector<1x256x128xf32> to vector<256x128xf32>
    %mul3A_601 = arith.mulf %squeeze3A_598, %squeeze3A_600 : vector<256x128xf32>
    %dot_general3A_602 = arith.constant dense<0.000000e+00> : vector<256x8xf32>
    %dot_general3A_603 = tpu.matmul %mul3A_601, %convert_element_type3A_46, %dot_general3A_602 {dimension_numbers = #tpu.dot_dimension_numbers<[1], [0], [0], [1], [0, 0, 1, 1], [], []>, transpose_lhs_hint = false} : vector<256x128xf32>, vector<128x8xf32>, vector<256x8xf32> -> vector<256x8xf32>
    %slice3A_604 = vector.extract_strided_slice %reshape3A_19 {offsets = [6, 0, 0], sizes = [1, 256, 128], strides = [1, 1, 1]} : vector<12x256x128xf32> to vector<1x256x128xf32>
    %squeeze3A_605 = vector.shape_cast %slice3A_604 : vector<1x256x128xf32> to vector<256x128xf32>
    %slice3A_606 = vector.extract_strided_slice %reshape3A_20 {offsets = [8, 0, 0], sizes = [1, 256, 128], strides = [1, 1, 1]} : vector<12x256x128xf32> to vector<1x256x128xf32>
    %squeeze3A_607 = vector.shape_cast %slice3A_606 : vector<1x256x128xf32> to vector<256x128xf32>
    %mul3A_608 = arith.mulf %squeeze3A_605, %squeeze3A_607 : vector<256x128xf32>
    %dot_general3A_609 = arith.constant dense<0.000000e+00> : vector<256x8xf32>
    %dot_general3A_610 = tpu.matmul %mul3A_608, %convert_element_type3A_46, %dot_general3A_609 {dimension_numbers = #tpu.dot_dimension_numbers<[1], [0], [0], [1], [0, 0, 1, 1], [], []>, transpose_lhs_hint = false} : vector<256x128xf32>, vector<128x8xf32>, vector<256x8xf32> -> vector<256x8xf32>
    %slice3A_611 = vector.extract_strided_slice %reshape3A_19 {offsets = [6, 0, 0], sizes = [1, 256, 128], strides = [1, 1, 1]} : vector<12x256x128xf32> to vector<1x256x128xf32>
    %squeeze3A_612 = vector.shape_cast %slice3A_611 : vector<1x256x128xf32> to vector<256x128xf32>
    %slice3A_613 = vector.extract_strided_slice %reshape3A_20 {offsets = [9, 0, 0], sizes = [1, 256, 128], strides = [1, 1, 1]} : vector<12x256x128xf32> to vector<1x256x128xf32>
    %squeeze3A_614 = vector.shape_cast %slice3A_613 : vector<1x256x128xf32> to vector<256x128xf32>
    %mul3A_615 = arith.mulf %squeeze3A_612, %squeeze3A_614 : vector<256x128xf32>
    %dot_general3A_616 = arith.constant dense<0.000000e+00> : vector<256x8xf32>
    %dot_general3A_617 = tpu.matmul %mul3A_615, %convert_element_type3A_46, %dot_general3A_616 {dimension_numbers = #tpu.dot_dimension_numbers<[1], [0], [0], [1], [0, 0, 1, 1], [], []>, transpose_lhs_hint = false} : vector<256x128xf32>, vector<128x8xf32>, vector<256x8xf32> -> vector<256x8xf32>
    %slice3A_618 = vector.extract_strided_slice %reshape3A_19 {offsets = [6, 0, 0], sizes = [1, 256, 128], strides = [1, 1, 1]} : vector<12x256x128xf32> to vector<1x256x128xf32>
    %squeeze3A_619 = vector.shape_cast %slice3A_618 : vector<1x256x128xf32> to vector<256x128xf32>
    %slice3A_620 = vector.extract_strided_slice %reshape3A_20 {offsets = [10, 0, 0], sizes = [1, 256, 128], strides = [1, 1, 1]} : vector<12x256x128xf32> to vector<1x256x128xf32>
    %squeeze3A_621 = vector.shape_cast %slice3A_620 : vector<1x256x128xf32> to vector<256x128xf32>
    %mul3A_622 = arith.mulf %squeeze3A_619, %squeeze3A_621 : vector<256x128xf32>
    %dot_general3A_623 = arith.constant dense<0.000000e+00> : vector<256x8xf32>
    %dot_general3A_624 = tpu.matmul %mul3A_622, %convert_element_type3A_46, %dot_general3A_623 {dimension_numbers = #tpu.dot_dimension_numbers<[1], [0], [0], [1], [0, 0, 1, 1], [], []>, transpose_lhs_hint = false} : vector<256x128xf32>, vector<128x8xf32>, vector<256x8xf32> -> vector<256x8xf32>
    %slice3A_625 = vector.extract_strided_slice %reshape3A_19 {offsets = [6, 0, 0], sizes = [1, 256, 128], strides = [1, 1, 1]} : vector<12x256x128xf32> to vector<1x256x128xf32>
    %squeeze3A_626 = vector.shape_cast %slice3A_625 : vector<1x256x128xf32> to vector<256x128xf32>
    %slice3A_627 = vector.extract_strided_slice %reshape3A_20 {offsets = [11, 0, 0], sizes = [1, 256, 128], strides = [1, 1, 1]} : vector<12x256x128xf32> to vector<1x256x128xf32>
    %squeeze3A_628 = vector.shape_cast %slice3A_627 : vector<1x256x128xf32> to vector<256x128xf32>
    %mul3A_629 = arith.mulf %squeeze3A_626, %squeeze3A_628 : vector<256x128xf32>
    %dot_general3A_630 = arith.constant dense<0.000000e+00> : vector<256x8xf32>
    %dot_general3A_631 = tpu.matmul %mul3A_629, %convert_element_type3A_46, %dot_general3A_630 {dimension_numbers = #tpu.dot_dimension_numbers<[1], [0], [0], [1], [0, 0, 1, 1], [], []>, transpose_lhs_hint = false} : vector<256x128xf32>, vector<128x8xf32>, vector<256x8xf32> -> vector<256x8xf32>
    %slice3A_632 = vector.extract_strided_slice %reshape3A_19 {offsets = [7, 0, 0], sizes = [1, 256, 128], strides = [1, 1, 1]} : vector<12x256x128xf32> to vector<1x256x128xf32>
    %squeeze3A_633 = vector.shape_cast %slice3A_632 : vector<1x256x128xf32> to vector<256x128xf32>
    %slice3A_634 = vector.extract_strided_slice %reshape3A_20 {offsets = [0, 0, 0], sizes = [1, 256, 128], strides = [1, 1, 1]} : vector<12x256x128xf32> to vector<1x256x128xf32>
    %squeeze3A_635 = vector.shape_cast %slice3A_634 : vector<1x256x128xf32> to vector<256x128xf32>
    %mul3A_636 = arith.mulf %squeeze3A_633, %squeeze3A_635 : vector<256x128xf32>
    %dot_general3A_637 = arith.constant dense<0.000000e+00> : vector<256x8xf32>
    %dot_general3A_638 = tpu.matmul %mul3A_636, %convert_element_type3A_46, %dot_general3A_637 {dimension_numbers = #tpu.dot_dimension_numbers<[1], [0], [0], [1], [0, 0, 1, 1], [], []>, transpose_lhs_hint = false} : vector<256x128xf32>, vector<128x8xf32>, vector<256x8xf32> -> vector<256x8xf32>
    %slice3A_639 = vector.extract_strided_slice %reshape3A_19 {offsets = [7, 0, 0], sizes = [1, 256, 128], strides = [1, 1, 1]} : vector<12x256x128xf32> to vector<1x256x128xf32>
    %squeeze3A_640 = vector.shape_cast %slice3A_639 : vector<1x256x128xf32> to vector<256x128xf32>
    %slice3A_641 = vector.extract_strided_slice %reshape3A_20 {offsets = [1, 0, 0], sizes = [1, 256, 128], strides = [1, 1, 1]} : vector<12x256x128xf32> to vector<1x256x128xf32>
    %squeeze3A_642 = vector.shape_cast %slice3A_641 : vector<1x256x128xf32> to vector<256x128xf32>
    %mul3A_643 = arith.mulf %squeeze3A_640, %squeeze3A_642 : vector<256x128xf32>
    %dot_general3A_644 = arith.constant dense<0.000000e+00> : vector<256x8xf32>
    %dot_general3A_645 = tpu.matmul %mul3A_643, %convert_element_type3A_46, %dot_general3A_644 {dimension_numbers = #tpu.dot_dimension_numbers<[1], [0], [0], [1], [0, 0, 1, 1], [], []>, transpose_lhs_hint = false} : vector<256x128xf32>, vector<128x8xf32>, vector<256x8xf32> -> vector<256x8xf32>
    %slice3A_646 = vector.extract_strided_slice %reshape3A_19 {offsets = [7, 0, 0], sizes = [1, 256, 128], strides = [1, 1, 1]} : vector<12x256x128xf32> to vector<1x256x128xf32>
    %squeeze3A_647 = vector.shape_cast %slice3A_646 : vector<1x256x128xf32> to vector<256x128xf32>
    %slice3A_648 = vector.extract_strided_slice %reshape3A_20 {offsets = [2, 0, 0], sizes = [1, 256, 128], strides = [1, 1, 1]} : vector<12x256x128xf32> to vector<1x256x128xf32>
    %squeeze3A_649 = vector.shape_cast %slice3A_648 : vector<1x256x128xf32> to vector<256x128xf32>
    %mul3A_650 = arith.mulf %squeeze3A_647, %squeeze3A_649 : vector<256x128xf32>
    %dot_general3A_651 = arith.constant dense<0.000000e+00> : vector<256x8xf32>
    %dot_general3A_652 = tpu.matmul %mul3A_650, %convert_element_type3A_46, %dot_general3A_651 {dimension_numbers = #tpu.dot_dimension_numbers<[1], [0], [0], [1], [0, 0, 1, 1], [], []>, transpose_lhs_hint = false} : vector<256x128xf32>, vector<128x8xf32>, vector<256x8xf32> -> vector<256x8xf32>
    %slice3A_653 = vector.extract_strided_slice %reshape3A_19 {offsets = [7, 0, 0], sizes = [1, 256, 128], strides = [1, 1, 1]} : vector<12x256x128xf32> to vector<1x256x128xf32>
    %squeeze3A_654 = vector.shape_cast %slice3A_653 : vector<1x256x128xf32> to vector<256x128xf32>
    %slice3A_655 = vector.extract_strided_slice %reshape3A_20 {offsets = [3, 0, 0], sizes = [1, 256, 128], strides = [1, 1, 1]} : vector<12x256x128xf32> to vector<1x256x128xf32>
    %squeeze3A_656 = vector.shape_cast %slice3A_655 : vector<1x256x128xf32> to vector<256x128xf32>
    %mul3A_657 = arith.mulf %squeeze3A_654, %squeeze3A_656 : vector<256x128xf32>
    %dot_general3A_658 = arith.constant dense<0.000000e+00> : vector<256x8xf32>
    %dot_general3A_659 = tpu.matmul %mul3A_657, %convert_element_type3A_46, %dot_general3A_658 {dimension_numbers = #tpu.dot_dimension_numbers<[1], [0], [0], [1], [0, 0, 1, 1], [], []>, transpose_lhs_hint = false} : vector<256x128xf32>, vector<128x8xf32>, vector<256x8xf32> -> vector<256x8xf32>
    %slice3A_660 = vector.extract_strided_slice %reshape3A_19 {offsets = [7, 0, 0], sizes = [1, 256, 128], strides = [1, 1, 1]} : vector<12x256x128xf32> to vector<1x256x128xf32>
    %squeeze3A_661 = vector.shape_cast %slice3A_660 : vector<1x256x128xf32> to vector<256x128xf32>
    %slice3A_662 = vector.extract_strided_slice %reshape3A_20 {offsets = [4, 0, 0], sizes = [1, 256, 128], strides = [1, 1, 1]} : vector<12x256x128xf32> to vector<1x256x128xf32>
    %squeeze3A_663 = vector.shape_cast %slice3A_662 : vector<1x256x128xf32> to vector<256x128xf32>
    %mul3A_664 = arith.mulf %squeeze3A_661, %squeeze3A_663 : vector<256x128xf32>
    %dot_general3A_665 = arith.constant dense<0.000000e+00> : vector<256x8xf32>
    %dot_general3A_666 = tpu.matmul %mul3A_664, %convert_element_type3A_46, %dot_general3A_665 {dimension_numbers = #tpu.dot_dimension_numbers<[1], [0], [0], [1], [0, 0, 1, 1], [], []>, transpose_lhs_hint = false} : vector<256x128xf32>, vector<128x8xf32>, vector<256x8xf32> -> vector<256x8xf32>
    %slice3A_667 = vector.extract_strided_slice %reshape3A_19 {offsets = [7, 0, 0], sizes = [1, 256, 128], strides = [1, 1, 1]} : vector<12x256x128xf32> to vector<1x256x128xf32>
    %squeeze3A_668 = vector.shape_cast %slice3A_667 : vector<1x256x128xf32> to vector<256x128xf32>
    %slice3A_669 = vector.extract_strided_slice %reshape3A_20 {offsets = [5, 0, 0], sizes = [1, 256, 128], strides = [1, 1, 1]} : vector<12x256x128xf32> to vector<1x256x128xf32>
    %squeeze3A_670 = vector.shape_cast %slice3A_669 : vector<1x256x128xf32> to vector<256x128xf32>
    %mul3A_671 = arith.mulf %squeeze3A_668, %squeeze3A_670 : vector<256x128xf32>
    %dot_general3A_672 = arith.constant dense<0.000000e+00> : vector<256x8xf32>
    %dot_general3A_673 = tpu.matmul %mul3A_671, %convert_element_type3A_46, %dot_general3A_672 {dimension_numbers = #tpu.dot_dimension_numbers<[1], [0], [0], [1], [0, 0, 1, 1], [], []>, transpose_lhs_hint = false} : vector<256x128xf32>, vector<128x8xf32>, vector<256x8xf32> -> vector<256x8xf32>
    %slice3A_674 = vector.extract_strided_slice %reshape3A_19 {offsets = [7, 0, 0], sizes = [1, 256, 128], strides = [1, 1, 1]} : vector<12x256x128xf32> to vector<1x256x128xf32>
    %squeeze3A_675 = vector.shape_cast %slice3A_674 : vector<1x256x128xf32> to vector<256x128xf32>
    %slice3A_676 = vector.extract_strided_slice %reshape3A_20 {offsets = [6, 0, 0], sizes = [1, 256, 128], strides = [1, 1, 1]} : vector<12x256x128xf32> to vector<1x256x128xf32>
    %squeeze3A_677 = vector.shape_cast %slice3A_676 : vector<1x256x128xf32> to vector<256x128xf32>
    %mul3A_678 = arith.mulf %squeeze3A_675, %squeeze3A_677 : vector<256x128xf32>
    %dot_general3A_679 = arith.constant dense<0.000000e+00> : vector<256x8xf32>
    %dot_general3A_680 = tpu.matmul %mul3A_678, %convert_element_type3A_46, %dot_general3A_679 {dimension_numbers = #tpu.dot_dimension_numbers<[1], [0], [0], [1], [0, 0, 1, 1], [], []>, transpose_lhs_hint = false} : vector<256x128xf32>, vector<128x8xf32>, vector<256x8xf32> -> vector<256x8xf32>
    %slice3A_681 = vector.extract_strided_slice %reshape3A_19 {offsets = [7, 0, 0], sizes = [1, 256, 128], strides = [1, 1, 1]} : vector<12x256x128xf32> to vector<1x256x128xf32>
    %squeeze3A_682 = vector.shape_cast %slice3A_681 : vector<1x256x128xf32> to vector<256x128xf32>
    %slice3A_683 = vector.extract_strided_slice %reshape3A_20 {offsets = [7, 0, 0], sizes = [1, 256, 128], strides = [1, 1, 1]} : vector<12x256x128xf32> to vector<1x256x128xf32>
    %squeeze3A_684 = vector.shape_cast %slice3A_683 : vector<1x256x128xf32> to vector<256x128xf32>
    %mul3A_685 = arith.mulf %squeeze3A_682, %squeeze3A_684 : vector<256x128xf32>
    %dot_general3A_686 = arith.constant dense<0.000000e+00> : vector<256x8xf32>
    %dot_general3A_687 = tpu.matmul %mul3A_685, %convert_element_type3A_46, %dot_general3A_686 {dimension_numbers = #tpu.dot_dimension_numbers<[1], [0], [0], [1], [0, 0, 1, 1], [], []>, transpose_lhs_hint = false} : vector<256x128xf32>, vector<128x8xf32>, vector<256x8xf32> -> vector<256x8xf32>
    %slice3A_688 = vector.extract_strided_slice %reshape3A_19 {offsets = [7, 0, 0], sizes = [1, 256, 128], strides = [1, 1, 1]} : vector<12x256x128xf32> to vector<1x256x128xf32>
    %squeeze3A_689 = vector.shape_cast %slice3A_688 : vector<1x256x128xf32> to vector<256x128xf32>
    %slice3A_690 = vector.extract_strided_slice %reshape3A_20 {offsets = [8, 0, 0], sizes = [1, 256, 128], strides = [1, 1, 1]} : vector<12x256x128xf32> to vector<1x256x128xf32>
    %squeeze3A_691 = vector.shape_cast %slice3A_690 : vector<1x256x128xf32> to vector<256x128xf32>
    %mul3A_692 = arith.mulf %squeeze3A_689, %squeeze3A_691 : vector<256x128xf32>
    %dot_general3A_693 = arith.constant dense<0.000000e+00> : vector<256x8xf32>
    %dot_general3A_694 = tpu.matmul %mul3A_692, %convert_element_type3A_46, %dot_general3A_693 {dimension_numbers = #tpu.dot_dimension_numbers<[1], [0], [0], [1], [0, 0, 1, 1], [], []>, transpose_lhs_hint = false} : vector<256x128xf32>, vector<128x8xf32>, vector<256x8xf32> -> vector<256x8xf32>
    %slice3A_695 = vector.extract_strided_slice %reshape3A_19 {offsets = [7, 0, 0], sizes = [1, 256, 128], strides = [1, 1, 1]} : vector<12x256x128xf32> to vector<1x256x128xf32>
    %squeeze3A_696 = vector.shape_cast %slice3A_695 : vector<1x256x128xf32> to vector<256x128xf32>
    %slice3A_697 = vector.extract_strided_slice %reshape3A_20 {offsets = [9, 0, 0], sizes = [1, 256, 128], strides = [1, 1, 1]} : vector<12x256x128xf32> to vector<1x256x128xf32>
    %squeeze3A_698 = vector.shape_cast %slice3A_697 : vector<1x256x128xf32> to vector<256x128xf32>
    %mul3A_699 = arith.mulf %squeeze3A_696, %squeeze3A_698 : vector<256x128xf32>
    %dot_general3A_700 = arith.constant dense<0.000000e+00> : vector<256x8xf32>
    %dot_general3A_701 = tpu.matmul %mul3A_699, %convert_element_type3A_46, %dot_general3A_700 {dimension_numbers = #tpu.dot_dimension_numbers<[1], [0], [0], [1], [0, 0, 1, 1], [], []>, transpose_lhs_hint = false} : vector<256x128xf32>, vector<128x8xf32>, vector<256x8xf32> -> vector<256x8xf32>
    %slice3A_702 = vector.extract_strided_slice %reshape3A_19 {offsets = [7, 0, 0], sizes = [1, 256, 128], strides = [1, 1, 1]} : vector<12x256x128xf32> to vector<1x256x128xf32>
    %squeeze3A_703 = vector.shape_cast %slice3A_702 : vector<1x256x128xf32> to vector<256x128xf32>
    %slice3A_704 = vector.extract_strided_slice %reshape3A_20 {offsets = [10, 0, 0], sizes = [1, 256, 128], strides = [1, 1, 1]} : vector<12x256x128xf32> to vector<1x256x128xf32>
    %squeeze3A_705 = vector.shape_cast %slice3A_704 : vector<1x256x128xf32> to vector<256x128xf32>
    %mul3A_706 = arith.mulf %squeeze3A_703, %squeeze3A_705 : vector<256x128xf32>
    %dot_general3A_707 = arith.constant dense<0.000000e+00> : vector<256x8xf32>
    %dot_general3A_708 = tpu.matmul %mul3A_706, %convert_element_type3A_46, %dot_general3A_707 {dimension_numbers = #tpu.dot_dimension_numbers<[1], [0], [0], [1], [0, 0, 1, 1], [], []>, transpose_lhs_hint = false} : vector<256x128xf32>, vector<128x8xf32>, vector<256x8xf32> -> vector<256x8xf32>
    %slice3A_709 = vector.extract_strided_slice %reshape3A_19 {offsets = [7, 0, 0], sizes = [1, 256, 128], strides = [1, 1, 1]} : vector<12x256x128xf32> to vector<1x256x128xf32>
    %squeeze3A_710 = vector.shape_cast %slice3A_709 : vector<1x256x128xf32> to vector<256x128xf32>
    %slice3A_711 = vector.extract_strided_slice %reshape3A_20 {offsets = [11, 0, 0], sizes = [1, 256, 128], strides = [1, 1, 1]} : vector<12x256x128xf32> to vector<1x256x128xf32>
    %squeeze3A_712 = vector.shape_cast %slice3A_711 : vector<1x256x128xf32> to vector<256x128xf32>
    %mul3A_713 = arith.mulf %squeeze3A_710, %squeeze3A_712 : vector<256x128xf32>
    %dot_general3A_714 = arith.constant dense<0.000000e+00> : vector<256x8xf32>
    %dot_general3A_715 = tpu.matmul %mul3A_713, %convert_element_type3A_46, %dot_general3A_714 {dimension_numbers = #tpu.dot_dimension_numbers<[1], [0], [0], [1], [0, 0, 1, 1], [], []>, transpose_lhs_hint = false} : vector<256x128xf32>, vector<128x8xf32>, vector<256x8xf32> -> vector<256x8xf32>
    %slice3A_716 = vector.extract_strided_slice %reshape3A_19 {offsets = [8, 0, 0], sizes = [1, 256, 128], strides = [1, 1, 1]} : vector<12x256x128xf32> to vector<1x256x128xf32>
    %squeeze3A_717 = vector.shape_cast %slice3A_716 : vector<1x256x128xf32> to vector<256x128xf32>
    %slice3A_718 = vector.extract_strided_slice %reshape3A_20 {offsets = [0, 0, 0], sizes = [1, 256, 128], strides = [1, 1, 1]} : vector<12x256x128xf32> to vector<1x256x128xf32>
    %squeeze3A_719 = vector.shape_cast %slice3A_718 : vector<1x256x128xf32> to vector<256x128xf32>
    %mul3A_720 = arith.mulf %squeeze3A_717, %squeeze3A_719 : vector<256x128xf32>
    %dot_general3A_721 = arith.constant dense<0.000000e+00> : vector<256x8xf32>
    %dot_general3A_722 = tpu.matmul %mul3A_720, %convert_element_type3A_46, %dot_general3A_721 {dimension_numbers = #tpu.dot_dimension_numbers<[1], [0], [0], [1], [0, 0, 1, 1], [], []>, transpose_lhs_hint = false} : vector<256x128xf32>, vector<128x8xf32>, vector<256x8xf32> -> vector<256x8xf32>
    %slice3A_723 = vector.extract_strided_slice %reshape3A_19 {offsets = [8, 0, 0], sizes = [1, 256, 128], strides = [1, 1, 1]} : vector<12x256x128xf32> to vector<1x256x128xf32>
    %squeeze3A_724 = vector.shape_cast %slice3A_723 : vector<1x256x128xf32> to vector<256x128xf32>
    %slice3A_725 = vector.extract_strided_slice %reshape3A_20 {offsets = [1, 0, 0], sizes = [1, 256, 128], strides = [1, 1, 1]} : vector<12x256x128xf32> to vector<1x256x128xf32>
    %squeeze3A_726 = vector.shape_cast %slice3A_725 : vector<1x256x128xf32> to vector<256x128xf32>
    %mul3A_727 = arith.mulf %squeeze3A_724, %squeeze3A_726 : vector<256x128xf32>
    %dot_general3A_728 = arith.constant dense<0.000000e+00> : vector<256x8xf32>
    %dot_general3A_729 = tpu.matmul %mul3A_727, %convert_element_type3A_46, %dot_general3A_728 {dimension_numbers = #tpu.dot_dimension_numbers<[1], [0], [0], [1], [0, 0, 1, 1], [], []>, transpose_lhs_hint = false} : vector<256x128xf32>, vector<128x8xf32>, vector<256x8xf32> -> vector<256x8xf32>
    %slice3A_730 = vector.extract_strided_slice %reshape3A_19 {offsets = [8, 0, 0], sizes = [1, 256, 128], strides = [1, 1, 1]} : vector<12x256x128xf32> to vector<1x256x128xf32>
    %squeeze3A_731 = vector.shape_cast %slice3A_730 : vector<1x256x128xf32> to vector<256x128xf32>
    %slice3A_732 = vector.extract_strided_slice %reshape3A_20 {offsets = [2, 0, 0], sizes = [1, 256, 128], strides = [1, 1, 1]} : vector<12x256x128xf32> to vector<1x256x128xf32>
    %squeeze3A_733 = vector.shape_cast %slice3A_732 : vector<1x256x128xf32> to vector<256x128xf32>
    %mul3A_734 = arith.mulf %squeeze3A_731, %squeeze3A_733 : vector<256x128xf32>
    %dot_general3A_735 = arith.constant dense<0.000000e+00> : vector<256x8xf32>
    %dot_general3A_736 = tpu.matmul %mul3A_734, %convert_element_type3A_46, %dot_general3A_735 {dimension_numbers = #tpu.dot_dimension_numbers<[1], [0], [0], [1], [0, 0, 1, 1], [], []>, transpose_lhs_hint = false} : vector<256x128xf32>, vector<128x8xf32>, vector<256x8xf32> -> vector<256x8xf32>
    %slice3A_737 = vector.extract_strided_slice %reshape3A_19 {offsets = [8, 0, 0], sizes = [1, 256, 128], strides = [1, 1, 1]} : vector<12x256x128xf32> to vector<1x256x128xf32>
    %squeeze3A_738 = vector.shape_cast %slice3A_737 : vector<1x256x128xf32> to vector<256x128xf32>
    %slice3A_739 = vector.extract_strided_slice %reshape3A_20 {offsets = [3, 0, 0], sizes = [1, 256, 128], strides = [1, 1, 1]} : vector<12x256x128xf32> to vector<1x256x128xf32>
    %squeeze3A_740 = vector.shape_cast %slice3A_739 : vector<1x256x128xf32> to vector<256x128xf32>
    %mul3A_741 = arith.mulf %squeeze3A_738, %squeeze3A_740 : vector<256x128xf32>
    %dot_general3A_742 = arith.constant dense<0.000000e+00> : vector<256x8xf32>
    %dot_general3A_743 = tpu.matmul %mul3A_741, %convert_element_type3A_46, %dot_general3A_742 {dimension_numbers = #tpu.dot_dimension_numbers<[1], [0], [0], [1], [0, 0, 1, 1], [], []>, transpose_lhs_hint = false} : vector<256x128xf32>, vector<128x8xf32>, vector<256x8xf32> -> vector<256x8xf32>
    %slice3A_744 = vector.extract_strided_slice %reshape3A_19 {offsets = [8, 0, 0], sizes = [1, 256, 128], strides = [1, 1, 1]} : vector<12x256x128xf32> to vector<1x256x128xf32>
    %squeeze3A_745 = vector.shape_cast %slice3A_744 : vector<1x256x128xf32> to vector<256x128xf32>
    %slice3A_746 = vector.extract_strided_slice %reshape3A_20 {offsets = [4, 0, 0], sizes = [1, 256, 128], strides = [1, 1, 1]} : vector<12x256x128xf32> to vector<1x256x128xf32>
    %squeeze3A_747 = vector.shape_cast %slice3A_746 : vector<1x256x128xf32> to vector<256x128xf32>
    %mul3A_748 = arith.mulf %squeeze3A_745, %squeeze3A_747 : vector<256x128xf32>
    %dot_general3A_749 = arith.constant dense<0.000000e+00> : vector<256x8xf32>
    %dot_general3A_750 = tpu.matmul %mul3A_748, %convert_element_type3A_46, %dot_general3A_749 {dimension_numbers = #tpu.dot_dimension_numbers<[1], [0], [0], [1], [0, 0, 1, 1], [], []>, transpose_lhs_hint = false} : vector<256x128xf32>, vector<128x8xf32>, vector<256x8xf32> -> vector<256x8xf32>
    %slice3A_751 = vector.extract_strided_slice %reshape3A_19 {offsets = [8, 0, 0], sizes = [1, 256, 128], strides = [1, 1, 1]} : vector<12x256x128xf32> to vector<1x256x128xf32>
    %squeeze3A_752 = vector.shape_cast %slice3A_751 : vector<1x256x128xf32> to vector<256x128xf32>
    %slice3A_753 = vector.extract_strided_slice %reshape3A_20 {offsets = [5, 0, 0], sizes = [1, 256, 128], strides = [1, 1, 1]} : vector<12x256x128xf32> to vector<1x256x128xf32>
    %squeeze3A_754 = vector.shape_cast %slice3A_753 : vector<1x256x128xf32> to vector<256x128xf32>
    %mul3A_755 = arith.mulf %squeeze3A_752, %squeeze3A_754 : vector<256x128xf32>
    %dot_general3A_756 = arith.constant dense<0.000000e+00> : vector<256x8xf32>
    %dot_general3A_757 = tpu.matmul %mul3A_755, %convert_element_type3A_46, %dot_general3A_756 {dimension_numbers = #tpu.dot_dimension_numbers<[1], [0], [0], [1], [0, 0, 1, 1], [], []>, transpose_lhs_hint = false} : vector<256x128xf32>, vector<128x8xf32>, vector<256x8xf32> -> vector<256x8xf32>
    %slice3A_758 = vector.extract_strided_slice %reshape3A_19 {offsets = [8, 0, 0], sizes = [1, 256, 128], strides = [1, 1, 1]} : vector<12x256x128xf32> to vector<1x256x128xf32>
    %squeeze3A_759 = vector.shape_cast %slice3A_758 : vector<1x256x128xf32> to vector<256x128xf32>
    %slice3A_760 = vector.extract_strided_slice %reshape3A_20 {offsets = [6, 0, 0], sizes = [1, 256, 128], strides = [1, 1, 1]} : vector<12x256x128xf32> to vector<1x256x128xf32>
    %squeeze3A_761 = vector.shape_cast %slice3A_760 : vector<1x256x128xf32> to vector<256x128xf32>
    %mul3A_762 = arith.mulf %squeeze3A_759, %squeeze3A_761 : vector<256x128xf32>
    %dot_general3A_763 = arith.constant dense<0.000000e+00> : vector<256x8xf32>
    %dot_general3A_764 = tpu.matmul %mul3A_762, %convert_element_type3A_46, %dot_general3A_763 {dimension_numbers = #tpu.dot_dimension_numbers<[1], [0], [0], [1], [0, 0, 1, 1], [], []>, transpose_lhs_hint = false} : vector<256x128xf32>, vector<128x8xf32>, vector<256x8xf32> -> vector<256x8xf32>
    %slice3A_765 = vector.extract_strided_slice %reshape3A_19 {offsets = [8, 0, 0], sizes = [1, 256, 128], strides = [1, 1, 1]} : vector<12x256x128xf32> to vector<1x256x128xf32>
    %squeeze3A_766 = vector.shape_cast %slice3A_765 : vector<1x256x128xf32> to vector<256x128xf32>
    %slice3A_767 = vector.extract_strided_slice %reshape3A_20 {offsets = [7, 0, 0], sizes = [1, 256, 128], strides = [1, 1, 1]} : vector<12x256x128xf32> to vector<1x256x128xf32>
    %squeeze3A_768 = vector.shape_cast %slice3A_767 : vector<1x256x128xf32> to vector<256x128xf32>
    %mul3A_769 = arith.mulf %squeeze3A_766, %squeeze3A_768 : vector<256x128xf32>
    %dot_general3A_770 = arith.constant dense<0.000000e+00> : vector<256x8xf32>
    %dot_general3A_771 = tpu.matmul %mul3A_769, %convert_element_type3A_46, %dot_general3A_770 {dimension_numbers = #tpu.dot_dimension_numbers<[1], [0], [0], [1], [0, 0, 1, 1], [], []>, transpose_lhs_hint = false} : vector<256x128xf32>, vector<128x8xf32>, vector<256x8xf32> -> vector<256x8xf32>
    %slice3A_772 = vector.extract_strided_slice %reshape3A_19 {offsets = [8, 0, 0], sizes = [1, 256, 128], strides = [1, 1, 1]} : vector<12x256x128xf32> to vector<1x256x128xf32>
    %squeeze3A_773 = vector.shape_cast %slice3A_772 : vector<1x256x128xf32> to vector<256x128xf32>
    %slice3A_774 = vector.extract_strided_slice %reshape3A_20 {offsets = [8, 0, 0], sizes = [1, 256, 128], strides = [1, 1, 1]} : vector<12x256x128xf32> to vector<1x256x128xf32>
    %squeeze3A_775 = vector.shape_cast %slice3A_774 : vector<1x256x128xf32> to vector<256x128xf32>
    %mul3A_776 = arith.mulf %squeeze3A_773, %squeeze3A_775 : vector<256x128xf32>
    %dot_general3A_777 = arith.constant dense<0.000000e+00> : vector<256x8xf32>
    %dot_general3A_778 = tpu.matmul %mul3A_776, %convert_element_type3A_46, %dot_general3A_777 {dimension_numbers = #tpu.dot_dimension_numbers<[1], [0], [0], [1], [0, 0, 1, 1], [], []>, transpose_lhs_hint = false} : vector<256x128xf32>, vector<128x8xf32>, vector<256x8xf32> -> vector<256x8xf32>
    %slice3A_779 = vector.extract_strided_slice %reshape3A_19 {offsets = [8, 0, 0], sizes = [1, 256, 128], strides = [1, 1, 1]} : vector<12x256x128xf32> to vector<1x256x128xf32>
    %squeeze3A_780 = vector.shape_cast %slice3A_779 : vector<1x256x128xf32> to vector<256x128xf32>
    %slice3A_781 = vector.extract_strided_slice %reshape3A_20 {offsets = [9, 0, 0], sizes = [1, 256, 128], strides = [1, 1, 1]} : vector<12x256x128xf32> to vector<1x256x128xf32>
    %squeeze3A_782 = vector.shape_cast %slice3A_781 : vector<1x256x128xf32> to vector<256x128xf32>
    %mul3A_783 = arith.mulf %squeeze3A_780, %squeeze3A_782 : vector<256x128xf32>
    %dot_general3A_784 = arith.constant dense<0.000000e+00> : vector<256x8xf32>
    %dot_general3A_785 = tpu.matmul %mul3A_783, %convert_element_type3A_46, %dot_general3A_784 {dimension_numbers = #tpu.dot_dimension_numbers<[1], [0], [0], [1], [0, 0, 1, 1], [], []>, transpose_lhs_hint = false} : vector<256x128xf32>, vector<128x8xf32>, vector<256x8xf32> -> vector<256x8xf32>
    %slice3A_786 = vector.extract_strided_slice %reshape3A_19 {offsets = [8, 0, 0], sizes = [1, 256, 128], strides = [1, 1, 1]} : vector<12x256x128xf32> to vector<1x256x128xf32>
    %squeeze3A_787 = vector.shape_cast %slice3A_786 : vector<1x256x128xf32> to vector<256x128xf32>
    %slice3A_788 = vector.extract_strided_slice %reshape3A_20 {offsets = [10, 0, 0], sizes = [1, 256, 128], strides = [1, 1, 1]} : vector<12x256x128xf32> to vector<1x256x128xf32>
    %squeeze3A_789 = vector.shape_cast %slice3A_788 : vector<1x256x128xf32> to vector<256x128xf32>
    %mul3A_790 = arith.mulf %squeeze3A_787, %squeeze3A_789 : vector<256x128xf32>
    %dot_general3A_791 = arith.constant dense<0.000000e+00> : vector<256x8xf32>
    %dot_general3A_792 = tpu.matmul %mul3A_790, %convert_element_type3A_46, %dot_general3A_791 {dimension_numbers = #tpu.dot_dimension_numbers<[1], [0], [0], [1], [0, 0, 1, 1], [], []>, transpose_lhs_hint = false} : vector<256x128xf32>, vector<128x8xf32>, vector<256x8xf32> -> vector<256x8xf32>
    %slice3A_793 = vector.extract_strided_slice %reshape3A_19 {offsets = [8, 0, 0], sizes = [1, 256, 128], strides = [1, 1, 1]} : vector<12x256x128xf32> to vector<1x256x128xf32>
    %squeeze3A_794 = vector.shape_cast %slice3A_793 : vector<1x256x128xf32> to vector<256x128xf32>
    %slice3A_795 = vector.extract_strided_slice %reshape3A_20 {offsets = [11, 0, 0], sizes = [1, 256, 128], strides = [1, 1, 1]} : vector<12x256x128xf32> to vector<1x256x128xf32>
    %squeeze3A_796 = vector.shape_cast %slice3A_795 : vector<1x256x128xf32> to vector<256x128xf32>
    %mul3A_797 = arith.mulf %squeeze3A_794, %squeeze3A_796 : vector<256x128xf32>
    %dot_general3A_798 = arith.constant dense<0.000000e+00> : vector<256x8xf32>
    %dot_general3A_799 = tpu.matmul %mul3A_797, %convert_element_type3A_46, %dot_general3A_798 {dimension_numbers = #tpu.dot_dimension_numbers<[1], [0], [0], [1], [0, 0, 1, 1], [], []>, transpose_lhs_hint = false} : vector<256x128xf32>, vector<128x8xf32>, vector<256x8xf32> -> vector<256x8xf32>
    %slice3A_800 = vector.extract_strided_slice %reshape3A_19 {offsets = [9, 0, 0], sizes = [1, 256, 128], strides = [1, 1, 1]} : vector<12x256x128xf32> to vector<1x256x128xf32>
    %squeeze3A_801 = vector.shape_cast %slice3A_800 : vector<1x256x128xf32> to vector<256x128xf32>
    %slice3A_802 = vector.extract_strided_slice %reshape3A_20 {offsets = [0, 0, 0], sizes = [1, 256, 128], strides = [1, 1, 1]} : vector<12x256x128xf32> to vector<1x256x128xf32>
    %squeeze3A_803 = vector.shape_cast %slice3A_802 : vector<1x256x128xf32> to vector<256x128xf32>
    %mul3A_804 = arith.mulf %squeeze3A_801, %squeeze3A_803 : vector<256x128xf32>
    %dot_general3A_805 = arith.constant dense<0.000000e+00> : vector<256x8xf32>
    %dot_general3A_806 = tpu.matmul %mul3A_804, %convert_element_type3A_46, %dot_general3A_805 {dimension_numbers = #tpu.dot_dimension_numbers<[1], [0], [0], [1], [0, 0, 1, 1], [], []>, transpose_lhs_hint = false} : vector<256x128xf32>, vector<128x8xf32>, vector<256x8xf32> -> vector<256x8xf32>
    %slice3A_807 = vector.extract_strided_slice %reshape3A_19 {offsets = [9, 0, 0], sizes = [1, 256, 128], strides = [1, 1, 1]} : vector<12x256x128xf32> to vector<1x256x128xf32>
    %squeeze3A_808 = vector.shape_cast %slice3A_807 : vector<1x256x128xf32> to vector<256x128xf32>
    %slice3A_809 = vector.extract_strided_slice %reshape3A_20 {offsets = [1, 0, 0], sizes = [1, 256, 128], strides = [1, 1, 1]} : vector<12x256x128xf32> to vector<1x256x128xf32>
    %squeeze3A_810 = vector.shape_cast %slice3A_809 : vector<1x256x128xf32> to vector<256x128xf32>
    %mul3A_811 = arith.mulf %squeeze3A_808, %squeeze3A_810 : vector<256x128xf32>
    %dot_general3A_812 = arith.constant dense<0.000000e+00> : vector<256x8xf32>
    %dot_general3A_813 = tpu.matmul %mul3A_811, %convert_element_type3A_46, %dot_general3A_812 {dimension_numbers = #tpu.dot_dimension_numbers<[1], [0], [0], [1], [0, 0, 1, 1], [], []>, transpose_lhs_hint = false} : vector<256x128xf32>, vector<128x8xf32>, vector<256x8xf32> -> vector<256x8xf32>
    %slice3A_814 = vector.extract_strided_slice %reshape3A_19 {offsets = [9, 0, 0], sizes = [1, 256, 128], strides = [1, 1, 1]} : vector<12x256x128xf32> to vector<1x256x128xf32>
    %squeeze3A_815 = vector.shape_cast %slice3A_814 : vector<1x256x128xf32> to vector<256x128xf32>
    %slice3A_816 = vector.extract_strided_slice %reshape3A_20 {offsets = [2, 0, 0], sizes = [1, 256, 128], strides = [1, 1, 1]} : vector<12x256x128xf32> to vector<1x256x128xf32>
    %squeeze3A_817 = vector.shape_cast %slice3A_816 : vector<1x256x128xf32> to vector<256x128xf32>
    %mul3A_818 = arith.mulf %squeeze3A_815, %squeeze3A_817 : vector<256x128xf32>
    %dot_general3A_819 = arith.constant dense<0.000000e+00> : vector<256x8xf32>
    %dot_general3A_820 = tpu.matmul %mul3A_818, %convert_element_type3A_46, %dot_general3A_819 {dimension_numbers = #tpu.dot_dimension_numbers<[1], [0], [0], [1], [0, 0, 1, 1], [], []>, transpose_lhs_hint = false} : vector<256x128xf32>, vector<128x8xf32>, vector<256x8xf32> -> vector<256x8xf32>
    %slice3A_821 = vector.extract_strided_slice %reshape3A_19 {offsets = [9, 0, 0], sizes = [1, 256, 128], strides = [1, 1, 1]} : vector<12x256x128xf32> to vector<1x256x128xf32>
    %squeeze3A_822 = vector.shape_cast %slice3A_821 : vector<1x256x128xf32> to vector<256x128xf32>
    %slice3A_823 = vector.extract_strided_slice %reshape3A_20 {offsets = [3, 0, 0], sizes = [1, 256, 128], strides = [1, 1, 1]} : vector<12x256x128xf32> to vector<1x256x128xf32>
    %squeeze3A_824 = vector.shape_cast %slice3A_823 : vector<1x256x128xf32> to vector<256x128xf32>
    %mul3A_825 = arith.mulf %squeeze3A_822, %squeeze3A_824 : vector<256x128xf32>
    %dot_general3A_826 = arith.constant dense<0.000000e+00> : vector<256x8xf32>
    %dot_general3A_827 = tpu.matmul %mul3A_825, %convert_element_type3A_46, %dot_general3A_826 {dimension_numbers = #tpu.dot_dimension_numbers<[1], [0], [0], [1], [0, 0, 1, 1], [], []>, transpose_lhs_hint = false} : vector<256x128xf32>, vector<128x8xf32>, vector<256x8xf32> -> vector<256x8xf32>
    %slice3A_828 = vector.extract_strided_slice %reshape3A_19 {offsets = [9, 0, 0], sizes = [1, 256, 128], strides = [1, 1, 1]} : vector<12x256x128xf32> to vector<1x256x128xf32>
    %squeeze3A_829 = vector.shape_cast %slice3A_828 : vector<1x256x128xf32> to vector<256x128xf32>
    %slice3A_830 = vector.extract_strided_slice %reshape3A_20 {offsets = [4, 0, 0], sizes = [1, 256, 128], strides = [1, 1, 1]} : vector<12x256x128xf32> to vector<1x256x128xf32>
    %squeeze3A_831 = vector.shape_cast %slice3A_830 : vector<1x256x128xf32> to vector<256x128xf32>
    %mul3A_832 = arith.mulf %squeeze3A_829, %squeeze3A_831 : vector<256x128xf32>
    %dot_general3A_833 = arith.constant dense<0.000000e+00> : vector<256x8xf32>
    %dot_general3A_834 = tpu.matmul %mul3A_832, %convert_element_type3A_46, %dot_general3A_833 {dimension_numbers = #tpu.dot_dimension_numbers<[1], [0], [0], [1], [0, 0, 1, 1], [], []>, transpose_lhs_hint = false} : vector<256x128xf32>, vector<128x8xf32>, vector<256x8xf32> -> vector<256x8xf32>
    %slice3A_835 = vector.extract_strided_slice %reshape3A_19 {offsets = [9, 0, 0], sizes = [1, 256, 128], strides = [1, 1, 1]} : vector<12x256x128xf32> to vector<1x256x128xf32>
    %squeeze3A_836 = vector.shape_cast %slice3A_835 : vector<1x256x128xf32> to vector<256x128xf32>
    %slice3A_837 = vector.extract_strided_slice %reshape3A_20 {offsets = [5, 0, 0], sizes = [1, 256, 128], strides = [1, 1, 1]} : vector<12x256x128xf32> to vector<1x256x128xf32>
    %squeeze3A_838 = vector.shape_cast %slice3A_837 : vector<1x256x128xf32> to vector<256x128xf32>
    %mul3A_839 = arith.mulf %squeeze3A_836, %squeeze3A_838 : vector<256x128xf32>
    %dot_general3A_840 = arith.constant dense<0.000000e+00> : vector<256x8xf32>
    %dot_general3A_841 = tpu.matmul %mul3A_839, %convert_element_type3A_46, %dot_general3A_840 {dimension_numbers = #tpu.dot_dimension_numbers<[1], [0], [0], [1], [0, 0, 1, 1], [], []>, transpose_lhs_hint = false} : vector<256x128xf32>, vector<128x8xf32>, vector<256x8xf32> -> vector<256x8xf32>
    %slice3A_842 = vector.extract_strided_slice %reshape3A_19 {offsets = [9, 0, 0], sizes = [1, 256, 128], strides = [1, 1, 1]} : vector<12x256x128xf32> to vector<1x256x128xf32>
    %squeeze3A_843 = vector.shape_cast %slice3A_842 : vector<1x256x128xf32> to vector<256x128xf32>
    %slice3A_844 = vector.extract_strided_slice %reshape3A_20 {offsets = [6, 0, 0], sizes = [1, 256, 128], strides = [1, 1, 1]} : vector<12x256x128xf32> to vector<1x256x128xf32>
    %squeeze3A_845 = vector.shape_cast %slice3A_844 : vector<1x256x128xf32> to vector<256x128xf32>
    %mul3A_846 = arith.mulf %squeeze3A_843, %squeeze3A_845 : vector<256x128xf32>
    %dot_general3A_847 = arith.constant dense<0.000000e+00> : vector<256x8xf32>
    %dot_general3A_848 = tpu.matmul %mul3A_846, %convert_element_type3A_46, %dot_general3A_847 {dimension_numbers = #tpu.dot_dimension_numbers<[1], [0], [0], [1], [0, 0, 1, 1], [], []>, transpose_lhs_hint = false} : vector<256x128xf32>, vector<128x8xf32>, vector<256x8xf32> -> vector<256x8xf32>
    %slice3A_849 = vector.extract_strided_slice %reshape3A_19 {offsets = [9, 0, 0], sizes = [1, 256, 128], strides = [1, 1, 1]} : vector<12x256x128xf32> to vector<1x256x128xf32>
    %squeeze3A_850 = vector.shape_cast %slice3A_849 : vector<1x256x128xf32> to vector<256x128xf32>
    %slice3A_851 = vector.extract_strided_slice %reshape3A_20 {offsets = [7, 0, 0], sizes = [1, 256, 128], strides = [1, 1, 1]} : vector<12x256x128xf32> to vector<1x256x128xf32>
    %squeeze3A_852 = vector.shape_cast %slice3A_851 : vector<1x256x128xf32> to vector<256x128xf32>
    %mul3A_853 = arith.mulf %squeeze3A_850, %squeeze3A_852 : vector<256x128xf32>
    %dot_general3A_854 = arith.constant dense<0.000000e+00> : vector<256x8xf32>
    %dot_general3A_855 = tpu.matmul %mul3A_853, %convert_element_type3A_46, %dot_general3A_854 {dimension_numbers = #tpu.dot_dimension_numbers<[1], [0], [0], [1], [0, 0, 1, 1], [], []>, transpose_lhs_hint = false} : vector<256x128xf32>, vector<128x8xf32>, vector<256x8xf32> -> vector<256x8xf32>
    %slice3A_856 = vector.extract_strided_slice %reshape3A_19 {offsets = [9, 0, 0], sizes = [1, 256, 128], strides = [1, 1, 1]} : vector<12x256x128xf32> to vector<1x256x128xf32>
    %squeeze3A_857 = vector.shape_cast %slice3A_856 : vector<1x256x128xf32> to vector<256x128xf32>
    %slice3A_858 = vector.extract_strided_slice %reshape3A_20 {offsets = [8, 0, 0], sizes = [1, 256, 128], strides = [1, 1, 1]} : vector<12x256x128xf32> to vector<1x256x128xf32>
    %squeeze3A_859 = vector.shape_cast %slice3A_858 : vector<1x256x128xf32> to vector<256x128xf32>
    %mul3A_860 = arith.mulf %squeeze3A_857, %squeeze3A_859 : vector<256x128xf32>
    %dot_general3A_861 = arith.constant dense<0.000000e+00> : vector<256x8xf32>
    %dot_general3A_862 = tpu.matmul %mul3A_860, %convert_element_type3A_46, %dot_general3A_861 {dimension_numbers = #tpu.dot_dimension_numbers<[1], [0], [0], [1], [0, 0, 1, 1], [], []>, transpose_lhs_hint = false} : vector<256x128xf32>, vector<128x8xf32>, vector<256x8xf32> -> vector<256x8xf32>
    %slice3A_863 = vector.extract_strided_slice %reshape3A_19 {offsets = [9, 0, 0], sizes = [1, 256, 128], strides = [1, 1, 1]} : vector<12x256x128xf32> to vector<1x256x128xf32>
    %squeeze3A_864 = vector.shape_cast %slice3A_863 : vector<1x256x128xf32> to vector<256x128xf32>
    %slice3A_865 = vector.extract_strided_slice %reshape3A_20 {offsets = [9, 0, 0], sizes = [1, 256, 128], strides = [1, 1, 1]} : vector<12x256x128xf32> to vector<1x256x128xf32>
    %squeeze3A_866 = vector.shape_cast %slice3A_865 : vector<1x256x128xf32> to vector<256x128xf32>
    %mul3A_867 = arith.mulf %squeeze3A_864, %squeeze3A_866 : vector<256x128xf32>
    %dot_general3A_868 = arith.constant dense<0.000000e+00> : vector<256x8xf32>
    %dot_general3A_869 = tpu.matmul %mul3A_867, %convert_element_type3A_46, %dot_general3A_868 {dimension_numbers = #tpu.dot_dimension_numbers<[1], [0], [0], [1], [0, 0, 1, 1], [], []>, transpose_lhs_hint = false} : vector<256x128xf32>, vector<128x8xf32>, vector<256x8xf32> -> vector<256x8xf32>
    %slice3A_870 = vector.extract_strided_slice %reshape3A_19 {offsets = [9, 0, 0], sizes = [1, 256, 128], strides = [1, 1, 1]} : vector<12x256x128xf32> to vector<1x256x128xf32>
    %squeeze3A_871 = vector.shape_cast %slice3A_870 : vector<1x256x128xf32> to vector<256x128xf32>
    %slice3A_872 = vector.extract_strided_slice %reshape3A_20 {offsets = [10, 0, 0], sizes = [1, 256, 128], strides = [1, 1, 1]} : vector<12x256x128xf32> to vector<1x256x128xf32>
    %squeeze3A_873 = vector.shape_cast %slice3A_872 : vector<1x256x128xf32> to vector<256x128xf32>
    %mul3A_874 = arith.mulf %squeeze3A_871, %squeeze3A_873 : vector<256x128xf32>
    %dot_general3A_875 = arith.constant dense<0.000000e+00> : vector<256x8xf32>
    %dot_general3A_876 = tpu.matmul %mul3A_874, %convert_element_type3A_46, %dot_general3A_875 {dimension_numbers = #tpu.dot_dimension_numbers<[1], [0], [0], [1], [0, 0, 1, 1], [], []>, transpose_lhs_hint = false} : vector<256x128xf32>, vector<128x8xf32>, vector<256x8xf32> -> vector<256x8xf32>
    %slice3A_877 = vector.extract_strided_slice %reshape3A_19 {offsets = [9, 0, 0], sizes = [1, 256, 128], strides = [1, 1, 1]} : vector<12x256x128xf32> to vector<1x256x128xf32>
    %squeeze3A_878 = vector.shape_cast %slice3A_877 : vector<1x256x128xf32> to vector<256x128xf32>
    %slice3A_879 = vector.extract_strided_slice %reshape3A_20 {offsets = [11, 0, 0], sizes = [1, 256, 128], strides = [1, 1, 1]} : vector<12x256x128xf32> to vector<1x256x128xf32>
    %squeeze3A_880 = vector.shape_cast %slice3A_879 : vector<1x256x128xf32> to vector<256x128xf32>
    %mul3A_881 = arith.mulf %squeeze3A_878, %squeeze3A_880 : vector<256x128xf32>
    %dot_general3A_882 = arith.constant dense<0.000000e+00> : vector<256x8xf32>
    %dot_general3A_883 = tpu.matmul %mul3A_881, %convert_element_type3A_46, %dot_general3A_882 {dimension_numbers = #tpu.dot_dimension_numbers<[1], [0], [0], [1], [0, 0, 1, 1], [], []>, transpose_lhs_hint = false} : vector<256x128xf32>, vector<128x8xf32>, vector<256x8xf32> -> vector<256x8xf32>
    %slice3A_884 = vector.extract_strided_slice %reshape3A_19 {offsets = [10, 0, 0], sizes = [1, 256, 128], strides = [1, 1, 1]} : vector<12x256x128xf32> to vector<1x256x128xf32>
    %squeeze3A_885 = vector.shape_cast %slice3A_884 : vector<1x256x128xf32> to vector<256x128xf32>
    %slice3A_886 = vector.extract_strided_slice %reshape3A_20 {offsets = [0, 0, 0], sizes = [1, 256, 128], strides = [1, 1, 1]} : vector<12x256x128xf32> to vector<1x256x128xf32>
    %squeeze3A_887 = vector.shape_cast %slice3A_886 : vector<1x256x128xf32> to vector<256x128xf32>
    %mul3A_888 = arith.mulf %squeeze3A_885, %squeeze3A_887 : vector<256x128xf32>
    %dot_general3A_889 = arith.constant dense<0.000000e+00> : vector<256x8xf32>
    %dot_general3A_890 = tpu.matmul %mul3A_888, %convert_element_type3A_46, %dot_general3A_889 {dimension_numbers = #tpu.dot_dimension_numbers<[1], [0], [0], [1], [0, 0, 1, 1], [], []>, transpose_lhs_hint = false} : vector<256x128xf32>, vector<128x8xf32>, vector<256x8xf32> -> vector<256x8xf32>
    %slice3A_891 = vector.extract_strided_slice %reshape3A_19 {offsets = [10, 0, 0], sizes = [1, 256, 128], strides = [1, 1, 1]} : vector<12x256x128xf32> to vector<1x256x128xf32>
    %squeeze3A_892 = vector.shape_cast %slice3A_891 : vector<1x256x128xf32> to vector<256x128xf32>
    %slice3A_893 = vector.extract_strided_slice %reshape3A_20 {offsets = [1, 0, 0], sizes = [1, 256, 128], strides = [1, 1, 1]} : vector<12x256x128xf32> to vector<1x256x128xf32>
    %squeeze3A_894 = vector.shape_cast %slice3A_893 : vector<1x256x128xf32> to vector<256x128xf32>
    %mul3A_895 = arith.mulf %squeeze3A_892, %squeeze3A_894 : vector<256x128xf32>
    %dot_general3A_896 = arith.constant dense<0.000000e+00> : vector<256x8xf32>
    %dot_general3A_897 = tpu.matmul %mul3A_895, %convert_element_type3A_46, %dot_general3A_896 {dimension_numbers = #tpu.dot_dimension_numbers<[1], [0], [0], [1], [0, 0, 1, 1], [], []>, transpose_lhs_hint = false} : vector<256x128xf32>, vector<128x8xf32>, vector<256x8xf32> -> vector<256x8xf32>
    %slice3A_898 = vector.extract_strided_slice %reshape3A_19 {offsets = [10, 0, 0], sizes = [1, 256, 128], strides = [1, 1, 1]} : vector<12x256x128xf32> to vector<1x256x128xf32>
    %squeeze3A_899 = vector.shape_cast %slice3A_898 : vector<1x256x128xf32> to vector<256x128xf32>
    %slice3A_900 = vector.extract_strided_slice %reshape3A_20 {offsets = [2, 0, 0], sizes = [1, 256, 128], strides = [1, 1, 1]} : vector<12x256x128xf32> to vector<1x256x128xf32>
    %squeeze3A_901 = vector.shape_cast %slice3A_900 : vector<1x256x128xf32> to vector<256x128xf32>
    %mul3A_902 = arith.mulf %squeeze3A_899, %squeeze3A_901 : vector<256x128xf32>
    %dot_general3A_903 = arith.constant dense<0.000000e+00> : vector<256x8xf32>
    %dot_general3A_904 = tpu.matmul %mul3A_902, %convert_element_type3A_46, %dot_general3A_903 {dimension_numbers = #tpu.dot_dimension_numbers<[1], [0], [0], [1], [0, 0, 1, 1], [], []>, transpose_lhs_hint = false} : vector<256x128xf32>, vector<128x8xf32>, vector<256x8xf32> -> vector<256x8xf32>
    %slice3A_905 = vector.extract_strided_slice %reshape3A_19 {offsets = [10, 0, 0], sizes = [1, 256, 128], strides = [1, 1, 1]} : vector<12x256x128xf32> to vector<1x256x128xf32>
    %squeeze3A_906 = vector.shape_cast %slice3A_905 : vector<1x256x128xf32> to vector<256x128xf32>
    %slice3A_907 = vector.extract_strided_slice %reshape3A_20 {offsets = [3, 0, 0], sizes = [1, 256, 128], strides = [1, 1, 1]} : vector<12x256x128xf32> to vector<1x256x128xf32>
    %squeeze3A_908 = vector.shape_cast %slice3A_907 : vector<1x256x128xf32> to vector<256x128xf32>
    %mul3A_909 = arith.mulf %squeeze3A_906, %squeeze3A_908 : vector<256x128xf32>
    %dot_general3A_910 = arith.constant dense<0.000000e+00> : vector<256x8xf32>
    %dot_general3A_911 = tpu.matmul %mul3A_909, %convert_element_type3A_46, %dot_general3A_910 {dimension_numbers = #tpu.dot_dimension_numbers<[1], [0], [0], [1], [0, 0, 1, 1], [], []>, transpose_lhs_hint = false} : vector<256x128xf32>, vector<128x8xf32>, vector<256x8xf32> -> vector<256x8xf32>
    %slice3A_912 = vector.extract_strided_slice %reshape3A_19 {offsets = [10, 0, 0], sizes = [1, 256, 128], strides = [1, 1, 1]} : vector<12x256x128xf32> to vector<1x256x128xf32>
    %squeeze3A_913 = vector.shape_cast %slice3A_912 : vector<1x256x128xf32> to vector<256x128xf32>
    %slice3A_914 = vector.extract_strided_slice %reshape3A_20 {offsets = [4, 0, 0], sizes = [1, 256, 128], strides = [1, 1, 1]} : vector<12x256x128xf32> to vector<1x256x128xf32>
    %squeeze3A_915 = vector.shape_cast %slice3A_914 : vector<1x256x128xf32> to vector<256x128xf32>
    %mul3A_916 = arith.mulf %squeeze3A_913, %squeeze3A_915 : vector<256x128xf32>
    %dot_general3A_917 = arith.constant dense<0.000000e+00> : vector<256x8xf32>
    %dot_general3A_918 = tpu.matmul %mul3A_916, %convert_element_type3A_46, %dot_general3A_917 {dimension_numbers = #tpu.dot_dimension_numbers<[1], [0], [0], [1], [0, 0, 1, 1], [], []>, transpose_lhs_hint = false} : vector<256x128xf32>, vector<128x8xf32>, vector<256x8xf32> -> vector<256x8xf32>
    %slice3A_919 = vector.extract_strided_slice %reshape3A_19 {offsets = [10, 0, 0], sizes = [1, 256, 128], strides = [1, 1, 1]} : vector<12x256x128xf32> to vector<1x256x128xf32>
    %squeeze3A_920 = vector.shape_cast %slice3A_919 : vector<1x256x128xf32> to vector<256x128xf32>
    %slice3A_921 = vector.extract_strided_slice %reshape3A_20 {offsets = [5, 0, 0], sizes = [1, 256, 128], strides = [1, 1, 1]} : vector<12x256x128xf32> to vector<1x256x128xf32>
    %squeeze3A_922 = vector.shape_cast %slice3A_921 : vector<1x256x128xf32> to vector<256x128xf32>
    %mul3A_923 = arith.mulf %squeeze3A_920, %squeeze3A_922 : vector<256x128xf32>
    %dot_general3A_924 = arith.constant dense<0.000000e+00> : vector<256x8xf32>
    %dot_general3A_925 = tpu.matmul %mul3A_923, %convert_element_type3A_46, %dot_general3A_924 {dimension_numbers = #tpu.dot_dimension_numbers<[1], [0], [0], [1], [0, 0, 1, 1], [], []>, transpose_lhs_hint = false} : vector<256x128xf32>, vector<128x8xf32>, vector<256x8xf32> -> vector<256x8xf32>
    %slice3A_926 = vector.extract_strided_slice %reshape3A_19 {offsets = [10, 0, 0], sizes = [1, 256, 128], strides = [1, 1, 1]} : vector<12x256x128xf32> to vector<1x256x128xf32>
    %squeeze3A_927 = vector.shape_cast %slice3A_926 : vector<1x256x128xf32> to vector<256x128xf32>
    %slice3A_928 = vector.extract_strided_slice %reshape3A_20 {offsets = [6, 0, 0], sizes = [1, 256, 128], strides = [1, 1, 1]} : vector<12x256x128xf32> to vector<1x256x128xf32>
    %squeeze3A_929 = vector.shape_cast %slice3A_928 : vector<1x256x128xf32> to vector<256x128xf32>
    %mul3A_930 = arith.mulf %squeeze3A_927, %squeeze3A_929 : vector<256x128xf32>
    %dot_general3A_931 = arith.constant dense<0.000000e+00> : vector<256x8xf32>
    %dot_general3A_932 = tpu.matmul %mul3A_930, %convert_element_type3A_46, %dot_general3A_931 {dimension_numbers = #tpu.dot_dimension_numbers<[1], [0], [0], [1], [0, 0, 1, 1], [], []>, transpose_lhs_hint = false} : vector<256x128xf32>, vector<128x8xf32>, vector<256x8xf32> -> vector<256x8xf32>
    %slice3A_933 = vector.extract_strided_slice %reshape3A_19 {offsets = [10, 0, 0], sizes = [1, 256, 128], strides = [1, 1, 1]} : vector<12x256x128xf32> to vector<1x256x128xf32>
    %squeeze3A_934 = vector.shape_cast %slice3A_933 : vector<1x256x128xf32> to vector<256x128xf32>
    %slice3A_935 = vector.extract_strided_slice %reshape3A_20 {offsets = [7, 0, 0], sizes = [1, 256, 128], strides = [1, 1, 1]} : vector<12x256x128xf32> to vector<1x256x128xf32>
    %squeeze3A_936 = vector.shape_cast %slice3A_935 : vector<1x256x128xf32> to vector<256x128xf32>
    %mul3A_937 = arith.mulf %squeeze3A_934, %squeeze3A_936 : vector<256x128xf32>
    %dot_general3A_938 = arith.constant dense<0.000000e+00> : vector<256x8xf32>
    %dot_general3A_939 = tpu.matmul %mul3A_937, %convert_element_type3A_46, %dot_general3A_938 {dimension_numbers = #tpu.dot_dimension_numbers<[1], [0], [0], [1], [0, 0, 1, 1], [], []>, transpose_lhs_hint = false} : vector<256x128xf32>, vector<128x8xf32>, vector<256x8xf32> -> vector<256x8xf32>
    %slice3A_940 = vector.extract_strided_slice %reshape3A_19 {offsets = [10, 0, 0], sizes = [1, 256, 128], strides = [1, 1, 1]} : vector<12x256x128xf32> to vector<1x256x128xf32>
    %squeeze3A_941 = vector.shape_cast %slice3A_940 : vector<1x256x128xf32> to vector<256x128xf32>
    %slice3A_942 = vector.extract_strided_slice %reshape3A_20 {offsets = [8, 0, 0], sizes = [1, 256, 128], strides = [1, 1, 1]} : vector<12x256x128xf32> to vector<1x256x128xf32>
    %squeeze3A_943 = vector.shape_cast %slice3A_942 : vector<1x256x128xf32> to vector<256x128xf32>
    %mul3A_944 = arith.mulf %squeeze3A_941, %squeeze3A_943 : vector<256x128xf32>
    %dot_general3A_945 = arith.constant dense<0.000000e+00> : vector<256x8xf32>
    %dot_general3A_946 = tpu.matmul %mul3A_944, %convert_element_type3A_46, %dot_general3A_945 {dimension_numbers = #tpu.dot_dimension_numbers<[1], [0], [0], [1], [0, 0, 1, 1], [], []>, transpose_lhs_hint = false} : vector<256x128xf32>, vector<128x8xf32>, vector<256x8xf32> -> vector<256x8xf32>
    %slice3A_947 = vector.extract_strided_slice %reshape3A_19 {offsets = [10, 0, 0], sizes = [1, 256, 128], strides = [1, 1, 1]} : vector<12x256x128xf32> to vector<1x256x128xf32>
    %squeeze3A_948 = vector.shape_cast %slice3A_947 : vector<1x256x128xf32> to vector<256x128xf32>
    %slice3A_949 = vector.extract_strided_slice %reshape3A_20 {offsets = [9, 0, 0], sizes = [1, 256, 128], strides = [1, 1, 1]} : vector<12x256x128xf32> to vector<1x256x128xf32>
    %squeeze3A_950 = vector.shape_cast %slice3A_949 : vector<1x256x128xf32> to vector<256x128xf32>
    %mul3A_951 = arith.mulf %squeeze3A_948, %squeeze3A_950 : vector<256x128xf32>
    %dot_general3A_952 = arith.constant dense<0.000000e+00> : vector<256x8xf32>
    %dot_general3A_953 = tpu.matmul %mul3A_951, %convert_element_type3A_46, %dot_general3A_952 {dimension_numbers = #tpu.dot_dimension_numbers<[1], [0], [0], [1], [0, 0, 1, 1], [], []>, transpose_lhs_hint = false} : vector<256x128xf32>, vector<128x8xf32>, vector<256x8xf32> -> vector<256x8xf32>
    %slice3A_954 = vector.extract_strided_slice %reshape3A_19 {offsets = [10, 0, 0], sizes = [1, 256, 128], strides = [1, 1, 1]} : vector<12x256x128xf32> to vector<1x256x128xf32>
    %squeeze3A_955 = vector.shape_cast %slice3A_954 : vector<1x256x128xf32> to vector<256x128xf32>
    %slice3A_956 = vector.extract_strided_slice %reshape3A_20 {offsets = [10, 0, 0], sizes = [1, 256, 128], strides = [1, 1, 1]} : vector<12x256x128xf32> to vector<1x256x128xf32>
    %squeeze3A_957 = vector.shape_cast %slice3A_956 : vector<1x256x128xf32> to vector<256x128xf32>
    %mul3A_958 = arith.mulf %squeeze3A_955, %squeeze3A_957 : vector<256x128xf32>
    %dot_general3A_959 = arith.constant dense<0.000000e+00> : vector<256x8xf32>
    %dot_general3A_960 = tpu.matmul %mul3A_958, %convert_element_type3A_46, %dot_general3A_959 {dimension_numbers = #tpu.dot_dimension_numbers<[1], [0], [0], [1], [0, 0, 1, 1], [], []>, transpose_lhs_hint = false} : vector<256x128xf32>, vector<128x8xf32>, vector<256x8xf32> -> vector<256x8xf32>
    %slice3A_961 = vector.extract_strided_slice %reshape3A_19 {offsets = [10, 0, 0], sizes = [1, 256, 128], strides = [1, 1, 1]} : vector<12x256x128xf32> to vector<1x256x128xf32>
    %squeeze3A_962 = vector.shape_cast %slice3A_961 : vector<1x256x128xf32> to vector<256x128xf32>
    %slice3A_963 = vector.extract_strided_slice %reshape3A_20 {offsets = [11, 0, 0], sizes = [1, 256, 128], strides = [1, 1, 1]} : vector<12x256x128xf32> to vector<1x256x128xf32>
    %squeeze3A_964 = vector.shape_cast %slice3A_963 : vector<1x256x128xf32> to vector<256x128xf32>
    %mul3A_965 = arith.mulf %squeeze3A_962, %squeeze3A_964 : vector<256x128xf32>
    %dot_general3A_966 = arith.constant dense<0.000000e+00> : vector<256x8xf32>
    %dot_general3A_967 = tpu.matmul %mul3A_965, %convert_element_type3A_46, %dot_general3A_966 {dimension_numbers = #tpu.dot_dimension_numbers<[1], [0], [0], [1], [0, 0, 1, 1], [], []>, transpose_lhs_hint = false} : vector<256x128xf32>, vector<128x8xf32>, vector<256x8xf32> -> vector<256x8xf32>
    %slice3A_968 = vector.extract_strided_slice %reshape3A_19 {offsets = [11, 0, 0], sizes = [1, 256, 128], strides = [1, 1, 1]} : vector<12x256x128xf32> to vector<1x256x128xf32>
    %squeeze3A_969 = vector.shape_cast %slice3A_968 : vector<1x256x128xf32> to vector<256x128xf32>
    %slice3A_970 = vector.extract_strided_slice %reshape3A_20 {offsets = [0, 0, 0], sizes = [1, 256, 128], strides = [1, 1, 1]} : vector<12x256x128xf32> to vector<1x256x128xf32>
    %squeeze3A_971 = vector.shape_cast %slice3A_970 : vector<1x256x128xf32> to vector<256x128xf32>
    %mul3A_972 = arith.mulf %squeeze3A_969, %squeeze3A_971 : vector<256x128xf32>
    %dot_general3A_973 = arith.constant dense<0.000000e+00> : vector<256x8xf32>
    %dot_general3A_974 = tpu.matmul %mul3A_972, %convert_element_type3A_46, %dot_general3A_973 {dimension_numbers = #tpu.dot_dimension_numbers<[1], [0], [0], [1], [0, 0, 1, 1], [], []>, transpose_lhs_hint = false} : vector<256x128xf32>, vector<128x8xf32>, vector<256x8xf32> -> vector<256x8xf32>
    %slice3A_975 = vector.extract_strided_slice %reshape3A_19 {offsets = [11, 0, 0], sizes = [1, 256, 128], strides = [1, 1, 1]} : vector<12x256x128xf32> to vector<1x256x128xf32>
    %squeeze3A_976 = vector.shape_cast %slice3A_975 : vector<1x256x128xf32> to vector<256x128xf32>
    %slice3A_977 = vector.extract_strided_slice %reshape3A_20 {offsets = [1, 0, 0], sizes = [1, 256, 128], strides = [1, 1, 1]} : vector<12x256x128xf32> to vector<1x256x128xf32>
    %squeeze3A_978 = vector.shape_cast %slice3A_977 : vector<1x256x128xf32> to vector<256x128xf32>
    %mul3A_979 = arith.mulf %squeeze3A_976, %squeeze3A_978 : vector<256x128xf32>
    %dot_general3A_980 = arith.constant dense<0.000000e+00> : vector<256x8xf32>
    %dot_general3A_981 = tpu.matmul %mul3A_979, %convert_element_type3A_46, %dot_general3A_980 {dimension_numbers = #tpu.dot_dimension_numbers<[1], [0], [0], [1], [0, 0, 1, 1], [], []>, transpose_lhs_hint = false} : vector<256x128xf32>, vector<128x8xf32>, vector<256x8xf32> -> vector<256x8xf32>
    %slice3A_982 = vector.extract_strided_slice %reshape3A_19 {offsets = [11, 0, 0], sizes = [1, 256, 128], strides = [1, 1, 1]} : vector<12x256x128xf32> to vector<1x256x128xf32>
    %squeeze3A_983 = vector.shape_cast %slice3A_982 : vector<1x256x128xf32> to vector<256x128xf32>
    %slice3A_984 = vector.extract_strided_slice %reshape3A_20 {offsets = [2, 0, 0], sizes = [1, 256, 128], strides = [1, 1, 1]} : vector<12x256x128xf32> to vector<1x256x128xf32>
    %squeeze3A_985 = vector.shape_cast %slice3A_984 : vector<1x256x128xf32> to vector<256x128xf32>
    %mul3A_986 = arith.mulf %squeeze3A_983, %squeeze3A_985 : vector<256x128xf32>
    %dot_general3A_987 = arith.constant dense<0.000000e+00> : vector<256x8xf32>
    %dot_general3A_988 = tpu.matmul %mul3A_986, %convert_element_type3A_46, %dot_general3A_987 {dimension_numbers = #tpu.dot_dimension_numbers<[1], [0], [0], [1], [0, 0, 1, 1], [], []>, transpose_lhs_hint = false} : vector<256x128xf32>, vector<128x8xf32>, vector<256x8xf32> -> vector<256x8xf32>
    %slice3A_989 = vector.extract_strided_slice %reshape3A_19 {offsets = [11, 0, 0], sizes = [1, 256, 128], strides = [1, 1, 1]} : vector<12x256x128xf32> to vector<1x256x128xf32>
    %squeeze3A_990 = vector.shape_cast %slice3A_989 : vector<1x256x128xf32> to vector<256x128xf32>
    %slice3A_991 = vector.extract_strided_slice %reshape3A_20 {offsets = [3, 0, 0], sizes = [1, 256, 128], strides = [1, 1, 1]} : vector<12x256x128xf32> to vector<1x256x128xf32>
    %squeeze3A_992 = vector.shape_cast %slice3A_991 : vector<1x256x128xf32> to vector<256x128xf32>
    %mul3A_993 = arith.mulf %squeeze3A_990, %squeeze3A_992 : vector<256x128xf32>
    %dot_general3A_994 = arith.constant dense<0.000000e+00> : vector<256x8xf32>
    %dot_general3A_995 = tpu.matmul %mul3A_993, %convert_element_type3A_46, %dot_general3A_994 {dimension_numbers = #tpu.dot_dimension_numbers<[1], [0], [0], [1], [0, 0, 1, 1], [], []>, transpose_lhs_hint = false} : vector<256x128xf32>, vector<128x8xf32>, vector<256x8xf32> -> vector<256x8xf32>
    %slice3A_996 = vector.extract_strided_slice %reshape3A_19 {offsets = [11, 0, 0], sizes = [1, 256, 128], strides = [1, 1, 1]} : vector<12x256x128xf32> to vector<1x256x128xf32>
    %squeeze3A_997 = vector.shape_cast %slice3A_996 : vector<1x256x128xf32> to vector<256x128xf32>
    %slice3A_998 = vector.extract_strided_slice %reshape3A_20 {offsets = [4, 0, 0], sizes = [1, 256, 128], strides = [1, 1, 1]} : vector<12x256x128xf32> to vector<1x256x128xf32>
    %squeeze3A_999 = vector.shape_cast %slice3A_998 : vector<1x256x128xf32> to vector<256x128xf32>
    %mul3A_1000 = arith.mulf %squeeze3A_997, %squeeze3A_999 : vector<256x128xf32>
    %dot_general3A_1001 = arith.constant dense<0.000000e+00> : vector<256x8xf32>
    %dot_general3A_1002 = tpu.matmul %mul3A_1000, %convert_element_type3A_46, %dot_general3A_1001 {dimension_numbers = #tpu.dot_dimension_numbers<[1], [0], [0], [1], [0, 0, 1, 1], [], []>, transpose_lhs_hint = false} : vector<256x128xf32>, vector<128x8xf32>, vector<256x8xf32> -> vector<256x8xf32>
    %slice3A_1003 = vector.extract_strided_slice %reshape3A_19 {offsets = [11, 0, 0], sizes = [1, 256, 128], strides = [1, 1, 1]} : vector<12x256x128xf32> to vector<1x256x128xf32>
    %squeeze3A_1004 = vector.shape_cast %slice3A_1003 : vector<1x256x128xf32> to vector<256x128xf32>
    %slice3A_1005 = vector.extract_strided_slice %reshape3A_20 {offsets = [5, 0, 0], sizes = [1, 256, 128], strides = [1, 1, 1]} : vector<12x256x128xf32> to vector<1x256x128xf32>
    %squeeze3A_1006 = vector.shape_cast %slice3A_1005 : vector<1x256x128xf32> to vector<256x128xf32>
    %mul3A_1007 = arith.mulf %squeeze3A_1004, %squeeze3A_1006 : vector<256x128xf32>
    %dot_general3A_1008 = arith.constant dense<0.000000e+00> : vector<256x8xf32>
    %dot_general3A_1009 = tpu.matmul %mul3A_1007, %convert_element_type3A_46, %dot_general3A_1008 {dimension_numbers = #tpu.dot_dimension_numbers<[1], [0], [0], [1], [0, 0, 1, 1], [], []>, transpose_lhs_hint = false} : vector<256x128xf32>, vector<128x8xf32>, vector<256x8xf32> -> vector<256x8xf32>
    %slice3A_1010 = vector.extract_strided_slice %reshape3A_19 {offsets = [11, 0, 0], sizes = [1, 256, 128], strides = [1, 1, 1]} : vector<12x256x128xf32> to vector<1x256x128xf32>
    %squeeze3A_1011 = vector.shape_cast %slice3A_1010 : vector<1x256x128xf32> to vector<256x128xf32>
    %slice3A_1012 = vector.extract_strided_slice %reshape3A_20 {offsets = [6, 0, 0], sizes = [1, 256, 128], strides = [1, 1, 1]} : vector<12x256x128xf32> to vector<1x256x128xf32>
    %squeeze3A_1013 = vector.shape_cast %slice3A_1012 : vector<1x256x128xf32> to vector<256x128xf32>
    %mul3A_1014 = arith.mulf %squeeze3A_1011, %squeeze3A_1013 : vector<256x128xf32>
    %dot_general3A_1015 = arith.constant dense<0.000000e+00> : vector<256x8xf32>
    %dot_general3A_1016 = tpu.matmul %mul3A_1014, %convert_element_type3A_46, %dot_general3A_1015 {dimension_numbers = #tpu.dot_dimension_numbers<[1], [0], [0], [1], [0, 0, 1, 1], [], []>, transpose_lhs_hint = false} : vector<256x128xf32>, vector<128x8xf32>, vector<256x8xf32> -> vector<256x8xf32>
    %slice3A_1017 = vector.extract_strided_slice %reshape3A_19 {offsets = [11, 0, 0], sizes = [1, 256, 128], strides = [1, 1, 1]} : vector<12x256x128xf32> to vector<1x256x128xf32>
    %squeeze3A_1018 = vector.shape_cast %slice3A_1017 : vector<1x256x128xf32> to vector<256x128xf32>
    %slice3A_1019 = vector.extract_strided_slice %reshape3A_20 {offsets = [7, 0, 0], sizes = [1, 256, 128], strides = [1, 1, 1]} : vector<12x256x128xf32> to vector<1x256x128xf32>
    %squeeze3A_1020 = vector.shape_cast %slice3A_1019 : vector<1x256x128xf32> to vector<256x128xf32>
    %mul3A_1021 = arith.mulf %squeeze3A_1018, %squeeze3A_1020 : vector<256x128xf32>
    %dot_general3A_1022 = arith.constant dense<0.000000e+00> : vector<256x8xf32>
    %dot_general3A_1023 = tpu.matmul %mul3A_1021, %convert_element_type3A_46, %dot_general3A_1022 {dimension_numbers = #tpu.dot_dimension_numbers<[1], [0], [0], [1], [0, 0, 1, 1], [], []>, transpose_lhs_hint = false} : vector<256x128xf32>, vector<128x8xf32>, vector<256x8xf32> -> vector<256x8xf32>
    %slice3A_1024 = vector.extract_strided_slice %reshape3A_19 {offsets = [11, 0, 0], sizes = [1, 256, 128], strides = [1, 1, 1]} : vector<12x256x128xf32> to vector<1x256x128xf32>
    %squeeze3A_1025 = vector.shape_cast %slice3A_1024 : vector<1x256x128xf32> to vector<256x128xf32>
    %slice3A_1026 = vector.extract_strided_slice %reshape3A_20 {offsets = [8, 0, 0], sizes = [1, 256, 128], strides = [1, 1, 1]} : vector<12x256x128xf32> to vector<1x256x128xf32>
    %squeeze3A_1027 = vector.shape_cast %slice3A_1026 : vector<1x256x128xf32> to vector<256x128xf32>
    %mul3A_1028 = arith.mulf %squeeze3A_1025, %squeeze3A_1027 : vector<256x128xf32>
    %dot_general3A_1029 = arith.constant dense<0.000000e+00> : vector<256x8xf32>
    %dot_general3A_1030 = tpu.matmul %mul3A_1028, %convert_element_type3A_46, %dot_general3A_1029 {dimension_numbers = #tpu.dot_dimension_numbers<[1], [0], [0], [1], [0, 0, 1, 1], [], []>, transpose_lhs_hint = false} : vector<256x128xf32>, vector<128x8xf32>, vector<256x8xf32> -> vector<256x8xf32>
    %slice3A_1031 = vector.extract_strided_slice %reshape3A_19 {offsets = [11, 0, 0], sizes = [1, 256, 128], strides = [1, 1, 1]} : vector<12x256x128xf32> to vector<1x256x128xf32>
    %squeeze3A_1032 = vector.shape_cast %slice3A_1031 : vector<1x256x128xf32> to vector<256x128xf32>
    %slice3A_1033 = vector.extract_strided_slice %reshape3A_20 {offsets = [9, 0, 0], sizes = [1, 256, 128], strides = [1, 1, 1]} : vector<12x256x128xf32> to vector<1x256x128xf32>
    %squeeze3A_1034 = vector.shape_cast %slice3A_1033 : vector<1x256x128xf32> to vector<256x128xf32>
    %mul3A_1035 = arith.mulf %squeeze3A_1032, %squeeze3A_1034 : vector<256x128xf32>
    %dot_general3A_1036 = arith.constant dense<0.000000e+00> : vector<256x8xf32>
    %dot_general3A_1037 = tpu.matmul %mul3A_1035, %convert_element_type3A_46, %dot_general3A_1036 {dimension_numbers = #tpu.dot_dimension_numbers<[1], [0], [0], [1], [0, 0, 1, 1], [], []>, transpose_lhs_hint = false} : vector<256x128xf32>, vector<128x8xf32>, vector<256x8xf32> -> vector<256x8xf32>
    %slice3A_1038 = vector.extract_strided_slice %reshape3A_19 {offsets = [11, 0, 0], sizes = [1, 256, 128], strides = [1, 1, 1]} : vector<12x256x128xf32> to vector<1x256x128xf32>
    %squeeze3A_1039 = vector.shape_cast %slice3A_1038 : vector<1x256x128xf32> to vector<256x128xf32>
    %slice3A_1040 = vector.extract_strided_slice %reshape3A_20 {offsets = [10, 0, 0], sizes = [1, 256, 128], strides = [1, 1, 1]} : vector<12x256x128xf32> to vector<1x256x128xf32>
    %squeeze3A_1041 = vector.shape_cast %slice3A_1040 : vector<1x256x128xf32> to vector<256x128xf32>
    %mul3A_1042 = arith.mulf %squeeze3A_1039, %squeeze3A_1041 : vector<256x128xf32>
    %dot_general3A_1043 = arith.constant dense<0.000000e+00> : vector<256x8xf32>
    %dot_general3A_1044 = tpu.matmul %mul3A_1042, %convert_element_type3A_46, %dot_general3A_1043 {dimension_numbers = #tpu.dot_dimension_numbers<[1], [0], [0], [1], [0, 0, 1, 1], [], []>, transpose_lhs_hint = false} : vector<256x128xf32>, vector<128x8xf32>, vector<256x8xf32> -> vector<256x8xf32>
    %slice3A_1045 = vector.extract_strided_slice %reshape3A_19 {offsets = [11, 0, 0], sizes = [1, 256, 128], strides = [1, 1, 1]} : vector<12x256x128xf32> to vector<1x256x128xf32>
    %squeeze3A_1046 = vector.shape_cast %slice3A_1045 : vector<1x256x128xf32> to vector<256x128xf32>
    %slice3A_1047 = vector.extract_strided_slice %reshape3A_20 {offsets = [11, 0, 0], sizes = [1, 256, 128], strides = [1, 1, 1]} : vector<12x256x128xf32> to vector<1x256x128xf32>
    %squeeze3A_1048 = vector.shape_cast %slice3A_1047 : vector<1x256x128xf32> to vector<256x128xf32>
    %mul3A_1049 = arith.mulf %squeeze3A_1046, %squeeze3A_1048 : vector<256x128xf32>
    %dot_general3A_1050 = arith.constant dense<0.000000e+00> : vector<256x8xf32>
    %dot_general3A_1051 = tpu.matmul %mul3A_1049, %convert_element_type3A_46, %dot_general3A_1050 {dimension_numbers = #tpu.dot_dimension_numbers<[1], [0], [0], [1], [0, 0, 1, 1], [], []>, transpose_lhs_hint = false} : vector<256x128xf32>, vector<128x8xf32>, vector<256x8xf32> -> vector<256x8xf32>
    %max3A = arith.maximumf %dot_general3A_50, %dot_general3A_57 : vector<256x8xf32>
    %max3A_1052 = arith.maximumf %max3A, %dot_general3A_64 : vector<256x8xf32>
    %max3A_1053 = arith.maximumf %max3A_1052, %dot_general3A_71 : vector<256x8xf32>
    %max3A_1054 = arith.maximumf %max3A_1053, %dot_general3A_78 : vector<256x8xf32>
    %max3A_1055 = arith.maximumf %max3A_1054, %dot_general3A_85 : vector<256x8xf32>
    %max3A_1056 = arith.maximumf %max3A_1055, %dot_general3A_92 : vector<256x8xf32>
    %max3A_1057 = arith.maximumf %max3A_1056, %dot_general3A_99 : vector<256x8xf32>
    %max3A_1058 = arith.maximumf %max3A_1057, %dot_general3A_106 : vector<256x8xf32>
    %max3A_1059 = arith.maximumf %max3A_1058, %dot_general3A_113 : vector<256x8xf32>
    %max3A_1060 = arith.maximumf %max3A_1059, %dot_general3A_120 : vector<256x8xf32>
    %max3A_1061 = arith.maximumf %max3A_1060, %dot_general3A_127 : vector<256x8xf32>
    %sub3A_1062 = arith.subf %dot_general3A_50, %max3A_1061 : vector<256x8xf32>
    %exp3A = math.exp %sub3A_1062 : vector<256x8xf32>
    %sub3A_1063 = arith.subf %dot_general3A_57, %max3A_1061 : vector<256x8xf32>
    %exp3A_1064 = math.exp %sub3A_1063 : vector<256x8xf32>
    %sub3A_1065 = arith.subf %dot_general3A_64, %max3A_1061 : vector<256x8xf32>
    %exp3A_1066 = math.exp %sub3A_1065 : vector<256x8xf32>
    %sub3A_1067 = arith.subf %dot_general3A_71, %max3A_1061 : vector<256x8xf32>
    %exp3A_1068 = math.exp %sub3A_1067 : vector<256x8xf32>
    %sub3A_1069 = arith.subf %dot_general3A_78, %max3A_1061 : vector<256x8xf32>
    %exp3A_1070 = math.exp %sub3A_1069 : vector<256x8xf32>
    %sub3A_1071 = arith.subf %dot_general3A_85, %max3A_1061 : vector<256x8xf32>
    %exp3A_1072 = math.exp %sub3A_1071 : vector<256x8xf32>
    %sub3A_1073 = arith.subf %dot_general3A_92, %max3A_1061 : vector<256x8xf32>
    %exp3A_1074 = math.exp %sub3A_1073 : vector<256x8xf32>
    %sub3A_1075 = arith.subf %dot_general3A_99, %max3A_1061 : vector<256x8xf32>
    %exp3A_1076 = math.exp %sub3A_1075 : vector<256x8xf32>
    %sub3A_1077 = arith.subf %dot_general3A_106, %max3A_1061 : vector<256x8xf32>
    %exp3A_1078 = math.exp %sub3A_1077 : vector<256x8xf32>
    %sub3A_1079 = arith.subf %dot_general3A_113, %max3A_1061 : vector<256x8xf32>
    %exp3A_1080 = math.exp %sub3A_1079 : vector<256x8xf32>
    %sub3A_1081 = arith.subf %dot_general3A_120, %max3A_1061 : vector<256x8xf32>
    %exp3A_1082 = math.exp %sub3A_1081 : vector<256x8xf32>
    %sub3A_1083 = arith.subf %dot_general3A_127, %max3A_1061 : vector<256x8xf32>
    %exp3A_1084 = math.exp %sub3A_1083 : vector<256x8xf32>
    %add3A = arith.addf %exp3A, %exp3A_1064 : vector<256x8xf32>
    %add3A_1085 = arith.addf %add3A, %exp3A_1066 : vector<256x8xf32>
    %add3A_1086 = arith.addf %add3A_1085, %exp3A_1068 : vector<256x8xf32>
    %add3A_1087 = arith.addf %add3A_1086, %exp3A_1070 : vector<256x8xf32>
    %add3A_1088 = arith.addf %add3A_1087, %exp3A_1072 : vector<256x8xf32>
    %add3A_1089 = arith.addf %add3A_1088, %exp3A_1074 : vector<256x8xf32>
    %add3A_1090 = arith.addf %add3A_1089, %exp3A_1076 : vector<256x8xf32>
    %add3A_1091 = arith.addf %add3A_1090, %exp3A_1078 : vector<256x8xf32>
    %add3A_1092 = arith.addf %add3A_1091, %exp3A_1080 : vector<256x8xf32>
    %add3A_1093 = arith.addf %add3A_1092, %exp3A_1082 : vector<256x8xf32>
    %add3A_1094 = arith.addf %add3A_1093, %exp3A_1084 : vector<256x8xf32>
    %div3A_1095 = arith.constant 1.000000e+00 : f32
    %div3A_1096 = vector.broadcast %div3A_1095 : f32 to vector<256x8xf32>
    %div3A_1097 = arith.divf %div3A_1096, %add3A_1094 : vector<256x8xf32>
    %mul3A_1098 = arith.mulf %exp3A, %div3A_1097 : vector<256x8xf32>
    %dot_general3A_1099 = arith.constant dense<0.000000e+00> : vector<256x128xf32>
    %dot_general3A_1100 = tpu.matmul %mul3A_1098, %transpose3A, %dot_general3A_1099 {dimension_numbers = #tpu.dot_dimension_numbers<[1], [0], [0], [1], [0, 0, 1, 1], [], []>, transpose_lhs_hint = false} : vector<256x8xf32>, vector<8x128xf32>, vector<256x128xf32> -> vector<256x128xf32>
    %slice3A_1101 = vector.extract_strided_slice %reshape3A_21 {offsets = [0, 0, 0], sizes = [1, 256, 128], strides = [1, 1, 1]} : vector<12x256x128xf32> to vector<1x256x128xf32>
    %squeeze3A_1102 = vector.shape_cast %slice3A_1101 : vector<1x256x128xf32> to vector<256x128xf32>
    %mul3A_1103 = arith.mulf %dot_general3A_1100, %squeeze3A_1102 : vector<256x128xf32>
    %mul3A_1104 = arith.mulf %exp3A_1064, %div3A_1097 : vector<256x8xf32>
    %dot_general3A_1105 = arith.constant dense<0.000000e+00> : vector<256x128xf32>
    %dot_general3A_1106 = tpu.matmul %mul3A_1104, %transpose3A, %dot_general3A_1105 {dimension_numbers = #tpu.dot_dimension_numbers<[1], [0], [0], [1], [0, 0, 1, 1], [], []>, transpose_lhs_hint = false} : vector<256x8xf32>, vector<8x128xf32>, vector<256x128xf32> -> vector<256x128xf32>
    %slice3A_1107 = vector.extract_strided_slice %reshape3A_21 {offsets = [1, 0, 0], sizes = [1, 256, 128], strides = [1, 1, 1]} : vector<12x256x128xf32> to vector<1x256x128xf32>
    %squeeze3A_1108 = vector.shape_cast %slice3A_1107 : vector<1x256x128xf32> to vector<256x128xf32>
    %mul3A_1109 = arith.mulf %dot_general3A_1106, %squeeze3A_1108 : vector<256x128xf32>
    %add3A_1110 = arith.addf %mul3A_1103, %mul3A_1109 : vector<256x128xf32>
    %mul3A_1111 = arith.mulf %exp3A_1066, %div3A_1097 : vector<256x8xf32>
    %dot_general3A_1112 = arith.constant dense<0.000000e+00> : vector<256x128xf32>
    %dot_general3A_1113 = tpu.matmul %mul3A_1111, %transpose3A, %dot_general3A_1112 {dimension_numbers = #tpu.dot_dimension_numbers<[1], [0], [0], [1], [0, 0, 1, 1], [], []>, transpose_lhs_hint = false} : vector<256x8xf32>, vector<8x128xf32>, vector<256x128xf32> -> vector<256x128xf32>
    %slice3A_1114 = vector.extract_strided_slice %reshape3A_21 {offsets = [2, 0, 0], sizes = [1, 256, 128], strides = [1, 1, 1]} : vector<12x256x128xf32> to vector<1x256x128xf32>
    %squeeze3A_1115 = vector.shape_cast %slice3A_1114 : vector<1x256x128xf32> to vector<256x128xf32>
    %mul3A_1116 = arith.mulf %dot_general3A_1113, %squeeze3A_1115 : vector<256x128xf32>
    %add3A_1117 = arith.addf %add3A_1110, %mul3A_1116 : vector<256x128xf32>
    %mul3A_1118 = arith.mulf %exp3A_1068, %div3A_1097 : vector<256x8xf32>
    %dot_general3A_1119 = arith.constant dense<0.000000e+00> : vector<256x128xf32>
    %dot_general3A_1120 = tpu.matmul %mul3A_1118, %transpose3A, %dot_general3A_1119 {dimension_numbers = #tpu.dot_dimension_numbers<[1], [0], [0], [1], [0, 0, 1, 1], [], []>, transpose_lhs_hint = false} : vector<256x8xf32>, vector<8x128xf32>, vector<256x128xf32> -> vector<256x128xf32>
    %slice3A_1121 = vector.extract_strided_slice %reshape3A_21 {offsets = [3, 0, 0], sizes = [1, 256, 128], strides = [1, 1, 1]} : vector<12x256x128xf32> to vector<1x256x128xf32>
    %squeeze3A_1122 = vector.shape_cast %slice3A_1121 : vector<1x256x128xf32> to vector<256x128xf32>
    %mul3A_1123 = arith.mulf %dot_general3A_1120, %squeeze3A_1122 : vector<256x128xf32>
    %add3A_1124 = arith.addf %add3A_1117, %mul3A_1123 : vector<256x128xf32>
    %mul3A_1125 = arith.mulf %exp3A_1070, %div3A_1097 : vector<256x8xf32>
    %dot_general3A_1126 = arith.constant dense<0.000000e+00> : vector<256x128xf32>
    %dot_general3A_1127 = tpu.matmul %mul3A_1125, %transpose3A, %dot_general3A_1126 {dimension_numbers = #tpu.dot_dimension_numbers<[1], [0], [0], [1], [0, 0, 1, 1], [], []>, transpose_lhs_hint = false} : vector<256x8xf32>, vector<8x128xf32>, vector<256x128xf32> -> vector<256x128xf32>
    %slice3A_1128 = vector.extract_strided_slice %reshape3A_21 {offsets = [4, 0, 0], sizes = [1, 256, 128], strides = [1, 1, 1]} : vector<12x256x128xf32> to vector<1x256x128xf32>
    %squeeze3A_1129 = vector.shape_cast %slice3A_1128 : vector<1x256x128xf32> to vector<256x128xf32>
    %mul3A_1130 = arith.mulf %dot_general3A_1127, %squeeze3A_1129 : vector<256x128xf32>
    %add3A_1131 = arith.addf %add3A_1124, %mul3A_1130 : vector<256x128xf32>
    %mul3A_1132 = arith.mulf %exp3A_1072, %div3A_1097 : vector<256x8xf32>
    %dot_general3A_1133 = arith.constant dense<0.000000e+00> : vector<256x128xf32>
    %dot_general3A_1134 = tpu.matmul %mul3A_1132, %transpose3A, %dot_general3A_1133 {dimension_numbers = #tpu.dot_dimension_numbers<[1], [0], [0], [1], [0, 0, 1, 1], [], []>, transpose_lhs_hint = false} : vector<256x8xf32>, vector<8x128xf32>, vector<256x128xf32> -> vector<256x128xf32>
    %slice3A_1135 = vector.extract_strided_slice %reshape3A_21 {offsets = [5, 0, 0], sizes = [1, 256, 128], strides = [1, 1, 1]} : vector<12x256x128xf32> to vector<1x256x128xf32>
    %squeeze3A_1136 = vector.shape_cast %slice3A_1135 : vector<1x256x128xf32> to vector<256x128xf32>
    %mul3A_1137 = arith.mulf %dot_general3A_1134, %squeeze3A_1136 : vector<256x128xf32>
    %add3A_1138 = arith.addf %add3A_1131, %mul3A_1137 : vector<256x128xf32>
    %mul3A_1139 = arith.mulf %exp3A_1074, %div3A_1097 : vector<256x8xf32>
    %dot_general3A_1140 = arith.constant dense<0.000000e+00> : vector<256x128xf32>
    %dot_general3A_1141 = tpu.matmul %mul3A_1139, %transpose3A, %dot_general3A_1140 {dimension_numbers = #tpu.dot_dimension_numbers<[1], [0], [0], [1], [0, 0, 1, 1], [], []>, transpose_lhs_hint = false} : vector<256x8xf32>, vector<8x128xf32>, vector<256x128xf32> -> vector<256x128xf32>
    %slice3A_1142 = vector.extract_strided_slice %reshape3A_21 {offsets = [6, 0, 0], sizes = [1, 256, 128], strides = [1, 1, 1]} : vector<12x256x128xf32> to vector<1x256x128xf32>
    %squeeze3A_1143 = vector.shape_cast %slice3A_1142 : vector<1x256x128xf32> to vector<256x128xf32>
    %mul3A_1144 = arith.mulf %dot_general3A_1141, %squeeze3A_1143 : vector<256x128xf32>
    %add3A_1145 = arith.addf %add3A_1138, %mul3A_1144 : vector<256x128xf32>
    %mul3A_1146 = arith.mulf %exp3A_1076, %div3A_1097 : vector<256x8xf32>
    %dot_general3A_1147 = arith.constant dense<0.000000e+00> : vector<256x128xf32>
    %dot_general3A_1148 = tpu.matmul %mul3A_1146, %transpose3A, %dot_general3A_1147 {dimension_numbers = #tpu.dot_dimension_numbers<[1], [0], [0], [1], [0, 0, 1, 1], [], []>, transpose_lhs_hint = false} : vector<256x8xf32>, vector<8x128xf32>, vector<256x128xf32> -> vector<256x128xf32>
    %slice3A_1149 = vector.extract_strided_slice %reshape3A_21 {offsets = [7, 0, 0], sizes = [1, 256, 128], strides = [1, 1, 1]} : vector<12x256x128xf32> to vector<1x256x128xf32>
    %squeeze3A_1150 = vector.shape_cast %slice3A_1149 : vector<1x256x128xf32> to vector<256x128xf32>
    %mul3A_1151 = arith.mulf %dot_general3A_1148, %squeeze3A_1150 : vector<256x128xf32>
    %add3A_1152 = arith.addf %add3A_1145, %mul3A_1151 : vector<256x128xf32>
    %mul3A_1153 = arith.mulf %exp3A_1078, %div3A_1097 : vector<256x8xf32>
    %dot_general3A_1154 = arith.constant dense<0.000000e+00> : vector<256x128xf32>
    %dot_general3A_1155 = tpu.matmul %mul3A_1153, %transpose3A, %dot_general3A_1154 {dimension_numbers = #tpu.dot_dimension_numbers<[1], [0], [0], [1], [0, 0, 1, 1], [], []>, transpose_lhs_hint = false} : vector<256x8xf32>, vector<8x128xf32>, vector<256x128xf32> -> vector<256x128xf32>
    %slice3A_1156 = vector.extract_strided_slice %reshape3A_21 {offsets = [8, 0, 0], sizes = [1, 256, 128], strides = [1, 1, 1]} : vector<12x256x128xf32> to vector<1x256x128xf32>
    %squeeze3A_1157 = vector.shape_cast %slice3A_1156 : vector<1x256x128xf32> to vector<256x128xf32>
    %mul3A_1158 = arith.mulf %dot_general3A_1155, %squeeze3A_1157 : vector<256x128xf32>
    %add3A_1159 = arith.addf %add3A_1152, %mul3A_1158 : vector<256x128xf32>
    %mul3A_1160 = arith.mulf %exp3A_1080, %div3A_1097 : vector<256x8xf32>
    %dot_general3A_1161 = arith.constant dense<0.000000e+00> : vector<256x128xf32>
    %dot_general3A_1162 = tpu.matmul %mul3A_1160, %transpose3A, %dot_general3A_1161 {dimension_numbers = #tpu.dot_dimension_numbers<[1], [0], [0], [1], [0, 0, 1, 1], [], []>, transpose_lhs_hint = false} : vector<256x8xf32>, vector<8x128xf32>, vector<256x128xf32> -> vector<256x128xf32>
    %slice3A_1163 = vector.extract_strided_slice %reshape3A_21 {offsets = [9, 0, 0], sizes = [1, 256, 128], strides = [1, 1, 1]} : vector<12x256x128xf32> to vector<1x256x128xf32>
    %squeeze3A_1164 = vector.shape_cast %slice3A_1163 : vector<1x256x128xf32> to vector<256x128xf32>
    %mul3A_1165 = arith.mulf %dot_general3A_1162, %squeeze3A_1164 : vector<256x128xf32>
    %add3A_1166 = arith.addf %add3A_1159, %mul3A_1165 : vector<256x128xf32>
    %mul3A_1167 = arith.mulf %exp3A_1082, %div3A_1097 : vector<256x8xf32>
    %dot_general3A_1168 = arith.constant dense<0.000000e+00> : vector<256x128xf32>
    %dot_general3A_1169 = tpu.matmul %mul3A_1167, %transpose3A, %dot_general3A_1168 {dimension_numbers = #tpu.dot_dimension_numbers<[1], [0], [0], [1], [0, 0, 1, 1], [], []>, transpose_lhs_hint = false} : vector<256x8xf32>, vector<8x128xf32>, vector<256x128xf32> -> vector<256x128xf32>
    %slice3A_1170 = vector.extract_strided_slice %reshape3A_21 {offsets = [10, 0, 0], sizes = [1, 256, 128], strides = [1, 1, 1]} : vector<12x256x128xf32> to vector<1x256x128xf32>
    %squeeze3A_1171 = vector.shape_cast %slice3A_1170 : vector<1x256x128xf32> to vector<256x128xf32>
    %mul3A_1172 = arith.mulf %dot_general3A_1169, %squeeze3A_1171 : vector<256x128xf32>
    %add3A_1173 = arith.addf %add3A_1166, %mul3A_1172 : vector<256x128xf32>
    %mul3A_1174 = arith.mulf %exp3A_1084, %div3A_1097 : vector<256x8xf32>
    %dot_general3A_1175 = arith.constant dense<0.000000e+00> : vector<256x128xf32>
    %dot_general3A_1176 = tpu.matmul %mul3A_1174, %transpose3A, %dot_general3A_1175 {dimension_numbers = #tpu.dot_dimension_numbers<[1], [0], [0], [1], [0, 0, 1, 1], [], []>, transpose_lhs_hint = false} : vector<256x8xf32>, vector<8x128xf32>, vector<256x128xf32> -> vector<256x128xf32>
    %slice3A_1177 = vector.extract_strided_slice %reshape3A_21 {offsets = [11, 0, 0], sizes = [1, 256, 128], strides = [1, 1, 1]} : vector<12x256x128xf32> to vector<1x256x128xf32>
    %squeeze3A_1178 = vector.shape_cast %slice3A_1177 : vector<1x256x128xf32> to vector<256x128xf32>
    %mul3A_1179 = arith.mulf %dot_general3A_1176, %squeeze3A_1178 : vector<256x128xf32>
    %add3A_1180 = arith.addf %add3A_1173, %mul3A_1179 : vector<256x128xf32>
    %max3A_1181 = arith.maximumf %dot_general3A_134, %dot_general3A_141 : vector<256x8xf32>
    %max3A_1182 = arith.maximumf %max3A_1181, %dot_general3A_148 : vector<256x8xf32>
    %max3A_1183 = arith.maximumf %max3A_1182, %dot_general3A_155 : vector<256x8xf32>
    %max3A_1184 = arith.maximumf %max3A_1183, %dot_general3A_162 : vector<256x8xf32>
    %max3A_1185 = arith.maximumf %max3A_1184, %dot_general3A_169 : vector<256x8xf32>
    %max3A_1186 = arith.maximumf %max3A_1185, %dot_general3A_176 : vector<256x8xf32>
    %max3A_1187 = arith.maximumf %max3A_1186, %dot_general3A_183 : vector<256x8xf32>
    %max3A_1188 = arith.maximumf %max3A_1187, %dot_general3A_190 : vector<256x8xf32>
    %max3A_1189 = arith.maximumf %max3A_1188, %dot_general3A_197 : vector<256x8xf32>
    %max3A_1190 = arith.maximumf %max3A_1189, %dot_general3A_204 : vector<256x8xf32>
    %max3A_1191 = arith.maximumf %max3A_1190, %dot_general3A_211 : vector<256x8xf32>
    %sub3A_1192 = arith.subf %dot_general3A_134, %max3A_1191 : vector<256x8xf32>
    %exp3A_1193 = math.exp %sub3A_1192 : vector<256x8xf32>
    %sub3A_1194 = arith.subf %dot_general3A_141, %max3A_1191 : vector<256x8xf32>
    %exp3A_1195 = math.exp %sub3A_1194 : vector<256x8xf32>
    %sub3A_1196 = arith.subf %dot_general3A_148, %max3A_1191 : vector<256x8xf32>
    %exp3A_1197 = math.exp %sub3A_1196 : vector<256x8xf32>
    %sub3A_1198 = arith.subf %dot_general3A_155, %max3A_1191 : vector<256x8xf32>
    %exp3A_1199 = math.exp %sub3A_1198 : vector<256x8xf32>
    %sub3A_1200 = arith.subf %dot_general3A_162, %max3A_1191 : vector<256x8xf32>
    %exp3A_1201 = math.exp %sub3A_1200 : vector<256x8xf32>
    %sub3A_1202 = arith.subf %dot_general3A_169, %max3A_1191 : vector<256x8xf32>
    %exp3A_1203 = math.exp %sub3A_1202 : vector<256x8xf32>
    %sub3A_1204 = arith.subf %dot_general3A_176, %max3A_1191 : vector<256x8xf32>
    %exp3A_1205 = math.exp %sub3A_1204 : vector<256x8xf32>
    %sub3A_1206 = arith.subf %dot_general3A_183, %max3A_1191 : vector<256x8xf32>
    %exp3A_1207 = math.exp %sub3A_1206 : vector<256x8xf32>
    %sub3A_1208 = arith.subf %dot_general3A_190, %max3A_1191 : vector<256x8xf32>
    %exp3A_1209 = math.exp %sub3A_1208 : vector<256x8xf32>
    %sub3A_1210 = arith.subf %dot_general3A_197, %max3A_1191 : vector<256x8xf32>
    %exp3A_1211 = math.exp %sub3A_1210 : vector<256x8xf32>
    %sub3A_1212 = arith.subf %dot_general3A_204, %max3A_1191 : vector<256x8xf32>
    %exp3A_1213 = math.exp %sub3A_1212 : vector<256x8xf32>
    %sub3A_1214 = arith.subf %dot_general3A_211, %max3A_1191 : vector<256x8xf32>
    %exp3A_1215 = math.exp %sub3A_1214 : vector<256x8xf32>
    %add3A_1216 = arith.addf %exp3A_1193, %exp3A_1195 : vector<256x8xf32>
    %add3A_1217 = arith.addf %add3A_1216, %exp3A_1197 : vector<256x8xf32>
    %add3A_1218 = arith.addf %add3A_1217, %exp3A_1199 : vector<256x8xf32>
    %add3A_1219 = arith.addf %add3A_1218, %exp3A_1201 : vector<256x8xf32>
    %add3A_1220 = arith.addf %add3A_1219, %exp3A_1203 : vector<256x8xf32>
    %add3A_1221 = arith.addf %add3A_1220, %exp3A_1205 : vector<256x8xf32>
    %add3A_1222 = arith.addf %add3A_1221, %exp3A_1207 : vector<256x8xf32>
    %add3A_1223 = arith.addf %add3A_1222, %exp3A_1209 : vector<256x8xf32>
    %add3A_1224 = arith.addf %add3A_1223, %exp3A_1211 : vector<256x8xf32>
    %add3A_1225 = arith.addf %add3A_1224, %exp3A_1213 : vector<256x8xf32>
    %add3A_1226 = arith.addf %add3A_1225, %exp3A_1215 : vector<256x8xf32>
    %div3A_1227 = arith.constant 1.000000e+00 : f32
    %div3A_1228 = vector.broadcast %div3A_1227 : f32 to vector<256x8xf32>
    %div3A_1229 = arith.divf %div3A_1228, %add3A_1226 : vector<256x8xf32>
    %mul3A_1230 = arith.mulf %exp3A_1193, %div3A_1229 : vector<256x8xf32>
    %dot_general3A_1231 = arith.constant dense<0.000000e+00> : vector<256x128xf32>
    %dot_general3A_1232 = tpu.matmul %mul3A_1230, %transpose3A, %dot_general3A_1231 {dimension_numbers = #tpu.dot_dimension_numbers<[1], [0], [0], [1], [0, 0, 1, 1], [], []>, transpose_lhs_hint = false} : vector<256x8xf32>, vector<8x128xf32>, vector<256x128xf32> -> vector<256x128xf32>
    %slice3A_1233 = vector.extract_strided_slice %reshape3A_21 {offsets = [0, 0, 0], sizes = [1, 256, 128], strides = [1, 1, 1]} : vector<12x256x128xf32> to vector<1x256x128xf32>
    %squeeze3A_1234 = vector.shape_cast %slice3A_1233 : vector<1x256x128xf32> to vector<256x128xf32>
    %mul3A_1235 = arith.mulf %dot_general3A_1232, %squeeze3A_1234 : vector<256x128xf32>
    %mul3A_1236 = arith.mulf %exp3A_1195, %div3A_1229 : vector<256x8xf32>
    %dot_general3A_1237 = arith.constant dense<0.000000e+00> : vector<256x128xf32>
    %dot_general3A_1238 = tpu.matmul %mul3A_1236, %transpose3A, %dot_general3A_1237 {dimension_numbers = #tpu.dot_dimension_numbers<[1], [0], [0], [1], [0, 0, 1, 1], [], []>, transpose_lhs_hint = false} : vector<256x8xf32>, vector<8x128xf32>, vector<256x128xf32> -> vector<256x128xf32>
    %slice3A_1239 = vector.extract_strided_slice %reshape3A_21 {offsets = [1, 0, 0], sizes = [1, 256, 128], strides = [1, 1, 1]} : vector<12x256x128xf32> to vector<1x256x128xf32>
    %squeeze3A_1240 = vector.shape_cast %slice3A_1239 : vector<1x256x128xf32> to vector<256x128xf32>
    %mul3A_1241 = arith.mulf %dot_general3A_1238, %squeeze3A_1240 : vector<256x128xf32>
    %add3A_1242 = arith.addf %mul3A_1235, %mul3A_1241 : vector<256x128xf32>
    %mul3A_1243 = arith.mulf %exp3A_1197, %div3A_1229 : vector<256x8xf32>
    %dot_general3A_1244 = arith.constant dense<0.000000e+00> : vector<256x128xf32>
    %dot_general3A_1245 = tpu.matmul %mul3A_1243, %transpose3A, %dot_general3A_1244 {dimension_numbers = #tpu.dot_dimension_numbers<[1], [0], [0], [1], [0, 0, 1, 1], [], []>, transpose_lhs_hint = false} : vector<256x8xf32>, vector<8x128xf32>, vector<256x128xf32> -> vector<256x128xf32>
    %slice3A_1246 = vector.extract_strided_slice %reshape3A_21 {offsets = [2, 0, 0], sizes = [1, 256, 128], strides = [1, 1, 1]} : vector<12x256x128xf32> to vector<1x256x128xf32>
    %squeeze3A_1247 = vector.shape_cast %slice3A_1246 : vector<1x256x128xf32> to vector<256x128xf32>
    %mul3A_1248 = arith.mulf %dot_general3A_1245, %squeeze3A_1247 : vector<256x128xf32>
    %add3A_1249 = arith.addf %add3A_1242, %mul3A_1248 : vector<256x128xf32>
    %mul3A_1250 = arith.mulf %exp3A_1199, %div3A_1229 : vector<256x8xf32>
    %dot_general3A_1251 = arith.constant dense<0.000000e+00> : vector<256x128xf32>
    %dot_general3A_1252 = tpu.matmul %mul3A_1250, %transpose3A, %dot_general3A_1251 {dimension_numbers = #tpu.dot_dimension_numbers<[1], [0], [0], [1], [0, 0, 1, 1], [], []>, transpose_lhs_hint = false} : vector<256x8xf32>, vector<8x128xf32>, vector<256x128xf32> -> vector<256x128xf32>
    %slice3A_1253 = vector.extract_strided_slice %reshape3A_21 {offsets = [3, 0, 0], sizes = [1, 256, 128], strides = [1, 1, 1]} : vector<12x256x128xf32> to vector<1x256x128xf32>
    %squeeze3A_1254 = vector.shape_cast %slice3A_1253 : vector<1x256x128xf32> to vector<256x128xf32>
    %mul3A_1255 = arith.mulf %dot_general3A_1252, %squeeze3A_1254 : vector<256x128xf32>
    %add3A_1256 = arith.addf %add3A_1249, %mul3A_1255 : vector<256x128xf32>
    %mul3A_1257 = arith.mulf %exp3A_1201, %div3A_1229 : vector<256x8xf32>
    %dot_general3A_1258 = arith.constant dense<0.000000e+00> : vector<256x128xf32>
    %dot_general3A_1259 = tpu.matmul %mul3A_1257, %transpose3A, %dot_general3A_1258 {dimension_numbers = #tpu.dot_dimension_numbers<[1], [0], [0], [1], [0, 0, 1, 1], [], []>, transpose_lhs_hint = false} : vector<256x8xf32>, vector<8x128xf32>, vector<256x128xf32> -> vector<256x128xf32>
    %slice3A_1260 = vector.extract_strided_slice %reshape3A_21 {offsets = [4, 0, 0], sizes = [1, 256, 128], strides = [1, 1, 1]} : vector<12x256x128xf32> to vector<1x256x128xf32>
    %squeeze3A_1261 = vector.shape_cast %slice3A_1260 : vector<1x256x128xf32> to vector<256x128xf32>
    %mul3A_1262 = arith.mulf %dot_general3A_1259, %squeeze3A_1261 : vector<256x128xf32>
    %add3A_1263 = arith.addf %add3A_1256, %mul3A_1262 : vector<256x128xf32>
    %mul3A_1264 = arith.mulf %exp3A_1203, %div3A_1229 : vector<256x8xf32>
    %dot_general3A_1265 = arith.constant dense<0.000000e+00> : vector<256x128xf32>
    %dot_general3A_1266 = tpu.matmul %mul3A_1264, %transpose3A, %dot_general3A_1265 {dimension_numbers = #tpu.dot_dimension_numbers<[1], [0], [0], [1], [0, 0, 1, 1], [], []>, transpose_lhs_hint = false} : vector<256x8xf32>, vector<8x128xf32>, vector<256x128xf32> -> vector<256x128xf32>
    %slice3A_1267 = vector.extract_strided_slice %reshape3A_21 {offsets = [5, 0, 0], sizes = [1, 256, 128], strides = [1, 1, 1]} : vector<12x256x128xf32> to vector<1x256x128xf32>
    %squeeze3A_1268 = vector.shape_cast %slice3A_1267 : vector<1x256x128xf32> to vector<256x128xf32>
    %mul3A_1269 = arith.mulf %dot_general3A_1266, %squeeze3A_1268 : vector<256x128xf32>
    %add3A_1270 = arith.addf %add3A_1263, %mul3A_1269 : vector<256x128xf32>
    %mul3A_1271 = arith.mulf %exp3A_1205, %div3A_1229 : vector<256x8xf32>
    %dot_general3A_1272 = arith.constant dense<0.000000e+00> : vector<256x128xf32>
    %dot_general3A_1273 = tpu.matmul %mul3A_1271, %transpose3A, %dot_general3A_1272 {dimension_numbers = #tpu.dot_dimension_numbers<[1], [0], [0], [1], [0, 0, 1, 1], [], []>, transpose_lhs_hint = false} : vector<256x8xf32>, vector<8x128xf32>, vector<256x128xf32> -> vector<256x128xf32>
    %slice3A_1274 = vector.extract_strided_slice %reshape3A_21 {offsets = [6, 0, 0], sizes = [1, 256, 128], strides = [1, 1, 1]} : vector<12x256x128xf32> to vector<1x256x128xf32>
    %squeeze3A_1275 = vector.shape_cast %slice3A_1274 : vector<1x256x128xf32> to vector<256x128xf32>
    %mul3A_1276 = arith.mulf %dot_general3A_1273, %squeeze3A_1275 : vector<256x128xf32>
    %add3A_1277 = arith.addf %add3A_1270, %mul3A_1276 : vector<256x128xf32>
    %mul3A_1278 = arith.mulf %exp3A_1207, %div3A_1229 : vector<256x8xf32>
    %dot_general3A_1279 = arith.constant dense<0.000000e+00> : vector<256x128xf32>
    %dot_general3A_1280 = tpu.matmul %mul3A_1278, %transpose3A, %dot_general3A_1279 {dimension_numbers = #tpu.dot_dimension_numbers<[1], [0], [0], [1], [0, 0, 1, 1], [], []>, transpose_lhs_hint = false} : vector<256x8xf32>, vector<8x128xf32>, vector<256x128xf32> -> vector<256x128xf32>
    %slice3A_1281 = vector.extract_strided_slice %reshape3A_21 {offsets = [7, 0, 0], sizes = [1, 256, 128], strides = [1, 1, 1]} : vector<12x256x128xf32> to vector<1x256x128xf32>
    %squeeze3A_1282 = vector.shape_cast %slice3A_1281 : vector<1x256x128xf32> to vector<256x128xf32>
    %mul3A_1283 = arith.mulf %dot_general3A_1280, %squeeze3A_1282 : vector<256x128xf32>
    %add3A_1284 = arith.addf %add3A_1277, %mul3A_1283 : vector<256x128xf32>
    %mul3A_1285 = arith.mulf %exp3A_1209, %div3A_1229 : vector<256x8xf32>
    %dot_general3A_1286 = arith.constant dense<0.000000e+00> : vector<256x128xf32>
    %dot_general3A_1287 = tpu.matmul %mul3A_1285, %transpose3A, %dot_general3A_1286 {dimension_numbers = #tpu.dot_dimension_numbers<[1], [0], [0], [1], [0, 0, 1, 1], [], []>, transpose_lhs_hint = false} : vector<256x8xf32>, vector<8x128xf32>, vector<256x128xf32> -> vector<256x128xf32>
    %slice3A_1288 = vector.extract_strided_slice %reshape3A_21 {offsets = [8, 0, 0], sizes = [1, 256, 128], strides = [1, 1, 1]} : vector<12x256x128xf32> to vector<1x256x128xf32>
    %squeeze3A_1289 = vector.shape_cast %slice3A_1288 : vector<1x256x128xf32> to vector<256x128xf32>
    %mul3A_1290 = arith.mulf %dot_general3A_1287, %squeeze3A_1289 : vector<256x128xf32>
    %add3A_1291 = arith.addf %add3A_1284, %mul3A_1290 : vector<256x128xf32>
    %mul3A_1292 = arith.mulf %exp3A_1211, %div3A_1229 : vector<256x8xf32>
    %dot_general3A_1293 = arith.constant dense<0.000000e+00> : vector<256x128xf32>
    %dot_general3A_1294 = tpu.matmul %mul3A_1292, %transpose3A, %dot_general3A_1293 {dimension_numbers = #tpu.dot_dimension_numbers<[1], [0], [0], [1], [0, 0, 1, 1], [], []>, transpose_lhs_hint = false} : vector<256x8xf32>, vector<8x128xf32>, vector<256x128xf32> -> vector<256x128xf32>
    %slice3A_1295 = vector.extract_strided_slice %reshape3A_21 {offsets = [9, 0, 0], sizes = [1, 256, 128], strides = [1, 1, 1]} : vector<12x256x128xf32> to vector<1x256x128xf32>
    %squeeze3A_1296 = vector.shape_cast %slice3A_1295 : vector<1x256x128xf32> to vector<256x128xf32>
    %mul3A_1297 = arith.mulf %dot_general3A_1294, %squeeze3A_1296 : vector<256x128xf32>
    %add3A_1298 = arith.addf %add3A_1291, %mul3A_1297 : vector<256x128xf32>
    %mul3A_1299 = arith.mulf %exp3A_1213, %div3A_1229 : vector<256x8xf32>
    %dot_general3A_1300 = arith.constant dense<0.000000e+00> : vector<256x128xf32>
    %dot_general3A_1301 = tpu.matmul %mul3A_1299, %transpose3A, %dot_general3A_1300 {dimension_numbers = #tpu.dot_dimension_numbers<[1], [0], [0], [1], [0, 0, 1, 1], [], []>, transpose_lhs_hint = false} : vector<256x8xf32>, vector<8x128xf32>, vector<256x128xf32> -> vector<256x128xf32>
    %slice3A_1302 = vector.extract_strided_slice %reshape3A_21 {offsets = [10, 0, 0], sizes = [1, 256, 128], strides = [1, 1, 1]} : vector<12x256x128xf32> to vector<1x256x128xf32>
    %squeeze3A_1303 = vector.shape_cast %slice3A_1302 : vector<1x256x128xf32> to vector<256x128xf32>
    %mul3A_1304 = arith.mulf %dot_general3A_1301, %squeeze3A_1303 : vector<256x128xf32>
    %add3A_1305 = arith.addf %add3A_1298, %mul3A_1304 : vector<256x128xf32>
    %mul3A_1306 = arith.mulf %exp3A_1215, %div3A_1229 : vector<256x8xf32>
    %dot_general3A_1307 = arith.constant dense<0.000000e+00> : vector<256x128xf32>
    %dot_general3A_1308 = tpu.matmul %mul3A_1306, %transpose3A, %dot_general3A_1307 {dimension_numbers = #tpu.dot_dimension_numbers<[1], [0], [0], [1], [0, 0, 1, 1], [], []>, transpose_lhs_hint = false} : vector<256x8xf32>, vector<8x128xf32>, vector<256x128xf32> -> vector<256x128xf32>
    %slice3A_1309 = vector.extract_strided_slice %reshape3A_21 {offsets = [11, 0, 0], sizes = [1, 256, 128], strides = [1, 1, 1]} : vector<12x256x128xf32> to vector<1x256x128xf32>
    %squeeze3A_1310 = vector.shape_cast %slice3A_1309 : vector<1x256x128xf32> to vector<256x128xf32>
    %mul3A_1311 = arith.mulf %dot_general3A_1308, %squeeze3A_1310 : vector<256x128xf32>
    %add3A_1312 = arith.addf %add3A_1305, %mul3A_1311 : vector<256x128xf32>
    %max3A_1313 = arith.maximumf %dot_general3A_218, %dot_general3A_225 : vector<256x8xf32>
    %max3A_1314 = arith.maximumf %max3A_1313, %dot_general3A_232 : vector<256x8xf32>
    %max3A_1315 = arith.maximumf %max3A_1314, %dot_general3A_239 : vector<256x8xf32>
    %max3A_1316 = arith.maximumf %max3A_1315, %dot_general3A_246 : vector<256x8xf32>
    %max3A_1317 = arith.maximumf %max3A_1316, %dot_general3A_253 : vector<256x8xf32>
    %max3A_1318 = arith.maximumf %max3A_1317, %dot_general3A_260 : vector<256x8xf32>
    %max3A_1319 = arith.maximumf %max3A_1318, %dot_general3A_267 : vector<256x8xf32>
    %max3A_1320 = arith.maximumf %max3A_1319, %dot_general3A_274 : vector<256x8xf32>
    %max3A_1321 = arith.maximumf %max3A_1320, %dot_general3A_281 : vector<256x8xf32>
    %max3A_1322 = arith.maximumf %max3A_1321, %dot_general3A_288 : vector<256x8xf32>
    %max3A_1323 = arith.maximumf %max3A_1322, %dot_general3A_295 : vector<256x8xf32>
    %sub3A_1324 = arith.subf %dot_general3A_218, %max3A_1323 : vector<256x8xf32>
    %exp3A_1325 = math.exp %sub3A_1324 : vector<256x8xf32>
    %sub3A_1326 = arith.subf %dot_general3A_225, %max3A_1323 : vector<256x8xf32>
    %exp3A_1327 = math.exp %sub3A_1326 : vector<256x8xf32>
    %sub3A_1328 = arith.subf %dot_general3A_232, %max3A_1323 : vector<256x8xf32>
    %exp3A_1329 = math.exp %sub3A_1328 : vector<256x8xf32>
    %sub3A_1330 = arith.subf %dot_general3A_239, %max3A_1323 : vector<256x8xf32>
    %exp3A_1331 = math.exp %sub3A_1330 : vector<256x8xf32>
    %sub3A_1332 = arith.subf %dot_general3A_246, %max3A_1323 : vector<256x8xf32>
    %exp3A_1333 = math.exp %sub3A_1332 : vector<256x8xf32>
    %sub3A_1334 = arith.subf %dot_general3A_253, %max3A_1323 : vector<256x8xf32>
    %exp3A_1335 = math.exp %sub3A_1334 : vector<256x8xf32>
    %sub3A_1336 = arith.subf %dot_general3A_260, %max3A_1323 : vector<256x8xf32>
    %exp3A_1337 = math.exp %sub3A_1336 : vector<256x8xf32>
    %sub3A_1338 = arith.subf %dot_general3A_267, %max3A_1323 : vector<256x8xf32>
    %exp3A_1339 = math.exp %sub3A_1338 : vector<256x8xf32>
    %sub3A_1340 = arith.subf %dot_general3A_274, %max3A_1323 : vector<256x8xf32>
    %exp3A_1341 = math.exp %sub3A_1340 : vector<256x8xf32>
    %sub3A_1342 = arith.subf %dot_general3A_281, %max3A_1323 : vector<256x8xf32>
    %exp3A_1343 = math.exp %sub3A_1342 : vector<256x8xf32>
    %sub3A_1344 = arith.subf %dot_general3A_288, %max3A_1323 : vector<256x8xf32>
    %exp3A_1345 = math.exp %sub3A_1344 : vector<256x8xf32>
    %sub3A_1346 = arith.subf %dot_general3A_295, %max3A_1323 : vector<256x8xf32>
    %exp3A_1347 = math.exp %sub3A_1346 : vector<256x8xf32>
    %add3A_1348 = arith.addf %exp3A_1325, %exp3A_1327 : vector<256x8xf32>
    %add3A_1349 = arith.addf %add3A_1348, %exp3A_1329 : vector<256x8xf32>
    %add3A_1350 = arith.addf %add3A_1349, %exp3A_1331 : vector<256x8xf32>
    %add3A_1351 = arith.addf %add3A_1350, %exp3A_1333 : vector<256x8xf32>
    %add3A_1352 = arith.addf %add3A_1351, %exp3A_1335 : vector<256x8xf32>
    %add3A_1353 = arith.addf %add3A_1352, %exp3A_1337 : vector<256x8xf32>
    %add3A_1354 = arith.addf %add3A_1353, %exp3A_1339 : vector<256x8xf32>
    %add3A_1355 = arith.addf %add3A_1354, %exp3A_1341 : vector<256x8xf32>
    %add3A_1356 = arith.addf %add3A_1355, %exp3A_1343 : vector<256x8xf32>
    %add3A_1357 = arith.addf %add3A_1356, %exp3A_1345 : vector<256x8xf32>
    %add3A_1358 = arith.addf %add3A_1357, %exp3A_1347 : vector<256x8xf32>
    %div3A_1359 = arith.constant 1.000000e+00 : f32
    %div3A_1360 = vector.broadcast %div3A_1359 : f32 to vector<256x8xf32>
    %div3A_1361 = arith.divf %div3A_1360, %add3A_1358 : vector<256x8xf32>
    %mul3A_1362 = arith.mulf %exp3A_1325, %div3A_1361 : vector<256x8xf32>
    %dot_general3A_1363 = arith.constant dense<0.000000e+00> : vector<256x128xf32>
    %dot_general3A_1364 = tpu.matmul %mul3A_1362, %transpose3A, %dot_general3A_1363 {dimension_numbers = #tpu.dot_dimension_numbers<[1], [0], [0], [1], [0, 0, 1, 1], [], []>, transpose_lhs_hint = false} : vector<256x8xf32>, vector<8x128xf32>, vector<256x128xf32> -> vector<256x128xf32>
    %slice3A_1365 = vector.extract_strided_slice %reshape3A_21 {offsets = [0, 0, 0], sizes = [1, 256, 128], strides = [1, 1, 1]} : vector<12x256x128xf32> to vector<1x256x128xf32>
    %squeeze3A_1366 = vector.shape_cast %slice3A_1365 : vector<1x256x128xf32> to vector<256x128xf32>
    %mul3A_1367 = arith.mulf %dot_general3A_1364, %squeeze3A_1366 : vector<256x128xf32>
    %mul3A_1368 = arith.mulf %exp3A_1327, %div3A_1361 : vector<256x8xf32>
    %dot_general3A_1369 = arith.constant dense<0.000000e+00> : vector<256x128xf32>
    %dot_general3A_1370 = tpu.matmul %mul3A_1368, %transpose3A, %dot_general3A_1369 {dimension_numbers = #tpu.dot_dimension_numbers<[1], [0], [0], [1], [0, 0, 1, 1], [], []>, transpose_lhs_hint = false} : vector<256x8xf32>, vector<8x128xf32>, vector<256x128xf32> -> vector<256x128xf32>
    %slice3A_1371 = vector.extract_strided_slice %reshape3A_21 {offsets = [1, 0, 0], sizes = [1, 256, 128], strides = [1, 1, 1]} : vector<12x256x128xf32> to vector<1x256x128xf32>
    %squeeze3A_1372 = vector.shape_cast %slice3A_1371 : vector<1x256x128xf32> to vector<256x128xf32>
    %mul3A_1373 = arith.mulf %dot_general3A_1370, %squeeze3A_1372 : vector<256x128xf32>
    %add3A_1374 = arith.addf %mul3A_1367, %mul3A_1373 : vector<256x128xf32>
    %mul3A_1375 = arith.mulf %exp3A_1329, %div3A_1361 : vector<256x8xf32>
    %dot_general3A_1376 = arith.constant dense<0.000000e+00> : vector<256x128xf32>
    %dot_general3A_1377 = tpu.matmul %mul3A_1375, %transpose3A, %dot_general3A_1376 {dimension_numbers = #tpu.dot_dimension_numbers<[1], [0], [0], [1], [0, 0, 1, 1], [], []>, transpose_lhs_hint = false} : vector<256x8xf32>, vector<8x128xf32>, vector<256x128xf32> -> vector<256x128xf32>
    %slice3A_1378 = vector.extract_strided_slice %reshape3A_21 {offsets = [2, 0, 0], sizes = [1, 256, 128], strides = [1, 1, 1]} : vector<12x256x128xf32> to vector<1x256x128xf32>
    %squeeze3A_1379 = vector.shape_cast %slice3A_1378 : vector<1x256x128xf32> to vector<256x128xf32>
    %mul3A_1380 = arith.mulf %dot_general3A_1377, %squeeze3A_1379 : vector<256x128xf32>
    %add3A_1381 = arith.addf %add3A_1374, %mul3A_1380 : vector<256x128xf32>
    %mul3A_1382 = arith.mulf %exp3A_1331, %div3A_1361 : vector<256x8xf32>
    %dot_general3A_1383 = arith.constant dense<0.000000e+00> : vector<256x128xf32>
    %dot_general3A_1384 = tpu.matmul %mul3A_1382, %transpose3A, %dot_general3A_1383 {dimension_numbers = #tpu.dot_dimension_numbers<[1], [0], [0], [1], [0, 0, 1, 1], [], []>, transpose_lhs_hint = false} : vector<256x8xf32>, vector<8x128xf32>, vector<256x128xf32> -> vector<256x128xf32>
    %slice3A_1385 = vector.extract_strided_slice %reshape3A_21 {offsets = [3, 0, 0], sizes = [1, 256, 128], strides = [1, 1, 1]} : vector<12x256x128xf32> to vector<1x256x128xf32>
    %squeeze3A_1386 = vector.shape_cast %slice3A_1385 : vector<1x256x128xf32> to vector<256x128xf32>
    %mul3A_1387 = arith.mulf %dot_general3A_1384, %squeeze3A_1386 : vector<256x128xf32>
    %add3A_1388 = arith.addf %add3A_1381, %mul3A_1387 : vector<256x128xf32>
    %mul3A_1389 = arith.mulf %exp3A_1333, %div3A_1361 : vector<256x8xf32>
    %dot_general3A_1390 = arith.constant dense<0.000000e+00> : vector<256x128xf32>
    %dot_general3A_1391 = tpu.matmul %mul3A_1389, %transpose3A, %dot_general3A_1390 {dimension_numbers = #tpu.dot_dimension_numbers<[1], [0], [0], [1], [0, 0, 1, 1], [], []>, transpose_lhs_hint = false} : vector<256x8xf32>, vector<8x128xf32>, vector<256x128xf32> -> vector<256x128xf32>
    %slice3A_1392 = vector.extract_strided_slice %reshape3A_21 {offsets = [4, 0, 0], sizes = [1, 256, 128], strides = [1, 1, 1]} : vector<12x256x128xf32> to vector<1x256x128xf32>
    %squeeze3A_1393 = vector.shape_cast %slice3A_1392 : vector<1x256x128xf32> to vector<256x128xf32>
    %mul3A_1394 = arith.mulf %dot_general3A_1391, %squeeze3A_1393 : vector<256x128xf32>
    %add3A_1395 = arith.addf %add3A_1388, %mul3A_1394 : vector<256x128xf32>
    %mul3A_1396 = arith.mulf %exp3A_1335, %div3A_1361 : vector<256x8xf32>
    %dot_general3A_1397 = arith.constant dense<0.000000e+00> : vector<256x128xf32>
    %dot_general3A_1398 = tpu.matmul %mul3A_1396, %transpose3A, %dot_general3A_1397 {dimension_numbers = #tpu.dot_dimension_numbers<[1], [0], [0], [1], [0, 0, 1, 1], [], []>, transpose_lhs_hint = false} : vector<256x8xf32>, vector<8x128xf32>, vector<256x128xf32> -> vector<256x128xf32>
    %slice3A_1399 = vector.extract_strided_slice %reshape3A_21 {offsets = [5, 0, 0], sizes = [1, 256, 128], strides = [1, 1, 1]} : vector<12x256x128xf32> to vector<1x256x128xf32>
    %squeeze3A_1400 = vector.shape_cast %slice3A_1399 : vector<1x256x128xf32> to vector<256x128xf32>
    %mul3A_1401 = arith.mulf %dot_general3A_1398, %squeeze3A_1400 : vector<256x128xf32>
    %add3A_1402 = arith.addf %add3A_1395, %mul3A_1401 : vector<256x128xf32>
    %mul3A_1403 = arith.mulf %exp3A_1337, %div3A_1361 : vector<256x8xf32>
    %dot_general3A_1404 = arith.constant dense<0.000000e+00> : vector<256x128xf32>
    %dot_general3A_1405 = tpu.matmul %mul3A_1403, %transpose3A, %dot_general3A_1404 {dimension_numbers = #tpu.dot_dimension_numbers<[1], [0], [0], [1], [0, 0, 1, 1], [], []>, transpose_lhs_hint = false} : vector<256x8xf32>, vector<8x128xf32>, vector<256x128xf32> -> vector<256x128xf32>
    %slice3A_1406 = vector.extract_strided_slice %reshape3A_21 {offsets = [6, 0, 0], sizes = [1, 256, 128], strides = [1, 1, 1]} : vector<12x256x128xf32> to vector<1x256x128xf32>
    %squeeze3A_1407 = vector.shape_cast %slice3A_1406 : vector<1x256x128xf32> to vector<256x128xf32>
    %mul3A_1408 = arith.mulf %dot_general3A_1405, %squeeze3A_1407 : vector<256x128xf32>
    %add3A_1409 = arith.addf %add3A_1402, %mul3A_1408 : vector<256x128xf32>
    %mul3A_1410 = arith.mulf %exp3A_1339, %div3A_1361 : vector<256x8xf32>
    %dot_general3A_1411 = arith.constant dense<0.000000e+00> : vector<256x128xf32>
    %dot_general3A_1412 = tpu.matmul %mul3A_1410, %transpose3A, %dot_general3A_1411 {dimension_numbers = #tpu.dot_dimension_numbers<[1], [0], [0], [1], [0, 0, 1, 1], [], []>, transpose_lhs_hint = false} : vector<256x8xf32>, vector<8x128xf32>, vector<256x128xf32> -> vector<256x128xf32>
    %slice3A_1413 = vector.extract_strided_slice %reshape3A_21 {offsets = [7, 0, 0], sizes = [1, 256, 128], strides = [1, 1, 1]} : vector<12x256x128xf32> to vector<1x256x128xf32>
    %squeeze3A_1414 = vector.shape_cast %slice3A_1413 : vector<1x256x128xf32> to vector<256x128xf32>
    %mul3A_1415 = arith.mulf %dot_general3A_1412, %squeeze3A_1414 : vector<256x128xf32>
    %add3A_1416 = arith.addf %add3A_1409, %mul3A_1415 : vector<256x128xf32>
    %mul3A_1417 = arith.mulf %exp3A_1341, %div3A_1361 : vector<256x8xf32>
    %dot_general3A_1418 = arith.constant dense<0.000000e+00> : vector<256x128xf32>
    %dot_general3A_1419 = tpu.matmul %mul3A_1417, %transpose3A, %dot_general3A_1418 {dimension_numbers = #tpu.dot_dimension_numbers<[1], [0], [0], [1], [0, 0, 1, 1], [], []>, transpose_lhs_hint = false} : vector<256x8xf32>, vector<8x128xf32>, vector<256x128xf32> -> vector<256x128xf32>
    %slice3A_1420 = vector.extract_strided_slice %reshape3A_21 {offsets = [8, 0, 0], sizes = [1, 256, 128], strides = [1, 1, 1]} : vector<12x256x128xf32> to vector<1x256x128xf32>
    %squeeze3A_1421 = vector.shape_cast %slice3A_1420 : vector<1x256x128xf32> to vector<256x128xf32>
    %mul3A_1422 = arith.mulf %dot_general3A_1419, %squeeze3A_1421 : vector<256x128xf32>
    %add3A_1423 = arith.addf %add3A_1416, %mul3A_1422 : vector<256x128xf32>
    %mul3A_1424 = arith.mulf %exp3A_1343, %div3A_1361 : vector<256x8xf32>
    %dot_general3A_1425 = arith.constant dense<0.000000e+00> : vector<256x128xf32>
    %dot_general3A_1426 = tpu.matmul %mul3A_1424, %transpose3A, %dot_general3A_1425 {dimension_numbers = #tpu.dot_dimension_numbers<[1], [0], [0], [1], [0, 0, 1, 1], [], []>, transpose_lhs_hint = false} : vector<256x8xf32>, vector<8x128xf32>, vector<256x128xf32> -> vector<256x128xf32>
    %slice3A_1427 = vector.extract_strided_slice %reshape3A_21 {offsets = [9, 0, 0], sizes = [1, 256, 128], strides = [1, 1, 1]} : vector<12x256x128xf32> to vector<1x256x128xf32>
    %squeeze3A_1428 = vector.shape_cast %slice3A_1427 : vector<1x256x128xf32> to vector<256x128xf32>
    %mul3A_1429 = arith.mulf %dot_general3A_1426, %squeeze3A_1428 : vector<256x128xf32>
    %add3A_1430 = arith.addf %add3A_1423, %mul3A_1429 : vector<256x128xf32>
    %mul3A_1431 = arith.mulf %exp3A_1345, %div3A_1361 : vector<256x8xf32>
    %dot_general3A_1432 = arith.constant dense<0.000000e+00> : vector<256x128xf32>
    %dot_general3A_1433 = tpu.matmul %mul3A_1431, %transpose3A, %dot_general3A_1432 {dimension_numbers = #tpu.dot_dimension_numbers<[1], [0], [0], [1], [0, 0, 1, 1], [], []>, transpose_lhs_hint = false} : vector<256x8xf32>, vector<8x128xf32>, vector<256x128xf32> -> vector<256x128xf32>
    %slice3A_1434 = vector.extract_strided_slice %reshape3A_21 {offsets = [10, 0, 0], sizes = [1, 256, 128], strides = [1, 1, 1]} : vector<12x256x128xf32> to vector<1x256x128xf32>
    %squeeze3A_1435 = vector.shape_cast %slice3A_1434 : vector<1x256x128xf32> to vector<256x128xf32>
    %mul3A_1436 = arith.mulf %dot_general3A_1433, %squeeze3A_1435 : vector<256x128xf32>
    %add3A_1437 = arith.addf %add3A_1430, %mul3A_1436 : vector<256x128xf32>
    %mul3A_1438 = arith.mulf %exp3A_1347, %div3A_1361 : vector<256x8xf32>
    %dot_general3A_1439 = arith.constant dense<0.000000e+00> : vector<256x128xf32>
    %dot_general3A_1440 = tpu.matmul %mul3A_1438, %transpose3A, %dot_general3A_1439 {dimension_numbers = #tpu.dot_dimension_numbers<[1], [0], [0], [1], [0, 0, 1, 1], [], []>, transpose_lhs_hint = false} : vector<256x8xf32>, vector<8x128xf32>, vector<256x128xf32> -> vector<256x128xf32>
    %slice3A_1441 = vector.extract_strided_slice %reshape3A_21 {offsets = [11, 0, 0], sizes = [1, 256, 128], strides = [1, 1, 1]} : vector<12x256x128xf32> to vector<1x256x128xf32>
    %squeeze3A_1442 = vector.shape_cast %slice3A_1441 : vector<1x256x128xf32> to vector<256x128xf32>
    %mul3A_1443 = arith.mulf %dot_general3A_1440, %squeeze3A_1442 : vector<256x128xf32>
    %add3A_1444 = arith.addf %add3A_1437, %mul3A_1443 : vector<256x128xf32>
    %max3A_1445 = arith.maximumf %dot_general3A_302, %dot_general3A_309 : vector<256x8xf32>
    %max3A_1446 = arith.maximumf %max3A_1445, %dot_general3A_316 : vector<256x8xf32>
    %max3A_1447 = arith.maximumf %max3A_1446, %dot_general3A_323 : vector<256x8xf32>
    %max3A_1448 = arith.maximumf %max3A_1447, %dot_general3A_330 : vector<256x8xf32>
    %max3A_1449 = arith.maximumf %max3A_1448, %dot_general3A_337 : vector<256x8xf32>
    %max3A_1450 = arith.maximumf %max3A_1449, %dot_general3A_344 : vector<256x8xf32>
    %max3A_1451 = arith.maximumf %max3A_1450, %dot_general3A_351 : vector<256x8xf32>
    %max3A_1452 = arith.maximumf %max3A_1451, %dot_general3A_358 : vector<256x8xf32>
    %max3A_1453 = arith.maximumf %max3A_1452, %dot_general3A_365 : vector<256x8xf32>
    %max3A_1454 = arith.maximumf %max3A_1453, %dot_general3A_372 : vector<256x8xf32>
    %max3A_1455 = arith.maximumf %max3A_1454, %dot_general3A_379 : vector<256x8xf32>
    %sub3A_1456 = arith.subf %dot_general3A_302, %max3A_1455 : vector<256x8xf32>
    %exp3A_1457 = math.exp %sub3A_1456 : vector<256x8xf32>
    %sub3A_1458 = arith.subf %dot_general3A_309, %max3A_1455 : vector<256x8xf32>
    %exp3A_1459 = math.exp %sub3A_1458 : vector<256x8xf32>
    %sub3A_1460 = arith.subf %dot_general3A_316, %max3A_1455 : vector<256x8xf32>
    %exp3A_1461 = math.exp %sub3A_1460 : vector<256x8xf32>
    %sub3A_1462 = arith.subf %dot_general3A_323, %max3A_1455 : vector<256x8xf32>
    %exp3A_1463 = math.exp %sub3A_1462 : vector<256x8xf32>
    %sub3A_1464 = arith.subf %dot_general3A_330, %max3A_1455 : vector<256x8xf32>
    %exp3A_1465 = math.exp %sub3A_1464 : vector<256x8xf32>
    %sub3A_1466 = arith.subf %dot_general3A_337, %max3A_1455 : vector<256x8xf32>
    %exp3A_1467 = math.exp %sub3A_1466 : vector<256x8xf32>
    %sub3A_1468 = arith.subf %dot_general3A_344, %max3A_1455 : vector<256x8xf32>
    %exp3A_1469 = math.exp %sub3A_1468 : vector<256x8xf32>
    %sub3A_1470 = arith.subf %dot_general3A_351, %max3A_1455 : vector<256x8xf32>
    %exp3A_1471 = math.exp %sub3A_1470 : vector<256x8xf32>
    %sub3A_1472 = arith.subf %dot_general3A_358, %max3A_1455 : vector<256x8xf32>
    %exp3A_1473 = math.exp %sub3A_1472 : vector<256x8xf32>
    %sub3A_1474 = arith.subf %dot_general3A_365, %max3A_1455 : vector<256x8xf32>
    %exp3A_1475 = math.exp %sub3A_1474 : vector<256x8xf32>
    %sub3A_1476 = arith.subf %dot_general3A_372, %max3A_1455 : vector<256x8xf32>
    %exp3A_1477 = math.exp %sub3A_1476 : vector<256x8xf32>
    %sub3A_1478 = arith.subf %dot_general3A_379, %max3A_1455 : vector<256x8xf32>
    %exp3A_1479 = math.exp %sub3A_1478 : vector<256x8xf32>
    %add3A_1480 = arith.addf %exp3A_1457, %exp3A_1459 : vector<256x8xf32>
    %add3A_1481 = arith.addf %add3A_1480, %exp3A_1461 : vector<256x8xf32>
    %add3A_1482 = arith.addf %add3A_1481, %exp3A_1463 : vector<256x8xf32>
    %add3A_1483 = arith.addf %add3A_1482, %exp3A_1465 : vector<256x8xf32>
    %add3A_1484 = arith.addf %add3A_1483, %exp3A_1467 : vector<256x8xf32>
    %add3A_1485 = arith.addf %add3A_1484, %exp3A_1469 : vector<256x8xf32>
    %add3A_1486 = arith.addf %add3A_1485, %exp3A_1471 : vector<256x8xf32>
    %add3A_1487 = arith.addf %add3A_1486, %exp3A_1473 : vector<256x8xf32>
    %add3A_1488 = arith.addf %add3A_1487, %exp3A_1475 : vector<256x8xf32>
    %add3A_1489 = arith.addf %add3A_1488, %exp3A_1477 : vector<256x8xf32>
    %add3A_1490 = arith.addf %add3A_1489, %exp3A_1479 : vector<256x8xf32>
    %div3A_1491 = arith.constant 1.000000e+00 : f32
    %div3A_1492 = vector.broadcast %div3A_1491 : f32 to vector<256x8xf32>
    %div3A_1493 = arith.divf %div3A_1492, %add3A_1490 : vector<256x8xf32>
    %mul3A_1494 = arith.mulf %exp3A_1457, %div3A_1493 : vector<256x8xf32>
    %dot_general3A_1495 = arith.constant dense<0.000000e+00> : vector<256x128xf32>
    %dot_general3A_1496 = tpu.matmul %mul3A_1494, %transpose3A, %dot_general3A_1495 {dimension_numbers = #tpu.dot_dimension_numbers<[1], [0], [0], [1], [0, 0, 1, 1], [], []>, transpose_lhs_hint = false} : vector<256x8xf32>, vector<8x128xf32>, vector<256x128xf32> -> vector<256x128xf32>
    %slice3A_1497 = vector.extract_strided_slice %reshape3A_21 {offsets = [0, 0, 0], sizes = [1, 256, 128], strides = [1, 1, 1]} : vector<12x256x128xf32> to vector<1x256x128xf32>
    %squeeze3A_1498 = vector.shape_cast %slice3A_1497 : vector<1x256x128xf32> to vector<256x128xf32>
    %mul3A_1499 = arith.mulf %dot_general3A_1496, %squeeze3A_1498 : vector<256x128xf32>
    %mul3A_1500 = arith.mulf %exp3A_1459, %div3A_1493 : vector<256x8xf32>
    %dot_general3A_1501 = arith.constant dense<0.000000e+00> : vector<256x128xf32>
    %dot_general3A_1502 = tpu.matmul %mul3A_1500, %transpose3A, %dot_general3A_1501 {dimension_numbers = #tpu.dot_dimension_numbers<[1], [0], [0], [1], [0, 0, 1, 1], [], []>, transpose_lhs_hint = false} : vector<256x8xf32>, vector<8x128xf32>, vector<256x128xf32> -> vector<256x128xf32>
    %slice3A_1503 = vector.extract_strided_slice %reshape3A_21 {offsets = [1, 0, 0], sizes = [1, 256, 128], strides = [1, 1, 1]} : vector<12x256x128xf32> to vector<1x256x128xf32>
    %squeeze3A_1504 = vector.shape_cast %slice3A_1503 : vector<1x256x128xf32> to vector<256x128xf32>
    %mul3A_1505 = arith.mulf %dot_general3A_1502, %squeeze3A_1504 : vector<256x128xf32>
    %add3A_1506 = arith.addf %mul3A_1499, %mul3A_1505 : vector<256x128xf32>
    %mul3A_1507 = arith.mulf %exp3A_1461, %div3A_1493 : vector<256x8xf32>
    %dot_general3A_1508 = arith.constant dense<0.000000e+00> : vector<256x128xf32>
    %dot_general3A_1509 = tpu.matmul %mul3A_1507, %transpose3A, %dot_general3A_1508 {dimension_numbers = #tpu.dot_dimension_numbers<[1], [0], [0], [1], [0, 0, 1, 1], [], []>, transpose_lhs_hint = false} : vector<256x8xf32>, vector<8x128xf32>, vector<256x128xf32> -> vector<256x128xf32>
    %slice3A_1510 = vector.extract_strided_slice %reshape3A_21 {offsets = [2, 0, 0], sizes = [1, 256, 128], strides = [1, 1, 1]} : vector<12x256x128xf32> to vector<1x256x128xf32>
    %squeeze3A_1511 = vector.shape_cast %slice3A_1510 : vector<1x256x128xf32> to vector<256x128xf32>
    %mul3A_1512 = arith.mulf %dot_general3A_1509, %squeeze3A_1511 : vector<256x128xf32>
    %add3A_1513 = arith.addf %add3A_1506, %mul3A_1512 : vector<256x128xf32>
    %mul3A_1514 = arith.mulf %exp3A_1463, %div3A_1493 : vector<256x8xf32>
    %dot_general3A_1515 = arith.constant dense<0.000000e+00> : vector<256x128xf32>
    %dot_general3A_1516 = tpu.matmul %mul3A_1514, %transpose3A, %dot_general3A_1515 {dimension_numbers = #tpu.dot_dimension_numbers<[1], [0], [0], [1], [0, 0, 1, 1], [], []>, transpose_lhs_hint = false} : vector<256x8xf32>, vector<8x128xf32>, vector<256x128xf32> -> vector<256x128xf32>
    %slice3A_1517 = vector.extract_strided_slice %reshape3A_21 {offsets = [3, 0, 0], sizes = [1, 256, 128], strides = [1, 1, 1]} : vector<12x256x128xf32> to vector<1x256x128xf32>
    %squeeze3A_1518 = vector.shape_cast %slice3A_1517 : vector<1x256x128xf32> to vector<256x128xf32>
    %mul3A_1519 = arith.mulf %dot_general3A_1516, %squeeze3A_1518 : vector<256x128xf32>
    %add3A_1520 = arith.addf %add3A_1513, %mul3A_1519 : vector<256x128xf32>
    %mul3A_1521 = arith.mulf %exp3A_1465, %div3A_1493 : vector<256x8xf32>
    %dot_general3A_1522 = arith.constant dense<0.000000e+00> : vector<256x128xf32>
    %dot_general3A_1523 = tpu.matmul %mul3A_1521, %transpose3A, %dot_general3A_1522 {dimension_numbers = #tpu.dot_dimension_numbers<[1], [0], [0], [1], [0, 0, 1, 1], [], []>, transpose_lhs_hint = false} : vector<256x8xf32>, vector<8x128xf32>, vector<256x128xf32> -> vector<256x128xf32>
    %slice3A_1524 = vector.extract_strided_slice %reshape3A_21 {offsets = [4, 0, 0], sizes = [1, 256, 128], strides = [1, 1, 1]} : vector<12x256x128xf32> to vector<1x256x128xf32>
    %squeeze3A_1525 = vector.shape_cast %slice3A_1524 : vector<1x256x128xf32> to vector<256x128xf32>
    %mul3A_1526 = arith.mulf %dot_general3A_1523, %squeeze3A_1525 : vector<256x128xf32>
    %add3A_1527 = arith.addf %add3A_1520, %mul3A_1526 : vector<256x128xf32>
    %mul3A_1528 = arith.mulf %exp3A_1467, %div3A_1493 : vector<256x8xf32>
    %dot_general3A_1529 = arith.constant dense<0.000000e+00> : vector<256x128xf32>
    %dot_general3A_1530 = tpu.matmul %mul3A_1528, %transpose3A, %dot_general3A_1529 {dimension_numbers = #tpu.dot_dimension_numbers<[1], [0], [0], [1], [0, 0, 1, 1], [], []>, transpose_lhs_hint = false} : vector<256x8xf32>, vector<8x128xf32>, vector<256x128xf32> -> vector<256x128xf32>
    %slice3A_1531 = vector.extract_strided_slice %reshape3A_21 {offsets = [5, 0, 0], sizes = [1, 256, 128], strides = [1, 1, 1]} : vector<12x256x128xf32> to vector<1x256x128xf32>
    %squeeze3A_1532 = vector.shape_cast %slice3A_1531 : vector<1x256x128xf32> to vector<256x128xf32>
    %mul3A_1533 = arith.mulf %dot_general3A_1530, %squeeze3A_1532 : vector<256x128xf32>
    %add3A_1534 = arith.addf %add3A_1527, %mul3A_1533 : vector<256x128xf32>
    %mul3A_1535 = arith.mulf %exp3A_1469, %div3A_1493 : vector<256x8xf32>
    %dot_general3A_1536 = arith.constant dense<0.000000e+00> : vector<256x128xf32>
    %dot_general3A_1537 = tpu.matmul %mul3A_1535, %transpose3A, %dot_general3A_1536 {dimension_numbers = #tpu.dot_dimension_numbers<[1], [0], [0], [1], [0, 0, 1, 1], [], []>, transpose_lhs_hint = false} : vector<256x8xf32>, vector<8x128xf32>, vector<256x128xf32> -> vector<256x128xf32>
    %slice3A_1538 = vector.extract_strided_slice %reshape3A_21 {offsets = [6, 0, 0], sizes = [1, 256, 128], strides = [1, 1, 1]} : vector<12x256x128xf32> to vector<1x256x128xf32>
    %squeeze3A_1539 = vector.shape_cast %slice3A_1538 : vector<1x256x128xf32> to vector<256x128xf32>
    %mul3A_1540 = arith.mulf %dot_general3A_1537, %squeeze3A_1539 : vector<256x128xf32>
    %add3A_1541 = arith.addf %add3A_1534, %mul3A_1540 : vector<256x128xf32>
    %mul3A_1542 = arith.mulf %exp3A_1471, %div3A_1493 : vector<256x8xf32>
    %dot_general3A_1543 = arith.constant dense<0.000000e+00> : vector<256x128xf32>
    %dot_general3A_1544 = tpu.matmul %mul3A_1542, %transpose3A, %dot_general3A_1543 {dimension_numbers = #tpu.dot_dimension_numbers<[1], [0], [0], [1], [0, 0, 1, 1], [], []>, transpose_lhs_hint = false} : vector<256x8xf32>, vector<8x128xf32>, vector<256x128xf32> -> vector<256x128xf32>
    %slice3A_1545 = vector.extract_strided_slice %reshape3A_21 {offsets = [7, 0, 0], sizes = [1, 256, 128], strides = [1, 1, 1]} : vector<12x256x128xf32> to vector<1x256x128xf32>
    %squeeze3A_1546 = vector.shape_cast %slice3A_1545 : vector<1x256x128xf32> to vector<256x128xf32>
    %mul3A_1547 = arith.mulf %dot_general3A_1544, %squeeze3A_1546 : vector<256x128xf32>
    %add3A_1548 = arith.addf %add3A_1541, %mul3A_1547 : vector<256x128xf32>
    %mul3A_1549 = arith.mulf %exp3A_1473, %div3A_1493 : vector<256x8xf32>
    %dot_general3A_1550 = arith.constant dense<0.000000e+00> : vector<256x128xf32>
    %dot_general3A_1551 = tpu.matmul %mul3A_1549, %transpose3A, %dot_general3A_1550 {dimension_numbers = #tpu.dot_dimension_numbers<[1], [0], [0], [1], [0, 0, 1, 1], [], []>, transpose_lhs_hint = false} : vector<256x8xf32>, vector<8x128xf32>, vector<256x128xf32> -> vector<256x128xf32>
    %slice3A_1552 = vector.extract_strided_slice %reshape3A_21 {offsets = [8, 0, 0], sizes = [1, 256, 128], strides = [1, 1, 1]} : vector<12x256x128xf32> to vector<1x256x128xf32>
    %squeeze3A_1553 = vector.shape_cast %slice3A_1552 : vector<1x256x128xf32> to vector<256x128xf32>
    %mul3A_1554 = arith.mulf %dot_general3A_1551, %squeeze3A_1553 : vector<256x128xf32>
    %add3A_1555 = arith.addf %add3A_1548, %mul3A_1554 : vector<256x128xf32>
    %mul3A_1556 = arith.mulf %exp3A_1475, %div3A_1493 : vector<256x8xf32>
    %dot_general3A_1557 = arith.constant dense<0.000000e+00> : vector<256x128xf32>
    %dot_general3A_1558 = tpu.matmul %mul3A_1556, %transpose3A, %dot_general3A_1557 {dimension_numbers = #tpu.dot_dimension_numbers<[1], [0], [0], [1], [0, 0, 1, 1], [], []>, transpose_lhs_hint = false} : vector<256x8xf32>, vector<8x128xf32>, vector<256x128xf32> -> vector<256x128xf32>
    %slice3A_1559 = vector.extract_strided_slice %reshape3A_21 {offsets = [9, 0, 0], sizes = [1, 256, 128], strides = [1, 1, 1]} : vector<12x256x128xf32> to vector<1x256x128xf32>
    %squeeze3A_1560 = vector.shape_cast %slice3A_1559 : vector<1x256x128xf32> to vector<256x128xf32>
    %mul3A_1561 = arith.mulf %dot_general3A_1558, %squeeze3A_1560 : vector<256x128xf32>
    %add3A_1562 = arith.addf %add3A_1555, %mul3A_1561 : vector<256x128xf32>
    %mul3A_1563 = arith.mulf %exp3A_1477, %div3A_1493 : vector<256x8xf32>
    %dot_general3A_1564 = arith.constant dense<0.000000e+00> : vector<256x128xf32>
    %dot_general3A_1565 = tpu.matmul %mul3A_1563, %transpose3A, %dot_general3A_1564 {dimension_numbers = #tpu.dot_dimension_numbers<[1], [0], [0], [1], [0, 0, 1, 1], [], []>, transpose_lhs_hint = false} : vector<256x8xf32>, vector<8x128xf32>, vector<256x128xf32> -> vector<256x128xf32>
    %slice3A_1566 = vector.extract_strided_slice %reshape3A_21 {offsets = [10, 0, 0], sizes = [1, 256, 128], strides = [1, 1, 1]} : vector<12x256x128xf32> to vector<1x256x128xf32>
    %squeeze3A_1567 = vector.shape_cast %slice3A_1566 : vector<1x256x128xf32> to vector<256x128xf32>
    %mul3A_1568 = arith.mulf %dot_general3A_1565, %squeeze3A_1567 : vector<256x128xf32>
    %add3A_1569 = arith.addf %add3A_1562, %mul3A_1568 : vector<256x128xf32>
    %mul3A_1570 = arith.mulf %exp3A_1479, %div3A_1493 : vector<256x8xf32>
    %dot_general3A_1571 = arith.constant dense<0.000000e+00> : vector<256x128xf32>
    %dot_general3A_1572 = tpu.matmul %mul3A_1570, %transpose3A, %dot_general3A_1571 {dimension_numbers = #tpu.dot_dimension_numbers<[1], [0], [0], [1], [0, 0, 1, 1], [], []>, transpose_lhs_hint = false} : vector<256x8xf32>, vector<8x128xf32>, vector<256x128xf32> -> vector<256x128xf32>
    %slice3A_1573 = vector.extract_strided_slice %reshape3A_21 {offsets = [11, 0, 0], sizes = [1, 256, 128], strides = [1, 1, 1]} : vector<12x256x128xf32> to vector<1x256x128xf32>
    %squeeze3A_1574 = vector.shape_cast %slice3A_1573 : vector<1x256x128xf32> to vector<256x128xf32>
    %mul3A_1575 = arith.mulf %dot_general3A_1572, %squeeze3A_1574 : vector<256x128xf32>
    %add3A_1576 = arith.addf %add3A_1569, %mul3A_1575 : vector<256x128xf32>
    %max3A_1577 = arith.maximumf %dot_general3A_386, %dot_general3A_393 : vector<256x8xf32>
    %max3A_1578 = arith.maximumf %max3A_1577, %dot_general3A_400 : vector<256x8xf32>
    %max3A_1579 = arith.maximumf %max3A_1578, %dot_general3A_407 : vector<256x8xf32>
    %max3A_1580 = arith.maximumf %max3A_1579, %dot_general3A_414 : vector<256x8xf32>
    %max3A_1581 = arith.maximumf %max3A_1580, %dot_general3A_421 : vector<256x8xf32>
    %max3A_1582 = arith.maximumf %max3A_1581, %dot_general3A_428 : vector<256x8xf32>
    %max3A_1583 = arith.maximumf %max3A_1582, %dot_general3A_435 : vector<256x8xf32>
    %max3A_1584 = arith.maximumf %max3A_1583, %dot_general3A_442 : vector<256x8xf32>
    %max3A_1585 = arith.maximumf %max3A_1584, %dot_general3A_449 : vector<256x8xf32>
    %max3A_1586 = arith.maximumf %max3A_1585, %dot_general3A_456 : vector<256x8xf32>
    %max3A_1587 = arith.maximumf %max3A_1586, %dot_general3A_463 : vector<256x8xf32>
    %sub3A_1588 = arith.subf %dot_general3A_386, %max3A_1587 : vector<256x8xf32>
    %exp3A_1589 = math.exp %sub3A_1588 : vector<256x8xf32>
    %sub3A_1590 = arith.subf %dot_general3A_393, %max3A_1587 : vector<256x8xf32>
    %exp3A_1591 = math.exp %sub3A_1590 : vector<256x8xf32>
    %sub3A_1592 = arith.subf %dot_general3A_400, %max3A_1587 : vector<256x8xf32>
    %exp3A_1593 = math.exp %sub3A_1592 : vector<256x8xf32>
    %sub3A_1594 = arith.subf %dot_general3A_407, %max3A_1587 : vector<256x8xf32>
    %exp3A_1595 = math.exp %sub3A_1594 : vector<256x8xf32>
    %sub3A_1596 = arith.subf %dot_general3A_414, %max3A_1587 : vector<256x8xf32>
    %exp3A_1597 = math.exp %sub3A_1596 : vector<256x8xf32>
    %sub3A_1598 = arith.subf %dot_general3A_421, %max3A_1587 : vector<256x8xf32>
    %exp3A_1599 = math.exp %sub3A_1598 : vector<256x8xf32>
    %sub3A_1600 = arith.subf %dot_general3A_428, %max3A_1587 : vector<256x8xf32>
    %exp3A_1601 = math.exp %sub3A_1600 : vector<256x8xf32>
    %sub3A_1602 = arith.subf %dot_general3A_435, %max3A_1587 : vector<256x8xf32>
    %exp3A_1603 = math.exp %sub3A_1602 : vector<256x8xf32>
    %sub3A_1604 = arith.subf %dot_general3A_442, %max3A_1587 : vector<256x8xf32>
    %exp3A_1605 = math.exp %sub3A_1604 : vector<256x8xf32>
    %sub3A_1606 = arith.subf %dot_general3A_449, %max3A_1587 : vector<256x8xf32>
    %exp3A_1607 = math.exp %sub3A_1606 : vector<256x8xf32>
    %sub3A_1608 = arith.subf %dot_general3A_456, %max3A_1587 : vector<256x8xf32>
    %exp3A_1609 = math.exp %sub3A_1608 : vector<256x8xf32>
    %sub3A_1610 = arith.subf %dot_general3A_463, %max3A_1587 : vector<256x8xf32>
    %exp3A_1611 = math.exp %sub3A_1610 : vector<256x8xf32>
    %add3A_1612 = arith.addf %exp3A_1589, %exp3A_1591 : vector<256x8xf32>
    %add3A_1613 = arith.addf %add3A_1612, %exp3A_1593 : vector<256x8xf32>
    %add3A_1614 = arith.addf %add3A_1613, %exp3A_1595 : vector<256x8xf32>
    %add3A_1615 = arith.addf %add3A_1614, %exp3A_1597 : vector<256x8xf32>
    %add3A_1616 = arith.addf %add3A_1615, %exp3A_1599 : vector<256x8xf32>
    %add3A_1617 = arith.addf %add3A_1616, %exp3A_1601 : vector<256x8xf32>
    %add3A_1618 = arith.addf %add3A_1617, %exp3A_1603 : vector<256x8xf32>
    %add3A_1619 = arith.addf %add3A_1618, %exp3A_1605 : vector<256x8xf32>
    %add3A_1620 = arith.addf %add3A_1619, %exp3A_1607 : vector<256x8xf32>
    %add3A_1621 = arith.addf %add3A_1620, %exp3A_1609 : vector<256x8xf32>
    %add3A_1622 = arith.addf %add3A_1621, %exp3A_1611 : vector<256x8xf32>
    %div3A_1623 = arith.constant 1.000000e+00 : f32
    %div3A_1624 = vector.broadcast %div3A_1623 : f32 to vector<256x8xf32>
    %div3A_1625 = arith.divf %div3A_1624, %add3A_1622 : vector<256x8xf32>
    %mul3A_1626 = arith.mulf %exp3A_1589, %div3A_1625 : vector<256x8xf32>
    %dot_general3A_1627 = arith.constant dense<0.000000e+00> : vector<256x128xf32>
    %dot_general3A_1628 = tpu.matmul %mul3A_1626, %transpose3A, %dot_general3A_1627 {dimension_numbers = #tpu.dot_dimension_numbers<[1], [0], [0], [1], [0, 0, 1, 1], [], []>, transpose_lhs_hint = false} : vector<256x8xf32>, vector<8x128xf32>, vector<256x128xf32> -> vector<256x128xf32>
    %slice3A_1629 = vector.extract_strided_slice %reshape3A_21 {offsets = [0, 0, 0], sizes = [1, 256, 128], strides = [1, 1, 1]} : vector<12x256x128xf32> to vector<1x256x128xf32>
    %squeeze3A_1630 = vector.shape_cast %slice3A_1629 : vector<1x256x128xf32> to vector<256x128xf32>
    %mul3A_1631 = arith.mulf %dot_general3A_1628, %squeeze3A_1630 : vector<256x128xf32>
    %mul3A_1632 = arith.mulf %exp3A_1591, %div3A_1625 : vector<256x8xf32>
    %dot_general3A_1633 = arith.constant dense<0.000000e+00> : vector<256x128xf32>
    %dot_general3A_1634 = tpu.matmul %mul3A_1632, %transpose3A, %dot_general3A_1633 {dimension_numbers = #tpu.dot_dimension_numbers<[1], [0], [0], [1], [0, 0, 1, 1], [], []>, transpose_lhs_hint = false} : vector<256x8xf32>, vector<8x128xf32>, vector<256x128xf32> -> vector<256x128xf32>
    %slice3A_1635 = vector.extract_strided_slice %reshape3A_21 {offsets = [1, 0, 0], sizes = [1, 256, 128], strides = [1, 1, 1]} : vector<12x256x128xf32> to vector<1x256x128xf32>
    %squeeze3A_1636 = vector.shape_cast %slice3A_1635 : vector<1x256x128xf32> to vector<256x128xf32>
    %mul3A_1637 = arith.mulf %dot_general3A_1634, %squeeze3A_1636 : vector<256x128xf32>
    %add3A_1638 = arith.addf %mul3A_1631, %mul3A_1637 : vector<256x128xf32>
    %mul3A_1639 = arith.mulf %exp3A_1593, %div3A_1625 : vector<256x8xf32>
    %dot_general3A_1640 = arith.constant dense<0.000000e+00> : vector<256x128xf32>
    %dot_general3A_1641 = tpu.matmul %mul3A_1639, %transpose3A, %dot_general3A_1640 {dimension_numbers = #tpu.dot_dimension_numbers<[1], [0], [0], [1], [0, 0, 1, 1], [], []>, transpose_lhs_hint = false} : vector<256x8xf32>, vector<8x128xf32>, vector<256x128xf32> -> vector<256x128xf32>
    %slice3A_1642 = vector.extract_strided_slice %reshape3A_21 {offsets = [2, 0, 0], sizes = [1, 256, 128], strides = [1, 1, 1]} : vector<12x256x128xf32> to vector<1x256x128xf32>
    %squeeze3A_1643 = vector.shape_cast %slice3A_1642 : vector<1x256x128xf32> to vector<256x128xf32>
    %mul3A_1644 = arith.mulf %dot_general3A_1641, %squeeze3A_1643 : vector<256x128xf32>
    %add3A_1645 = arith.addf %add3A_1638, %mul3A_1644 : vector<256x128xf32>
    %mul3A_1646 = arith.mulf %exp3A_1595, %div3A_1625 : vector<256x8xf32>
    %dot_general3A_1647 = arith.constant dense<0.000000e+00> : vector<256x128xf32>
    %dot_general3A_1648 = tpu.matmul %mul3A_1646, %transpose3A, %dot_general3A_1647 {dimension_numbers = #tpu.dot_dimension_numbers<[1], [0], [0], [1], [0, 0, 1, 1], [], []>, transpose_lhs_hint = false} : vector<256x8xf32>, vector<8x128xf32>, vector<256x128xf32> -> vector<256x128xf32>
    %slice3A_1649 = vector.extract_strided_slice %reshape3A_21 {offsets = [3, 0, 0], sizes = [1, 256, 128], strides = [1, 1, 1]} : vector<12x256x128xf32> to vector<1x256x128xf32>
    %squeeze3A_1650 = vector.shape_cast %slice3A_1649 : vector<1x256x128xf32> to vector<256x128xf32>
    %mul3A_1651 = arith.mulf %dot_general3A_1648, %squeeze3A_1650 : vector<256x128xf32>
    %add3A_1652 = arith.addf %add3A_1645, %mul3A_1651 : vector<256x128xf32>
    %mul3A_1653 = arith.mulf %exp3A_1597, %div3A_1625 : vector<256x8xf32>
    %dot_general3A_1654 = arith.constant dense<0.000000e+00> : vector<256x128xf32>
    %dot_general3A_1655 = tpu.matmul %mul3A_1653, %transpose3A, %dot_general3A_1654 {dimension_numbers = #tpu.dot_dimension_numbers<[1], [0], [0], [1], [0, 0, 1, 1], [], []>, transpose_lhs_hint = false} : vector<256x8xf32>, vector<8x128xf32>, vector<256x128xf32> -> vector<256x128xf32>
    %slice3A_1656 = vector.extract_strided_slice %reshape3A_21 {offsets = [4, 0, 0], sizes = [1, 256, 128], strides = [1, 1, 1]} : vector<12x256x128xf32> to vector<1x256x128xf32>
    %squeeze3A_1657 = vector.shape_cast %slice3A_1656 : vector<1x256x128xf32> to vector<256x128xf32>
    %mul3A_1658 = arith.mulf %dot_general3A_1655, %squeeze3A_1657 : vector<256x128xf32>
    %add3A_1659 = arith.addf %add3A_1652, %mul3A_1658 : vector<256x128xf32>
    %mul3A_1660 = arith.mulf %exp3A_1599, %div3A_1625 : vector<256x8xf32>
    %dot_general3A_1661 = arith.constant dense<0.000000e+00> : vector<256x128xf32>
    %dot_general3A_1662 = tpu.matmul %mul3A_1660, %transpose3A, %dot_general3A_1661 {dimension_numbers = #tpu.dot_dimension_numbers<[1], [0], [0], [1], [0, 0, 1, 1], [], []>, transpose_lhs_hint = false} : vector<256x8xf32>, vector<8x128xf32>, vector<256x128xf32> -> vector<256x128xf32>
    %slice3A_1663 = vector.extract_strided_slice %reshape3A_21 {offsets = [5, 0, 0], sizes = [1, 256, 128], strides = [1, 1, 1]} : vector<12x256x128xf32> to vector<1x256x128xf32>
    %squeeze3A_1664 = vector.shape_cast %slice3A_1663 : vector<1x256x128xf32> to vector<256x128xf32>
    %mul3A_1665 = arith.mulf %dot_general3A_1662, %squeeze3A_1664 : vector<256x128xf32>
    %add3A_1666 = arith.addf %add3A_1659, %mul3A_1665 : vector<256x128xf32>
    %mul3A_1667 = arith.mulf %exp3A_1601, %div3A_1625 : vector<256x8xf32>
    %dot_general3A_1668 = arith.constant dense<0.000000e+00> : vector<256x128xf32>
    %dot_general3A_1669 = tpu.matmul %mul3A_1667, %transpose3A, %dot_general3A_1668 {dimension_numbers = #tpu.dot_dimension_numbers<[1], [0], [0], [1], [0, 0, 1, 1], [], []>, transpose_lhs_hint = false} : vector<256x8xf32>, vector<8x128xf32>, vector<256x128xf32> -> vector<256x128xf32>
    %slice3A_1670 = vector.extract_strided_slice %reshape3A_21 {offsets = [6, 0, 0], sizes = [1, 256, 128], strides = [1, 1, 1]} : vector<12x256x128xf32> to vector<1x256x128xf32>
    %squeeze3A_1671 = vector.shape_cast %slice3A_1670 : vector<1x256x128xf32> to vector<256x128xf32>
    %mul3A_1672 = arith.mulf %dot_general3A_1669, %squeeze3A_1671 : vector<256x128xf32>
    %add3A_1673 = arith.addf %add3A_1666, %mul3A_1672 : vector<256x128xf32>
    %mul3A_1674 = arith.mulf %exp3A_1603, %div3A_1625 : vector<256x8xf32>
    %dot_general3A_1675 = arith.constant dense<0.000000e+00> : vector<256x128xf32>
    %dot_general3A_1676 = tpu.matmul %mul3A_1674, %transpose3A, %dot_general3A_1675 {dimension_numbers = #tpu.dot_dimension_numbers<[1], [0], [0], [1], [0, 0, 1, 1], [], []>, transpose_lhs_hint = false} : vector<256x8xf32>, vector<8x128xf32>, vector<256x128xf32> -> vector<256x128xf32>
    %slice3A_1677 = vector.extract_strided_slice %reshape3A_21 {offsets = [7, 0, 0], sizes = [1, 256, 128], strides = [1, 1, 1]} : vector<12x256x128xf32> to vector<1x256x128xf32>
    %squeeze3A_1678 = vector.shape_cast %slice3A_1677 : vector<1x256x128xf32> to vector<256x128xf32>
    %mul3A_1679 = arith.mulf %dot_general3A_1676, %squeeze3A_1678 : vector<256x128xf32>
    %add3A_1680 = arith.addf %add3A_1673, %mul3A_1679 : vector<256x128xf32>
    %mul3A_1681 = arith.mulf %exp3A_1605, %div3A_1625 : vector<256x8xf32>
    %dot_general3A_1682 = arith.constant dense<0.000000e+00> : vector<256x128xf32>
    %dot_general3A_1683 = tpu.matmul %mul3A_1681, %transpose3A, %dot_general3A_1682 {dimension_numbers = #tpu.dot_dimension_numbers<[1], [0], [0], [1], [0, 0, 1, 1], [], []>, transpose_lhs_hint = false} : vector<256x8xf32>, vector<8x128xf32>, vector<256x128xf32> -> vector<256x128xf32>
    %slice3A_1684 = vector.extract_strided_slice %reshape3A_21 {offsets = [8, 0, 0], sizes = [1, 256, 128], strides = [1, 1, 1]} : vector<12x256x128xf32> to vector<1x256x128xf32>
    %squeeze3A_1685 = vector.shape_cast %slice3A_1684 : vector<1x256x128xf32> to vector<256x128xf32>
    %mul3A_1686 = arith.mulf %dot_general3A_1683, %squeeze3A_1685 : vector<256x128xf32>
    %add3A_1687 = arith.addf %add3A_1680, %mul3A_1686 : vector<256x128xf32>
    %mul3A_1688 = arith.mulf %exp3A_1607, %div3A_1625 : vector<256x8xf32>
    %dot_general3A_1689 = arith.constant dense<0.000000e+00> : vector<256x128xf32>
    %dot_general3A_1690 = tpu.matmul %mul3A_1688, %transpose3A, %dot_general3A_1689 {dimension_numbers = #tpu.dot_dimension_numbers<[1], [0], [0], [1], [0, 0, 1, 1], [], []>, transpose_lhs_hint = false} : vector<256x8xf32>, vector<8x128xf32>, vector<256x128xf32> -> vector<256x128xf32>
    %slice3A_1691 = vector.extract_strided_slice %reshape3A_21 {offsets = [9, 0, 0], sizes = [1, 256, 128], strides = [1, 1, 1]} : vector<12x256x128xf32> to vector<1x256x128xf32>
    %squeeze3A_1692 = vector.shape_cast %slice3A_1691 : vector<1x256x128xf32> to vector<256x128xf32>
    %mul3A_1693 = arith.mulf %dot_general3A_1690, %squeeze3A_1692 : vector<256x128xf32>
    %add3A_1694 = arith.addf %add3A_1687, %mul3A_1693 : vector<256x128xf32>
    %mul3A_1695 = arith.mulf %exp3A_1609, %div3A_1625 : vector<256x8xf32>
    %dot_general3A_1696 = arith.constant dense<0.000000e+00> : vector<256x128xf32>
    %dot_general3A_1697 = tpu.matmul %mul3A_1695, %transpose3A, %dot_general3A_1696 {dimension_numbers = #tpu.dot_dimension_numbers<[1], [0], [0], [1], [0, 0, 1, 1], [], []>, transpose_lhs_hint = false} : vector<256x8xf32>, vector<8x128xf32>, vector<256x128xf32> -> vector<256x128xf32>
    %slice3A_1698 = vector.extract_strided_slice %reshape3A_21 {offsets = [10, 0, 0], sizes = [1, 256, 128], strides = [1, 1, 1]} : vector<12x256x128xf32> to vector<1x256x128xf32>
    %squeeze3A_1699 = vector.shape_cast %slice3A_1698 : vector<1x256x128xf32> to vector<256x128xf32>
    %mul3A_1700 = arith.mulf %dot_general3A_1697, %squeeze3A_1699 : vector<256x128xf32>
    %add3A_1701 = arith.addf %add3A_1694, %mul3A_1700 : vector<256x128xf32>
    %mul3A_1702 = arith.mulf %exp3A_1611, %div3A_1625 : vector<256x8xf32>
    %dot_general3A_1703 = arith.constant dense<0.000000e+00> : vector<256x128xf32>
    %dot_general3A_1704 = tpu.matmul %mul3A_1702, %transpose3A, %dot_general3A_1703 {dimension_numbers = #tpu.dot_dimension_numbers<[1], [0], [0], [1], [0, 0, 1, 1], [], []>, transpose_lhs_hint = false} : vector<256x8xf32>, vector<8x128xf32>, vector<256x128xf32> -> vector<256x128xf32>
    %slice3A_1705 = vector.extract_strided_slice %reshape3A_21 {offsets = [11, 0, 0], sizes = [1, 256, 128], strides = [1, 1, 1]} : vector<12x256x128xf32> to vector<1x256x128xf32>
    %squeeze3A_1706 = vector.shape_cast %slice3A_1705 : vector<1x256x128xf32> to vector<256x128xf32>
    %mul3A_1707 = arith.mulf %dot_general3A_1704, %squeeze3A_1706 : vector<256x128xf32>
    %add3A_1708 = arith.addf %add3A_1701, %mul3A_1707 : vector<256x128xf32>
    %max3A_1709 = arith.maximumf %dot_general3A_470, %dot_general3A_477 : vector<256x8xf32>
    %max3A_1710 = arith.maximumf %max3A_1709, %dot_general3A_484 : vector<256x8xf32>
    %max3A_1711 = arith.maximumf %max3A_1710, %dot_general3A_491 : vector<256x8xf32>
    %max3A_1712 = arith.maximumf %max3A_1711, %dot_general3A_498 : vector<256x8xf32>
    %max3A_1713 = arith.maximumf %max3A_1712, %dot_general3A_505 : vector<256x8xf32>
    %max3A_1714 = arith.maximumf %max3A_1713, %dot_general3A_512 : vector<256x8xf32>
    %max3A_1715 = arith.maximumf %max3A_1714, %dot_general3A_519 : vector<256x8xf32>
    %max3A_1716 = arith.maximumf %max3A_1715, %dot_general3A_526 : vector<256x8xf32>
    %max3A_1717 = arith.maximumf %max3A_1716, %dot_general3A_533 : vector<256x8xf32>
    %max3A_1718 = arith.maximumf %max3A_1717, %dot_general3A_540 : vector<256x8xf32>
    %max3A_1719 = arith.maximumf %max3A_1718, %dot_general3A_547 : vector<256x8xf32>
    %sub3A_1720 = arith.subf %dot_general3A_470, %max3A_1719 : vector<256x8xf32>
    %exp3A_1721 = math.exp %sub3A_1720 : vector<256x8xf32>
    %sub3A_1722 = arith.subf %dot_general3A_477, %max3A_1719 : vector<256x8xf32>
    %exp3A_1723 = math.exp %sub3A_1722 : vector<256x8xf32>
    %sub3A_1724 = arith.subf %dot_general3A_484, %max3A_1719 : vector<256x8xf32>
    %exp3A_1725 = math.exp %sub3A_1724 : vector<256x8xf32>
    %sub3A_1726 = arith.subf %dot_general3A_491, %max3A_1719 : vector<256x8xf32>
    %exp3A_1727 = math.exp %sub3A_1726 : vector<256x8xf32>
    %sub3A_1728 = arith.subf %dot_general3A_498, %max3A_1719 : vector<256x8xf32>
    %exp3A_1729 = math.exp %sub3A_1728 : vector<256x8xf32>
    %sub3A_1730 = arith.subf %dot_general3A_505, %max3A_1719 : vector<256x8xf32>
    %exp3A_1731 = math.exp %sub3A_1730 : vector<256x8xf32>
    %sub3A_1732 = arith.subf %dot_general3A_512, %max3A_1719 : vector<256x8xf32>
    %exp3A_1733 = math.exp %sub3A_1732 : vector<256x8xf32>
    %sub3A_1734 = arith.subf %dot_general3A_519, %max3A_1719 : vector<256x8xf32>
    %exp3A_1735 = math.exp %sub3A_1734 : vector<256x8xf32>
    %sub3A_1736 = arith.subf %dot_general3A_526, %max3A_1719 : vector<256x8xf32>
    %exp3A_1737 = math.exp %sub3A_1736 : vector<256x8xf32>
    %sub3A_1738 = arith.subf %dot_general3A_533, %max3A_1719 : vector<256x8xf32>
    %exp3A_1739 = math.exp %sub3A_1738 : vector<256x8xf32>
    %sub3A_1740 = arith.subf %dot_general3A_540, %max3A_1719 : vector<256x8xf32>
    %exp3A_1741 = math.exp %sub3A_1740 : vector<256x8xf32>
    %sub3A_1742 = arith.subf %dot_general3A_547, %max3A_1719 : vector<256x8xf32>
    %exp3A_1743 = math.exp %sub3A_1742 : vector<256x8xf32>
    %add3A_1744 = arith.addf %exp3A_1721, %exp3A_1723 : vector<256x8xf32>
    %add3A_1745 = arith.addf %add3A_1744, %exp3A_1725 : vector<256x8xf32>
    %add3A_1746 = arith.addf %add3A_1745, %exp3A_1727 : vector<256x8xf32>
    %add3A_1747 = arith.addf %add3A_1746, %exp3A_1729 : vector<256x8xf32>
    %add3A_1748 = arith.addf %add3A_1747, %exp3A_1731 : vector<256x8xf32>
    %add3A_1749 = arith.addf %add3A_1748, %exp3A_1733 : vector<256x8xf32>
    %add3A_1750 = arith.addf %add3A_1749, %exp3A_1735 : vector<256x8xf32>
    %add3A_1751 = arith.addf %add3A_1750, %exp3A_1737 : vector<256x8xf32>
    %add3A_1752 = arith.addf %add3A_1751, %exp3A_1739 : vector<256x8xf32>
    %add3A_1753 = arith.addf %add3A_1752, %exp3A_1741 : vector<256x8xf32>
    %add3A_1754 = arith.addf %add3A_1753, %exp3A_1743 : vector<256x8xf32>
    %div3A_1755 = arith.constant 1.000000e+00 : f32
    %div3A_1756 = vector.broadcast %div3A_1755 : f32 to vector<256x8xf32>
    %div3A_1757 = arith.divf %div3A_1756, %add3A_1754 : vector<256x8xf32>
    %mul3A_1758 = arith.mulf %exp3A_1721, %div3A_1757 : vector<256x8xf32>
    %dot_general3A_1759 = arith.constant dense<0.000000e+00> : vector<256x128xf32>
    %dot_general3A_1760 = tpu.matmul %mul3A_1758, %transpose3A, %dot_general3A_1759 {dimension_numbers = #tpu.dot_dimension_numbers<[1], [0], [0], [1], [0, 0, 1, 1], [], []>, transpose_lhs_hint = false} : vector<256x8xf32>, vector<8x128xf32>, vector<256x128xf32> -> vector<256x128xf32>
    %slice3A_1761 = vector.extract_strided_slice %reshape3A_21 {offsets = [0, 0, 0], sizes = [1, 256, 128], strides = [1, 1, 1]} : vector<12x256x128xf32> to vector<1x256x128xf32>
    %squeeze3A_1762 = vector.shape_cast %slice3A_1761 : vector<1x256x128xf32> to vector<256x128xf32>
    %mul3A_1763 = arith.mulf %dot_general3A_1760, %squeeze3A_1762 : vector<256x128xf32>
    %mul3A_1764 = arith.mulf %exp3A_1723, %div3A_1757 : vector<256x8xf32>
    %dot_general3A_1765 = arith.constant dense<0.000000e+00> : vector<256x128xf32>
    %dot_general3A_1766 = tpu.matmul %mul3A_1764, %transpose3A, %dot_general3A_1765 {dimension_numbers = #tpu.dot_dimension_numbers<[1], [0], [0], [1], [0, 0, 1, 1], [], []>, transpose_lhs_hint = false} : vector<256x8xf32>, vector<8x128xf32>, vector<256x128xf32> -> vector<256x128xf32>
    %slice3A_1767 = vector.extract_strided_slice %reshape3A_21 {offsets = [1, 0, 0], sizes = [1, 256, 128], strides = [1, 1, 1]} : vector<12x256x128xf32> to vector<1x256x128xf32>
    %squeeze3A_1768 = vector.shape_cast %slice3A_1767 : vector<1x256x128xf32> to vector<256x128xf32>
    %mul3A_1769 = arith.mulf %dot_general3A_1766, %squeeze3A_1768 : vector<256x128xf32>
    %add3A_1770 = arith.addf %mul3A_1763, %mul3A_1769 : vector<256x128xf32>
    %mul3A_1771 = arith.mulf %exp3A_1725, %div3A_1757 : vector<256x8xf32>
    %dot_general3A_1772 = arith.constant dense<0.000000e+00> : vector<256x128xf32>
    %dot_general3A_1773 = tpu.matmul %mul3A_1771, %transpose3A, %dot_general3A_1772 {dimension_numbers = #tpu.dot_dimension_numbers<[1], [0], [0], [1], [0, 0, 1, 1], [], []>, transpose_lhs_hint = false} : vector<256x8xf32>, vector<8x128xf32>, vector<256x128xf32> -> vector<256x128xf32>
    %slice3A_1774 = vector.extract_strided_slice %reshape3A_21 {offsets = [2, 0, 0], sizes = [1, 256, 128], strides = [1, 1, 1]} : vector<12x256x128xf32> to vector<1x256x128xf32>
    %squeeze3A_1775 = vector.shape_cast %slice3A_1774 : vector<1x256x128xf32> to vector<256x128xf32>
    %mul3A_1776 = arith.mulf %dot_general3A_1773, %squeeze3A_1775 : vector<256x128xf32>
    %add3A_1777 = arith.addf %add3A_1770, %mul3A_1776 : vector<256x128xf32>
    %mul3A_1778 = arith.mulf %exp3A_1727, %div3A_1757 : vector<256x8xf32>
    %dot_general3A_1779 = arith.constant dense<0.000000e+00> : vector<256x128xf32>
    %dot_general3A_1780 = tpu.matmul %mul3A_1778, %transpose3A, %dot_general3A_1779 {dimension_numbers = #tpu.dot_dimension_numbers<[1], [0], [0], [1], [0, 0, 1, 1], [], []>, transpose_lhs_hint = false} : vector<256x8xf32>, vector<8x128xf32>, vector<256x128xf32> -> vector<256x128xf32>
    %slice3A_1781 = vector.extract_strided_slice %reshape3A_21 {offsets = [3, 0, 0], sizes = [1, 256, 128], strides = [1, 1, 1]} : vector<12x256x128xf32> to vector<1x256x128xf32>
    %squeeze3A_1782 = vector.shape_cast %slice3A_1781 : vector<1x256x128xf32> to vector<256x128xf32>
    %mul3A_1783 = arith.mulf %dot_general3A_1780, %squeeze3A_1782 : vector<256x128xf32>
    %add3A_1784 = arith.addf %add3A_1777, %mul3A_1783 : vector<256x128xf32>
    %mul3A_1785 = arith.mulf %exp3A_1729, %div3A_1757 : vector<256x8xf32>
    %dot_general3A_1786 = arith.constant dense<0.000000e+00> : vector<256x128xf32>
    %dot_general3A_1787 = tpu.matmul %mul3A_1785, %transpose3A, %dot_general3A_1786 {dimension_numbers = #tpu.dot_dimension_numbers<[1], [0], [0], [1], [0, 0, 1, 1], [], []>, transpose_lhs_hint = false} : vector<256x8xf32>, vector<8x128xf32>, vector<256x128xf32> -> vector<256x128xf32>
    %slice3A_1788 = vector.extract_strided_slice %reshape3A_21 {offsets = [4, 0, 0], sizes = [1, 256, 128], strides = [1, 1, 1]} : vector<12x256x128xf32> to vector<1x256x128xf32>
    %squeeze3A_1789 = vector.shape_cast %slice3A_1788 : vector<1x256x128xf32> to vector<256x128xf32>
    %mul3A_1790 = arith.mulf %dot_general3A_1787, %squeeze3A_1789 : vector<256x128xf32>
    %add3A_1791 = arith.addf %add3A_1784, %mul3A_1790 : vector<256x128xf32>
    %mul3A_1792 = arith.mulf %exp3A_1731, %div3A_1757 : vector<256x8xf32>
    %dot_general3A_1793 = arith.constant dense<0.000000e+00> : vector<256x128xf32>
    %dot_general3A_1794 = tpu.matmul %mul3A_1792, %transpose3A, %dot_general3A_1793 {dimension_numbers = #tpu.dot_dimension_numbers<[1], [0], [0], [1], [0, 0, 1, 1], [], []>, transpose_lhs_hint = false} : vector<256x8xf32>, vector<8x128xf32>, vector<256x128xf32> -> vector<256x128xf32>
    %slice3A_1795 = vector.extract_strided_slice %reshape3A_21 {offsets = [5, 0, 0], sizes = [1, 256, 128], strides = [1, 1, 1]} : vector<12x256x128xf32> to vector<1x256x128xf32>
    %squeeze3A_1796 = vector.shape_cast %slice3A_1795 : vector<1x256x128xf32> to vector<256x128xf32>
    %mul3A_1797 = arith.mulf %dot_general3A_1794, %squeeze3A_1796 : vector<256x128xf32>
    %add3A_1798 = arith.addf %add3A_1791, %mul3A_1797 : vector<256x128xf32>
    %mul3A_1799 = arith.mulf %exp3A_1733, %div3A_1757 : vector<256x8xf32>
    %dot_general3A_1800 = arith.constant dense<0.000000e+00> : vector<256x128xf32>
    %dot_general3A_1801 = tpu.matmul %mul3A_1799, %transpose3A, %dot_general3A_1800 {dimension_numbers = #tpu.dot_dimension_numbers<[1], [0], [0], [1], [0, 0, 1, 1], [], []>, transpose_lhs_hint = false} : vector<256x8xf32>, vector<8x128xf32>, vector<256x128xf32> -> vector<256x128xf32>
    %slice3A_1802 = vector.extract_strided_slice %reshape3A_21 {offsets = [6, 0, 0], sizes = [1, 256, 128], strides = [1, 1, 1]} : vector<12x256x128xf32> to vector<1x256x128xf32>
    %squeeze3A_1803 = vector.shape_cast %slice3A_1802 : vector<1x256x128xf32> to vector<256x128xf32>
    %mul3A_1804 = arith.mulf %dot_general3A_1801, %squeeze3A_1803 : vector<256x128xf32>
    %add3A_1805 = arith.addf %add3A_1798, %mul3A_1804 : vector<256x128xf32>
    %mul3A_1806 = arith.mulf %exp3A_1735, %div3A_1757 : vector<256x8xf32>
    %dot_general3A_1807 = arith.constant dense<0.000000e+00> : vector<256x128xf32>
    %dot_general3A_1808 = tpu.matmul %mul3A_1806, %transpose3A, %dot_general3A_1807 {dimension_numbers = #tpu.dot_dimension_numbers<[1], [0], [0], [1], [0, 0, 1, 1], [], []>, transpose_lhs_hint = false} : vector<256x8xf32>, vector<8x128xf32>, vector<256x128xf32> -> vector<256x128xf32>
    %slice3A_1809 = vector.extract_strided_slice %reshape3A_21 {offsets = [7, 0, 0], sizes = [1, 256, 128], strides = [1, 1, 1]} : vector<12x256x128xf32> to vector<1x256x128xf32>
    %squeeze3A_1810 = vector.shape_cast %slice3A_1809 : vector<1x256x128xf32> to vector<256x128xf32>
    %mul3A_1811 = arith.mulf %dot_general3A_1808, %squeeze3A_1810 : vector<256x128xf32>
    %add3A_1812 = arith.addf %add3A_1805, %mul3A_1811 : vector<256x128xf32>
    %mul3A_1813 = arith.mulf %exp3A_1737, %div3A_1757 : vector<256x8xf32>
    %dot_general3A_1814 = arith.constant dense<0.000000e+00> : vector<256x128xf32>
    %dot_general3A_1815 = tpu.matmul %mul3A_1813, %transpose3A, %dot_general3A_1814 {dimension_numbers = #tpu.dot_dimension_numbers<[1], [0], [0], [1], [0, 0, 1, 1], [], []>, transpose_lhs_hint = false} : vector<256x8xf32>, vector<8x128xf32>, vector<256x128xf32> -> vector<256x128xf32>
    %slice3A_1816 = vector.extract_strided_slice %reshape3A_21 {offsets = [8, 0, 0], sizes = [1, 256, 128], strides = [1, 1, 1]} : vector<12x256x128xf32> to vector<1x256x128xf32>
    %squeeze3A_1817 = vector.shape_cast %slice3A_1816 : vector<1x256x128xf32> to vector<256x128xf32>
    %mul3A_1818 = arith.mulf %dot_general3A_1815, %squeeze3A_1817 : vector<256x128xf32>
    %add3A_1819 = arith.addf %add3A_1812, %mul3A_1818 : vector<256x128xf32>
    %mul3A_1820 = arith.mulf %exp3A_1739, %div3A_1757 : vector<256x8xf32>
    %dot_general3A_1821 = arith.constant dense<0.000000e+00> : vector<256x128xf32>
    %dot_general3A_1822 = tpu.matmul %mul3A_1820, %transpose3A, %dot_general3A_1821 {dimension_numbers = #tpu.dot_dimension_numbers<[1], [0], [0], [1], [0, 0, 1, 1], [], []>, transpose_lhs_hint = false} : vector<256x8xf32>, vector<8x128xf32>, vector<256x128xf32> -> vector<256x128xf32>
    %slice3A_1823 = vector.extract_strided_slice %reshape3A_21 {offsets = [9, 0, 0], sizes = [1, 256, 128], strides = [1, 1, 1]} : vector<12x256x128xf32> to vector<1x256x128xf32>
    %squeeze3A_1824 = vector.shape_cast %slice3A_1823 : vector<1x256x128xf32> to vector<256x128xf32>
    %mul3A_1825 = arith.mulf %dot_general3A_1822, %squeeze3A_1824 : vector<256x128xf32>
    %add3A_1826 = arith.addf %add3A_1819, %mul3A_1825 : vector<256x128xf32>
    %mul3A_1827 = arith.mulf %exp3A_1741, %div3A_1757 : vector<256x8xf32>
    %dot_general3A_1828 = arith.constant dense<0.000000e+00> : vector<256x128xf32>
    %dot_general3A_1829 = tpu.matmul %mul3A_1827, %transpose3A, %dot_general3A_1828 {dimension_numbers = #tpu.dot_dimension_numbers<[1], [0], [0], [1], [0, 0, 1, 1], [], []>, transpose_lhs_hint = false} : vector<256x8xf32>, vector<8x128xf32>, vector<256x128xf32> -> vector<256x128xf32>
    %slice3A_1830 = vector.extract_strided_slice %reshape3A_21 {offsets = [10, 0, 0], sizes = [1, 256, 128], strides = [1, 1, 1]} : vector<12x256x128xf32> to vector<1x256x128xf32>
    %squeeze3A_1831 = vector.shape_cast %slice3A_1830 : vector<1x256x128xf32> to vector<256x128xf32>
    %mul3A_1832 = arith.mulf %dot_general3A_1829, %squeeze3A_1831 : vector<256x128xf32>
    %add3A_1833 = arith.addf %add3A_1826, %mul3A_1832 : vector<256x128xf32>
    %mul3A_1834 = arith.mulf %exp3A_1743, %div3A_1757 : vector<256x8xf32>
    %dot_general3A_1835 = arith.constant dense<0.000000e+00> : vector<256x128xf32>
    %dot_general3A_1836 = tpu.matmul %mul3A_1834, %transpose3A, %dot_general3A_1835 {dimension_numbers = #tpu.dot_dimension_numbers<[1], [0], [0], [1], [0, 0, 1, 1], [], []>, transpose_lhs_hint = false} : vector<256x8xf32>, vector<8x128xf32>, vector<256x128xf32> -> vector<256x128xf32>
    %slice3A_1837 = vector.extract_strided_slice %reshape3A_21 {offsets = [11, 0, 0], sizes = [1, 256, 128], strides = [1, 1, 1]} : vector<12x256x128xf32> to vector<1x256x128xf32>
    %squeeze3A_1838 = vector.shape_cast %slice3A_1837 : vector<1x256x128xf32> to vector<256x128xf32>
    %mul3A_1839 = arith.mulf %dot_general3A_1836, %squeeze3A_1838 : vector<256x128xf32>
    %add3A_1840 = arith.addf %add3A_1833, %mul3A_1839 : vector<256x128xf32>
    %max3A_1841 = arith.maximumf %dot_general3A_554, %dot_general3A_561 : vector<256x8xf32>
    %max3A_1842 = arith.maximumf %max3A_1841, %dot_general3A_568 : vector<256x8xf32>
    %max3A_1843 = arith.maximumf %max3A_1842, %dot_general3A_575 : vector<256x8xf32>
    %max3A_1844 = arith.maximumf %max3A_1843, %dot_general3A_582 : vector<256x8xf32>
    %max3A_1845 = arith.maximumf %max3A_1844, %dot_general3A_589 : vector<256x8xf32>
    %max3A_1846 = arith.maximumf %max3A_1845, %dot_general3A_596 : vector<256x8xf32>
    %max3A_1847 = arith.maximumf %max3A_1846, %dot_general3A_603 : vector<256x8xf32>
    %max3A_1848 = arith.maximumf %max3A_1847, %dot_general3A_610 : vector<256x8xf32>
    %max3A_1849 = arith.maximumf %max3A_1848, %dot_general3A_617 : vector<256x8xf32>
    %max3A_1850 = arith.maximumf %max3A_1849, %dot_general3A_624 : vector<256x8xf32>
    %max3A_1851 = arith.maximumf %max3A_1850, %dot_general3A_631 : vector<256x8xf32>
    %sub3A_1852 = arith.subf %dot_general3A_554, %max3A_1851 : vector<256x8xf32>
    %exp3A_1853 = math.exp %sub3A_1852 : vector<256x8xf32>
    %sub3A_1854 = arith.subf %dot_general3A_561, %max3A_1851 : vector<256x8xf32>
    %exp3A_1855 = math.exp %sub3A_1854 : vector<256x8xf32>
    %sub3A_1856 = arith.subf %dot_general3A_568, %max3A_1851 : vector<256x8xf32>
    %exp3A_1857 = math.exp %sub3A_1856 : vector<256x8xf32>
    %sub3A_1858 = arith.subf %dot_general3A_575, %max3A_1851 : vector<256x8xf32>
    %exp3A_1859 = math.exp %sub3A_1858 : vector<256x8xf32>
    %sub3A_1860 = arith.subf %dot_general3A_582, %max3A_1851 : vector<256x8xf32>
    %exp3A_1861 = math.exp %sub3A_1860 : vector<256x8xf32>
    %sub3A_1862 = arith.subf %dot_general3A_589, %max3A_1851 : vector<256x8xf32>
    %exp3A_1863 = math.exp %sub3A_1862 : vector<256x8xf32>
    %sub3A_1864 = arith.subf %dot_general3A_596, %max3A_1851 : vector<256x8xf32>
    %exp3A_1865 = math.exp %sub3A_1864 : vector<256x8xf32>
    %sub3A_1866 = arith.subf %dot_general3A_603, %max3A_1851 : vector<256x8xf32>
    %exp3A_1867 = math.exp %sub3A_1866 : vector<256x8xf32>
    %sub3A_1868 = arith.subf %dot_general3A_610, %max3A_1851 : vector<256x8xf32>
    %exp3A_1869 = math.exp %sub3A_1868 : vector<256x8xf32>
    %sub3A_1870 = arith.subf %dot_general3A_617, %max3A_1851 : vector<256x8xf32>
    %exp3A_1871 = math.exp %sub3A_1870 : vector<256x8xf32>
    %sub3A_1872 = arith.subf %dot_general3A_624, %max3A_1851 : vector<256x8xf32>
    %exp3A_1873 = math.exp %sub3A_1872 : vector<256x8xf32>
    %sub3A_1874 = arith.subf %dot_general3A_631, %max3A_1851 : vector<256x8xf32>
    %exp3A_1875 = math.exp %sub3A_1874 : vector<256x8xf32>
    %add3A_1876 = arith.addf %exp3A_1853, %exp3A_1855 : vector<256x8xf32>
    %add3A_1877 = arith.addf %add3A_1876, %exp3A_1857 : vector<256x8xf32>
    %add3A_1878 = arith.addf %add3A_1877, %exp3A_1859 : vector<256x8xf32>
    %add3A_1879 = arith.addf %add3A_1878, %exp3A_1861 : vector<256x8xf32>
    %add3A_1880 = arith.addf %add3A_1879, %exp3A_1863 : vector<256x8xf32>
    %add3A_1881 = arith.addf %add3A_1880, %exp3A_1865 : vector<256x8xf32>
    %add3A_1882 = arith.addf %add3A_1881, %exp3A_1867 : vector<256x8xf32>
    %add3A_1883 = arith.addf %add3A_1882, %exp3A_1869 : vector<256x8xf32>
    %add3A_1884 = arith.addf %add3A_1883, %exp3A_1871 : vector<256x8xf32>
    %add3A_1885 = arith.addf %add3A_1884, %exp3A_1873 : vector<256x8xf32>
    %add3A_1886 = arith.addf %add3A_1885, %exp3A_1875 : vector<256x8xf32>
    %div3A_1887 = arith.constant 1.000000e+00 : f32
    %div3A_1888 = vector.broadcast %div3A_1887 : f32 to vector<256x8xf32>
    %div3A_1889 = arith.divf %div3A_1888, %add3A_1886 : vector<256x8xf32>
    %mul3A_1890 = arith.mulf %exp3A_1853, %div3A_1889 : vector<256x8xf32>
    %dot_general3A_1891 = arith.constant dense<0.000000e+00> : vector<256x128xf32>
    %dot_general3A_1892 = tpu.matmul %mul3A_1890, %transpose3A, %dot_general3A_1891 {dimension_numbers = #tpu.dot_dimension_numbers<[1], [0], [0], [1], [0, 0, 1, 1], [], []>, transpose_lhs_hint = false} : vector<256x8xf32>, vector<8x128xf32>, vector<256x128xf32> -> vector<256x128xf32>
    %slice3A_1893 = vector.extract_strided_slice %reshape3A_21 {offsets = [0, 0, 0], sizes = [1, 256, 128], strides = [1, 1, 1]} : vector<12x256x128xf32> to vector<1x256x128xf32>
    %squeeze3A_1894 = vector.shape_cast %slice3A_1893 : vector<1x256x128xf32> to vector<256x128xf32>
    %mul3A_1895 = arith.mulf %dot_general3A_1892, %squeeze3A_1894 : vector<256x128xf32>
    %mul3A_1896 = arith.mulf %exp3A_1855, %div3A_1889 : vector<256x8xf32>
    %dot_general3A_1897 = arith.constant dense<0.000000e+00> : vector<256x128xf32>
    %dot_general3A_1898 = tpu.matmul %mul3A_1896, %transpose3A, %dot_general3A_1897 {dimension_numbers = #tpu.dot_dimension_numbers<[1], [0], [0], [1], [0, 0, 1, 1], [], []>, transpose_lhs_hint = false} : vector<256x8xf32>, vector<8x128xf32>, vector<256x128xf32> -> vector<256x128xf32>
    %slice3A_1899 = vector.extract_strided_slice %reshape3A_21 {offsets = [1, 0, 0], sizes = [1, 256, 128], strides = [1, 1, 1]} : vector<12x256x128xf32> to vector<1x256x128xf32>
    %squeeze3A_1900 = vector.shape_cast %slice3A_1899 : vector<1x256x128xf32> to vector<256x128xf32>
    %mul3A_1901 = arith.mulf %dot_general3A_1898, %squeeze3A_1900 : vector<256x128xf32>
    %add3A_1902 = arith.addf %mul3A_1895, %mul3A_1901 : vector<256x128xf32>
    %mul3A_1903 = arith.mulf %exp3A_1857, %div3A_1889 : vector<256x8xf32>
    %dot_general3A_1904 = arith.constant dense<0.000000e+00> : vector<256x128xf32>
    %dot_general3A_1905 = tpu.matmul %mul3A_1903, %transpose3A, %dot_general3A_1904 {dimension_numbers = #tpu.dot_dimension_numbers<[1], [0], [0], [1], [0, 0, 1, 1], [], []>, transpose_lhs_hint = false} : vector<256x8xf32>, vector<8x128xf32>, vector<256x128xf32> -> vector<256x128xf32>
    %slice3A_1906 = vector.extract_strided_slice %reshape3A_21 {offsets = [2, 0, 0], sizes = [1, 256, 128], strides = [1, 1, 1]} : vector<12x256x128xf32> to vector<1x256x128xf32>
    %squeeze3A_1907 = vector.shape_cast %slice3A_1906 : vector<1x256x128xf32> to vector<256x128xf32>
    %mul3A_1908 = arith.mulf %dot_general3A_1905, %squeeze3A_1907 : vector<256x128xf32>
    %add3A_1909 = arith.addf %add3A_1902, %mul3A_1908 : vector<256x128xf32>
    %mul3A_1910 = arith.mulf %exp3A_1859, %div3A_1889 : vector<256x8xf32>
    %dot_general3A_1911 = arith.constant dense<0.000000e+00> : vector<256x128xf32>
    %dot_general3A_1912 = tpu.matmul %mul3A_1910, %transpose3A, %dot_general3A_1911 {dimension_numbers = #tpu.dot_dimension_numbers<[1], [0], [0], [1], [0, 0, 1, 1], [], []>, transpose_lhs_hint = false} : vector<256x8xf32>, vector<8x128xf32>, vector<256x128xf32> -> vector<256x128xf32>
    %slice3A_1913 = vector.extract_strided_slice %reshape3A_21 {offsets = [3, 0, 0], sizes = [1, 256, 128], strides = [1, 1, 1]} : vector<12x256x128xf32> to vector<1x256x128xf32>
    %squeeze3A_1914 = vector.shape_cast %slice3A_1913 : vector<1x256x128xf32> to vector<256x128xf32>
    %mul3A_1915 = arith.mulf %dot_general3A_1912, %squeeze3A_1914 : vector<256x128xf32>
    %add3A_1916 = arith.addf %add3A_1909, %mul3A_1915 : vector<256x128xf32>
    %mul3A_1917 = arith.mulf %exp3A_1861, %div3A_1889 : vector<256x8xf32>
    %dot_general3A_1918 = arith.constant dense<0.000000e+00> : vector<256x128xf32>
    %dot_general3A_1919 = tpu.matmul %mul3A_1917, %transpose3A, %dot_general3A_1918 {dimension_numbers = #tpu.dot_dimension_numbers<[1], [0], [0], [1], [0, 0, 1, 1], [], []>, transpose_lhs_hint = false} : vector<256x8xf32>, vector<8x128xf32>, vector<256x128xf32> -> vector<256x128xf32>
    %slice3A_1920 = vector.extract_strided_slice %reshape3A_21 {offsets = [4, 0, 0], sizes = [1, 256, 128], strides = [1, 1, 1]} : vector<12x256x128xf32> to vector<1x256x128xf32>
    %squeeze3A_1921 = vector.shape_cast %slice3A_1920 : vector<1x256x128xf32> to vector<256x128xf32>
    %mul3A_1922 = arith.mulf %dot_general3A_1919, %squeeze3A_1921 : vector<256x128xf32>
    %add3A_1923 = arith.addf %add3A_1916, %mul3A_1922 : vector<256x128xf32>
    %mul3A_1924 = arith.mulf %exp3A_1863, %div3A_1889 : vector<256x8xf32>
    %dot_general3A_1925 = arith.constant dense<0.000000e+00> : vector<256x128xf32>
    %dot_general3A_1926 = tpu.matmul %mul3A_1924, %transpose3A, %dot_general3A_1925 {dimension_numbers = #tpu.dot_dimension_numbers<[1], [0], [0], [1], [0, 0, 1, 1], [], []>, transpose_lhs_hint = false} : vector<256x8xf32>, vector<8x128xf32>, vector<256x128xf32> -> vector<256x128xf32>
    %slice3A_1927 = vector.extract_strided_slice %reshape3A_21 {offsets = [5, 0, 0], sizes = [1, 256, 128], strides = [1, 1, 1]} : vector<12x256x128xf32> to vector<1x256x128xf32>
    %squeeze3A_1928 = vector.shape_cast %slice3A_1927 : vector<1x256x128xf32> to vector<256x128xf32>
    %mul3A_1929 = arith.mulf %dot_general3A_1926, %squeeze3A_1928 : vector<256x128xf32>
    %add3A_1930 = arith.addf %add3A_1923, %mul3A_1929 : vector<256x128xf32>
    %mul3A_1931 = arith.mulf %exp3A_1865, %div3A_1889 : vector<256x8xf32>
    %dot_general3A_1932 = arith.constant dense<0.000000e+00> : vector<256x128xf32>
    %dot_general3A_1933 = tpu.matmul %mul3A_1931, %transpose3A, %dot_general3A_1932 {dimension_numbers = #tpu.dot_dimension_numbers<[1], [0], [0], [1], [0, 0, 1, 1], [], []>, transpose_lhs_hint = false} : vector<256x8xf32>, vector<8x128xf32>, vector<256x128xf32> -> vector<256x128xf32>
    %slice3A_1934 = vector.extract_strided_slice %reshape3A_21 {offsets = [6, 0, 0], sizes = [1, 256, 128], strides = [1, 1, 1]} : vector<12x256x128xf32> to vector<1x256x128xf32>
    %squeeze3A_1935 = vector.shape_cast %slice3A_1934 : vector<1x256x128xf32> to vector<256x128xf32>
    %mul3A_1936 = arith.mulf %dot_general3A_1933, %squeeze3A_1935 : vector<256x128xf32>
    %add3A_1937 = arith.addf %add3A_1930, %mul3A_1936 : vector<256x128xf32>
    %mul3A_1938 = arith.mulf %exp3A_1867, %div3A_1889 : vector<256x8xf32>
    %dot_general3A_1939 = arith.constant dense<0.000000e+00> : vector<256x128xf32>
    %dot_general3A_1940 = tpu.matmul %mul3A_1938, %transpose3A, %dot_general3A_1939 {dimension_numbers = #tpu.dot_dimension_numbers<[1], [0], [0], [1], [0, 0, 1, 1], [], []>, transpose_lhs_hint = false} : vector<256x8xf32>, vector<8x128xf32>, vector<256x128xf32> -> vector<256x128xf32>
    %slice3A_1941 = vector.extract_strided_slice %reshape3A_21 {offsets = [7, 0, 0], sizes = [1, 256, 128], strides = [1, 1, 1]} : vector<12x256x128xf32> to vector<1x256x128xf32>
    %squeeze3A_1942 = vector.shape_cast %slice3A_1941 : vector<1x256x128xf32> to vector<256x128xf32>
    %mul3A_1943 = arith.mulf %dot_general3A_1940, %squeeze3A_1942 : vector<256x128xf32>
    %add3A_1944 = arith.addf %add3A_1937, %mul3A_1943 : vector<256x128xf32>
    %mul3A_1945 = arith.mulf %exp3A_1869, %div3A_1889 : vector<256x8xf32>
    %dot_general3A_1946 = arith.constant dense<0.000000e+00> : vector<256x128xf32>
    %dot_general3A_1947 = tpu.matmul %mul3A_1945, %transpose3A, %dot_general3A_1946 {dimension_numbers = #tpu.dot_dimension_numbers<[1], [0], [0], [1], [0, 0, 1, 1], [], []>, transpose_lhs_hint = false} : vector<256x8xf32>, vector<8x128xf32>, vector<256x128xf32> -> vector<256x128xf32>
    %slice3A_1948 = vector.extract_strided_slice %reshape3A_21 {offsets = [8, 0, 0], sizes = [1, 256, 128], strides = [1, 1, 1]} : vector<12x256x128xf32> to vector<1x256x128xf32>
    %squeeze3A_1949 = vector.shape_cast %slice3A_1948 : vector<1x256x128xf32> to vector<256x128xf32>
    %mul3A_1950 = arith.mulf %dot_general3A_1947, %squeeze3A_1949 : vector<256x128xf32>
    %add3A_1951 = arith.addf %add3A_1944, %mul3A_1950 : vector<256x128xf32>
    %mul3A_1952 = arith.mulf %exp3A_1871, %div3A_1889 : vector<256x8xf32>
    %dot_general3A_1953 = arith.constant dense<0.000000e+00> : vector<256x128xf32>
    %dot_general3A_1954 = tpu.matmul %mul3A_1952, %transpose3A, %dot_general3A_1953 {dimension_numbers = #tpu.dot_dimension_numbers<[1], [0], [0], [1], [0, 0, 1, 1], [], []>, transpose_lhs_hint = false} : vector<256x8xf32>, vector<8x128xf32>, vector<256x128xf32> -> vector<256x128xf32>
    %slice3A_1955 = vector.extract_strided_slice %reshape3A_21 {offsets = [9, 0, 0], sizes = [1, 256, 128], strides = [1, 1, 1]} : vector<12x256x128xf32> to vector<1x256x128xf32>
    %squeeze3A_1956 = vector.shape_cast %slice3A_1955 : vector<1x256x128xf32> to vector<256x128xf32>
    %mul3A_1957 = arith.mulf %dot_general3A_1954, %squeeze3A_1956 : vector<256x128xf32>
    %add3A_1958 = arith.addf %add3A_1951, %mul3A_1957 : vector<256x128xf32>
    %mul3A_1959 = arith.mulf %exp3A_1873, %div3A_1889 : vector<256x8xf32>
    %dot_general3A_1960 = arith.constant dense<0.000000e+00> : vector<256x128xf32>
    %dot_general3A_1961 = tpu.matmul %mul3A_1959, %transpose3A, %dot_general3A_1960 {dimension_numbers = #tpu.dot_dimension_numbers<[1], [0], [0], [1], [0, 0, 1, 1], [], []>, transpose_lhs_hint = false} : vector<256x8xf32>, vector<8x128xf32>, vector<256x128xf32> -> vector<256x128xf32>
    %slice3A_1962 = vector.extract_strided_slice %reshape3A_21 {offsets = [10, 0, 0], sizes = [1, 256, 128], strides = [1, 1, 1]} : vector<12x256x128xf32> to vector<1x256x128xf32>
    %squeeze3A_1963 = vector.shape_cast %slice3A_1962 : vector<1x256x128xf32> to vector<256x128xf32>
    %mul3A_1964 = arith.mulf %dot_general3A_1961, %squeeze3A_1963 : vector<256x128xf32>
    %add3A_1965 = arith.addf %add3A_1958, %mul3A_1964 : vector<256x128xf32>
    %mul3A_1966 = arith.mulf %exp3A_1875, %div3A_1889 : vector<256x8xf32>
    %dot_general3A_1967 = arith.constant dense<0.000000e+00> : vector<256x128xf32>
    %dot_general3A_1968 = tpu.matmul %mul3A_1966, %transpose3A, %dot_general3A_1967 {dimension_numbers = #tpu.dot_dimension_numbers<[1], [0], [0], [1], [0, 0, 1, 1], [], []>, transpose_lhs_hint = false} : vector<256x8xf32>, vector<8x128xf32>, vector<256x128xf32> -> vector<256x128xf32>
    %slice3A_1969 = vector.extract_strided_slice %reshape3A_21 {offsets = [11, 0, 0], sizes = [1, 256, 128], strides = [1, 1, 1]} : vector<12x256x128xf32> to vector<1x256x128xf32>
    %squeeze3A_1970 = vector.shape_cast %slice3A_1969 : vector<1x256x128xf32> to vector<256x128xf32>
    %mul3A_1971 = arith.mulf %dot_general3A_1968, %squeeze3A_1970 : vector<256x128xf32>
    %add3A_1972 = arith.addf %add3A_1965, %mul3A_1971 : vector<256x128xf32>
    %max3A_1973 = arith.maximumf %dot_general3A_638, %dot_general3A_645 : vector<256x8xf32>
    %max3A_1974 = arith.maximumf %max3A_1973, %dot_general3A_652 : vector<256x8xf32>
    %max3A_1975 = arith.maximumf %max3A_1974, %dot_general3A_659 : vector<256x8xf32>
    %max3A_1976 = arith.maximumf %max3A_1975, %dot_general3A_666 : vector<256x8xf32>
    %max3A_1977 = arith.maximumf %max3A_1976, %dot_general3A_673 : vector<256x8xf32>
    %max3A_1978 = arith.maximumf %max3A_1977, %dot_general3A_680 : vector<256x8xf32>
    %max3A_1979 = arith.maximumf %max3A_1978, %dot_general3A_687 : vector<256x8xf32>
    %max3A_1980 = arith.maximumf %max3A_1979, %dot_general3A_694 : vector<256x8xf32>
    %max3A_1981 = arith.maximumf %max3A_1980, %dot_general3A_701 : vector<256x8xf32>
    %max3A_1982 = arith.maximumf %max3A_1981, %dot_general3A_708 : vector<256x8xf32>
    %max3A_1983 = arith.maximumf %max3A_1982, %dot_general3A_715 : vector<256x8xf32>
    %sub3A_1984 = arith.subf %dot_general3A_638, %max3A_1983 : vector<256x8xf32>
    %exp3A_1985 = math.exp %sub3A_1984 : vector<256x8xf32>
    %sub3A_1986 = arith.subf %dot_general3A_645, %max3A_1983 : vector<256x8xf32>
    %exp3A_1987 = math.exp %sub3A_1986 : vector<256x8xf32>
    %sub3A_1988 = arith.subf %dot_general3A_652, %max3A_1983 : vector<256x8xf32>
    %exp3A_1989 = math.exp %sub3A_1988 : vector<256x8xf32>
    %sub3A_1990 = arith.subf %dot_general3A_659, %max3A_1983 : vector<256x8xf32>
    %exp3A_1991 = math.exp %sub3A_1990 : vector<256x8xf32>
    %sub3A_1992 = arith.subf %dot_general3A_666, %max3A_1983 : vector<256x8xf32>
    %exp3A_1993 = math.exp %sub3A_1992 : vector<256x8xf32>
    %sub3A_1994 = arith.subf %dot_general3A_673, %max3A_1983 : vector<256x8xf32>
    %exp3A_1995 = math.exp %sub3A_1994 : vector<256x8xf32>
    %sub3A_1996 = arith.subf %dot_general3A_680, %max3A_1983 : vector<256x8xf32>
    %exp3A_1997 = math.exp %sub3A_1996 : vector<256x8xf32>
    %sub3A_1998 = arith.subf %dot_general3A_687, %max3A_1983 : vector<256x8xf32>
    %exp3A_1999 = math.exp %sub3A_1998 : vector<256x8xf32>
    %sub3A_2000 = arith.subf %dot_general3A_694, %max3A_1983 : vector<256x8xf32>
    %exp3A_2001 = math.exp %sub3A_2000 : vector<256x8xf32>
    %sub3A_2002 = arith.subf %dot_general3A_701, %max3A_1983 : vector<256x8xf32>
    %exp3A_2003 = math.exp %sub3A_2002 : vector<256x8xf32>
    %sub3A_2004 = arith.subf %dot_general3A_708, %max3A_1983 : vector<256x8xf32>
    %exp3A_2005 = math.exp %sub3A_2004 : vector<256x8xf32>
    %sub3A_2006 = arith.subf %dot_general3A_715, %max3A_1983 : vector<256x8xf32>
    %exp3A_2007 = math.exp %sub3A_2006 : vector<256x8xf32>
    %add3A_2008 = arith.addf %exp3A_1985, %exp3A_1987 : vector<256x8xf32>
    %add3A_2009 = arith.addf %add3A_2008, %exp3A_1989 : vector<256x8xf32>
    %add3A_2010 = arith.addf %add3A_2009, %exp3A_1991 : vector<256x8xf32>
    %add3A_2011 = arith.addf %add3A_2010, %exp3A_1993 : vector<256x8xf32>
    %add3A_2012 = arith.addf %add3A_2011, %exp3A_1995 : vector<256x8xf32>
    %add3A_2013 = arith.addf %add3A_2012, %exp3A_1997 : vector<256x8xf32>
    %add3A_2014 = arith.addf %add3A_2013, %exp3A_1999 : vector<256x8xf32>
    %add3A_2015 = arith.addf %add3A_2014, %exp3A_2001 : vector<256x8xf32>
    %add3A_2016 = arith.addf %add3A_2015, %exp3A_2003 : vector<256x8xf32>
    %add3A_2017 = arith.addf %add3A_2016, %exp3A_2005 : vector<256x8xf32>
    %add3A_2018 = arith.addf %add3A_2017, %exp3A_2007 : vector<256x8xf32>
    %div3A_2019 = arith.constant 1.000000e+00 : f32
    %div3A_2020 = vector.broadcast %div3A_2019 : f32 to vector<256x8xf32>
    %div3A_2021 = arith.divf %div3A_2020, %add3A_2018 : vector<256x8xf32>
    %mul3A_2022 = arith.mulf %exp3A_1985, %div3A_2021 : vector<256x8xf32>
    %dot_general3A_2023 = arith.constant dense<0.000000e+00> : vector<256x128xf32>
    %dot_general3A_2024 = tpu.matmul %mul3A_2022, %transpose3A, %dot_general3A_2023 {dimension_numbers = #tpu.dot_dimension_numbers<[1], [0], [0], [1], [0, 0, 1, 1], [], []>, transpose_lhs_hint = false} : vector<256x8xf32>, vector<8x128xf32>, vector<256x128xf32> -> vector<256x128xf32>
    %slice3A_2025 = vector.extract_strided_slice %reshape3A_21 {offsets = [0, 0, 0], sizes = [1, 256, 128], strides = [1, 1, 1]} : vector<12x256x128xf32> to vector<1x256x128xf32>
    %squeeze3A_2026 = vector.shape_cast %slice3A_2025 : vector<1x256x128xf32> to vector<256x128xf32>
    %mul3A_2027 = arith.mulf %dot_general3A_2024, %squeeze3A_2026 : vector<256x128xf32>
    %mul3A_2028 = arith.mulf %exp3A_1987, %div3A_2021 : vector<256x8xf32>
    %dot_general3A_2029 = arith.constant dense<0.000000e+00> : vector<256x128xf32>
    %dot_general3A_2030 = tpu.matmul %mul3A_2028, %transpose3A, %dot_general3A_2029 {dimension_numbers = #tpu.dot_dimension_numbers<[1], [0], [0], [1], [0, 0, 1, 1], [], []>, transpose_lhs_hint = false} : vector<256x8xf32>, vector<8x128xf32>, vector<256x128xf32> -> vector<256x128xf32>
    %slice3A_2031 = vector.extract_strided_slice %reshape3A_21 {offsets = [1, 0, 0], sizes = [1, 256, 128], strides = [1, 1, 1]} : vector<12x256x128xf32> to vector<1x256x128xf32>
    %squeeze3A_2032 = vector.shape_cast %slice3A_2031 : vector<1x256x128xf32> to vector<256x128xf32>
    %mul3A_2033 = arith.mulf %dot_general3A_2030, %squeeze3A_2032 : vector<256x128xf32>
    %add3A_2034 = arith.addf %mul3A_2027, %mul3A_2033 : vector<256x128xf32>
    %mul3A_2035 = arith.mulf %exp3A_1989, %div3A_2021 : vector<256x8xf32>
    %dot_general3A_2036 = arith.constant dense<0.000000e+00> : vector<256x128xf32>
    %dot_general3A_2037 = tpu.matmul %mul3A_2035, %transpose3A, %dot_general3A_2036 {dimension_numbers = #tpu.dot_dimension_numbers<[1], [0], [0], [1], [0, 0, 1, 1], [], []>, transpose_lhs_hint = false} : vector<256x8xf32>, vector<8x128xf32>, vector<256x128xf32> -> vector<256x128xf32>
    %slice3A_2038 = vector.extract_strided_slice %reshape3A_21 {offsets = [2, 0, 0], sizes = [1, 256, 128], strides = [1, 1, 1]} : vector<12x256x128xf32> to vector<1x256x128xf32>
    %squeeze3A_2039 = vector.shape_cast %slice3A_2038 : vector<1x256x128xf32> to vector<256x128xf32>
    %mul3A_2040 = arith.mulf %dot_general3A_2037, %squeeze3A_2039 : vector<256x128xf32>
    %add3A_2041 = arith.addf %add3A_2034, %mul3A_2040 : vector<256x128xf32>
    %mul3A_2042 = arith.mulf %exp3A_1991, %div3A_2021 : vector<256x8xf32>
    %dot_general3A_2043 = arith.constant dense<0.000000e+00> : vector<256x128xf32>
    %dot_general3A_2044 = tpu.matmul %mul3A_2042, %transpose3A, %dot_general3A_2043 {dimension_numbers = #tpu.dot_dimension_numbers<[1], [0], [0], [1], [0, 0, 1, 1], [], []>, transpose_lhs_hint = false} : vector<256x8xf32>, vector<8x128xf32>, vector<256x128xf32> -> vector<256x128xf32>
    %slice3A_2045 = vector.extract_strided_slice %reshape3A_21 {offsets = [3, 0, 0], sizes = [1, 256, 128], strides = [1, 1, 1]} : vector<12x256x128xf32> to vector<1x256x128xf32>
    %squeeze3A_2046 = vector.shape_cast %slice3A_2045 : vector<1x256x128xf32> to vector<256x128xf32>
    %mul3A_2047 = arith.mulf %dot_general3A_2044, %squeeze3A_2046 : vector<256x128xf32>
    %add3A_2048 = arith.addf %add3A_2041, %mul3A_2047 : vector<256x128xf32>
    %mul3A_2049 = arith.mulf %exp3A_1993, %div3A_2021 : vector<256x8xf32>
    %dot_general3A_2050 = arith.constant dense<0.000000e+00> : vector<256x128xf32>
    %dot_general3A_2051 = tpu.matmul %mul3A_2049, %transpose3A, %dot_general3A_2050 {dimension_numbers = #tpu.dot_dimension_numbers<[1], [0], [0], [1], [0, 0, 1, 1], [], []>, transpose_lhs_hint = false} : vector<256x8xf32>, vector<8x128xf32>, vector<256x128xf32> -> vector<256x128xf32>
    %slice3A_2052 = vector.extract_strided_slice %reshape3A_21 {offsets = [4, 0, 0], sizes = [1, 256, 128], strides = [1, 1, 1]} : vector<12x256x128xf32> to vector<1x256x128xf32>
    %squeeze3A_2053 = vector.shape_cast %slice3A_2052 : vector<1x256x128xf32> to vector<256x128xf32>
    %mul3A_2054 = arith.mulf %dot_general3A_2051, %squeeze3A_2053 : vector<256x128xf32>
    %add3A_2055 = arith.addf %add3A_2048, %mul3A_2054 : vector<256x128xf32>
    %mul3A_2056 = arith.mulf %exp3A_1995, %div3A_2021 : vector<256x8xf32>
    %dot_general3A_2057 = arith.constant dense<0.000000e+00> : vector<256x128xf32>
    %dot_general3A_2058 = tpu.matmul %mul3A_2056, %transpose3A, %dot_general3A_2057 {dimension_numbers = #tpu.dot_dimension_numbers<[1], [0], [0], [1], [0, 0, 1, 1], [], []>, transpose_lhs_hint = false} : vector<256x8xf32>, vector<8x128xf32>, vector<256x128xf32> -> vector<256x128xf32>
    %slice3A_2059 = vector.extract_strided_slice %reshape3A_21 {offsets = [5, 0, 0], sizes = [1, 256, 128], strides = [1, 1, 1]} : vector<12x256x128xf32> to vector<1x256x128xf32>
    %squeeze3A_2060 = vector.shape_cast %slice3A_2059 : vector<1x256x128xf32> to vector<256x128xf32>
    %mul3A_2061 = arith.mulf %dot_general3A_2058, %squeeze3A_2060 : vector<256x128xf32>
    %add3A_2062 = arith.addf %add3A_2055, %mul3A_2061 : vector<256x128xf32>
    %mul3A_2063 = arith.mulf %exp3A_1997, %div3A_2021 : vector<256x8xf32>
    %dot_general3A_2064 = arith.constant dense<0.000000e+00> : vector<256x128xf32>
    %dot_general3A_2065 = tpu.matmul %mul3A_2063, %transpose3A, %dot_general3A_2064 {dimension_numbers = #tpu.dot_dimension_numbers<[1], [0], [0], [1], [0, 0, 1, 1], [], []>, transpose_lhs_hint = false} : vector<256x8xf32>, vector<8x128xf32>, vector<256x128xf32> -> vector<256x128xf32>
    %slice3A_2066 = vector.extract_strided_slice %reshape3A_21 {offsets = [6, 0, 0], sizes = [1, 256, 128], strides = [1, 1, 1]} : vector<12x256x128xf32> to vector<1x256x128xf32>
    %squeeze3A_2067 = vector.shape_cast %slice3A_2066 : vector<1x256x128xf32> to vector<256x128xf32>
    %mul3A_2068 = arith.mulf %dot_general3A_2065, %squeeze3A_2067 : vector<256x128xf32>
    %add3A_2069 = arith.addf %add3A_2062, %mul3A_2068 : vector<256x128xf32>
    %mul3A_2070 = arith.mulf %exp3A_1999, %div3A_2021 : vector<256x8xf32>
    %dot_general3A_2071 = arith.constant dense<0.000000e+00> : vector<256x128xf32>
    %dot_general3A_2072 = tpu.matmul %mul3A_2070, %transpose3A, %dot_general3A_2071 {dimension_numbers = #tpu.dot_dimension_numbers<[1], [0], [0], [1], [0, 0, 1, 1], [], []>, transpose_lhs_hint = false} : vector<256x8xf32>, vector<8x128xf32>, vector<256x128xf32> -> vector<256x128xf32>
    %slice3A_2073 = vector.extract_strided_slice %reshape3A_21 {offsets = [7, 0, 0], sizes = [1, 256, 128], strides = [1, 1, 1]} : vector<12x256x128xf32> to vector<1x256x128xf32>
    %squeeze3A_2074 = vector.shape_cast %slice3A_2073 : vector<1x256x128xf32> to vector<256x128xf32>
    %mul3A_2075 = arith.mulf %dot_general3A_2072, %squeeze3A_2074 : vector<256x128xf32>
    %add3A_2076 = arith.addf %add3A_2069, %mul3A_2075 : vector<256x128xf32>
    %mul3A_2077 = arith.mulf %exp3A_2001, %div3A_2021 : vector<256x8xf32>
    %dot_general3A_2078 = arith.constant dense<0.000000e+00> : vector<256x128xf32>
    %dot_general3A_2079 = tpu.matmul %mul3A_2077, %transpose3A, %dot_general3A_2078 {dimension_numbers = #tpu.dot_dimension_numbers<[1], [0], [0], [1], [0, 0, 1, 1], [], []>, transpose_lhs_hint = false} : vector<256x8xf32>, vector<8x128xf32>, vector<256x128xf32> -> vector<256x128xf32>
    %slice3A_2080 = vector.extract_strided_slice %reshape3A_21 {offsets = [8, 0, 0], sizes = [1, 256, 128], strides = [1, 1, 1]} : vector<12x256x128xf32> to vector<1x256x128xf32>
    %squeeze3A_2081 = vector.shape_cast %slice3A_2080 : vector<1x256x128xf32> to vector<256x128xf32>
    %mul3A_2082 = arith.mulf %dot_general3A_2079, %squeeze3A_2081 : vector<256x128xf32>
    %add3A_2083 = arith.addf %add3A_2076, %mul3A_2082 : vector<256x128xf32>
    %mul3A_2084 = arith.mulf %exp3A_2003, %div3A_2021 : vector<256x8xf32>
    %dot_general3A_2085 = arith.constant dense<0.000000e+00> : vector<256x128xf32>
    %dot_general3A_2086 = tpu.matmul %mul3A_2084, %transpose3A, %dot_general3A_2085 {dimension_numbers = #tpu.dot_dimension_numbers<[1], [0], [0], [1], [0, 0, 1, 1], [], []>, transpose_lhs_hint = false} : vector<256x8xf32>, vector<8x128xf32>, vector<256x128xf32> -> vector<256x128xf32>
    %slice3A_2087 = vector.extract_strided_slice %reshape3A_21 {offsets = [9, 0, 0], sizes = [1, 256, 128], strides = [1, 1, 1]} : vector<12x256x128xf32> to vector<1x256x128xf32>
    %squeeze3A_2088 = vector.shape_cast %slice3A_2087 : vector<1x256x128xf32> to vector<256x128xf32>
    %mul3A_2089 = arith.mulf %dot_general3A_2086, %squeeze3A_2088 : vector<256x128xf32>
    %add3A_2090 = arith.addf %add3A_2083, %mul3A_2089 : vector<256x128xf32>
    %mul3A_2091 = arith.mulf %exp3A_2005, %div3A_2021 : vector<256x8xf32>
    %dot_general3A_2092 = arith.constant dense<0.000000e+00> : vector<256x128xf32>
    %dot_general3A_2093 = tpu.matmul %mul3A_2091, %transpose3A, %dot_general3A_2092 {dimension_numbers = #tpu.dot_dimension_numbers<[1], [0], [0], [1], [0, 0, 1, 1], [], []>, transpose_lhs_hint = false} : vector<256x8xf32>, vector<8x128xf32>, vector<256x128xf32> -> vector<256x128xf32>
    %slice3A_2094 = vector.extract_strided_slice %reshape3A_21 {offsets = [10, 0, 0], sizes = [1, 256, 128], strides = [1, 1, 1]} : vector<12x256x128xf32> to vector<1x256x128xf32>
    %squeeze3A_2095 = vector.shape_cast %slice3A_2094 : vector<1x256x128xf32> to vector<256x128xf32>
    %mul3A_2096 = arith.mulf %dot_general3A_2093, %squeeze3A_2095 : vector<256x128xf32>
    %add3A_2097 = arith.addf %add3A_2090, %mul3A_2096 : vector<256x128xf32>
    %mul3A_2098 = arith.mulf %exp3A_2007, %div3A_2021 : vector<256x8xf32>
    %dot_general3A_2099 = arith.constant dense<0.000000e+00> : vector<256x128xf32>
    %dot_general3A_2100 = tpu.matmul %mul3A_2098, %transpose3A, %dot_general3A_2099 {dimension_numbers = #tpu.dot_dimension_numbers<[1], [0], [0], [1], [0, 0, 1, 1], [], []>, transpose_lhs_hint = false} : vector<256x8xf32>, vector<8x128xf32>, vector<256x128xf32> -> vector<256x128xf32>
    %slice3A_2101 = vector.extract_strided_slice %reshape3A_21 {offsets = [11, 0, 0], sizes = [1, 256, 128], strides = [1, 1, 1]} : vector<12x256x128xf32> to vector<1x256x128xf32>
    %squeeze3A_2102 = vector.shape_cast %slice3A_2101 : vector<1x256x128xf32> to vector<256x128xf32>
    %mul3A_2103 = arith.mulf %dot_general3A_2100, %squeeze3A_2102 : vector<256x128xf32>
    %add3A_2104 = arith.addf %add3A_2097, %mul3A_2103 : vector<256x128xf32>
    %max3A_2105 = arith.maximumf %dot_general3A_722, %dot_general3A_729 : vector<256x8xf32>
    %max3A_2106 = arith.maximumf %max3A_2105, %dot_general3A_736 : vector<256x8xf32>
    %max3A_2107 = arith.maximumf %max3A_2106, %dot_general3A_743 : vector<256x8xf32>
    %max3A_2108 = arith.maximumf %max3A_2107, %dot_general3A_750 : vector<256x8xf32>
    %max3A_2109 = arith.maximumf %max3A_2108, %dot_general3A_757 : vector<256x8xf32>
    %max3A_2110 = arith.maximumf %max3A_2109, %dot_general3A_764 : vector<256x8xf32>
    %max3A_2111 = arith.maximumf %max3A_2110, %dot_general3A_771 : vector<256x8xf32>
    %max3A_2112 = arith.maximumf %max3A_2111, %dot_general3A_778 : vector<256x8xf32>
    %max3A_2113 = arith.maximumf %max3A_2112, %dot_general3A_785 : vector<256x8xf32>
    %max3A_2114 = arith.maximumf %max3A_2113, %dot_general3A_792 : vector<256x8xf32>
    %max3A_2115 = arith.maximumf %max3A_2114, %dot_general3A_799 : vector<256x8xf32>
    %sub3A_2116 = arith.subf %dot_general3A_722, %max3A_2115 : vector<256x8xf32>
    %exp3A_2117 = math.exp %sub3A_2116 : vector<256x8xf32>
    %sub3A_2118 = arith.subf %dot_general3A_729, %max3A_2115 : vector<256x8xf32>
    %exp3A_2119 = math.exp %sub3A_2118 : vector<256x8xf32>
    %sub3A_2120 = arith.subf %dot_general3A_736, %max3A_2115 : vector<256x8xf32>
    %exp3A_2121 = math.exp %sub3A_2120 : vector<256x8xf32>
    %sub3A_2122 = arith.subf %dot_general3A_743, %max3A_2115 : vector<256x8xf32>
    %exp3A_2123 = math.exp %sub3A_2122 : vector<256x8xf32>
    %sub3A_2124 = arith.subf %dot_general3A_750, %max3A_2115 : vector<256x8xf32>
    %exp3A_2125 = math.exp %sub3A_2124 : vector<256x8xf32>
    %sub3A_2126 = arith.subf %dot_general3A_757, %max3A_2115 : vector<256x8xf32>
    %exp3A_2127 = math.exp %sub3A_2126 : vector<256x8xf32>
    %sub3A_2128 = arith.subf %dot_general3A_764, %max3A_2115 : vector<256x8xf32>
    %exp3A_2129 = math.exp %sub3A_2128 : vector<256x8xf32>
    %sub3A_2130 = arith.subf %dot_general3A_771, %max3A_2115 : vector<256x8xf32>
    %exp3A_2131 = math.exp %sub3A_2130 : vector<256x8xf32>
    %sub3A_2132 = arith.subf %dot_general3A_778, %max3A_2115 : vector<256x8xf32>
    %exp3A_2133 = math.exp %sub3A_2132 : vector<256x8xf32>
    %sub3A_2134 = arith.subf %dot_general3A_785, %max3A_2115 : vector<256x8xf32>
    %exp3A_2135 = math.exp %sub3A_2134 : vector<256x8xf32>
    %sub3A_2136 = arith.subf %dot_general3A_792, %max3A_2115 : vector<256x8xf32>
    %exp3A_2137 = math.exp %sub3A_2136 : vector<256x8xf32>
    %sub3A_2138 = arith.subf %dot_general3A_799, %max3A_2115 : vector<256x8xf32>
    %exp3A_2139 = math.exp %sub3A_2138 : vector<256x8xf32>
    %add3A_2140 = arith.addf %exp3A_2117, %exp3A_2119 : vector<256x8xf32>
    %add3A_2141 = arith.addf %add3A_2140, %exp3A_2121 : vector<256x8xf32>
    %add3A_2142 = arith.addf %add3A_2141, %exp3A_2123 : vector<256x8xf32>
    %add3A_2143 = arith.addf %add3A_2142, %exp3A_2125 : vector<256x8xf32>
    %add3A_2144 = arith.addf %add3A_2143, %exp3A_2127 : vector<256x8xf32>
    %add3A_2145 = arith.addf %add3A_2144, %exp3A_2129 : vector<256x8xf32>
    %add3A_2146 = arith.addf %add3A_2145, %exp3A_2131 : vector<256x8xf32>
    %add3A_2147 = arith.addf %add3A_2146, %exp3A_2133 : vector<256x8xf32>
    %add3A_2148 = arith.addf %add3A_2147, %exp3A_2135 : vector<256x8xf32>
    %add3A_2149 = arith.addf %add3A_2148, %exp3A_2137 : vector<256x8xf32>
    %add3A_2150 = arith.addf %add3A_2149, %exp3A_2139 : vector<256x8xf32>
    %div3A_2151 = arith.constant 1.000000e+00 : f32
    %div3A_2152 = vector.broadcast %div3A_2151 : f32 to vector<256x8xf32>
    %div3A_2153 = arith.divf %div3A_2152, %add3A_2150 : vector<256x8xf32>
    %mul3A_2154 = arith.mulf %exp3A_2117, %div3A_2153 : vector<256x8xf32>
    %dot_general3A_2155 = arith.constant dense<0.000000e+00> : vector<256x128xf32>
    %dot_general3A_2156 = tpu.matmul %mul3A_2154, %transpose3A, %dot_general3A_2155 {dimension_numbers = #tpu.dot_dimension_numbers<[1], [0], [0], [1], [0, 0, 1, 1], [], []>, transpose_lhs_hint = false} : vector<256x8xf32>, vector<8x128xf32>, vector<256x128xf32> -> vector<256x128xf32>
    %slice3A_2157 = vector.extract_strided_slice %reshape3A_21 {offsets = [0, 0, 0], sizes = [1, 256, 128], strides = [1, 1, 1]} : vector<12x256x128xf32> to vector<1x256x128xf32>
    %squeeze3A_2158 = vector.shape_cast %slice3A_2157 : vector<1x256x128xf32> to vector<256x128xf32>
    %mul3A_2159 = arith.mulf %dot_general3A_2156, %squeeze3A_2158 : vector<256x128xf32>
    %mul3A_2160 = arith.mulf %exp3A_2119, %div3A_2153 : vector<256x8xf32>
    %dot_general3A_2161 = arith.constant dense<0.000000e+00> : vector<256x128xf32>
    %dot_general3A_2162 = tpu.matmul %mul3A_2160, %transpose3A, %dot_general3A_2161 {dimension_numbers = #tpu.dot_dimension_numbers<[1], [0], [0], [1], [0, 0, 1, 1], [], []>, transpose_lhs_hint = false} : vector<256x8xf32>, vector<8x128xf32>, vector<256x128xf32> -> vector<256x128xf32>
    %slice3A_2163 = vector.extract_strided_slice %reshape3A_21 {offsets = [1, 0, 0], sizes = [1, 256, 128], strides = [1, 1, 1]} : vector<12x256x128xf32> to vector<1x256x128xf32>
    %squeeze3A_2164 = vector.shape_cast %slice3A_2163 : vector<1x256x128xf32> to vector<256x128xf32>
    %mul3A_2165 = arith.mulf %dot_general3A_2162, %squeeze3A_2164 : vector<256x128xf32>
    %add3A_2166 = arith.addf %mul3A_2159, %mul3A_2165 : vector<256x128xf32>
    %mul3A_2167 = arith.mulf %exp3A_2121, %div3A_2153 : vector<256x8xf32>
    %dot_general3A_2168 = arith.constant dense<0.000000e+00> : vector<256x128xf32>
    %dot_general3A_2169 = tpu.matmul %mul3A_2167, %transpose3A, %dot_general3A_2168 {dimension_numbers = #tpu.dot_dimension_numbers<[1], [0], [0], [1], [0, 0, 1, 1], [], []>, transpose_lhs_hint = false} : vector<256x8xf32>, vector<8x128xf32>, vector<256x128xf32> -> vector<256x128xf32>
    %slice3A_2170 = vector.extract_strided_slice %reshape3A_21 {offsets = [2, 0, 0], sizes = [1, 256, 128], strides = [1, 1, 1]} : vector<12x256x128xf32> to vector<1x256x128xf32>
    %squeeze3A_2171 = vector.shape_cast %slice3A_2170 : vector<1x256x128xf32> to vector<256x128xf32>
    %mul3A_2172 = arith.mulf %dot_general3A_2169, %squeeze3A_2171 : vector<256x128xf32>
    %add3A_2173 = arith.addf %add3A_2166, %mul3A_2172 : vector<256x128xf32>
    %mul3A_2174 = arith.mulf %exp3A_2123, %div3A_2153 : vector<256x8xf32>
    %dot_general3A_2175 = arith.constant dense<0.000000e+00> : vector<256x128xf32>
    %dot_general3A_2176 = tpu.matmul %mul3A_2174, %transpose3A, %dot_general3A_2175 {dimension_numbers = #tpu.dot_dimension_numbers<[1], [0], [0], [1], [0, 0, 1, 1], [], []>, transpose_lhs_hint = false} : vector<256x8xf32>, vector<8x128xf32>, vector<256x128xf32> -> vector<256x128xf32>
    %slice3A_2177 = vector.extract_strided_slice %reshape3A_21 {offsets = [3, 0, 0], sizes = [1, 256, 128], strides = [1, 1, 1]} : vector<12x256x128xf32> to vector<1x256x128xf32>
    %squeeze3A_2178 = vector.shape_cast %slice3A_2177 : vector<1x256x128xf32> to vector<256x128xf32>
    %mul3A_2179 = arith.mulf %dot_general3A_2176, %squeeze3A_2178 : vector<256x128xf32>
    %add3A_2180 = arith.addf %add3A_2173, %mul3A_2179 : vector<256x128xf32>
    %mul3A_2181 = arith.mulf %exp3A_2125, %div3A_2153 : vector<256x8xf32>
    %dot_general3A_2182 = arith.constant dense<0.000000e+00> : vector<256x128xf32>
    %dot_general3A_2183 = tpu.matmul %mul3A_2181, %transpose3A, %dot_general3A_2182 {dimension_numbers = #tpu.dot_dimension_numbers<[1], [0], [0], [1], [0, 0, 1, 1], [], []>, transpose_lhs_hint = false} : vector<256x8xf32>, vector<8x128xf32>, vector<256x128xf32> -> vector<256x128xf32>
    %slice3A_2184 = vector.extract_strided_slice %reshape3A_21 {offsets = [4, 0, 0], sizes = [1, 256, 128], strides = [1, 1, 1]} : vector<12x256x128xf32> to vector<1x256x128xf32>
    %squeeze3A_2185 = vector.shape_cast %slice3A_2184 : vector<1x256x128xf32> to vector<256x128xf32>
    %mul3A_2186 = arith.mulf %dot_general3A_2183, %squeeze3A_2185 : vector<256x128xf32>
    %add3A_2187 = arith.addf %add3A_2180, %mul3A_2186 : vector<256x128xf32>
    %mul3A_2188 = arith.mulf %exp3A_2127, %div3A_2153 : vector<256x8xf32>
    %dot_general3A_2189 = arith.constant dense<0.000000e+00> : vector<256x128xf32>
    %dot_general3A_2190 = tpu.matmul %mul3A_2188, %transpose3A, %dot_general3A_2189 {dimension_numbers = #tpu.dot_dimension_numbers<[1], [0], [0], [1], [0, 0, 1, 1], [], []>, transpose_lhs_hint = false} : vector<256x8xf32>, vector<8x128xf32>, vector<256x128xf32> -> vector<256x128xf32>
    %slice3A_2191 = vector.extract_strided_slice %reshape3A_21 {offsets = [5, 0, 0], sizes = [1, 256, 128], strides = [1, 1, 1]} : vector<12x256x128xf32> to vector<1x256x128xf32>
    %squeeze3A_2192 = vector.shape_cast %slice3A_2191 : vector<1x256x128xf32> to vector<256x128xf32>
    %mul3A_2193 = arith.mulf %dot_general3A_2190, %squeeze3A_2192 : vector<256x128xf32>
    %add3A_2194 = arith.addf %add3A_2187, %mul3A_2193 : vector<256x128xf32>
    %mul3A_2195 = arith.mulf %exp3A_2129, %div3A_2153 : vector<256x8xf32>
    %dot_general3A_2196 = arith.constant dense<0.000000e+00> : vector<256x128xf32>
    %dot_general3A_2197 = tpu.matmul %mul3A_2195, %transpose3A, %dot_general3A_2196 {dimension_numbers = #tpu.dot_dimension_numbers<[1], [0], [0], [1], [0, 0, 1, 1], [], []>, transpose_lhs_hint = false} : vector<256x8xf32>, vector<8x128xf32>, vector<256x128xf32> -> vector<256x128xf32>
    %slice3A_2198 = vector.extract_strided_slice %reshape3A_21 {offsets = [6, 0, 0], sizes = [1, 256, 128], strides = [1, 1, 1]} : vector<12x256x128xf32> to vector<1x256x128xf32>
    %squeeze3A_2199 = vector.shape_cast %slice3A_2198 : vector<1x256x128xf32> to vector<256x128xf32>
    %mul3A_2200 = arith.mulf %dot_general3A_2197, %squeeze3A_2199 : vector<256x128xf32>
    %add3A_2201 = arith.addf %add3A_2194, %mul3A_2200 : vector<256x128xf32>
    %mul3A_2202 = arith.mulf %exp3A_2131, %div3A_2153 : vector<256x8xf32>
    %dot_general3A_2203 = arith.constant dense<0.000000e+00> : vector<256x128xf32>
    %dot_general3A_2204 = tpu.matmul %mul3A_2202, %transpose3A, %dot_general3A_2203 {dimension_numbers = #tpu.dot_dimension_numbers<[1], [0], [0], [1], [0, 0, 1, 1], [], []>, transpose_lhs_hint = false} : vector<256x8xf32>, vector<8x128xf32>, vector<256x128xf32> -> vector<256x128xf32>
    %slice3A_2205 = vector.extract_strided_slice %reshape3A_21 {offsets = [7, 0, 0], sizes = [1, 256, 128], strides = [1, 1, 1]} : vector<12x256x128xf32> to vector<1x256x128xf32>
    %squeeze3A_2206 = vector.shape_cast %slice3A_2205 : vector<1x256x128xf32> to vector<256x128xf32>
    %mul3A_2207 = arith.mulf %dot_general3A_2204, %squeeze3A_2206 : vector<256x128xf32>
    %add3A_2208 = arith.addf %add3A_2201, %mul3A_2207 : vector<256x128xf32>
    %mul3A_2209 = arith.mulf %exp3A_2133, %div3A_2153 : vector<256x8xf32>
    %dot_general3A_2210 = arith.constant dense<0.000000e+00> : vector<256x128xf32>
    %dot_general3A_2211 = tpu.matmul %mul3A_2209, %transpose3A, %dot_general3A_2210 {dimension_numbers = #tpu.dot_dimension_numbers<[1], [0], [0], [1], [0, 0, 1, 1], [], []>, transpose_lhs_hint = false} : vector<256x8xf32>, vector<8x128xf32>, vector<256x128xf32> -> vector<256x128xf32>
    %slice3A_2212 = vector.extract_strided_slice %reshape3A_21 {offsets = [8, 0, 0], sizes = [1, 256, 128], strides = [1, 1, 1]} : vector<12x256x128xf32> to vector<1x256x128xf32>
    %squeeze3A_2213 = vector.shape_cast %slice3A_2212 : vector<1x256x128xf32> to vector<256x128xf32>
    %mul3A_2214 = arith.mulf %dot_general3A_2211, %squeeze3A_2213 : vector<256x128xf32>
    %add3A_2215 = arith.addf %add3A_2208, %mul3A_2214 : vector<256x128xf32>
    %mul3A_2216 = arith.mulf %exp3A_2135, %div3A_2153 : vector<256x8xf32>
    %dot_general3A_2217 = arith.constant dense<0.000000e+00> : vector<256x128xf32>
    %dot_general3A_2218 = tpu.matmul %mul3A_2216, %transpose3A, %dot_general3A_2217 {dimension_numbers = #tpu.dot_dimension_numbers<[1], [0], [0], [1], [0, 0, 1, 1], [], []>, transpose_lhs_hint = false} : vector<256x8xf32>, vector<8x128xf32>, vector<256x128xf32> -> vector<256x128xf32>
    %slice3A_2219 = vector.extract_strided_slice %reshape3A_21 {offsets = [9, 0, 0], sizes = [1, 256, 128], strides = [1, 1, 1]} : vector<12x256x128xf32> to vector<1x256x128xf32>
    %squeeze3A_2220 = vector.shape_cast %slice3A_2219 : vector<1x256x128xf32> to vector<256x128xf32>
    %mul3A_2221 = arith.mulf %dot_general3A_2218, %squeeze3A_2220 : vector<256x128xf32>
    %add3A_2222 = arith.addf %add3A_2215, %mul3A_2221 : vector<256x128xf32>
    %mul3A_2223 = arith.mulf %exp3A_2137, %div3A_2153 : vector<256x8xf32>
    %dot_general3A_2224 = arith.constant dense<0.000000e+00> : vector<256x128xf32>
    %dot_general3A_2225 = tpu.matmul %mul3A_2223, %transpose3A, %dot_general3A_2224 {dimension_numbers = #tpu.dot_dimension_numbers<[1], [0], [0], [1], [0, 0, 1, 1], [], []>, transpose_lhs_hint = false} : vector<256x8xf32>, vector<8x128xf32>, vector<256x128xf32> -> vector<256x128xf32>
    %slice3A_2226 = vector.extract_strided_slice %reshape3A_21 {offsets = [10, 0, 0], sizes = [1, 256, 128], strides = [1, 1, 1]} : vector<12x256x128xf32> to vector<1x256x128xf32>
    %squeeze3A_2227 = vector.shape_cast %slice3A_2226 : vector<1x256x128xf32> to vector<256x128xf32>
    %mul3A_2228 = arith.mulf %dot_general3A_2225, %squeeze3A_2227 : vector<256x128xf32>
    %add3A_2229 = arith.addf %add3A_2222, %mul3A_2228 : vector<256x128xf32>
    %mul3A_2230 = arith.mulf %exp3A_2139, %div3A_2153 : vector<256x8xf32>
    %dot_general3A_2231 = arith.constant dense<0.000000e+00> : vector<256x128xf32>
    %dot_general3A_2232 = tpu.matmul %mul3A_2230, %transpose3A, %dot_general3A_2231 {dimension_numbers = #tpu.dot_dimension_numbers<[1], [0], [0], [1], [0, 0, 1, 1], [], []>, transpose_lhs_hint = false} : vector<256x8xf32>, vector<8x128xf32>, vector<256x128xf32> -> vector<256x128xf32>
    %slice3A_2233 = vector.extract_strided_slice %reshape3A_21 {offsets = [11, 0, 0], sizes = [1, 256, 128], strides = [1, 1, 1]} : vector<12x256x128xf32> to vector<1x256x128xf32>
    %squeeze3A_2234 = vector.shape_cast %slice3A_2233 : vector<1x256x128xf32> to vector<256x128xf32>
    %mul3A_2235 = arith.mulf %dot_general3A_2232, %squeeze3A_2234 : vector<256x128xf32>
    %add3A_2236 = arith.addf %add3A_2229, %mul3A_2235 : vector<256x128xf32>
    %max3A_2237 = arith.maximumf %dot_general3A_806, %dot_general3A_813 : vector<256x8xf32>
    %max3A_2238 = arith.maximumf %max3A_2237, %dot_general3A_820 : vector<256x8xf32>
    %max3A_2239 = arith.maximumf %max3A_2238, %dot_general3A_827 : vector<256x8xf32>
    %max3A_2240 = arith.maximumf %max3A_2239, %dot_general3A_834 : vector<256x8xf32>
    %max3A_2241 = arith.maximumf %max3A_2240, %dot_general3A_841 : vector<256x8xf32>
    %max3A_2242 = arith.maximumf %max3A_2241, %dot_general3A_848 : vector<256x8xf32>
    %max3A_2243 = arith.maximumf %max3A_2242, %dot_general3A_855 : vector<256x8xf32>
    %max3A_2244 = arith.maximumf %max3A_2243, %dot_general3A_862 : vector<256x8xf32>
    %max3A_2245 = arith.maximumf %max3A_2244, %dot_general3A_869 : vector<256x8xf32>
    %max3A_2246 = arith.maximumf %max3A_2245, %dot_general3A_876 : vector<256x8xf32>
    %max3A_2247 = arith.maximumf %max3A_2246, %dot_general3A_883 : vector<256x8xf32>
    %sub3A_2248 = arith.subf %dot_general3A_806, %max3A_2247 : vector<256x8xf32>
    %exp3A_2249 = math.exp %sub3A_2248 : vector<256x8xf32>
    %sub3A_2250 = arith.subf %dot_general3A_813, %max3A_2247 : vector<256x8xf32>
    %exp3A_2251 = math.exp %sub3A_2250 : vector<256x8xf32>
    %sub3A_2252 = arith.subf %dot_general3A_820, %max3A_2247 : vector<256x8xf32>
    %exp3A_2253 = math.exp %sub3A_2252 : vector<256x8xf32>
    %sub3A_2254 = arith.subf %dot_general3A_827, %max3A_2247 : vector<256x8xf32>
    %exp3A_2255 = math.exp %sub3A_2254 : vector<256x8xf32>
    %sub3A_2256 = arith.subf %dot_general3A_834, %max3A_2247 : vector<256x8xf32>
    %exp3A_2257 = math.exp %sub3A_2256 : vector<256x8xf32>
    %sub3A_2258 = arith.subf %dot_general3A_841, %max3A_2247 : vector<256x8xf32>
    %exp3A_2259 = math.exp %sub3A_2258 : vector<256x8xf32>
    %sub3A_2260 = arith.subf %dot_general3A_848, %max3A_2247 : vector<256x8xf32>
    %exp3A_2261 = math.exp %sub3A_2260 : vector<256x8xf32>
    %sub3A_2262 = arith.subf %dot_general3A_855, %max3A_2247 : vector<256x8xf32>
    %exp3A_2263 = math.exp %sub3A_2262 : vector<256x8xf32>
    %sub3A_2264 = arith.subf %dot_general3A_862, %max3A_2247 : vector<256x8xf32>
    %exp3A_2265 = math.exp %sub3A_2264 : vector<256x8xf32>
    %sub3A_2266 = arith.subf %dot_general3A_869, %max3A_2247 : vector<256x8xf32>
    %exp3A_2267 = math.exp %sub3A_2266 : vector<256x8xf32>
    %sub3A_2268 = arith.subf %dot_general3A_876, %max3A_2247 : vector<256x8xf32>
    %exp3A_2269 = math.exp %sub3A_2268 : vector<256x8xf32>
    %sub3A_2270 = arith.subf %dot_general3A_883, %max3A_2247 : vector<256x8xf32>
    %exp3A_2271 = math.exp %sub3A_2270 : vector<256x8xf32>
    %add3A_2272 = arith.addf %exp3A_2249, %exp3A_2251 : vector<256x8xf32>
    %add3A_2273 = arith.addf %add3A_2272, %exp3A_2253 : vector<256x8xf32>
    %add3A_2274 = arith.addf %add3A_2273, %exp3A_2255 : vector<256x8xf32>
    %add3A_2275 = arith.addf %add3A_2274, %exp3A_2257 : vector<256x8xf32>
    %add3A_2276 = arith.addf %add3A_2275, %exp3A_2259 : vector<256x8xf32>
    %add3A_2277 = arith.addf %add3A_2276, %exp3A_2261 : vector<256x8xf32>
    %add3A_2278 = arith.addf %add3A_2277, %exp3A_2263 : vector<256x8xf32>
    %add3A_2279 = arith.addf %add3A_2278, %exp3A_2265 : vector<256x8xf32>
    %add3A_2280 = arith.addf %add3A_2279, %exp3A_2267 : vector<256x8xf32>
    %add3A_2281 = arith.addf %add3A_2280, %exp3A_2269 : vector<256x8xf32>
    %add3A_2282 = arith.addf %add3A_2281, %exp3A_2271 : vector<256x8xf32>
    %div3A_2283 = arith.constant 1.000000e+00 : f32
    %div3A_2284 = vector.broadcast %div3A_2283 : f32 to vector<256x8xf32>
    %div3A_2285 = arith.divf %div3A_2284, %add3A_2282 : vector<256x8xf32>
    %mul3A_2286 = arith.mulf %exp3A_2249, %div3A_2285 : vector<256x8xf32>
    %dot_general3A_2287 = arith.constant dense<0.000000e+00> : vector<256x128xf32>
    %dot_general3A_2288 = tpu.matmul %mul3A_2286, %transpose3A, %dot_general3A_2287 {dimension_numbers = #tpu.dot_dimension_numbers<[1], [0], [0], [1], [0, 0, 1, 1], [], []>, transpose_lhs_hint = false} : vector<256x8xf32>, vector<8x128xf32>, vector<256x128xf32> -> vector<256x128xf32>
    %slice3A_2289 = vector.extract_strided_slice %reshape3A_21 {offsets = [0, 0, 0], sizes = [1, 256, 128], strides = [1, 1, 1]} : vector<12x256x128xf32> to vector<1x256x128xf32>
    %squeeze3A_2290 = vector.shape_cast %slice3A_2289 : vector<1x256x128xf32> to vector<256x128xf32>
    %mul3A_2291 = arith.mulf %dot_general3A_2288, %squeeze3A_2290 : vector<256x128xf32>
    %mul3A_2292 = arith.mulf %exp3A_2251, %div3A_2285 : vector<256x8xf32>
    %dot_general3A_2293 = arith.constant dense<0.000000e+00> : vector<256x128xf32>
    %dot_general3A_2294 = tpu.matmul %mul3A_2292, %transpose3A, %dot_general3A_2293 {dimension_numbers = #tpu.dot_dimension_numbers<[1], [0], [0], [1], [0, 0, 1, 1], [], []>, transpose_lhs_hint = false} : vector<256x8xf32>, vector<8x128xf32>, vector<256x128xf32> -> vector<256x128xf32>
    %slice3A_2295 = vector.extract_strided_slice %reshape3A_21 {offsets = [1, 0, 0], sizes = [1, 256, 128], strides = [1, 1, 1]} : vector<12x256x128xf32> to vector<1x256x128xf32>
    %squeeze3A_2296 = vector.shape_cast %slice3A_2295 : vector<1x256x128xf32> to vector<256x128xf32>
    %mul3A_2297 = arith.mulf %dot_general3A_2294, %squeeze3A_2296 : vector<256x128xf32>
    %add3A_2298 = arith.addf %mul3A_2291, %mul3A_2297 : vector<256x128xf32>
    %mul3A_2299 = arith.mulf %exp3A_2253, %div3A_2285 : vector<256x8xf32>
    %dot_general3A_2300 = arith.constant dense<0.000000e+00> : vector<256x128xf32>
    %dot_general3A_2301 = tpu.matmul %mul3A_2299, %transpose3A, %dot_general3A_2300 {dimension_numbers = #tpu.dot_dimension_numbers<[1], [0], [0], [1], [0, 0, 1, 1], [], []>, transpose_lhs_hint = false} : vector<256x8xf32>, vector<8x128xf32>, vector<256x128xf32> -> vector<256x128xf32>
    %slice3A_2302 = vector.extract_strided_slice %reshape3A_21 {offsets = [2, 0, 0], sizes = [1, 256, 128], strides = [1, 1, 1]} : vector<12x256x128xf32> to vector<1x256x128xf32>
    %squeeze3A_2303 = vector.shape_cast %slice3A_2302 : vector<1x256x128xf32> to vector<256x128xf32>
    %mul3A_2304 = arith.mulf %dot_general3A_2301, %squeeze3A_2303 : vector<256x128xf32>
    %add3A_2305 = arith.addf %add3A_2298, %mul3A_2304 : vector<256x128xf32>
    %mul3A_2306 = arith.mulf %exp3A_2255, %div3A_2285 : vector<256x8xf32>
    %dot_general3A_2307 = arith.constant dense<0.000000e+00> : vector<256x128xf32>
    %dot_general3A_2308 = tpu.matmul %mul3A_2306, %transpose3A, %dot_general3A_2307 {dimension_numbers = #tpu.dot_dimension_numbers<[1], [0], [0], [1], [0, 0, 1, 1], [], []>, transpose_lhs_hint = false} : vector<256x8xf32>, vector<8x128xf32>, vector<256x128xf32> -> vector<256x128xf32>
    %slice3A_2309 = vector.extract_strided_slice %reshape3A_21 {offsets = [3, 0, 0], sizes = [1, 256, 128], strides = [1, 1, 1]} : vector<12x256x128xf32> to vector<1x256x128xf32>
    %squeeze3A_2310 = vector.shape_cast %slice3A_2309 : vector<1x256x128xf32> to vector<256x128xf32>
    %mul3A_2311 = arith.mulf %dot_general3A_2308, %squeeze3A_2310 : vector<256x128xf32>
    %add3A_2312 = arith.addf %add3A_2305, %mul3A_2311 : vector<256x128xf32>
    %mul3A_2313 = arith.mulf %exp3A_2257, %div3A_2285 : vector<256x8xf32>
    %dot_general3A_2314 = arith.constant dense<0.000000e+00> : vector<256x128xf32>
    %dot_general3A_2315 = tpu.matmul %mul3A_2313, %transpose3A, %dot_general3A_2314 {dimension_numbers = #tpu.dot_dimension_numbers<[1], [0], [0], [1], [0, 0, 1, 1], [], []>, transpose_lhs_hint = false} : vector<256x8xf32>, vector<8x128xf32>, vector<256x128xf32> -> vector<256x128xf32>
    %slice3A_2316 = vector.extract_strided_slice %reshape3A_21 {offsets = [4, 0, 0], sizes = [1, 256, 128], strides = [1, 1, 1]} : vector<12x256x128xf32> to vector<1x256x128xf32>
    %squeeze3A_2317 = vector.shape_cast %slice3A_2316 : vector<1x256x128xf32> to vector<256x128xf32>
    %mul3A_2318 = arith.mulf %dot_general3A_2315, %squeeze3A_2317 : vector<256x128xf32>
    %add3A_2319 = arith.addf %add3A_2312, %mul3A_2318 : vector<256x128xf32>
    %mul3A_2320 = arith.mulf %exp3A_2259, %div3A_2285 : vector<256x8xf32>
    %dot_general3A_2321 = arith.constant dense<0.000000e+00> : vector<256x128xf32>
    %dot_general3A_2322 = tpu.matmul %mul3A_2320, %transpose3A, %dot_general3A_2321 {dimension_numbers = #tpu.dot_dimension_numbers<[1], [0], [0], [1], [0, 0, 1, 1], [], []>, transpose_lhs_hint = false} : vector<256x8xf32>, vector<8x128xf32>, vector<256x128xf32> -> vector<256x128xf32>
    %slice3A_2323 = vector.extract_strided_slice %reshape3A_21 {offsets = [5, 0, 0], sizes = [1, 256, 128], strides = [1, 1, 1]} : vector<12x256x128xf32> to vector<1x256x128xf32>
    %squeeze3A_2324 = vector.shape_cast %slice3A_2323 : vector<1x256x128xf32> to vector<256x128xf32>
    %mul3A_2325 = arith.mulf %dot_general3A_2322, %squeeze3A_2324 : vector<256x128xf32>
    %add3A_2326 = arith.addf %add3A_2319, %mul3A_2325 : vector<256x128xf32>
    %mul3A_2327 = arith.mulf %exp3A_2261, %div3A_2285 : vector<256x8xf32>
    %dot_general3A_2328 = arith.constant dense<0.000000e+00> : vector<256x128xf32>
    %dot_general3A_2329 = tpu.matmul %mul3A_2327, %transpose3A, %dot_general3A_2328 {dimension_numbers = #tpu.dot_dimension_numbers<[1], [0], [0], [1], [0, 0, 1, 1], [], []>, transpose_lhs_hint = false} : vector<256x8xf32>, vector<8x128xf32>, vector<256x128xf32> -> vector<256x128xf32>
    %slice3A_2330 = vector.extract_strided_slice %reshape3A_21 {offsets = [6, 0, 0], sizes = [1, 256, 128], strides = [1, 1, 1]} : vector<12x256x128xf32> to vector<1x256x128xf32>
    %squeeze3A_2331 = vector.shape_cast %slice3A_2330 : vector<1x256x128xf32> to vector<256x128xf32>
    %mul3A_2332 = arith.mulf %dot_general3A_2329, %squeeze3A_2331 : vector<256x128xf32>
    %add3A_2333 = arith.addf %add3A_2326, %mul3A_2332 : vector<256x128xf32>
    %mul3A_2334 = arith.mulf %exp3A_2263, %div3A_2285 : vector<256x8xf32>
    %dot_general3A_2335 = arith.constant dense<0.000000e+00> : vector<256x128xf32>
    %dot_general3A_2336 = tpu.matmul %mul3A_2334, %transpose3A, %dot_general3A_2335 {dimension_numbers = #tpu.dot_dimension_numbers<[1], [0], [0], [1], [0, 0, 1, 1], [], []>, transpose_lhs_hint = false} : vector<256x8xf32>, vector<8x128xf32>, vector<256x128xf32> -> vector<256x128xf32>
    %slice3A_2337 = vector.extract_strided_slice %reshape3A_21 {offsets = [7, 0, 0], sizes = [1, 256, 128], strides = [1, 1, 1]} : vector<12x256x128xf32> to vector<1x256x128xf32>
    %squeeze3A_2338 = vector.shape_cast %slice3A_2337 : vector<1x256x128xf32> to vector<256x128xf32>
    %mul3A_2339 = arith.mulf %dot_general3A_2336, %squeeze3A_2338 : vector<256x128xf32>
    %add3A_2340 = arith.addf %add3A_2333, %mul3A_2339 : vector<256x128xf32>
    %mul3A_2341 = arith.mulf %exp3A_2265, %div3A_2285 : vector<256x8xf32>
    %dot_general3A_2342 = arith.constant dense<0.000000e+00> : vector<256x128xf32>
    %dot_general3A_2343 = tpu.matmul %mul3A_2341, %transpose3A, %dot_general3A_2342 {dimension_numbers = #tpu.dot_dimension_numbers<[1], [0], [0], [1], [0, 0, 1, 1], [], []>, transpose_lhs_hint = false} : vector<256x8xf32>, vector<8x128xf32>, vector<256x128xf32> -> vector<256x128xf32>
    %slice3A_2344 = vector.extract_strided_slice %reshape3A_21 {offsets = [8, 0, 0], sizes = [1, 256, 128], strides = [1, 1, 1]} : vector<12x256x128xf32> to vector<1x256x128xf32>
    %squeeze3A_2345 = vector.shape_cast %slice3A_2344 : vector<1x256x128xf32> to vector<256x128xf32>
    %mul3A_2346 = arith.mulf %dot_general3A_2343, %squeeze3A_2345 : vector<256x128xf32>
    %add3A_2347 = arith.addf %add3A_2340, %mul3A_2346 : vector<256x128xf32>
    %mul3A_2348 = arith.mulf %exp3A_2267, %div3A_2285 : vector<256x8xf32>
    %dot_general3A_2349 = arith.constant dense<0.000000e+00> : vector<256x128xf32>
    %dot_general3A_2350 = tpu.matmul %mul3A_2348, %transpose3A, %dot_general3A_2349 {dimension_numbers = #tpu.dot_dimension_numbers<[1], [0], [0], [1], [0, 0, 1, 1], [], []>, transpose_lhs_hint = false} : vector<256x8xf32>, vector<8x128xf32>, vector<256x128xf32> -> vector<256x128xf32>
    %slice3A_2351 = vector.extract_strided_slice %reshape3A_21 {offsets = [9, 0, 0], sizes = [1, 256, 128], strides = [1, 1, 1]} : vector<12x256x128xf32> to vector<1x256x128xf32>
    %squeeze3A_2352 = vector.shape_cast %slice3A_2351 : vector<1x256x128xf32> to vector<256x128xf32>
    %mul3A_2353 = arith.mulf %dot_general3A_2350, %squeeze3A_2352 : vector<256x128xf32>
    %add3A_2354 = arith.addf %add3A_2347, %mul3A_2353 : vector<256x128xf32>
    %mul3A_2355 = arith.mulf %exp3A_2269, %div3A_2285 : vector<256x8xf32>
    %dot_general3A_2356 = arith.constant dense<0.000000e+00> : vector<256x128xf32>
    %dot_general3A_2357 = tpu.matmul %mul3A_2355, %transpose3A, %dot_general3A_2356 {dimension_numbers = #tpu.dot_dimension_numbers<[1], [0], [0], [1], [0, 0, 1, 1], [], []>, transpose_lhs_hint = false} : vector<256x8xf32>, vector<8x128xf32>, vector<256x128xf32> -> vector<256x128xf32>
    %slice3A_2358 = vector.extract_strided_slice %reshape3A_21 {offsets = [10, 0, 0], sizes = [1, 256, 128], strides = [1, 1, 1]} : vector<12x256x128xf32> to vector<1x256x128xf32>
    %squeeze3A_2359 = vector.shape_cast %slice3A_2358 : vector<1x256x128xf32> to vector<256x128xf32>
    %mul3A_2360 = arith.mulf %dot_general3A_2357, %squeeze3A_2359 : vector<256x128xf32>
    %add3A_2361 = arith.addf %add3A_2354, %mul3A_2360 : vector<256x128xf32>
    %mul3A_2362 = arith.mulf %exp3A_2271, %div3A_2285 : vector<256x8xf32>
    %dot_general3A_2363 = arith.constant dense<0.000000e+00> : vector<256x128xf32>
    %dot_general3A_2364 = tpu.matmul %mul3A_2362, %transpose3A, %dot_general3A_2363 {dimension_numbers = #tpu.dot_dimension_numbers<[1], [0], [0], [1], [0, 0, 1, 1], [], []>, transpose_lhs_hint = false} : vector<256x8xf32>, vector<8x128xf32>, vector<256x128xf32> -> vector<256x128xf32>
    %slice3A_2365 = vector.extract_strided_slice %reshape3A_21 {offsets = [11, 0, 0], sizes = [1, 256, 128], strides = [1, 1, 1]} : vector<12x256x128xf32> to vector<1x256x128xf32>
    %squeeze3A_2366 = vector.shape_cast %slice3A_2365 : vector<1x256x128xf32> to vector<256x128xf32>
    %mul3A_2367 = arith.mulf %dot_general3A_2364, %squeeze3A_2366 : vector<256x128xf32>
    %add3A_2368 = arith.addf %add3A_2361, %mul3A_2367 : vector<256x128xf32>
    %max3A_2369 = arith.maximumf %dot_general3A_890, %dot_general3A_897 : vector<256x8xf32>
    %max3A_2370 = arith.maximumf %max3A_2369, %dot_general3A_904 : vector<256x8xf32>
    %max3A_2371 = arith.maximumf %max3A_2370, %dot_general3A_911 : vector<256x8xf32>
    %max3A_2372 = arith.maximumf %max3A_2371, %dot_general3A_918 : vector<256x8xf32>
    %max3A_2373 = arith.maximumf %max3A_2372, %dot_general3A_925 : vector<256x8xf32>
    %max3A_2374 = arith.maximumf %max3A_2373, %dot_general3A_932 : vector<256x8xf32>
    %max3A_2375 = arith.maximumf %max3A_2374, %dot_general3A_939 : vector<256x8xf32>
    %max3A_2376 = arith.maximumf %max3A_2375, %dot_general3A_946 : vector<256x8xf32>
    %max3A_2377 = arith.maximumf %max3A_2376, %dot_general3A_953 : vector<256x8xf32>
    %max3A_2378 = arith.maximumf %max3A_2377, %dot_general3A_960 : vector<256x8xf32>
    %max3A_2379 = arith.maximumf %max3A_2378, %dot_general3A_967 : vector<256x8xf32>
    %sub3A_2380 = arith.subf %dot_general3A_890, %max3A_2379 : vector<256x8xf32>
    %exp3A_2381 = math.exp %sub3A_2380 : vector<256x8xf32>
    %sub3A_2382 = arith.subf %dot_general3A_897, %max3A_2379 : vector<256x8xf32>
    %exp3A_2383 = math.exp %sub3A_2382 : vector<256x8xf32>
    %sub3A_2384 = arith.subf %dot_general3A_904, %max3A_2379 : vector<256x8xf32>
    %exp3A_2385 = math.exp %sub3A_2384 : vector<256x8xf32>
    %sub3A_2386 = arith.subf %dot_general3A_911, %max3A_2379 : vector<256x8xf32>
    %exp3A_2387 = math.exp %sub3A_2386 : vector<256x8xf32>
    %sub3A_2388 = arith.subf %dot_general3A_918, %max3A_2379 : vector<256x8xf32>
    %exp3A_2389 = math.exp %sub3A_2388 : vector<256x8xf32>
    %sub3A_2390 = arith.subf %dot_general3A_925, %max3A_2379 : vector<256x8xf32>
    %exp3A_2391 = math.exp %sub3A_2390 : vector<256x8xf32>
    %sub3A_2392 = arith.subf %dot_general3A_932, %max3A_2379 : vector<256x8xf32>
    %exp3A_2393 = math.exp %sub3A_2392 : vector<256x8xf32>
    %sub3A_2394 = arith.subf %dot_general3A_939, %max3A_2379 : vector<256x8xf32>
    %exp3A_2395 = math.exp %sub3A_2394 : vector<256x8xf32>
    %sub3A_2396 = arith.subf %dot_general3A_946, %max3A_2379 : vector<256x8xf32>
    %exp3A_2397 = math.exp %sub3A_2396 : vector<256x8xf32>
    %sub3A_2398 = arith.subf %dot_general3A_953, %max3A_2379 : vector<256x8xf32>
    %exp3A_2399 = math.exp %sub3A_2398 : vector<256x8xf32>
    %sub3A_2400 = arith.subf %dot_general3A_960, %max3A_2379 : vector<256x8xf32>
    %exp3A_2401 = math.exp %sub3A_2400 : vector<256x8xf32>
    %sub3A_2402 = arith.subf %dot_general3A_967, %max3A_2379 : vector<256x8xf32>
    %exp3A_2403 = math.exp %sub3A_2402 : vector<256x8xf32>
    %add3A_2404 = arith.addf %exp3A_2381, %exp3A_2383 : vector<256x8xf32>
    %add3A_2405 = arith.addf %add3A_2404, %exp3A_2385 : vector<256x8xf32>
    %add3A_2406 = arith.addf %add3A_2405, %exp3A_2387 : vector<256x8xf32>
    %add3A_2407 = arith.addf %add3A_2406, %exp3A_2389 : vector<256x8xf32>
    %add3A_2408 = arith.addf %add3A_2407, %exp3A_2391 : vector<256x8xf32>
    %add3A_2409 = arith.addf %add3A_2408, %exp3A_2393 : vector<256x8xf32>
    %add3A_2410 = arith.addf %add3A_2409, %exp3A_2395 : vector<256x8xf32>
    %add3A_2411 = arith.addf %add3A_2410, %exp3A_2397 : vector<256x8xf32>
    %add3A_2412 = arith.addf %add3A_2411, %exp3A_2399 : vector<256x8xf32>
    %add3A_2413 = arith.addf %add3A_2412, %exp3A_2401 : vector<256x8xf32>
    %add3A_2414 = arith.addf %add3A_2413, %exp3A_2403 : vector<256x8xf32>
    %div3A_2415 = arith.constant 1.000000e+00 : f32
    %div3A_2416 = vector.broadcast %div3A_2415 : f32 to vector<256x8xf32>
    %div3A_2417 = arith.divf %div3A_2416, %add3A_2414 : vector<256x8xf32>
    %mul3A_2418 = arith.mulf %exp3A_2381, %div3A_2417 : vector<256x8xf32>
    %dot_general3A_2419 = arith.constant dense<0.000000e+00> : vector<256x128xf32>
    %dot_general3A_2420 = tpu.matmul %mul3A_2418, %transpose3A, %dot_general3A_2419 {dimension_numbers = #tpu.dot_dimension_numbers<[1], [0], [0], [1], [0, 0, 1, 1], [], []>, transpose_lhs_hint = false} : vector<256x8xf32>, vector<8x128xf32>, vector<256x128xf32> -> vector<256x128xf32>
    %slice3A_2421 = vector.extract_strided_slice %reshape3A_21 {offsets = [0, 0, 0], sizes = [1, 256, 128], strides = [1, 1, 1]} : vector<12x256x128xf32> to vector<1x256x128xf32>
    %squeeze3A_2422 = vector.shape_cast %slice3A_2421 : vector<1x256x128xf32> to vector<256x128xf32>
    %mul3A_2423 = arith.mulf %dot_general3A_2420, %squeeze3A_2422 : vector<256x128xf32>
    %mul3A_2424 = arith.mulf %exp3A_2383, %div3A_2417 : vector<256x8xf32>
    %dot_general3A_2425 = arith.constant dense<0.000000e+00> : vector<256x128xf32>
    %dot_general3A_2426 = tpu.matmul %mul3A_2424, %transpose3A, %dot_general3A_2425 {dimension_numbers = #tpu.dot_dimension_numbers<[1], [0], [0], [1], [0, 0, 1, 1], [], []>, transpose_lhs_hint = false} : vector<256x8xf32>, vector<8x128xf32>, vector<256x128xf32> -> vector<256x128xf32>
    %slice3A_2427 = vector.extract_strided_slice %reshape3A_21 {offsets = [1, 0, 0], sizes = [1, 256, 128], strides = [1, 1, 1]} : vector<12x256x128xf32> to vector<1x256x128xf32>
    %squeeze3A_2428 = vector.shape_cast %slice3A_2427 : vector<1x256x128xf32> to vector<256x128xf32>
    %mul3A_2429 = arith.mulf %dot_general3A_2426, %squeeze3A_2428 : vector<256x128xf32>
    %add3A_2430 = arith.addf %mul3A_2423, %mul3A_2429 : vector<256x128xf32>
    %mul3A_2431 = arith.mulf %exp3A_2385, %div3A_2417 : vector<256x8xf32>
    %dot_general3A_2432 = arith.constant dense<0.000000e+00> : vector<256x128xf32>
    %dot_general3A_2433 = tpu.matmul %mul3A_2431, %transpose3A, %dot_general3A_2432 {dimension_numbers = #tpu.dot_dimension_numbers<[1], [0], [0], [1], [0, 0, 1, 1], [], []>, transpose_lhs_hint = false} : vector<256x8xf32>, vector<8x128xf32>, vector<256x128xf32> -> vector<256x128xf32>
    %slice3A_2434 = vector.extract_strided_slice %reshape3A_21 {offsets = [2, 0, 0], sizes = [1, 256, 128], strides = [1, 1, 1]} : vector<12x256x128xf32> to vector<1x256x128xf32>
    %squeeze3A_2435 = vector.shape_cast %slice3A_2434 : vector<1x256x128xf32> to vector<256x128xf32>
    %mul3A_2436 = arith.mulf %dot_general3A_2433, %squeeze3A_2435 : vector<256x128xf32>
    %add3A_2437 = arith.addf %add3A_2430, %mul3A_2436 : vector<256x128xf32>
    %mul3A_2438 = arith.mulf %exp3A_2387, %div3A_2417 : vector<256x8xf32>
    %dot_general3A_2439 = arith.constant dense<0.000000e+00> : vector<256x128xf32>
    %dot_general3A_2440 = tpu.matmul %mul3A_2438, %transpose3A, %dot_general3A_2439 {dimension_numbers = #tpu.dot_dimension_numbers<[1], [0], [0], [1], [0, 0, 1, 1], [], []>, transpose_lhs_hint = false} : vector<256x8xf32>, vector<8x128xf32>, vector<256x128xf32> -> vector<256x128xf32>
    %slice3A_2441 = vector.extract_strided_slice %reshape3A_21 {offsets = [3, 0, 0], sizes = [1, 256, 128], strides = [1, 1, 1]} : vector<12x256x128xf32> to vector<1x256x128xf32>
    %squeeze3A_2442 = vector.shape_cast %slice3A_2441 : vector<1x256x128xf32> to vector<256x128xf32>
    %mul3A_2443 = arith.mulf %dot_general3A_2440, %squeeze3A_2442 : vector<256x128xf32>
    %add3A_2444 = arith.addf %add3A_2437, %mul3A_2443 : vector<256x128xf32>
    %mul3A_2445 = arith.mulf %exp3A_2389, %div3A_2417 : vector<256x8xf32>
    %dot_general3A_2446 = arith.constant dense<0.000000e+00> : vector<256x128xf32>
    %dot_general3A_2447 = tpu.matmul %mul3A_2445, %transpose3A, %dot_general3A_2446 {dimension_numbers = #tpu.dot_dimension_numbers<[1], [0], [0], [1], [0, 0, 1, 1], [], []>, transpose_lhs_hint = false} : vector<256x8xf32>, vector<8x128xf32>, vector<256x128xf32> -> vector<256x128xf32>
    %slice3A_2448 = vector.extract_strided_slice %reshape3A_21 {offsets = [4, 0, 0], sizes = [1, 256, 128], strides = [1, 1, 1]} : vector<12x256x128xf32> to vector<1x256x128xf32>
    %squeeze3A_2449 = vector.shape_cast %slice3A_2448 : vector<1x256x128xf32> to vector<256x128xf32>
    %mul3A_2450 = arith.mulf %dot_general3A_2447, %squeeze3A_2449 : vector<256x128xf32>
    %add3A_2451 = arith.addf %add3A_2444, %mul3A_2450 : vector<256x128xf32>
    %mul3A_2452 = arith.mulf %exp3A_2391, %div3A_2417 : vector<256x8xf32>
    %dot_general3A_2453 = arith.constant dense<0.000000e+00> : vector<256x128xf32>
    %dot_general3A_2454 = tpu.matmul %mul3A_2452, %transpose3A, %dot_general3A_2453 {dimension_numbers = #tpu.dot_dimension_numbers<[1], [0], [0], [1], [0, 0, 1, 1], [], []>, transpose_lhs_hint = false} : vector<256x8xf32>, vector<8x128xf32>, vector<256x128xf32> -> vector<256x128xf32>
    %slice3A_2455 = vector.extract_strided_slice %reshape3A_21 {offsets = [5, 0, 0], sizes = [1, 256, 128], strides = [1, 1, 1]} : vector<12x256x128xf32> to vector<1x256x128xf32>
    %squeeze3A_2456 = vector.shape_cast %slice3A_2455 : vector<1x256x128xf32> to vector<256x128xf32>
    %mul3A_2457 = arith.mulf %dot_general3A_2454, %squeeze3A_2456 : vector<256x128xf32>
    %add3A_2458 = arith.addf %add3A_2451, %mul3A_2457 : vector<256x128xf32>
    %mul3A_2459 = arith.mulf %exp3A_2393, %div3A_2417 : vector<256x8xf32>
    %dot_general3A_2460 = arith.constant dense<0.000000e+00> : vector<256x128xf32>
    %dot_general3A_2461 = tpu.matmul %mul3A_2459, %transpose3A, %dot_general3A_2460 {dimension_numbers = #tpu.dot_dimension_numbers<[1], [0], [0], [1], [0, 0, 1, 1], [], []>, transpose_lhs_hint = false} : vector<256x8xf32>, vector<8x128xf32>, vector<256x128xf32> -> vector<256x128xf32>
    %slice3A_2462 = vector.extract_strided_slice %reshape3A_21 {offsets = [6, 0, 0], sizes = [1, 256, 128], strides = [1, 1, 1]} : vector<12x256x128xf32> to vector<1x256x128xf32>
    %squeeze3A_2463 = vector.shape_cast %slice3A_2462 : vector<1x256x128xf32> to vector<256x128xf32>
    %mul3A_2464 = arith.mulf %dot_general3A_2461, %squeeze3A_2463 : vector<256x128xf32>
    %add3A_2465 = arith.addf %add3A_2458, %mul3A_2464 : vector<256x128xf32>
    %mul3A_2466 = arith.mulf %exp3A_2395, %div3A_2417 : vector<256x8xf32>
    %dot_general3A_2467 = arith.constant dense<0.000000e+00> : vector<256x128xf32>
    %dot_general3A_2468 = tpu.matmul %mul3A_2466, %transpose3A, %dot_general3A_2467 {dimension_numbers = #tpu.dot_dimension_numbers<[1], [0], [0], [1], [0, 0, 1, 1], [], []>, transpose_lhs_hint = false} : vector<256x8xf32>, vector<8x128xf32>, vector<256x128xf32> -> vector<256x128xf32>
    %slice3A_2469 = vector.extract_strided_slice %reshape3A_21 {offsets = [7, 0, 0], sizes = [1, 256, 128], strides = [1, 1, 1]} : vector<12x256x128xf32> to vector<1x256x128xf32>
    %squeeze3A_2470 = vector.shape_cast %slice3A_2469 : vector<1x256x128xf32> to vector<256x128xf32>
    %mul3A_2471 = arith.mulf %dot_general3A_2468, %squeeze3A_2470 : vector<256x128xf32>
    %add3A_2472 = arith.addf %add3A_2465, %mul3A_2471 : vector<256x128xf32>
    %mul3A_2473 = arith.mulf %exp3A_2397, %div3A_2417 : vector<256x8xf32>
    %dot_general3A_2474 = arith.constant dense<0.000000e+00> : vector<256x128xf32>
    %dot_general3A_2475 = tpu.matmul %mul3A_2473, %transpose3A, %dot_general3A_2474 {dimension_numbers = #tpu.dot_dimension_numbers<[1], [0], [0], [1], [0, 0, 1, 1], [], []>, transpose_lhs_hint = false} : vector<256x8xf32>, vector<8x128xf32>, vector<256x128xf32> -> vector<256x128xf32>
    %slice3A_2476 = vector.extract_strided_slice %reshape3A_21 {offsets = [8, 0, 0], sizes = [1, 256, 128], strides = [1, 1, 1]} : vector<12x256x128xf32> to vector<1x256x128xf32>
    %squeeze3A_2477 = vector.shape_cast %slice3A_2476 : vector<1x256x128xf32> to vector<256x128xf32>
    %mul3A_2478 = arith.mulf %dot_general3A_2475, %squeeze3A_2477 : vector<256x128xf32>
    %add3A_2479 = arith.addf %add3A_2472, %mul3A_2478 : vector<256x128xf32>
    %mul3A_2480 = arith.mulf %exp3A_2399, %div3A_2417 : vector<256x8xf32>
    %dot_general3A_2481 = arith.constant dense<0.000000e+00> : vector<256x128xf32>
    %dot_general3A_2482 = tpu.matmul %mul3A_2480, %transpose3A, %dot_general3A_2481 {dimension_numbers = #tpu.dot_dimension_numbers<[1], [0], [0], [1], [0, 0, 1, 1], [], []>, transpose_lhs_hint = false} : vector<256x8xf32>, vector<8x128xf32>, vector<256x128xf32> -> vector<256x128xf32>
    %slice3A_2483 = vector.extract_strided_slice %reshape3A_21 {offsets = [9, 0, 0], sizes = [1, 256, 128], strides = [1, 1, 1]} : vector<12x256x128xf32> to vector<1x256x128xf32>
    %squeeze3A_2484 = vector.shape_cast %slice3A_2483 : vector<1x256x128xf32> to vector<256x128xf32>
    %mul3A_2485 = arith.mulf %dot_general3A_2482, %squeeze3A_2484 : vector<256x128xf32>
    %add3A_2486 = arith.addf %add3A_2479, %mul3A_2485 : vector<256x128xf32>
    %mul3A_2487 = arith.mulf %exp3A_2401, %div3A_2417 : vector<256x8xf32>
    %dot_general3A_2488 = arith.constant dense<0.000000e+00> : vector<256x128xf32>
    %dot_general3A_2489 = tpu.matmul %mul3A_2487, %transpose3A, %dot_general3A_2488 {dimension_numbers = #tpu.dot_dimension_numbers<[1], [0], [0], [1], [0, 0, 1, 1], [], []>, transpose_lhs_hint = false} : vector<256x8xf32>, vector<8x128xf32>, vector<256x128xf32> -> vector<256x128xf32>
    %slice3A_2490 = vector.extract_strided_slice %reshape3A_21 {offsets = [10, 0, 0], sizes = [1, 256, 128], strides = [1, 1, 1]} : vector<12x256x128xf32> to vector<1x256x128xf32>
    %squeeze3A_2491 = vector.shape_cast %slice3A_2490 : vector<1x256x128xf32> to vector<256x128xf32>
    %mul3A_2492 = arith.mulf %dot_general3A_2489, %squeeze3A_2491 : vector<256x128xf32>
    %add3A_2493 = arith.addf %add3A_2486, %mul3A_2492 : vector<256x128xf32>
    %mul3A_2494 = arith.mulf %exp3A_2403, %div3A_2417 : vector<256x8xf32>
    %dot_general3A_2495 = arith.constant dense<0.000000e+00> : vector<256x128xf32>
    %dot_general3A_2496 = tpu.matmul %mul3A_2494, %transpose3A, %dot_general3A_2495 {dimension_numbers = #tpu.dot_dimension_numbers<[1], [0], [0], [1], [0, 0, 1, 1], [], []>, transpose_lhs_hint = false} : vector<256x8xf32>, vector<8x128xf32>, vector<256x128xf32> -> vector<256x128xf32>
    %slice3A_2497 = vector.extract_strided_slice %reshape3A_21 {offsets = [11, 0, 0], sizes = [1, 256, 128], strides = [1, 1, 1]} : vector<12x256x128xf32> to vector<1x256x128xf32>
    %squeeze3A_2498 = vector.shape_cast %slice3A_2497 : vector<1x256x128xf32> to vector<256x128xf32>
    %mul3A_2499 = arith.mulf %dot_general3A_2496, %squeeze3A_2498 : vector<256x128xf32>
    %add3A_2500 = arith.addf %add3A_2493, %mul3A_2499 : vector<256x128xf32>
    %max3A_2501 = arith.maximumf %dot_general3A_974, %dot_general3A_981 : vector<256x8xf32>
    %max3A_2502 = arith.maximumf %max3A_2501, %dot_general3A_988 : vector<256x8xf32>
    %max3A_2503 = arith.maximumf %max3A_2502, %dot_general3A_995 : vector<256x8xf32>
    %max3A_2504 = arith.maximumf %max3A_2503, %dot_general3A_1002 : vector<256x8xf32>
    %max3A_2505 = arith.maximumf %max3A_2504, %dot_general3A_1009 : vector<256x8xf32>
    %max3A_2506 = arith.maximumf %max3A_2505, %dot_general3A_1016 : vector<256x8xf32>
    %max3A_2507 = arith.maximumf %max3A_2506, %dot_general3A_1023 : vector<256x8xf32>
    %max3A_2508 = arith.maximumf %max3A_2507, %dot_general3A_1030 : vector<256x8xf32>
    %max3A_2509 = arith.maximumf %max3A_2508, %dot_general3A_1037 : vector<256x8xf32>
    %max3A_2510 = arith.maximumf %max3A_2509, %dot_general3A_1044 : vector<256x8xf32>
    %max3A_2511 = arith.maximumf %max3A_2510, %dot_general3A_1051 : vector<256x8xf32>
    %sub3A_2512 = arith.subf %dot_general3A_974, %max3A_2511 : vector<256x8xf32>
    %exp3A_2513 = math.exp %sub3A_2512 : vector<256x8xf32>
    %sub3A_2514 = arith.subf %dot_general3A_981, %max3A_2511 : vector<256x8xf32>
    %exp3A_2515 = math.exp %sub3A_2514 : vector<256x8xf32>
    %sub3A_2516 = arith.subf %dot_general3A_988, %max3A_2511 : vector<256x8xf32>
    %exp3A_2517 = math.exp %sub3A_2516 : vector<256x8xf32>
    %sub3A_2518 = arith.subf %dot_general3A_995, %max3A_2511 : vector<256x8xf32>
    %exp3A_2519 = math.exp %sub3A_2518 : vector<256x8xf32>
    %sub3A_2520 = arith.subf %dot_general3A_1002, %max3A_2511 : vector<256x8xf32>
    %exp3A_2521 = math.exp %sub3A_2520 : vector<256x8xf32>
    %sub3A_2522 = arith.subf %dot_general3A_1009, %max3A_2511 : vector<256x8xf32>
    %exp3A_2523 = math.exp %sub3A_2522 : vector<256x8xf32>
    %sub3A_2524 = arith.subf %dot_general3A_1016, %max3A_2511 : vector<256x8xf32>
    %exp3A_2525 = math.exp %sub3A_2524 : vector<256x8xf32>
    %sub3A_2526 = arith.subf %dot_general3A_1023, %max3A_2511 : vector<256x8xf32>
    %exp3A_2527 = math.exp %sub3A_2526 : vector<256x8xf32>
    %sub3A_2528 = arith.subf %dot_general3A_1030, %max3A_2511 : vector<256x8xf32>
    %exp3A_2529 = math.exp %sub3A_2528 : vector<256x8xf32>
    %sub3A_2530 = arith.subf %dot_general3A_1037, %max3A_2511 : vector<256x8xf32>
    %exp3A_2531 = math.exp %sub3A_2530 : vector<256x8xf32>
    %sub3A_2532 = arith.subf %dot_general3A_1044, %max3A_2511 : vector<256x8xf32>
    %exp3A_2533 = math.exp %sub3A_2532 : vector<256x8xf32>
    %sub3A_2534 = arith.subf %dot_general3A_1051, %max3A_2511 : vector<256x8xf32>
    %exp3A_2535 = math.exp %sub3A_2534 : vector<256x8xf32>
    %add3A_2536 = arith.addf %exp3A_2513, %exp3A_2515 : vector<256x8xf32>
    %add3A_2537 = arith.addf %add3A_2536, %exp3A_2517 : vector<256x8xf32>
    %add3A_2538 = arith.addf %add3A_2537, %exp3A_2519 : vector<256x8xf32>
    %add3A_2539 = arith.addf %add3A_2538, %exp3A_2521 : vector<256x8xf32>
    %add3A_2540 = arith.addf %add3A_2539, %exp3A_2523 : vector<256x8xf32>
    %add3A_2541 = arith.addf %add3A_2540, %exp3A_2525 : vector<256x8xf32>
    %add3A_2542 = arith.addf %add3A_2541, %exp3A_2527 : vector<256x8xf32>
    %add3A_2543 = arith.addf %add3A_2542, %exp3A_2529 : vector<256x8xf32>
    %add3A_2544 = arith.addf %add3A_2543, %exp3A_2531 : vector<256x8xf32>
    %add3A_2545 = arith.addf %add3A_2544, %exp3A_2533 : vector<256x8xf32>
    %add3A_2546 = arith.addf %add3A_2545, %exp3A_2535 : vector<256x8xf32>
    %div3A_2547 = arith.constant 1.000000e+00 : f32
    %div3A_2548 = vector.broadcast %div3A_2547 : f32 to vector<256x8xf32>
    %div3A_2549 = arith.divf %div3A_2548, %add3A_2546 : vector<256x8xf32>
    %mul3A_2550 = arith.mulf %exp3A_2513, %div3A_2549 : vector<256x8xf32>
    %dot_general3A_2551 = arith.constant dense<0.000000e+00> : vector<256x128xf32>
    %dot_general3A_2552 = tpu.matmul %mul3A_2550, %transpose3A, %dot_general3A_2551 {dimension_numbers = #tpu.dot_dimension_numbers<[1], [0], [0], [1], [0, 0, 1, 1], [], []>, transpose_lhs_hint = false} : vector<256x8xf32>, vector<8x128xf32>, vector<256x128xf32> -> vector<256x128xf32>
    %slice3A_2553 = vector.extract_strided_slice %reshape3A_21 {offsets = [0, 0, 0], sizes = [1, 256, 128], strides = [1, 1, 1]} : vector<12x256x128xf32> to vector<1x256x128xf32>
    %squeeze3A_2554 = vector.shape_cast %slice3A_2553 : vector<1x256x128xf32> to vector<256x128xf32>
    %mul3A_2555 = arith.mulf %dot_general3A_2552, %squeeze3A_2554 : vector<256x128xf32>
    %mul3A_2556 = arith.mulf %exp3A_2515, %div3A_2549 : vector<256x8xf32>
    %dot_general3A_2557 = arith.constant dense<0.000000e+00> : vector<256x128xf32>
    %dot_general3A_2558 = tpu.matmul %mul3A_2556, %transpose3A, %dot_general3A_2557 {dimension_numbers = #tpu.dot_dimension_numbers<[1], [0], [0], [1], [0, 0, 1, 1], [], []>, transpose_lhs_hint = false} : vector<256x8xf32>, vector<8x128xf32>, vector<256x128xf32> -> vector<256x128xf32>
    %slice3A_2559 = vector.extract_strided_slice %reshape3A_21 {offsets = [1, 0, 0], sizes = [1, 256, 128], strides = [1, 1, 1]} : vector<12x256x128xf32> to vector<1x256x128xf32>
    %squeeze3A_2560 = vector.shape_cast %slice3A_2559 : vector<1x256x128xf32> to vector<256x128xf32>
    %mul3A_2561 = arith.mulf %dot_general3A_2558, %squeeze3A_2560 : vector<256x128xf32>
    %add3A_2562 = arith.addf %mul3A_2555, %mul3A_2561 : vector<256x128xf32>
    %mul3A_2563 = arith.mulf %exp3A_2517, %div3A_2549 : vector<256x8xf32>
    %dot_general3A_2564 = arith.constant dense<0.000000e+00> : vector<256x128xf32>
    %dot_general3A_2565 = tpu.matmul %mul3A_2563, %transpose3A, %dot_general3A_2564 {dimension_numbers = #tpu.dot_dimension_numbers<[1], [0], [0], [1], [0, 0, 1, 1], [], []>, transpose_lhs_hint = false} : vector<256x8xf32>, vector<8x128xf32>, vector<256x128xf32> -> vector<256x128xf32>
    %slice3A_2566 = vector.extract_strided_slice %reshape3A_21 {offsets = [2, 0, 0], sizes = [1, 256, 128], strides = [1, 1, 1]} : vector<12x256x128xf32> to vector<1x256x128xf32>
    %squeeze3A_2567 = vector.shape_cast %slice3A_2566 : vector<1x256x128xf32> to vector<256x128xf32>
    %mul3A_2568 = arith.mulf %dot_general3A_2565, %squeeze3A_2567 : vector<256x128xf32>
    %add3A_2569 = arith.addf %add3A_2562, %mul3A_2568 : vector<256x128xf32>
    %mul3A_2570 = arith.mulf %exp3A_2519, %div3A_2549 : vector<256x8xf32>
    %dot_general3A_2571 = arith.constant dense<0.000000e+00> : vector<256x128xf32>
    %dot_general3A_2572 = tpu.matmul %mul3A_2570, %transpose3A, %dot_general3A_2571 {dimension_numbers = #tpu.dot_dimension_numbers<[1], [0], [0], [1], [0, 0, 1, 1], [], []>, transpose_lhs_hint = false} : vector<256x8xf32>, vector<8x128xf32>, vector<256x128xf32> -> vector<256x128xf32>
    %slice3A_2573 = vector.extract_strided_slice %reshape3A_21 {offsets = [3, 0, 0], sizes = [1, 256, 128], strides = [1, 1, 1]} : vector<12x256x128xf32> to vector<1x256x128xf32>
    %squeeze3A_2574 = vector.shape_cast %slice3A_2573 : vector<1x256x128xf32> to vector<256x128xf32>
    %mul3A_2575 = arith.mulf %dot_general3A_2572, %squeeze3A_2574 : vector<256x128xf32>
    %add3A_2576 = arith.addf %add3A_2569, %mul3A_2575 : vector<256x128xf32>
    %mul3A_2577 = arith.mulf %exp3A_2521, %div3A_2549 : vector<256x8xf32>
    %dot_general3A_2578 = arith.constant dense<0.000000e+00> : vector<256x128xf32>
    %dot_general3A_2579 = tpu.matmul %mul3A_2577, %transpose3A, %dot_general3A_2578 {dimension_numbers = #tpu.dot_dimension_numbers<[1], [0], [0], [1], [0, 0, 1, 1], [], []>, transpose_lhs_hint = false} : vector<256x8xf32>, vector<8x128xf32>, vector<256x128xf32> -> vector<256x128xf32>
    %slice3A_2580 = vector.extract_strided_slice %reshape3A_21 {offsets = [4, 0, 0], sizes = [1, 256, 128], strides = [1, 1, 1]} : vector<12x256x128xf32> to vector<1x256x128xf32>
    %squeeze3A_2581 = vector.shape_cast %slice3A_2580 : vector<1x256x128xf32> to vector<256x128xf32>
    %mul3A_2582 = arith.mulf %dot_general3A_2579, %squeeze3A_2581 : vector<256x128xf32>
    %add3A_2583 = arith.addf %add3A_2576, %mul3A_2582 : vector<256x128xf32>
    %mul3A_2584 = arith.mulf %exp3A_2523, %div3A_2549 : vector<256x8xf32>
    %dot_general3A_2585 = arith.constant dense<0.000000e+00> : vector<256x128xf32>
    %dot_general3A_2586 = tpu.matmul %mul3A_2584, %transpose3A, %dot_general3A_2585 {dimension_numbers = #tpu.dot_dimension_numbers<[1], [0], [0], [1], [0, 0, 1, 1], [], []>, transpose_lhs_hint = false} : vector<256x8xf32>, vector<8x128xf32>, vector<256x128xf32> -> vector<256x128xf32>
    %slice3A_2587 = vector.extract_strided_slice %reshape3A_21 {offsets = [5, 0, 0], sizes = [1, 256, 128], strides = [1, 1, 1]} : vector<12x256x128xf32> to vector<1x256x128xf32>
    %squeeze3A_2588 = vector.shape_cast %slice3A_2587 : vector<1x256x128xf32> to vector<256x128xf32>
    %mul3A_2589 = arith.mulf %dot_general3A_2586, %squeeze3A_2588 : vector<256x128xf32>
    %add3A_2590 = arith.addf %add3A_2583, %mul3A_2589 : vector<256x128xf32>
    %mul3A_2591 = arith.mulf %exp3A_2525, %div3A_2549 : vector<256x8xf32>
    %dot_general3A_2592 = arith.constant dense<0.000000e+00> : vector<256x128xf32>
    %dot_general3A_2593 = tpu.matmul %mul3A_2591, %transpose3A, %dot_general3A_2592 {dimension_numbers = #tpu.dot_dimension_numbers<[1], [0], [0], [1], [0, 0, 1, 1], [], []>, transpose_lhs_hint = false} : vector<256x8xf32>, vector<8x128xf32>, vector<256x128xf32> -> vector<256x128xf32>
    %slice3A_2594 = vector.extract_strided_slice %reshape3A_21 {offsets = [6, 0, 0], sizes = [1, 256, 128], strides = [1, 1, 1]} : vector<12x256x128xf32> to vector<1x256x128xf32>
    %squeeze3A_2595 = vector.shape_cast %slice3A_2594 : vector<1x256x128xf32> to vector<256x128xf32>
    %mul3A_2596 = arith.mulf %dot_general3A_2593, %squeeze3A_2595 : vector<256x128xf32>
    %add3A_2597 = arith.addf %add3A_2590, %mul3A_2596 : vector<256x128xf32>
    %mul3A_2598 = arith.mulf %exp3A_2527, %div3A_2549 : vector<256x8xf32>
    %dot_general3A_2599 = arith.constant dense<0.000000e+00> : vector<256x128xf32>
    %dot_general3A_2600 = tpu.matmul %mul3A_2598, %transpose3A, %dot_general3A_2599 {dimension_numbers = #tpu.dot_dimension_numbers<[1], [0], [0], [1], [0, 0, 1, 1], [], []>, transpose_lhs_hint = false} : vector<256x8xf32>, vector<8x128xf32>, vector<256x128xf32> -> vector<256x128xf32>
    %slice3A_2601 = vector.extract_strided_slice %reshape3A_21 {offsets = [7, 0, 0], sizes = [1, 256, 128], strides = [1, 1, 1]} : vector<12x256x128xf32> to vector<1x256x128xf32>
    %squeeze3A_2602 = vector.shape_cast %slice3A_2601 : vector<1x256x128xf32> to vector<256x128xf32>
    %mul3A_2603 = arith.mulf %dot_general3A_2600, %squeeze3A_2602 : vector<256x128xf32>
    %add3A_2604 = arith.addf %add3A_2597, %mul3A_2603 : vector<256x128xf32>
    %mul3A_2605 = arith.mulf %exp3A_2529, %div3A_2549 : vector<256x8xf32>
    %dot_general3A_2606 = arith.constant dense<0.000000e+00> : vector<256x128xf32>
    %dot_general3A_2607 = tpu.matmul %mul3A_2605, %transpose3A, %dot_general3A_2606 {dimension_numbers = #tpu.dot_dimension_numbers<[1], [0], [0], [1], [0, 0, 1, 1], [], []>, transpose_lhs_hint = false} : vector<256x8xf32>, vector<8x128xf32>, vector<256x128xf32> -> vector<256x128xf32>
    %slice3A_2608 = vector.extract_strided_slice %reshape3A_21 {offsets = [8, 0, 0], sizes = [1, 256, 128], strides = [1, 1, 1]} : vector<12x256x128xf32> to vector<1x256x128xf32>
    %squeeze3A_2609 = vector.shape_cast %slice3A_2608 : vector<1x256x128xf32> to vector<256x128xf32>
    %mul3A_2610 = arith.mulf %dot_general3A_2607, %squeeze3A_2609 : vector<256x128xf32>
    %add3A_2611 = arith.addf %add3A_2604, %mul3A_2610 : vector<256x128xf32>
    %mul3A_2612 = arith.mulf %exp3A_2531, %div3A_2549 : vector<256x8xf32>
    %dot_general3A_2613 = arith.constant dense<0.000000e+00> : vector<256x128xf32>
    %dot_general3A_2614 = tpu.matmul %mul3A_2612, %transpose3A, %dot_general3A_2613 {dimension_numbers = #tpu.dot_dimension_numbers<[1], [0], [0], [1], [0, 0, 1, 1], [], []>, transpose_lhs_hint = false} : vector<256x8xf32>, vector<8x128xf32>, vector<256x128xf32> -> vector<256x128xf32>
    %slice3A_2615 = vector.extract_strided_slice %reshape3A_21 {offsets = [9, 0, 0], sizes = [1, 256, 128], strides = [1, 1, 1]} : vector<12x256x128xf32> to vector<1x256x128xf32>
    %squeeze3A_2616 = vector.shape_cast %slice3A_2615 : vector<1x256x128xf32> to vector<256x128xf32>
    %mul3A_2617 = arith.mulf %dot_general3A_2614, %squeeze3A_2616 : vector<256x128xf32>
    %add3A_2618 = arith.addf %add3A_2611, %mul3A_2617 : vector<256x128xf32>
    %mul3A_2619 = arith.mulf %exp3A_2533, %div3A_2549 : vector<256x8xf32>
    %dot_general3A_2620 = arith.constant dense<0.000000e+00> : vector<256x128xf32>
    %dot_general3A_2621 = tpu.matmul %mul3A_2619, %transpose3A, %dot_general3A_2620 {dimension_numbers = #tpu.dot_dimension_numbers<[1], [0], [0], [1], [0, 0, 1, 1], [], []>, transpose_lhs_hint = false} : vector<256x8xf32>, vector<8x128xf32>, vector<256x128xf32> -> vector<256x128xf32>
    %slice3A_2622 = vector.extract_strided_slice %reshape3A_21 {offsets = [10, 0, 0], sizes = [1, 256, 128], strides = [1, 1, 1]} : vector<12x256x128xf32> to vector<1x256x128xf32>
    %squeeze3A_2623 = vector.shape_cast %slice3A_2622 : vector<1x256x128xf32> to vector<256x128xf32>
    %mul3A_2624 = arith.mulf %dot_general3A_2621, %squeeze3A_2623 : vector<256x128xf32>
    %add3A_2625 = arith.addf %add3A_2618, %mul3A_2624 : vector<256x128xf32>
    %mul3A_2626 = arith.mulf %exp3A_2535, %div3A_2549 : vector<256x8xf32>
    %dot_general3A_2627 = arith.constant dense<0.000000e+00> : vector<256x128xf32>
    %dot_general3A_2628 = tpu.matmul %mul3A_2626, %transpose3A, %dot_general3A_2627 {dimension_numbers = #tpu.dot_dimension_numbers<[1], [0], [0], [1], [0, 0, 1, 1], [], []>, transpose_lhs_hint = false} : vector<256x8xf32>, vector<8x128xf32>, vector<256x128xf32> -> vector<256x128xf32>
    %slice3A_2629 = vector.extract_strided_slice %reshape3A_21 {offsets = [11, 0, 0], sizes = [1, 256, 128], strides = [1, 1, 1]} : vector<12x256x128xf32> to vector<1x256x128xf32>
    %squeeze3A_2630 = vector.shape_cast %slice3A_2629 : vector<1x256x128xf32> to vector<256x128xf32>
    %mul3A_2631 = arith.mulf %dot_general3A_2628, %squeeze3A_2630 : vector<256x128xf32>
    %add3A_2632 = arith.addf %add3A_2625, %mul3A_2631 : vector<256x128xf32>
    %broadcast_in_dim3A = vector.shape_cast %add3A_1180 : vector<256x128xf32> to vector<1x256x128xf32>
    %broadcast_in_dim3A_2633 = vector.shape_cast %add3A_1312 : vector<256x128xf32> to vector<1x256x128xf32>
    %broadcast_in_dim3A_2634 = vector.shape_cast %add3A_1444 : vector<256x128xf32> to vector<1x256x128xf32>
    %broadcast_in_dim3A_2635 = vector.shape_cast %add3A_1576 : vector<256x128xf32> to vector<1x256x128xf32>
    %broadcast_in_dim3A_2636 = vector.shape_cast %add3A_1708 : vector<256x128xf32> to vector<1x256x128xf32>
    %broadcast_in_dim3A_2637 = vector.shape_cast %add3A_1840 : vector<256x128xf32> to vector<1x256x128xf32>
    %broadcast_in_dim3A_2638 = vector.shape_cast %add3A_1972 : vector<256x128xf32> to vector<1x256x128xf32>
    %broadcast_in_dim3A_2639 = vector.shape_cast %add3A_2104 : vector<256x128xf32> to vector<1x256x128xf32>
    %broadcast_in_dim3A_2640 = vector.shape_cast %add3A_2236 : vector<256x128xf32> to vector<1x256x128xf32>
    %broadcast_in_dim3A_2641 = vector.shape_cast %add3A_2368 : vector<256x128xf32> to vector<1x256x128xf32>
    %broadcast_in_dim3A_2642 = vector.shape_cast %add3A_2500 : vector<256x128xf32> to vector<1x256x128xf32>
    %broadcast_in_dim3A_2643 = vector.shape_cast %add3A_2632 : vector<256x128xf32> to vector<1x256x128xf32>
    %concatenate3A = tpu.concatenate %broadcast_in_dim3A, %broadcast_in_dim3A_2633, %broadcast_in_dim3A_2634, %broadcast_in_dim3A_2635, %broadcast_in_dim3A_2636, %broadcast_in_dim3A_2637, %broadcast_in_dim3A_2638, %broadcast_in_dim3A_2639, %broadcast_in_dim3A_2640, %broadcast_in_dim3A_2641, %broadcast_in_dim3A_2642, %broadcast_in_dim3A_2643 in 0 : vector<1x256x128xf32>, vector<1x256x128xf32>, vector<1x256x128xf32>, vector<1x256x128xf32>, vector<1x256x128xf32>, vector<1x256x128xf32>, vector<1x256x128xf32>, vector<1x256x128xf32>, vector<1x256x128xf32>, vector<1x256x128xf32>, vector<1x256x128xf32>, vector<1x256x128xf32> -> vector<12x256x128xf32>
    %reshape3A_2644 = vector.shape_cast %concatenate3A : vector<12x256x128xf32> to vector<3072x128xf32>
    %get3A_2645 = arith.constant 0 : index
    %get3A_2646 = arith.constant 0 : index
    %get3A_2647 = vector.load %arg6[%get3A_2645, %get3A_2646] : memref<128x128xf32, #tpu.memory_space<vmem>>, vector<128x128xf32>
    %dot_general3A_2648 = arith.constant dense<0.000000e+00> : vector<3072x128xf32>
    %dot_general3A_2649 = tpu.matmul %reshape3A_2644, %get3A_2647, %dot_general3A_2648 {dimension_numbers = #tpu.dot_dimension_numbers<[1], [0], [0], [1], [0, 0, 1, 1], [], []>, transpose_lhs_hint = false} : vector<3072x128xf32>, vector<128x128xf32>, vector<3072x128xf32> -> vector<3072x128xf32>
    %add3A_2650 = arith.addf %reshape3A, %dot_general3A_2649 : vector<3072x128xf32>
    %reduce_sum3A = arith.constant dense<0.000000e+00> : vector<3072xf32>
    %reduce_sum3A_2651 = vector.multi_reduction <add>, %add3A_2650, %reduce_sum3A [1] : vector<3072x128xf32> to vector<3072xf32>
    %broadcast_in_dim3A_2652 = vector.shape_cast %reduce_sum3A_2651 : vector<3072xf32> to vector<3072x1xf32>
    %div3A_2653 = arith.constant 1.280000e+02 : f32
    %div3A_2654 = vector.broadcast %div3A_2653 : f32 to vector<3072x1xf32>
    %div3A_2655 = arith.divf %broadcast_in_dim3A_2652, %div3A_2654 : vector<3072x1xf32>
    %sub3A_2656 = vector.broadcast %div3A_2655 : vector<3072x1xf32> to vector<3072x128xf32>
    %sub3A_2657 = arith.subf %add3A_2650, %sub3A_2656 : vector<3072x128xf32>
    %integer_pow3A = arith.mulf %sub3A_2657, %sub3A_2657 : vector<3072x128xf32>
    %reduce_sum3A_2658 = arith.constant dense<0.000000e+00> : vector<3072xf32>
    %reduce_sum3A_2659 = vector.multi_reduction <add>, %integer_pow3A, %reduce_sum3A_2658 [1] : vector<3072x128xf32> to vector<3072xf32>
    %broadcast_in_dim3A_2660 = vector.shape_cast %reduce_sum3A_2659 : vector<3072xf32> to vector<3072x1xf32>
    %div3A_2661 = arith.constant 1.280000e+02 : f32
    %div3A_2662 = vector.broadcast %div3A_2661 : f32 to vector<3072x1xf32>
    %div3A_2663 = arith.divf %broadcast_in_dim3A_2660, %div3A_2662 : vector<3072x1xf32>
    %sub3A_2664 = vector.broadcast %div3A_2655 : vector<3072x1xf32> to vector<3072x128xf32>
    %sub3A_2665 = arith.subf %add3A_2650, %sub3A_2664 : vector<3072x128xf32>
    %add3A_2666 = arith.constant 9.99999974E-6 : f32
    %add3A_2667 = vector.broadcast %add3A_2666 : f32 to vector<3072x1xf32>
    %add3A_2668 = arith.addf %div3A_2663, %add3A_2667 : vector<3072x1xf32>
    %rsqrt3A = math.rsqrt %add3A_2668 : vector<3072x1xf32>
    %mul3A_2669 = vector.broadcast %rsqrt3A : vector<3072x1xf32> to vector<3072x128xf32>
    %mul3A_2670 = arith.mulf %sub3A_2665, %mul3A_2669 : vector<3072x128xf32>
    %get3A_2671 = arith.constant 0 : index
    %get3A_2672 = arith.constant 0 : index
    %get3A_2673 = vector.load %arg7[%get3A_2671, %get3A_2672] : memref<128x3xf32, #tpu.memory_space<vmem>>, vector<128x3xf32>
    %dot_general3A_2674 = arith.constant dense<0.000000e+00> : vector<3072x3xf32>
    %dot_general3A_2675 = tpu.matmul %mul3A_2670, %get3A_2673, %dot_general3A_2674 {dimension_numbers = #tpu.dot_dimension_numbers<[1], [0], [0], [1], [0, 0, 1, 1], [], []>, transpose_lhs_hint = false} : vector<3072x128xf32>, vector<128x3xf32>, vector<3072x3xf32> -> vector<3072x3xf32>
    %get3A_2676 = arith.constant 0 : index
    %get3A_2677 = arith.constant 0 : index
    %get3A_2678 = vector.load %arg8[%get3A_2676, %get3A_2677] : memref<1x3xf32, #tpu.memory_space<vmem>>, vector<1x3xf32>
    %add3A_2679 = vector.broadcast %get3A_2678 : vector<1x3xf32> to vector<3072x3xf32>
    %add3A_2680 = arith.addf %dot_general3A_2675, %add3A_2679 : vector<3072x3xf32>
    %reshape3A_2681 = vector.shape_cast %add3A_2680 : vector<3072x3xf32> to vector<12x256x3xf32>
    %slice3A_2682 = vector.extract_strided_slice %reshape3A_2681 {offsets = [0, 0, 0], sizes = [1, 256, 3], strides = [1, 1, 1]} : vector<12x256x3xf32> to vector<1x256x3xf32>
    %squeeze3A_2683 = vector.shape_cast %slice3A_2682 : vector<1x256x3xf32> to vector<256x3xf32>
    %get3A_2684 = arith.constant 0 : index
    %get3A_2685 = arith.constant 0 : index
    %get3A_2686 = memref.load %arg9[%get3A_2684, %get3A_2685] : memref<12x12xf32, #tpu.memory_space<smem>>
    %mul3A_2687 = vector.broadcast %get3A_2686 : f32 to vector<256x3xf32>
    %mul3A_2688 = arith.mulf %squeeze3A_2683, %mul3A_2687 : vector<256x3xf32>
    %slice3A_2689 = vector.extract_strided_slice %reshape3A_2681 {offsets = [1, 0, 0], sizes = [1, 256, 3], strides = [1, 1, 1]} : vector<12x256x3xf32> to vector<1x256x3xf32>
    %squeeze3A_2690 = vector.shape_cast %slice3A_2689 : vector<1x256x3xf32> to vector<256x3xf32>
    %get3A_2691 = arith.constant 1 : index
    %get3A_2692 = arith.constant 0 : index
    %get3A_2693 = memref.load %arg9[%get3A_2691, %get3A_2692] : memref<12x12xf32, #tpu.memory_space<smem>>
    %mul3A_2694 = vector.broadcast %get3A_2693 : f32 to vector<256x3xf32>
    %mul3A_2695 = arith.mulf %squeeze3A_2690, %mul3A_2694 : vector<256x3xf32>
    %add3A_2696 = arith.addf %mul3A_2688, %mul3A_2695 : vector<256x3xf32>
    %slice3A_2697 = vector.extract_strided_slice %reshape3A_2681 {offsets = [2, 0, 0], sizes = [1, 256, 3], strides = [1, 1, 1]} : vector<12x256x3xf32> to vector<1x256x3xf32>
    %squeeze3A_2698 = vector.shape_cast %slice3A_2697 : vector<1x256x3xf32> to vector<256x3xf32>
    %get3A_2699 = arith.constant 2 : index
    %get3A_2700 = arith.constant 0 : index
    %get3A_2701 = memref.load %arg9[%get3A_2699, %get3A_2700] : memref<12x12xf32, #tpu.memory_space<smem>>
    %mul3A_2702 = vector.broadcast %get3A_2701 : f32 to vector<256x3xf32>
    %mul3A_2703 = arith.mulf %squeeze3A_2698, %mul3A_2702 : vector<256x3xf32>
    %add3A_2704 = arith.addf %add3A_2696, %mul3A_2703 : vector<256x3xf32>
    %slice3A_2705 = vector.extract_strided_slice %reshape3A_2681 {offsets = [3, 0, 0], sizes = [1, 256, 3], strides = [1, 1, 1]} : vector<12x256x3xf32> to vector<1x256x3xf32>
    %squeeze3A_2706 = vector.shape_cast %slice3A_2705 : vector<1x256x3xf32> to vector<256x3xf32>
    %get3A_2707 = arith.constant 3 : index
    %get3A_2708 = arith.constant 0 : index
    %get3A_2709 = memref.load %arg9[%get3A_2707, %get3A_2708] : memref<12x12xf32, #tpu.memory_space<smem>>
    %mul3A_2710 = vector.broadcast %get3A_2709 : f32 to vector<256x3xf32>
    %mul3A_2711 = arith.mulf %squeeze3A_2706, %mul3A_2710 : vector<256x3xf32>
    %add3A_2712 = arith.addf %add3A_2704, %mul3A_2711 : vector<256x3xf32>
    %slice3A_2713 = vector.extract_strided_slice %reshape3A_2681 {offsets = [4, 0, 0], sizes = [1, 256, 3], strides = [1, 1, 1]} : vector<12x256x3xf32> to vector<1x256x3xf32>
    %squeeze3A_2714 = vector.shape_cast %slice3A_2713 : vector<1x256x3xf32> to vector<256x3xf32>
    %get3A_2715 = arith.constant 4 : index
    %get3A_2716 = arith.constant 0 : index
    %get3A_2717 = memref.load %arg9[%get3A_2715, %get3A_2716] : memref<12x12xf32, #tpu.memory_space<smem>>
    %mul3A_2718 = vector.broadcast %get3A_2717 : f32 to vector<256x3xf32>
    %mul3A_2719 = arith.mulf %squeeze3A_2714, %mul3A_2718 : vector<256x3xf32>
    %add3A_2720 = arith.addf %add3A_2712, %mul3A_2719 : vector<256x3xf32>
    %slice3A_2721 = vector.extract_strided_slice %reshape3A_2681 {offsets = [5, 0, 0], sizes = [1, 256, 3], strides = [1, 1, 1]} : vector<12x256x3xf32> to vector<1x256x3xf32>
    %squeeze3A_2722 = vector.shape_cast %slice3A_2721 : vector<1x256x3xf32> to vector<256x3xf32>
    %get3A_2723 = arith.constant 5 : index
    %get3A_2724 = arith.constant 0 : index
    %get3A_2725 = memref.load %arg9[%get3A_2723, %get3A_2724] : memref<12x12xf32, #tpu.memory_space<smem>>
    %mul3A_2726 = vector.broadcast %get3A_2725 : f32 to vector<256x3xf32>
    %mul3A_2727 = arith.mulf %squeeze3A_2722, %mul3A_2726 : vector<256x3xf32>
    %add3A_2728 = arith.addf %add3A_2720, %mul3A_2727 : vector<256x3xf32>
    %slice3A_2729 = vector.extract_strided_slice %reshape3A_2681 {offsets = [6, 0, 0], sizes = [1, 256, 3], strides = [1, 1, 1]} : vector<12x256x3xf32> to vector<1x256x3xf32>
    %squeeze3A_2730 = vector.shape_cast %slice3A_2729 : vector<1x256x3xf32> to vector<256x3xf32>
    %get3A_2731 = arith.constant 6 : index
    %get3A_2732 = arith.constant 0 : index
    %get3A_2733 = memref.load %arg9[%get3A_2731, %get3A_2732] : memref<12x12xf32, #tpu.memory_space<smem>>
    %mul3A_2734 = vector.broadcast %get3A_2733 : f32 to vector<256x3xf32>
    %mul3A_2735 = arith.mulf %squeeze3A_2730, %mul3A_2734 : vector<256x3xf32>
    %add3A_2736 = arith.addf %add3A_2728, %mul3A_2735 : vector<256x3xf32>
    %slice3A_2737 = vector.extract_strided_slice %reshape3A_2681 {offsets = [7, 0, 0], sizes = [1, 256, 3], strides = [1, 1, 1]} : vector<12x256x3xf32> to vector<1x256x3xf32>
    %squeeze3A_2738 = vector.shape_cast %slice3A_2737 : vector<1x256x3xf32> to vector<256x3xf32>
    %get3A_2739 = arith.constant 7 : index
    %get3A_2740 = arith.constant 0 : index
    %get3A_2741 = memref.load %arg9[%get3A_2739, %get3A_2740] : memref<12x12xf32, #tpu.memory_space<smem>>
    %mul3A_2742 = vector.broadcast %get3A_2741 : f32 to vector<256x3xf32>
    %mul3A_2743 = arith.mulf %squeeze3A_2738, %mul3A_2742 : vector<256x3xf32>
    %add3A_2744 = arith.addf %add3A_2736, %mul3A_2743 : vector<256x3xf32>
    %slice3A_2745 = vector.extract_strided_slice %reshape3A_2681 {offsets = [8, 0, 0], sizes = [1, 256, 3], strides = [1, 1, 1]} : vector<12x256x3xf32> to vector<1x256x3xf32>
    %squeeze3A_2746 = vector.shape_cast %slice3A_2745 : vector<1x256x3xf32> to vector<256x3xf32>
    %get3A_2747 = arith.constant 8 : index
    %get3A_2748 = arith.constant 0 : index
    %get3A_2749 = memref.load %arg9[%get3A_2747, %get3A_2748] : memref<12x12xf32, #tpu.memory_space<smem>>
    %mul3A_2750 = vector.broadcast %get3A_2749 : f32 to vector<256x3xf32>
    %mul3A_2751 = arith.mulf %squeeze3A_2746, %mul3A_2750 : vector<256x3xf32>
    %add3A_2752 = arith.addf %add3A_2744, %mul3A_2751 : vector<256x3xf32>
    %slice3A_2753 = vector.extract_strided_slice %reshape3A_2681 {offsets = [9, 0, 0], sizes = [1, 256, 3], strides = [1, 1, 1]} : vector<12x256x3xf32> to vector<1x256x3xf32>
    %squeeze3A_2754 = vector.shape_cast %slice3A_2753 : vector<1x256x3xf32> to vector<256x3xf32>
    %get3A_2755 = arith.constant 9 : index
    %get3A_2756 = arith.constant 0 : index
    %get3A_2757 = memref.load %arg9[%get3A_2755, %get3A_2756] : memref<12x12xf32, #tpu.memory_space<smem>>
    %mul3A_2758 = vector.broadcast %get3A_2757 : f32 to vector<256x3xf32>
    %mul3A_2759 = arith.mulf %squeeze3A_2754, %mul3A_2758 : vector<256x3xf32>
    %add3A_2760 = arith.addf %add3A_2752, %mul3A_2759 : vector<256x3xf32>
    %slice3A_2761 = vector.extract_strided_slice %reshape3A_2681 {offsets = [10, 0, 0], sizes = [1, 256, 3], strides = [1, 1, 1]} : vector<12x256x3xf32> to vector<1x256x3xf32>
    %squeeze3A_2762 = vector.shape_cast %slice3A_2761 : vector<1x256x3xf32> to vector<256x3xf32>
    %get3A_2763 = arith.constant 10 : index
    %get3A_2764 = arith.constant 0 : index
    %get3A_2765 = memref.load %arg9[%get3A_2763, %get3A_2764] : memref<12x12xf32, #tpu.memory_space<smem>>
    %mul3A_2766 = vector.broadcast %get3A_2765 : f32 to vector<256x3xf32>
    %mul3A_2767 = arith.mulf %squeeze3A_2762, %mul3A_2766 : vector<256x3xf32>
    %add3A_2768 = arith.addf %add3A_2760, %mul3A_2767 : vector<256x3xf32>
    %slice3A_2769 = vector.extract_strided_slice %reshape3A_2681 {offsets = [11, 0, 0], sizes = [1, 256, 3], strides = [1, 1, 1]} : vector<12x256x3xf32> to vector<1x256x3xf32>
    %squeeze3A_2770 = vector.shape_cast %slice3A_2769 : vector<1x256x3xf32> to vector<256x3xf32>
    %get3A_2771 = arith.constant 11 : index
    %get3A_2772 = arith.constant 0 : index
    %get3A_2773 = memref.load %arg9[%get3A_2771, %get3A_2772] : memref<12x12xf32, #tpu.memory_space<smem>>
    %mul3A_2774 = vector.broadcast %get3A_2773 : f32 to vector<256x3xf32>
    %mul3A_2775 = arith.mulf %squeeze3A_2770, %mul3A_2774 : vector<256x3xf32>
    %add3A_2776 = arith.addf %add3A_2768, %mul3A_2775 : vector<256x3xf32>
    %get3A_2777 = arith.constant 0 : index
    %get3A_2778 = memref.load %arg10[%get3A_2777] : memref<12xf32, #tpu.memory_space<smem>>
    %add3A_2779 = vector.broadcast %get3A_2778 : f32 to vector<256x3xf32>
    %add3A_2780 = arith.addf %add3A_2776, %add3A_2779 : vector<256x3xf32>
    %swap3A = arith.constant 0 : index
    %swap3A_2781 = arith.constant 0 : index
    %swap3A_2782 = arith.constant 0 : index
    %swap3A_2783 = arith.constant 0 : index
    %swap3A_2784 = vector.load %arg11[%swap3A, %swap3A_2781, %swap3A_2782, %swap3A_2783] : memref<1x12x256x3xf32, #tpu.memory_space<vmem>>, vector<1x1x256x3xf32>
    %swap3A_2785 = vector.shape_cast %swap3A_2784 : vector<1x1x256x3xf32> to vector<256x3xf32>
    %swap3A_2786 = vector.shape_cast %add3A_2780 : vector<256x3xf32> to vector<1x1x256x3xf32>
    tpu.vector_store %arg11[%swap3A, %swap3A_2781, %swap3A_2782, %swap3A_2783], %swap3A_2786 {strides = array<i32>} : memref<1x12x256x3xf32, #tpu.memory_space<vmem>>, vector<1x1x256x3xf32>,
    %slice3A_2787 = vector.extract_strided_slice %reshape3A_2681 {offsets = [0, 0, 0], sizes = [1, 256, 3], strides = [1, 1, 1]} : vector<12x256x3xf32> to vector<1x256x3xf32>
    %squeeze3A_2788 = vector.shape_cast %slice3A_2787 : vector<1x256x3xf32> to vector<256x3xf32>
    %get3A_2789 = arith.constant 0 : index
    %get3A_2790 = arith.constant 1 : index
    %get3A_2791 = memref.load %arg9[%get3A_2789, %get3A_2790] : memref<12x12xf32, #tpu.memory_space<smem>>
    %mul3A_2792 = vector.broadcast %get3A_2791 : f32 to vector<256x3xf32>
    %mul3A_2793 = arith.mulf %squeeze3A_2788, %mul3A_2792 : vector<256x3xf32>
    %slice3A_2794 = vector.extract_strided_slice %reshape3A_2681 {offsets = [1, 0, 0], sizes = [1, 256, 3], strides = [1, 1, 1]} : vector<12x256x3xf32> to vector<1x256x3xf32>
    %squeeze3A_2795 = vector.shape_cast %slice3A_2794 : vector<1x256x3xf32> to vector<256x3xf32>
    %get3A_2796 = arith.constant 1 : index
    %get3A_2797 = arith.constant 1 : index
    %get3A_2798 = memref.load %arg9[%get3A_2796, %get3A_2797] : memref<12x12xf32, #tpu.memory_space<smem>>
    %mul3A_2799 = vector.broadcast %get3A_2798 : f32 to vector<256x3xf32>
    %mul3A_2800 = arith.mulf %squeeze3A_2795, %mul3A_2799 : vector<256x3xf32>
    %add3A_2801 = arith.addf %mul3A_2793, %mul3A_2800 : vector<256x3xf32>
    %slice3A_2802 = vector.extract_strided_slice %reshape3A_2681 {offsets = [2, 0, 0], sizes = [1, 256, 3], strides = [1, 1, 1]} : vector<12x256x3xf32> to vector<1x256x3xf32>
    %squeeze3A_2803 = vector.shape_cast %slice3A_2802 : vector<1x256x3xf32> to vector<256x3xf32>
    %get3A_2804 = arith.constant 2 : index
    %get3A_2805 = arith.constant 1 : index
    %get3A_2806 = memref.load %arg9[%get3A_2804, %get3A_2805] : memref<12x12xf32, #tpu.memory_space<smem>>
    %mul3A_2807 = vector.broadcast %get3A_2806 : f32 to vector<256x3xf32>
    %mul3A_2808 = arith.mulf %squeeze3A_2803, %mul3A_2807 : vector<256x3xf32>
    %add3A_2809 = arith.addf %add3A_2801, %mul3A_2808 : vector<256x3xf32>
    %slice3A_2810 = vector.extract_strided_slice %reshape3A_2681 {offsets = [3, 0, 0], sizes = [1, 256, 3], strides = [1, 1, 1]} : vector<12x256x3xf32> to vector<1x256x3xf32>
    %squeeze3A_2811 = vector.shape_cast %slice3A_2810 : vector<1x256x3xf32> to vector<256x3xf32>
    %get3A_2812 = arith.constant 3 : index
    %get3A_2813 = arith.constant 1 : index
    %get3A_2814 = memref.load %arg9[%get3A_2812, %get3A_2813] : memref<12x12xf32, #tpu.memory_space<smem>>
    %mul3A_2815 = vector.broadcast %get3A_2814 : f32 to vector<256x3xf32>
    %mul3A_2816 = arith.mulf %squeeze3A_2811, %mul3A_2815 : vector<256x3xf32>
    %add3A_2817 = arith.addf %add3A_2809, %mul3A_2816 : vector<256x3xf32>
    %slice3A_2818 = vector.extract_strided_slice %reshape3A_2681 {offsets = [4, 0, 0], sizes = [1, 256, 3], strides = [1, 1, 1]} : vector<12x256x3xf32> to vector<1x256x3xf32>
    %squeeze3A_2819 = vector.shape_cast %slice3A_2818 : vector<1x256x3xf32> to vector<256x3xf32>
    %get3A_2820 = arith.constant 4 : index
    %get3A_2821 = arith.constant 1 : index
    %get3A_2822 = memref.load %arg9[%get3A_2820, %get3A_2821] : memref<12x12xf32, #tpu.memory_space<smem>>
    %mul3A_2823 = vector.broadcast %get3A_2822 : f32 to vector<256x3xf32>
    %mul3A_2824 = arith.mulf %squeeze3A_2819, %mul3A_2823 : vector<256x3xf32>
    %add3A_2825 = arith.addf %add3A_2817, %mul3A_2824 : vector<256x3xf32>
    %slice3A_2826 = vector.extract_strided_slice %reshape3A_2681 {offsets = [5, 0, 0], sizes = [1, 256, 3], strides = [1, 1, 1]} : vector<12x256x3xf32> to vector<1x256x3xf32>
    %squeeze3A_2827 = vector.shape_cast %slice3A_2826 : vector<1x256x3xf32> to vector<256x3xf32>
    %get3A_2828 = arith.constant 5 : index
    %get3A_2829 = arith.constant 1 : index
    %get3A_2830 = memref.load %arg9[%get3A_2828, %get3A_2829] : memref<12x12xf32, #tpu.memory_space<smem>>
    %mul3A_2831 = vector.broadcast %get3A_2830 : f32 to vector<256x3xf32>
    %mul3A_2832 = arith.mulf %squeeze3A_2827, %mul3A_2831 : vector<256x3xf32>
    %add3A_2833 = arith.addf %add3A_2825, %mul3A_2832 : vector<256x3xf32>
    %slice3A_2834 = vector.extract_strided_slice %reshape3A_2681 {offsets = [6, 0, 0], sizes = [1, 256, 3], strides = [1, 1, 1]} : vector<12x256x3xf32> to vector<1x256x3xf32>
    %squeeze3A_2835 = vector.shape_cast %slice3A_2834 : vector<1x256x3xf32> to vector<256x3xf32>
    %get3A_2836 = arith.constant 6 : index
    %get3A_2837 = arith.constant 1 : index
    %get3A_2838 = memref.load %arg9[%get3A_2836, %get3A_2837] : memref<12x12xf32, #tpu.memory_space<smem>>
    %mul3A_2839 = vector.broadcast %get3A_2838 : f32 to vector<256x3xf32>
    %mul3A_2840 = arith.mulf %squeeze3A_2835, %mul3A_2839 : vector<256x3xf32>
    %add3A_2841 = arith.addf %add3A_2833, %mul3A_2840 : vector<256x3xf32>
    %slice3A_2842 = vector.extract_strided_slice %reshape3A_2681 {offsets = [7, 0, 0], sizes = [1, 256, 3], strides = [1, 1, 1]} : vector<12x256x3xf32> to vector<1x256x3xf32>
    %squeeze3A_2843 = vector.shape_cast %slice3A_2842 : vector<1x256x3xf32> to vector<256x3xf32>
    %get3A_2844 = arith.constant 7 : index
    %get3A_2845 = arith.constant 1 : index
    %get3A_2846 = memref.load %arg9[%get3A_2844, %get3A_2845] : memref<12x12xf32, #tpu.memory_space<smem>>
    %mul3A_2847 = vector.broadcast %get3A_2846 : f32 to vector<256x3xf32>
    %mul3A_2848 = arith.mulf %squeeze3A_2843, %mul3A_2847 : vector<256x3xf32>
    %add3A_2849 = arith.addf %add3A_2841, %mul3A_2848 : vector<256x3xf32>
    %slice3A_2850 = vector.extract_strided_slice %reshape3A_2681 {offsets = [8, 0, 0], sizes = [1, 256, 3], strides = [1, 1, 1]} : vector<12x256x3xf32> to vector<1x256x3xf32>
    %squeeze3A_2851 = vector.shape_cast %slice3A_2850 : vector<1x256x3xf32> to vector<256x3xf32>
    %get3A_2852 = arith.constant 8 : index
    %get3A_2853 = arith.constant 1 : index
    %get3A_2854 = memref.load %arg9[%get3A_2852, %get3A_2853] : memref<12x12xf32, #tpu.memory_space<smem>>
    %mul3A_2855 = vector.broadcast %get3A_2854 : f32 to vector<256x3xf32>
    %mul3A_2856 = arith.mulf %squeeze3A_2851, %mul3A_2855 : vector<256x3xf32>
    %add3A_2857 = arith.addf %add3A_2849, %mul3A_2856 : vector<256x3xf32>
    %slice3A_2858 = vector.extract_strided_slice %reshape3A_2681 {offsets = [9, 0, 0], sizes = [1, 256, 3], strides = [1, 1, 1]} : vector<12x256x3xf32> to vector<1x256x3xf32>
    %squeeze3A_2859 = vector.shape_cast %slice3A_2858 : vector<1x256x3xf32> to vector<256x3xf32>
    %get3A_2860 = arith.constant 9 : index
    %get3A_2861 = arith.constant 1 : index
    %get3A_2862 = memref.load %arg9[%get3A_2860, %get3A_2861] : memref<12x12xf32, #tpu.memory_space<smem>>
    %mul3A_2863 = vector.broadcast %get3A_2862 : f32 to vector<256x3xf32>
    %mul3A_2864 = arith.mulf %squeeze3A_2859, %mul3A_2863 : vector<256x3xf32>
    %add3A_2865 = arith.addf %add3A_2857, %mul3A_2864 : vector<256x3xf32>
    %slice3A_2866 = vector.extract_strided_slice %reshape3A_2681 {offsets = [10, 0, 0], sizes = [1, 256, 3], strides = [1, 1, 1]} : vector<12x256x3xf32> to vector<1x256x3xf32>
    %squeeze3A_2867 = vector.shape_cast %slice3A_2866 : vector<1x256x3xf32> to vector<256x3xf32>
    %get3A_2868 = arith.constant 10 : index
    %get3A_2869 = arith.constant 1 : index
    %get3A_2870 = memref.load %arg9[%get3A_2868, %get3A_2869] : memref<12x12xf32, #tpu.memory_space<smem>>
    %mul3A_2871 = vector.broadcast %get3A_2870 : f32 to vector<256x3xf32>
    %mul3A_2872 = arith.mulf %squeeze3A_2867, %mul3A_2871 : vector<256x3xf32>
    %add3A_2873 = arith.addf %add3A_2865, %mul3A_2872 : vector<256x3xf32>
    %slice3A_2874 = vector.extract_strided_slice %reshape3A_2681 {offsets = [11, 0, 0], sizes = [1, 256, 3], strides = [1, 1, 1]} : vector<12x256x3xf32> to vector<1x256x3xf32>
    %squeeze3A_2875 = vector.shape_cast %slice3A_2874 : vector<1x256x3xf32> to vector<256x3xf32>
    %get3A_2876 = arith.constant 11 : index
    %get3A_2877 = arith.constant 1 : index
    %get3A_2878 = memref.load %arg9[%get3A_2876, %get3A_2877] : memref<12x12xf32, #tpu.memory_space<smem>>
    %mul3A_2879 = vector.broadcast %get3A_2878 : f32 to vector<256x3xf32>
    %mul3A_2880 = arith.mulf %squeeze3A_2875, %mul3A_2879 : vector<256x3xf32>
    %add3A_2881 = arith.addf %add3A_2873, %mul3A_2880 : vector<256x3xf32>
    %get3A_2882 = arith.constant 1 : index
    %get3A_2883 = memref.load %arg10[%get3A_2882] : memref<12xf32, #tpu.memory_space<smem>>
    %add3A_2884 = vector.broadcast %get3A_2883 : f32 to vector<256x3xf32>
    %add3A_2885 = arith.addf %add3A_2881, %add3A_2884 : vector<256x3xf32>
    %swap3A_2886 = arith.constant 0 : index
    %swap3A_2887 = arith.constant 1 : index
    %swap3A_2888 = arith.constant 0 : index
    %swap3A_2889 = arith.constant 0 : index
    %swap3A_2890 = vector.load %arg11[%swap3A_2886, %swap3A_2887, %swap3A_2888, %swap3A_2889] : memref<1x12x256x3xf32, #tpu.memory_space<vmem>>, vector<1x1x256x3xf32>
    %swap3A_2891 = vector.shape_cast %swap3A_2890 : vector<1x1x256x3xf32> to vector<256x3xf32>
    %swap3A_2892 = vector.shape_cast %add3A_2885 : vector<256x3xf32> to vector<1x1x256x3xf32>
    tpu.vector_store %arg11[%swap3A_2886, %swap3A_2887, %swap3A_2888, %swap3A_2889], %swap3A_2892 {strides = array<i32>} : memref<1x12x256x3xf32, #tpu.memory_space<vmem>>, vector<1x1x256x3xf32>,
    %slice3A_2893 = vector.extract_strided_slice %reshape3A_2681 {offsets = [0, 0, 0], sizes = [1, 256, 3], strides = [1, 1, 1]} : vector<12x256x3xf32> to vector<1x256x3xf32>
    %squeeze3A_2894 = vector.shape_cast %slice3A_2893 : vector<1x256x3xf32> to vector<256x3xf32>
    %get3A_2895 = arith.constant 0 : index
    %get3A_2896 = arith.constant 2 : index
    %get3A_2897 = memref.load %arg9[%get3A_2895, %get3A_2896] : memref<12x12xf32, #tpu.memory_space<smem>>
    %mul3A_2898 = vector.broadcast %get3A_2897 : f32 to vector<256x3xf32>
    %mul3A_2899 = arith.mulf %squeeze3A_2894, %mul3A_2898 : vector<256x3xf32>
    %slice3A_2900 = vector.extract_strided_slice %reshape3A_2681 {offsets = [1, 0, 0], sizes = [1, 256, 3], strides = [1, 1, 1]} : vector<12x256x3xf32> to vector<1x256x3xf32>
    %squeeze3A_2901 = vector.shape_cast %slice3A_2900 : vector<1x256x3xf32> to vector<256x3xf32>
    %get3A_2902 = arith.constant 1 : index
    %get3A_2903 = arith.constant 2 : index
    %get3A_2904 = memref.load %arg9[%get3A_2902, %get3A_2903] : memref<12x12xf32, #tpu.memory_space<smem>>
    %mul3A_2905 = vector.broadcast %get3A_2904 : f32 to vector<256x3xf32>
    %mul3A_2906 = arith.mulf %squeeze3A_2901, %mul3A_2905 : vector<256x3xf32>
    %add3A_2907 = arith.addf %mul3A_2899, %mul3A_2906 : vector<256x3xf32>
    %slice3A_2908 = vector.extract_strided_slice %reshape3A_2681 {offsets = [2, 0, 0], sizes = [1, 256, 3], strides = [1, 1, 1]} : vector<12x256x3xf32> to vector<1x256x3xf32>
    %squeeze3A_2909 = vector.shape_cast %slice3A_2908 : vector<1x256x3xf32> to vector<256x3xf32>
    %get3A_2910 = arith.constant 2 : index
    %get3A_2911 = arith.constant 2 : index
    %get3A_2912 = memref.load %arg9[%get3A_2910, %get3A_2911] : memref<12x12xf32, #tpu.memory_space<smem>>
    %mul3A_2913 = vector.broadcast %get3A_2912 : f32 to vector<256x3xf32>
    %mul3A_2914 = arith.mulf %squeeze3A_2909, %mul3A_2913 : vector<256x3xf32>
    %add3A_2915 = arith.addf %add3A_2907, %mul3A_2914 : vector<256x3xf32>
    %slice3A_2916 = vector.extract_strided_slice %reshape3A_2681 {offsets = [3, 0, 0], sizes = [1, 256, 3], strides = [1, 1, 1]} : vector<12x256x3xf32> to vector<1x256x3xf32>
    %squeeze3A_2917 = vector.shape_cast %slice3A_2916 : vector<1x256x3xf32> to vector<256x3xf32>
    %get3A_2918 = arith.constant 3 : index
    %get3A_2919 = arith.constant 2 : index
    %get3A_2920 = memref.load %arg9[%get3A_2918, %get3A_2919] : memref<12x12xf32, #tpu.memory_space<smem>>
    %mul3A_2921 = vector.broadcast %get3A_2920 : f32 to vector<256x3xf32>
    %mul3A_2922 = arith.mulf %squeeze3A_2917, %mul3A_2921 : vector<256x3xf32>
    %add3A_2923 = arith.addf %add3A_2915, %mul3A_2922 : vector<256x3xf32>
    %slice3A_2924 = vector.extract_strided_slice %reshape3A_2681 {offsets = [4, 0, 0], sizes = [1, 256, 3], strides = [1, 1, 1]} : vector<12x256x3xf32> to vector<1x256x3xf32>
    %squeeze3A_2925 = vector.shape_cast %slice3A_2924 : vector<1x256x3xf32> to vector<256x3xf32>
    %get3A_2926 = arith.constant 4 : index
    %get3A_2927 = arith.constant 2 : index
    %get3A_2928 = memref.load %arg9[%get3A_2926, %get3A_2927] : memref<12x12xf32, #tpu.memory_space<smem>>
    %mul3A_2929 = vector.broadcast %get3A_2928 : f32 to vector<256x3xf32>
    %mul3A_2930 = arith.mulf %squeeze3A_2925, %mul3A_2929 : vector<256x3xf32>
    %add3A_2931 = arith.addf %add3A_2923, %mul3A_2930 : vector<256x3xf32>
    %slice3A_2932 = vector.extract_strided_slice %reshape3A_2681 {offsets = [5, 0, 0], sizes = [1, 256, 3], strides = [1, 1, 1]} : vector<12x256x3xf32> to vector<1x256x3xf32>
    %squeeze3A_2933 = vector.shape_cast %slice3A_2932 : vector<1x256x3xf32> to vector<256x3xf32>
    %get3A_2934 = arith.constant 5 : index
    %get3A_2935 = arith.constant 2 : index
    %get3A_2936 = memref.load %arg9[%get3A_2934, %get3A_2935] : memref<12x12xf32, #tpu.memory_space<smem>>
    %mul3A_2937 = vector.broadcast %get3A_2936 : f32 to vector<256x3xf32>
    %mul3A_2938 = arith.mulf %squeeze3A_2933, %mul3A_2937 : vector<256x3xf32>
    %add3A_2939 = arith.addf %add3A_2931, %mul3A_2938 : vector<256x3xf32>
    %slice3A_2940 = vector.extract_strided_slice %reshape3A_2681 {offsets = [6, 0, 0], sizes = [1, 256, 3], strides = [1, 1, 1]} : vector<12x256x3xf32> to vector<1x256x3xf32>
    %squeeze3A_2941 = vector.shape_cast %slice3A_2940 : vector<1x256x3xf32> to vector<256x3xf32>
    %get3A_2942 = arith.constant 6 : index
    %get3A_2943 = arith.constant 2 : index
    %get3A_2944 = memref.load %arg9[%get3A_2942, %get3A_2943] : memref<12x12xf32, #tpu.memory_space<smem>>
    %mul3A_2945 = vector.broadcast %get3A_2944 : f32 to vector<256x3xf32>
    %mul3A_2946 = arith.mulf %squeeze3A_2941, %mul3A_2945 : vector<256x3xf32>
    %add3A_2947 = arith.addf %add3A_2939, %mul3A_2946 : vector<256x3xf32>
    %slice3A_2948 = vector.extract_strided_slice %reshape3A_2681 {offsets = [7, 0, 0], sizes = [1, 256, 3], strides = [1, 1, 1]} : vector<12x256x3xf32> to vector<1x256x3xf32>
    %squeeze3A_2949 = vector.shape_cast %slice3A_2948 : vector<1x256x3xf32> to vector<256x3xf32>
    %get3A_2950 = arith.constant 7 : index
    %get3A_2951 = arith.constant 2 : index
    %get3A_2952 = memref.load %arg9[%get3A_2950, %get3A_2951] : memref<12x12xf32, #tpu.memory_space<smem>>
    %mul3A_2953 = vector.broadcast %get3A_2952 : f32 to vector<256x3xf32>
    %mul3A_2954 = arith.mulf %squeeze3A_2949, %mul3A_2953 : vector<256x3xf32>
    %add3A_2955 = arith.addf %add3A_2947, %mul3A_2954 : vector<256x3xf32>
    %slice3A_2956 = vector.extract_strided_slice %reshape3A_2681 {offsets = [8, 0, 0], sizes = [1, 256, 3], strides = [1, 1, 1]} : vector<12x256x3xf32> to vector<1x256x3xf32>
    %squeeze3A_2957 = vector.shape_cast %slice3A_2956 : vector<1x256x3xf32> to vector<256x3xf32>
    %get3A_2958 = arith.constant 8 : index
    %get3A_2959 = arith.constant 2 : index
    %get3A_2960 = memref.load %arg9[%get3A_2958, %get3A_2959] : memref<12x12xf32, #tpu.memory_space<smem>>
    %mul3A_2961 = vector.broadcast %get3A_2960 : f32 to vector<256x3xf32>
    %mul3A_2962 = arith.mulf %squeeze3A_2957, %mul3A_2961 : vector<256x3xf32>
    %add3A_2963 = arith.addf %add3A_2955, %mul3A_2962 : vector<256x3xf32>
    %slice3A_2964 = vector.extract_strided_slice %reshape3A_2681 {offsets = [9, 0, 0], sizes = [1, 256, 3], strides = [1, 1, 1]} : vector<12x256x3xf32> to vector<1x256x3xf32>
    %squeeze3A_2965 = vector.shape_cast %slice3A_2964 : vector<1x256x3xf32> to vector<256x3xf32>
    %get3A_2966 = arith.constant 9 : index
    %get3A_2967 = arith.constant 2 : index
    %get3A_2968 = memref.load %arg9[%get3A_2966, %get3A_2967] : memref<12x12xf32, #tpu.memory_space<smem>>
    %mul3A_2969 = vector.broadcast %get3A_2968 : f32 to vector<256x3xf32>
    %mul3A_2970 = arith.mulf %squeeze3A_2965, %mul3A_2969 : vector<256x3xf32>
    %add3A_2971 = arith.addf %add3A_2963, %mul3A_2970 : vector<256x3xf32>
    %slice3A_2972 = vector.extract_strided_slice %reshape3A_2681 {offsets = [10, 0, 0], sizes = [1, 256, 3], strides = [1, 1, 1]} : vector<12x256x3xf32> to vector<1x256x3xf32>
    %squeeze3A_2973 = vector.shape_cast %slice3A_2972 : vector<1x256x3xf32> to vector<256x3xf32>
    %get3A_2974 = arith.constant 10 : index
    %get3A_2975 = arith.constant 2 : index
    %get3A_2976 = memref.load %arg9[%get3A_2974, %get3A_2975] : memref<12x12xf32, #tpu.memory_space<smem>>
    %mul3A_2977 = vector.broadcast %get3A_2976 : f32 to vector<256x3xf32>
    %mul3A_2978 = arith.mulf %squeeze3A_2973, %mul3A_2977 : vector<256x3xf32>
    %add3A_2979 = arith.addf %add3A_2971, %mul3A_2978 : vector<256x3xf32>
    %slice3A_2980 = vector.extract_strided_slice %reshape3A_2681 {offsets = [11, 0, 0], sizes = [1, 256, 3], strides = [1, 1, 1]} : vector<12x256x3xf32> to vector<1x256x3xf32>
    %squeeze3A_2981 = vector.shape_cast %slice3A_2980 : vector<1x256x3xf32> to vector<256x3xf32>
    %get3A_2982 = arith.constant 11 : index
    %get3A_2983 = arith.constant 2 : index
    %get3A_2984 = memref.load %arg9[%get3A_2982, %get3A_2983] : memref<12x12xf32, #tpu.memory_space<smem>>
    %mul3A_2985 = vector.broadcast %get3A_2984 : f32 to vector<256x3xf32>
    %mul3A_2986 = arith.mulf %squeeze3A_2981, %mul3A_2985 : vector<256x3xf32>
    %add3A_2987 = arith.addf %add3A_2979, %mul3A_2986 : vector<256x3xf32>
    %get3A_2988 = arith.constant 2 : index
    %get3A_2989 = memref.load %arg10[%get3A_2988] : memref<12xf32, #tpu.memory_space<smem>>
    %add3A_2990 = vector.broadcast %get3A_2989 : f32 to vector<256x3xf32>
    %add3A_2991 = arith.addf %add3A_2987, %add3A_2990 : vector<256x3xf32>
    %swap3A_2992 = arith.constant 0 : index
    %swap3A_2993 = arith.constant 2 : index
    %swap3A_2994 = arith.constant 0 : index
    %swap3A_2995 = arith.constant 0 : index
    %swap3A_2996 = vector.load %arg11[%swap3A_2992, %swap3A_2993, %swap3A_2994, %swap3A_2995] : memref<1x12x256x3xf32, #tpu.memory_space<vmem>>, vector<1x1x256x3xf32>
    %swap3A_2997 = vector.shape_cast %swap3A_2996 : vector<1x1x256x3xf32> to vector<256x3xf32>
    %swap3A_2998 = vector.shape_cast %add3A_2991 : vector<256x3xf32> to vector<1x1x256x3xf32>
    tpu.vector_store %arg11[%swap3A_2992, %swap3A_2993, %swap3A_2994, %swap3A_2995], %swap3A_2998 {strides = array<i32>} : memref<1x12x256x3xf32, #tpu.memory_space<vmem>>, vector<1x1x256x3xf32>,
    %slice3A_2999 = vector.extract_strided_slice %reshape3A_2681 {offsets = [0, 0, 0], sizes = [1, 256, 3], strides = [1, 1, 1]} : vector<12x256x3xf32> to vector<1x256x3xf32>
    %squeeze3A_3000 = vector.shape_cast %slice3A_2999 : vector<1x256x3xf32> to vector<256x3xf32>
    %get3A_3001 = arith.constant 0 : index
    %get3A_3002 = arith.constant 3 : index
    %get3A_3003 = memref.load %arg9[%get3A_3001, %get3A_3002] : memref<12x12xf32, #tpu.memory_space<smem>>
    %mul3A_3004 = vector.broadcast %get3A_3003 : f32 to vector<256x3xf32>
    %mul3A_3005 = arith.mulf %squeeze3A_3000, %mul3A_3004 : vector<256x3xf32>
    %slice3A_3006 = vector.extract_strided_slice %reshape3A_2681 {offsets = [1, 0, 0], sizes = [1, 256, 3], strides = [1, 1, 1]} : vector<12x256x3xf32> to vector<1x256x3xf32>
    %squeeze3A_3007 = vector.shape_cast %slice3A_3006 : vector<1x256x3xf32> to vector<256x3xf32>
    %get3A_3008 = arith.constant 1 : index
    %get3A_3009 = arith.constant 3 : index
    %get3A_3010 = memref.load %arg9[%get3A_3008, %get3A_3009] : memref<12x12xf32, #tpu.memory_space<smem>>
    %mul3A_3011 = vector.broadcast %get3A_3010 : f32 to vector<256x3xf32>
    %mul3A_3012 = arith.mulf %squeeze3A_3007, %mul3A_3011 : vector<256x3xf32>
    %add3A_3013 = arith.addf %mul3A_3005, %mul3A_3012 : vector<256x3xf32>
    %slice3A_3014 = vector.extract_strided_slice %reshape3A_2681 {offsets = [2, 0, 0], sizes = [1, 256, 3], strides = [1, 1, 1]} : vector<12x256x3xf32> to vector<1x256x3xf32>
    %squeeze3A_3015 = vector.shape_cast %slice3A_3014 : vector<1x256x3xf32> to vector<256x3xf32>
    %get3A_3016 = arith.constant 2 : index
    %get3A_3017 = arith.constant 3 : index
    %get3A_3018 = memref.load %arg9[%get3A_3016, %get3A_3017] : memref<12x12xf32, #tpu.memory_space<smem>>
    %mul3A_3019 = vector.broadcast %get3A_3018 : f32 to vector<256x3xf32>
    %mul3A_3020 = arith.mulf %squeeze3A_3015, %mul3A_3019 : vector<256x3xf32>
    %add3A_3021 = arith.addf %add3A_3013, %mul3A_3020 : vector<256x3xf32>
    %slice3A_3022 = vector.extract_strided_slice %reshape3A_2681 {offsets = [3, 0, 0], sizes = [1, 256, 3], strides = [1, 1, 1]} : vector<12x256x3xf32> to vector<1x256x3xf32>
    %squeeze3A_3023 = vector.shape_cast %slice3A_3022 : vector<1x256x3xf32> to vector<256x3xf32>
    %get3A_3024 = arith.constant 3 : index
    %get3A_3025 = arith.constant 3 : index
    %get3A_3026 = memref.load %arg9[%get3A_3024, %get3A_3025] : memref<12x12xf32, #tpu.memory_space<smem>>
    %mul3A_3027 = vector.broadcast %get3A_3026 : f32 to vector<256x3xf32>
    %mul3A_3028 = arith.mulf %squeeze3A_3023, %mul3A_3027 : vector<256x3xf32>
    %add3A_3029 = arith.addf %add3A_3021, %mul3A_3028 : vector<256x3xf32>
    %slice3A_3030 = vector.extract_strided_slice %reshape3A_2681 {offsets = [4, 0, 0], sizes = [1, 256, 3], strides = [1, 1, 1]} : vector<12x256x3xf32> to vector<1x256x3xf32>
    %squeeze3A_3031 = vector.shape_cast %slice3A_3030 : vector<1x256x3xf32> to vector<256x3xf32>
    %get3A_3032 = arith.constant 4 : index
    %get3A_3033 = arith.constant 3 : index
    %get3A_3034 = memref.load %arg9[%get3A_3032, %get3A_3033] : memref<12x12xf32, #tpu.memory_space<smem>>
    %mul3A_3035 = vector.broadcast %get3A_3034 : f32 to vector<256x3xf32>
    %mul3A_3036 = arith.mulf %squeeze3A_3031, %mul3A_3035 : vector<256x3xf32>
    %add3A_3037 = arith.addf %add3A_3029, %mul3A_3036 : vector<256x3xf32>
    %slice3A_3038 = vector.extract_strided_slice %reshape3A_2681 {offsets = [5, 0, 0], sizes = [1, 256, 3], strides = [1, 1, 1]} : vector<12x256x3xf32> to vector<1x256x3xf32>
    %squeeze3A_3039 = vector.shape_cast %slice3A_3038 : vector<1x256x3xf32> to vector<256x3xf32>
    %get3A_3040 = arith.constant 5 : index
    %get3A_3041 = arith.constant 3 : index
    %get3A_3042 = memref.load %arg9[%get3A_3040, %get3A_3041] : memref<12x12xf32, #tpu.memory_space<smem>>
    %mul3A_3043 = vector.broadcast %get3A_3042 : f32 to vector<256x3xf32>
    %mul3A_3044 = arith.mulf %squeeze3A_3039, %mul3A_3043 : vector<256x3xf32>
    %add3A_3045 = arith.addf %add3A_3037, %mul3A_3044 : vector<256x3xf32>
    %slice3A_3046 = vector.extract_strided_slice %reshape3A_2681 {offsets = [6, 0, 0], sizes = [1, 256, 3], strides = [1, 1, 1]} : vector<12x256x3xf32> to vector<1x256x3xf32>
    %squeeze3A_3047 = vector.shape_cast %slice3A_3046 : vector<1x256x3xf32> to vector<256x3xf32>
    %get3A_3048 = arith.constant 6 : index
    %get3A_3049 = arith.constant 3 : index
    %get3A_3050 = memref.load %arg9[%get3A_3048, %get3A_3049] : memref<12x12xf32, #tpu.memory_space<smem>>
    %mul3A_3051 = vector.broadcast %get3A_3050 : f32 to vector<256x3xf32>
    %mul3A_3052 = arith.mulf %squeeze3A_3047, %mul3A_3051 : vector<256x3xf32>
    %add3A_3053 = arith.addf %add3A_3045, %mul3A_3052 : vector<256x3xf32>
    %slice3A_3054 = vector.extract_strided_slice %reshape3A_2681 {offsets = [7, 0, 0], sizes = [1, 256, 3], strides = [1, 1, 1]} : vector<12x256x3xf32> to vector<1x256x3xf32>
    %squeeze3A_3055 = vector.shape_cast %slice3A_3054 : vector<1x256x3xf32> to vector<256x3xf32>
    %get3A_3056 = arith.constant 7 : index
    %get3A_3057 = arith.constant 3 : index
    %get3A_3058 = memref.load %arg9[%get3A_3056, %get3A_3057] : memref<12x12xf32, #tpu.memory_space<smem>>
    %mul3A_3059 = vector.broadcast %get3A_3058 : f32 to vector<256x3xf32>
    %mul3A_3060 = arith.mulf %squeeze3A_3055, %mul3A_3059 : vector<256x3xf32>
    %add3A_3061 = arith.addf %add3A_3053, %mul3A_3060 : vector<256x3xf32>
    %slice3A_3062 = vector.extract_strided_slice %reshape3A_2681 {offsets = [8, 0, 0], sizes = [1, 256, 3], strides = [1, 1, 1]} : vector<12x256x3xf32> to vector<1x256x3xf32>
    %squeeze3A_3063 = vector.shape_cast %slice3A_3062 : vector<1x256x3xf32> to vector<256x3xf32>
    %get3A_3064 = arith.constant 8 : index
    %get3A_3065 = arith.constant 3 : index
    %get3A_3066 = memref.load %arg9[%get3A_3064, %get3A_3065] : memref<12x12xf32, #tpu.memory_space<smem>>
    %mul3A_3067 = vector.broadcast %get3A_3066 : f32 to vector<256x3xf32>
    %mul3A_3068 = arith.mulf %squeeze3A_3063, %mul3A_3067 : vector<256x3xf32>
    %add3A_3069 = arith.addf %add3A_3061, %mul3A_3068 : vector<256x3xf32>
    %slice3A_3070 = vector.extract_strided_slice %reshape3A_2681 {offsets = [9, 0, 0], sizes = [1, 256, 3], strides = [1, 1, 1]} : vector<12x256x3xf32> to vector<1x256x3xf32>
    %squeeze3A_3071 = vector.shape_cast %slice3A_3070 : vector<1x256x3xf32> to vector<256x3xf32>
    %get3A_3072 = arith.constant 9 : index
    %get3A_3073 = arith.constant 3 : index
    %get3A_3074 = memref.load %arg9[%get3A_3072, %get3A_3073] : memref<12x12xf32, #tpu.memory_space<smem>>
    %mul3A_3075 = vector.broadcast %get3A_3074 : f32 to vector<256x3xf32>
    %mul3A_3076 = arith.mulf %squeeze3A_3071, %mul3A_3075 : vector<256x3xf32>
    %add3A_3077 = arith.addf %add3A_3069, %mul3A_3076 : vector<256x3xf32>
    %slice3A_3078 = vector.extract_strided_slice %reshape3A_2681 {offsets = [10, 0, 0], sizes = [1, 256, 3], strides = [1, 1, 1]} : vector<12x256x3xf32> to vector<1x256x3xf32>
    %squeeze3A_3079 = vector.shape_cast %slice3A_3078 : vector<1x256x3xf32> to vector<256x3xf32>
    %get3A_3080 = arith.constant 10 : index
    %get3A_3081 = arith.constant 3 : index
    %get3A_3082 = memref.load %arg9[%get3A_3080, %get3A_3081] : memref<12x12xf32, #tpu.memory_space<smem>>
    %mul3A_3083 = vector.broadcast %get3A_3082 : f32 to vector<256x3xf32>
    %mul3A_3084 = arith.mulf %squeeze3A_3079, %mul3A_3083 : vector<256x3xf32>
    %add3A_3085 = arith.addf %add3A_3077, %mul3A_3084 : vector<256x3xf32>
    %slice3A_3086 = vector.extract_strided_slice %reshape3A_2681 {offsets = [11, 0, 0], sizes = [1, 256, 3], strides = [1, 1, 1]} : vector<12x256x3xf32> to vector<1x256x3xf32>
    %squeeze3A_3087 = vector.shape_cast %slice3A_3086 : vector<1x256x3xf32> to vector<256x3xf32>
    %get3A_3088 = arith.constant 11 : index
    %get3A_3089 = arith.constant 3 : index
    %get3A_3090 = memref.load %arg9[%get3A_3088, %get3A_3089] : memref<12x12xf32, #tpu.memory_space<smem>>
    %mul3A_3091 = vector.broadcast %get3A_3090 : f32 to vector<256x3xf32>
    %mul3A_3092 = arith.mulf %squeeze3A_3087, %mul3A_3091 : vector<256x3xf32>
    %add3A_3093 = arith.addf %add3A_3085, %mul3A_3092 : vector<256x3xf32>
    %get3A_3094 = arith.constant 3 : index
    %get3A_3095 = memref.load %arg10[%get3A_3094] : memref<12xf32, #tpu.memory_space<smem>>
    %add3A_3096 = vector.broadcast %get3A_3095 : f32 to vector<256x3xf32>
    %add3A_3097 = arith.addf %add3A_3093, %add3A_3096 : vector<256x3xf32>
    %swap3A_3098 = arith.constant 0 : index
    %swap3A_3099 = arith.constant 3 : index
    %swap3A_3100 = arith.constant 0 : index
    %swap3A_3101 = arith.constant 0 : index
    %swap3A_3102 = vector.load %arg11[%swap3A_3098, %swap3A_3099, %swap3A_3100, %swap3A_3101] : memref<1x12x256x3xf32, #tpu.memory_space<vmem>>, vector<1x1x256x3xf32>
    %swap3A_3103 = vector.shape_cast %swap3A_3102 : vector<1x1x256x3xf32> to vector<256x3xf32>
    %swap3A_3104 = vector.shape_cast %add3A_3097 : vector<256x3xf32> to vector<1x1x256x3xf32>
    tpu.vector_store %arg11[%swap3A_3098, %swap3A_3099, %swap3A_3100, %swap3A_3101], %swap3A_3104 {strides = array<i32>} : memref<1x12x256x3xf32, #tpu.memory_space<vmem>>, vector<1x1x256x3xf32>,
    %slice3A_3105 = vector.extract_strided_slice %reshape3A_2681 {offsets = [0, 0, 0], sizes = [1, 256, 3], strides = [1, 1, 1]} : vector<12x256x3xf32> to vector<1x256x3xf32>
    %squeeze3A_3106 = vector.shape_cast %slice3A_3105 : vector<1x256x3xf32> to vector<256x3xf32>
    %get3A_3107 = arith.constant 0 : index
    %get3A_3108 = arith.constant 4 : index
    %get3A_3109 = memref.load %arg9[%get3A_3107, %get3A_3108] : memref<12x12xf32, #tpu.memory_space<smem>>
    %mul3A_3110 = vector.broadcast %get3A_3109 : f32 to vector<256x3xf32>
    %mul3A_3111 = arith.mulf %squeeze3A_3106, %mul3A_3110 : vector<256x3xf32>
    %slice3A_3112 = vector.extract_strided_slice %reshape3A_2681 {offsets = [1, 0, 0], sizes = [1, 256, 3], strides = [1, 1, 1]} : vector<12x256x3xf32> to vector<1x256x3xf32>
    %squeeze3A_3113 = vector.shape_cast %slice3A_3112 : vector<1x256x3xf32> to vector<256x3xf32>
    %get3A_3114 = arith.constant 1 : index
    %get3A_3115 = arith.constant 4 : index
    %get3A_3116 = memref.load %arg9[%get3A_3114, %get3A_3115] : memref<12x12xf32, #tpu.memory_space<smem>>
    %mul3A_3117 = vector.broadcast %get3A_3116 : f32 to vector<256x3xf32>
    %mul3A_3118 = arith.mulf %squeeze3A_3113, %mul3A_3117 : vector<256x3xf32>
    %add3A_3119 = arith.addf %mul3A_3111, %mul3A_3118 : vector<256x3xf32>
    %slice3A_3120 = vector.extract_strided_slice %reshape3A_2681 {offsets = [2, 0, 0], sizes = [1, 256, 3], strides = [1, 1, 1]} : vector<12x256x3xf32> to vector<1x256x3xf32>
    %squeeze3A_3121 = vector.shape_cast %slice3A_3120 : vector<1x256x3xf32> to vector<256x3xf32>
    %get3A_3122 = arith.constant 2 : index
    %get3A_3123 = arith.constant 4 : index
    %get3A_3124 = memref.load %arg9[%get3A_3122, %get3A_3123] : memref<12x12xf32, #tpu.memory_space<smem>>
    %mul3A_3125 = vector.broadcast %get3A_3124 : f32 to vector<256x3xf32>
    %mul3A_3126 = arith.mulf %squeeze3A_3121, %mul3A_3125 : vector<256x3xf32>
    %add3A_3127 = arith.addf %add3A_3119, %mul3A_3126 : vector<256x3xf32>
    %slice3A_3128 = vector.extract_strided_slice %reshape3A_2681 {offsets = [3, 0, 0], sizes = [1, 256, 3], strides = [1, 1, 1]} : vector<12x256x3xf32> to vector<1x256x3xf32>
    %squeeze3A_3129 = vector.shape_cast %slice3A_3128 : vector<1x256x3xf32> to vector<256x3xf32>
    %get3A_3130 = arith.constant 3 : index
    %get3A_3131 = arith.constant 4 : index
    %get3A_3132 = memref.load %arg9[%get3A_3130, %get3A_3131] : memref<12x12xf32, #tpu.memory_space<smem>>
    %mul3A_3133 = vector.broadcast %get3A_3132 : f32 to vector<256x3xf32>
    %mul3A_3134 = arith.mulf %squeeze3A_3129, %mul3A_3133 : vector<256x3xf32>
    %add3A_3135 = arith.addf %add3A_3127, %mul3A_3134 : vector<256x3xf32>
    %slice3A_3136 = vector.extract_strided_slice %reshape3A_2681 {offsets = [4, 0, 0], sizes = [1, 256, 3], strides = [1, 1, 1]} : vector<12x256x3xf32> to vector<1x256x3xf32>
    %squeeze3A_3137 = vector.shape_cast %slice3A_3136 : vector<1x256x3xf32> to vector<256x3xf32>
    %get3A_3138 = arith.constant 4 : index
    %get3A_3139 = arith.constant 4 : index
    %get3A_3140 = memref.load %arg9[%get3A_3138, %get3A_3139] : memref<12x12xf32, #tpu.memory_space<smem>>
    %mul3A_3141 = vector.broadcast %get3A_3140 : f32 to vector<256x3xf32>
    %mul3A_3142 = arith.mulf %squeeze3A_3137, %mul3A_3141 : vector<256x3xf32>
    %add3A_3143 = arith.addf %add3A_3135, %mul3A_3142 : vector<256x3xf32>
    %slice3A_3144 = vector.extract_strided_slice %reshape3A_2681 {offsets = [5, 0, 0], sizes = [1, 256, 3], strides = [1, 1, 1]} : vector<12x256x3xf32> to vector<1x256x3xf32>
    %squeeze3A_3145 = vector.shape_cast %slice3A_3144 : vector<1x256x3xf32> to vector<256x3xf32>
    %get3A_3146 = arith.constant 5 : index
    %get3A_3147 = arith.constant 4 : index
    %get3A_3148 = memref.load %arg9[%get3A_3146, %get3A_3147] : memref<12x12xf32, #tpu.memory_space<smem>>
    %mul3A_3149 = vector.broadcast %get3A_3148 : f32 to vector<256x3xf32>
    %mul3A_3150 = arith.mulf %squeeze3A_3145, %mul3A_3149 : vector<256x3xf32>
    %add3A_3151 = arith.addf %add3A_3143, %mul3A_3150 : vector<256x3xf32>
    %slice3A_3152 = vector.extract_strided_slice %reshape3A_2681 {offsets = [6, 0, 0], sizes = [1, 256, 3], strides = [1, 1, 1]} : vector<12x256x3xf32> to vector<1x256x3xf32>
    %squeeze3A_3153 = vector.shape_cast %slice3A_3152 : vector<1x256x3xf32> to vector<256x3xf32>
    %get3A_3154 = arith.constant 6 : index
    %get3A_3155 = arith.constant 4 : index
    %get3A_3156 = memref.load %arg9[%get3A_3154, %get3A_3155] : memref<12x12xf32, #tpu.memory_space<smem>>
    %mul3A_3157 = vector.broadcast %get3A_3156 : f32 to vector<256x3xf32>
    %mul3A_3158 = arith.mulf %squeeze3A_3153, %mul3A_3157 : vector<256x3xf32>
    %add3A_3159 = arith.addf %add3A_3151, %mul3A_3158 : vector<256x3xf32>
    %slice3A_3160 = vector.extract_strided_slice %reshape3A_2681 {offsets = [7, 0, 0], sizes = [1, 256, 3], strides = [1, 1, 1]} : vector<12x256x3xf32> to vector<1x256x3xf32>
    %squeeze3A_3161 = vector.shape_cast %slice3A_3160 : vector<1x256x3xf32> to vector<256x3xf32>
    %get3A_3162 = arith.constant 7 : index
    %get3A_3163 = arith.constant 4 : index
    %get3A_3164 = memref.load %arg9[%get3A_3162, %get3A_3163] : memref<12x12xf32, #tpu.memory_space<smem>>
    %mul3A_3165 = vector.broadcast %get3A_3164 : f32 to vector<256x3xf32>
    %mul3A_3166 = arith.mulf %squeeze3A_3161, %mul3A_3165 : vector<256x3xf32>
    %add3A_3167 = arith.addf %add3A_3159, %mul3A_3166 : vector<256x3xf32>
    %slice3A_3168 = vector.extract_strided_slice %reshape3A_2681 {offsets = [8, 0, 0], sizes = [1, 256, 3], strides = [1, 1, 1]} : vector<12x256x3xf32> to vector<1x256x3xf32>
    %squeeze3A_3169 = vector.shape_cast %slice3A_3168 : vector<1x256x3xf32> to vector<256x3xf32>
    %get3A_3170 = arith.constant 8 : index
    %get3A_3171 = arith.constant 4 : index
    %get3A_3172 = memref.load %arg9[%get3A_3170, %get3A_3171] : memref<12x12xf32, #tpu.memory_space<smem>>
    %mul3A_3173 = vector.broadcast %get3A_3172 : f32 to vector<256x3xf32>
    %mul3A_3174 = arith.mulf %squeeze3A_3169, %mul3A_3173 : vector<256x3xf32>
    %add3A_3175 = arith.addf %add3A_3167, %mul3A_3174 : vector<256x3xf32>
    %slice3A_3176 = vector.extract_strided_slice %reshape3A_2681 {offsets = [9, 0, 0], sizes = [1, 256, 3], strides = [1, 1, 1]} : vector<12x256x3xf32> to vector<1x256x3xf32>
    %squeeze3A_3177 = vector.shape_cast %slice3A_3176 : vector<1x256x3xf32> to vector<256x3xf32>
    %get3A_3178 = arith.constant 9 : index
    %get3A_3179 = arith.constant 4 : index
    %get3A_3180 = memref.load %arg9[%get3A_3178, %get3A_3179] : memref<12x12xf32, #tpu.memory_space<smem>>
    %mul3A_3181 = vector.broadcast %get3A_3180 : f32 to vector<256x3xf32>
    %mul3A_3182 = arith.mulf %squeeze3A_3177, %mul3A_3181 : vector<256x3xf32>
    %add3A_3183 = arith.addf %add3A_3175, %mul3A_3182 : vector<256x3xf32>
    %slice3A_3184 = vector.extract_strided_slice %reshape3A_2681 {offsets = [10, 0, 0], sizes = [1, 256, 3], strides = [1, 1, 1]} : vector<12x256x3xf32> to vector<1x256x3xf32>
    %squeeze3A_3185 = vector.shape_cast %slice3A_3184 : vector<1x256x3xf32> to vector<256x3xf32>
    %get3A_3186 = arith.constant 10 : index
    %get3A_3187 = arith.constant 4 : index
    %get3A_3188 = memref.load %arg9[%get3A_3186, %get3A_3187] : memref<12x12xf32, #tpu.memory_space<smem>>
    %mul3A_3189 = vector.broadcast %get3A_3188 : f32 to vector<256x3xf32>
    %mul3A_3190 = arith.mulf %squeeze3A_3185, %mul3A_3189 : vector<256x3xf32>
    %add3A_3191 = arith.addf %add3A_3183, %mul3A_3190 : vector<256x3xf32>
    %slice3A_3192 = vector.extract_strided_slice %reshape3A_2681 {offsets = [11, 0, 0], sizes = [1, 256, 3], strides = [1, 1, 1]} : vector<12x256x3xf32> to vector<1x256x3xf32>
    %squeeze3A_3193 = vector.shape_cast %slice3A_3192 : vector<1x256x3xf32> to vector<256x3xf32>
    %get3A_3194 = arith.constant 11 : index
    %get3A_3195 = arith.constant 4 : index
    %get3A_3196 = memref.load %arg9[%get3A_3194, %get3A_3195] : memref<12x12xf32, #tpu.memory_space<smem>>
    %mul3A_3197 = vector.broadcast %get3A_3196 : f32 to vector<256x3xf32>
    %mul3A_3198 = arith.mulf %squeeze3A_3193, %mul3A_3197 : vector<256x3xf32>
    %add3A_3199 = arith.addf %add3A_3191, %mul3A_3198 : vector<256x3xf32>
    %get3A_3200 = arith.constant 4 : index
    %get3A_3201 = memref.load %arg10[%get3A_3200] : memref<12xf32, #tpu.memory_space<smem>>
    %add3A_3202 = vector.broadcast %get3A_3201 : f32 to vector<256x3xf32>
    %add3A_3203 = arith.addf %add3A_3199, %add3A_3202 : vector<256x3xf32>
    %swap3A_3204 = arith.constant 0 : index
    %swap3A_3205 = arith.constant 4 : index
    %swap3A_3206 = arith.constant 0 : index
    %swap3A_3207 = arith.constant 0 : index
    %swap3A_3208 = vector.load %arg11[%swap3A_3204, %swap3A_3205, %swap3A_3206, %swap3A_3207] : memref<1x12x256x3xf32, #tpu.memory_space<vmem>>, vector<1x1x256x3xf32>
    %swap3A_3209 = vector.shape_cast %swap3A_3208 : vector<1x1x256x3xf32> to vector<256x3xf32>
    %swap3A_3210 = vector.shape_cast %add3A_3203 : vector<256x3xf32> to vector<1x1x256x3xf32>
    tpu.vector_store %arg11[%swap3A_3204, %swap3A_3205, %swap3A_3206, %swap3A_3207], %swap3A_3210 {strides = array<i32>} : memref<1x12x256x3xf32, #tpu.memory_space<vmem>>, vector<1x1x256x3xf32>,
    %slice3A_3211 = vector.extract_strided_slice %reshape3A_2681 {offsets = [0, 0, 0], sizes = [1, 256, 3], strides = [1, 1, 1]} : vector<12x256x3xf32> to vector<1x256x3xf32>
    %squeeze3A_3212 = vector.shape_cast %slice3A_3211 : vector<1x256x3xf32> to vector<256x3xf32>
    %get3A_3213 = arith.constant 0 : index
    %get3A_3214 = arith.constant 5 : index
    %get3A_3215 = memref.load %arg9[%get3A_3213, %get3A_3214] : memref<12x12xf32, #tpu.memory_space<smem>>
    %mul3A_3216 = vector.broadcast %get3A_3215 : f32 to vector<256x3xf32>
    %mul3A_3217 = arith.mulf %squeeze3A_3212, %mul3A_3216 : vector<256x3xf32>
    %slice3A_3218 = vector.extract_strided_slice %reshape3A_2681 {offsets = [1, 0, 0], sizes = [1, 256, 3], strides = [1, 1, 1]} : vector<12x256x3xf32> to vector<1x256x3xf32>
    %squeeze3A_3219 = vector.shape_cast %slice3A_3218 : vector<1x256x3xf32> to vector<256x3xf32>
    %get3A_3220 = arith.constant 1 : index
    %get3A_3221 = arith.constant 5 : index
    %get3A_3222 = memref.load %arg9[%get3A_3220, %get3A_3221] : memref<12x12xf32, #tpu.memory_space<smem>>
    %mul3A_3223 = vector.broadcast %get3A_3222 : f32 to vector<256x3xf32>
    %mul3A_3224 = arith.mulf %squeeze3A_3219, %mul3A_3223 : vector<256x3xf32>
    %add3A_3225 = arith.addf %mul3A_3217, %mul3A_3224 : vector<256x3xf32>
    %slice3A_3226 = vector.extract_strided_slice %reshape3A_2681 {offsets = [2, 0, 0], sizes = [1, 256, 3], strides = [1, 1, 1]} : vector<12x256x3xf32> to vector<1x256x3xf32>
    %squeeze3A_3227 = vector.shape_cast %slice3A_3226 : vector<1x256x3xf32> to vector<256x3xf32>
    %get3A_3228 = arith.constant 2 : index
    %get3A_3229 = arith.constant 5 : index
    %get3A_3230 = memref.load %arg9[%get3A_3228, %get3A_3229] : memref<12x12xf32, #tpu.memory_space<smem>>
    %mul3A_3231 = vector.broadcast %get3A_3230 : f32 to vector<256x3xf32>
    %mul3A_3232 = arith.mulf %squeeze3A_3227, %mul3A_3231 : vector<256x3xf32>
    %add3A_3233 = arith.addf %add3A_3225, %mul3A_3232 : vector<256x3xf32>
    %slice3A_3234 = vector.extract_strided_slice %reshape3A_2681 {offsets = [3, 0, 0], sizes = [1, 256, 3], strides = [1, 1, 1]} : vector<12x256x3xf32> to vector<1x256x3xf32>
    %squeeze3A_3235 = vector.shape_cast %slice3A_3234 : vector<1x256x3xf32> to vector<256x3xf32>
    %get3A_3236 = arith.constant 3 : index
    %get3A_3237 = arith.constant 5 : index
    %get3A_3238 = memref.load %arg9[%get3A_3236, %get3A_3237] : memref<12x12xf32, #tpu.memory_space<smem>>
    %mul3A_3239 = vector.broadcast %get3A_3238 : f32 to vector<256x3xf32>
    %mul3A_3240 = arith.mulf %squeeze3A_3235, %mul3A_3239 : vector<256x3xf32>
    %add3A_3241 = arith.addf %add3A_3233, %mul3A_3240 : vector<256x3xf32>
    %slice3A_3242 = vector.extract_strided_slice %reshape3A_2681 {offsets = [4, 0, 0], sizes = [1, 256, 3], strides = [1, 1, 1]} : vector<12x256x3xf32> to vector<1x256x3xf32>
    %squeeze3A_3243 = vector.shape_cast %slice3A_3242 : vector<1x256x3xf32> to vector<256x3xf32>
    %get3A_3244 = arith.constant 4 : index
    %get3A_3245 = arith.constant 5 : index
    %get3A_3246 = memref.load %arg9[%get3A_3244, %get3A_3245] : memref<12x12xf32, #tpu.memory_space<smem>>
    %mul3A_3247 = vector.broadcast %get3A_3246 : f32 to vector<256x3xf32>
    %mul3A_3248 = arith.mulf %squeeze3A_3243, %mul3A_3247 : vector<256x3xf32>
    %add3A_3249 = arith.addf %add3A_3241, %mul3A_3248 : vector<256x3xf32>
    %slice3A_3250 = vector.extract_strided_slice %reshape3A_2681 {offsets = [5, 0, 0], sizes = [1, 256, 3], strides = [1, 1, 1]} : vector<12x256x3xf32> to vector<1x256x3xf32>
    %squeeze3A_3251 = vector.shape_cast %slice3A_3250 : vector<1x256x3xf32> to vector<256x3xf32>
    %get3A_3252 = arith.constant 5 : index
    %get3A_3253 = arith.constant 5 : index
    %get3A_3254 = memref.load %arg9[%get3A_3252, %get3A_3253] : memref<12x12xf32, #tpu.memory_space<smem>>
    %mul3A_3255 = vector.broadcast %get3A_3254 : f32 to vector<256x3xf32>
    %mul3A_3256 = arith.mulf %squeeze3A_3251, %mul3A_3255 : vector<256x3xf32>
    %add3A_3257 = arith.addf %add3A_3249, %mul3A_3256 : vector<256x3xf32>
    %slice3A_3258 = vector.extract_strided_slice %reshape3A_2681 {offsets = [6, 0, 0], sizes = [1, 256, 3], strides = [1, 1, 1]} : vector<12x256x3xf32> to vector<1x256x3xf32>
    %squeeze3A_3259 = vector.shape_cast %slice3A_3258 : vector<1x256x3xf32> to vector<256x3xf32>
    %get3A_3260 = arith.constant 6 : index
    %get3A_3261 = arith.constant 5 : index
    %get3A_3262 = memref.load %arg9[%get3A_3260, %get3A_3261] : memref<12x12xf32, #tpu.memory_space<smem>>
    %mul3A_3263 = vector.broadcast %get3A_3262 : f32 to vector<256x3xf32>
    %mul3A_3264 = arith.mulf %squeeze3A_3259, %mul3A_3263 : vector<256x3xf32>
    %add3A_3265 = arith.addf %add3A_3257, %mul3A_3264 : vector<256x3xf32>
    %slice3A_3266 = vector.extract_strided_slice %reshape3A_2681 {offsets = [7, 0, 0], sizes = [1, 256, 3], strides = [1, 1, 1]} : vector<12x256x3xf32> to vector<1x256x3xf32>
    %squeeze3A_3267 = vector.shape_cast %slice3A_3266 : vector<1x256x3xf32> to vector<256x3xf32>
    %get3A_3268 = arith.constant 7 : index
    %get3A_3269 = arith.constant 5 : index
    %get3A_3270 = memref.load %arg9[%get3A_3268, %get3A_3269] : memref<12x12xf32, #tpu.memory_space<smem>>
    %mul3A_3271 = vector.broadcast %get3A_3270 : f32 to vector<256x3xf32>
    %mul3A_3272 = arith.mulf %squeeze3A_3267, %mul3A_3271 : vector<256x3xf32>
    %add3A_3273 = arith.addf %add3A_3265, %mul3A_3272 : vector<256x3xf32>
    %slice3A_3274 = vector.extract_strided_slice %reshape3A_2681 {offsets = [8, 0, 0], sizes = [1, 256, 3], strides = [1, 1, 1]} : vector<12x256x3xf32> to vector<1x256x3xf32>
    %squeeze3A_3275 = vector.shape_cast %slice3A_3274 : vector<1x256x3xf32> to vector<256x3xf32>
    %get3A_3276 = arith.constant 8 : index
    %get3A_3277 = arith.constant 5 : index
    %get3A_3278 = memref.load %arg9[%get3A_3276, %get3A_3277] : memref<12x12xf32, #tpu.memory_space<smem>>
    %mul3A_3279 = vector.broadcast %get3A_3278 : f32 to vector<256x3xf32>
    %mul3A_3280 = arith.mulf %squeeze3A_3275, %mul3A_3279 : vector<256x3xf32>
    %add3A_3281 = arith.addf %add3A_3273, %mul3A_3280 : vector<256x3xf32>
    %slice3A_3282 = vector.extract_strided_slice %reshape3A_2681 {offsets = [9, 0, 0], sizes = [1, 256, 3], strides = [1, 1, 1]} : vector<12x256x3xf32> to vector<1x256x3xf32>
    %squeeze3A_3283 = vector.shape_cast %slice3A_3282 : vector<1x256x3xf32> to vector<256x3xf32>
    %get3A_3284 = arith.constant 9 : index
    %get3A_3285 = arith.constant 5 : index
    %get3A_3286 = memref.load %arg9[%get3A_3284, %get3A_3285] : memref<12x12xf32, #tpu.memory_space<smem>>
    %mul3A_3287 = vector.broadcast %get3A_3286 : f32 to vector<256x3xf32>
    %mul3A_3288 = arith.mulf %squeeze3A_3283, %mul3A_3287 : vector<256x3xf32>
    %add3A_3289 = arith.addf %add3A_3281, %mul3A_3288 : vector<256x3xf32>
    %slice3A_3290 = vector.extract_strided_slice %reshape3A_2681 {offsets = [10, 0, 0], sizes = [1, 256, 3], strides = [1, 1, 1]} : vector<12x256x3xf32> to vector<1x256x3xf32>
    %squeeze3A_3291 = vector.shape_cast %slice3A_3290 : vector<1x256x3xf32> to vector<256x3xf32>
    %get3A_3292 = arith.constant 10 : index
    %get3A_3293 = arith.constant 5 : index
    %get3A_3294 = memref.load %arg9[%get3A_3292, %get3A_3293] : memref<12x12xf32, #tpu.memory_space<smem>>
    %mul3A_3295 = vector.broadcast %get3A_3294 : f32 to vector<256x3xf32>
    %mul3A_3296 = arith.mulf %squeeze3A_3291, %mul3A_3295 : vector<256x3xf32>
    %add3A_3297 = arith.addf %add3A_3289, %mul3A_3296 : vector<256x3xf32>
    %slice3A_3298 = vector.extract_strided_slice %reshape3A_2681 {offsets = [11, 0, 0], sizes = [1, 256, 3], strides = [1, 1, 1]} : vector<12x256x3xf32> to vector<1x256x3xf32>
    %squeeze3A_3299 = vector.shape_cast %slice3A_3298 : vector<1x256x3xf32> to vector<256x3xf32>
    %get3A_3300 = arith.constant 11 : index
    %get3A_3301 = arith.constant 5 : index
    %get3A_3302 = memref.load %arg9[%get3A_3300, %get3A_3301] : memref<12x12xf32, #tpu.memory_space<smem>>
    %mul3A_3303 = vector.broadcast %get3A_3302 : f32 to vector<256x3xf32>
    %mul3A_3304 = arith.mulf %squeeze3A_3299, %mul3A_3303 : vector<256x3xf32>
    %add3A_3305 = arith.addf %add3A_3297, %mul3A_3304 : vector<256x3xf32>
    %get3A_3306 = arith.constant 5 : index
    %get3A_3307 = memref.load %arg10[%get3A_3306] : memref<12xf32, #tpu.memory_space<smem>>
    %add3A_3308 = vector.broadcast %get3A_3307 : f32 to vector<256x3xf32>
    %add3A_3309 = arith.addf %add3A_3305, %add3A_3308 : vector<256x3xf32>
    %swap3A_3310 = arith.constant 0 : index
    %swap3A_3311 = arith.constant 5 : index
    %swap3A_3312 = arith.constant 0 : index
    %swap3A_3313 = arith.constant 0 : index
    %swap3A_3314 = vector.load %arg11[%swap3A_3310, %swap3A_3311, %swap3A_3312, %swap3A_3313] : memref<1x12x256x3xf32, #tpu.memory_space<vmem>>, vector<1x1x256x3xf32>
    %swap3A_3315 = vector.shape_cast %swap3A_3314 : vector<1x1x256x3xf32> to vector<256x3xf32>
    %swap3A_3316 = vector.shape_cast %add3A_3309 : vector<256x3xf32> to vector<1x1x256x3xf32>
    tpu.vector_store %arg11[%swap3A_3310, %swap3A_3311, %swap3A_3312, %swap3A_3313], %swap3A_3316 {strides = array<i32>} : memref<1x12x256x3xf32, #tpu.memory_space<vmem>>, vector<1x1x256x3xf32>,
    %slice3A_3317 = vector.extract_strided_slice %reshape3A_2681 {offsets = [0, 0, 0], sizes = [1, 256, 3], strides = [1, 1, 1]} : vector<12x256x3xf32> to vector<1x256x3xf32>
    %squeeze3A_3318 = vector.shape_cast %slice3A_3317 : vector<1x256x3xf32> to vector<256x3xf32>
    %get3A_3319 = arith.constant 0 : index
    %get3A_3320 = arith.constant 6 : index
    %get3A_3321 = memref.load %arg9[%get3A_3319, %get3A_3320] : memref<12x12xf32, #tpu.memory_space<smem>>
    %mul3A_3322 = vector.broadcast %get3A_3321 : f32 to vector<256x3xf32>
    %mul3A_3323 = arith.mulf %squeeze3A_3318, %mul3A_3322 : vector<256x3xf32>
    %slice3A_3324 = vector.extract_strided_slice %reshape3A_2681 {offsets = [1, 0, 0], sizes = [1, 256, 3], strides = [1, 1, 1]} : vector<12x256x3xf32> to vector<1x256x3xf32>
    %squeeze3A_3325 = vector.shape_cast %slice3A_3324 : vector<1x256x3xf32> to vector<256x3xf32>
    %get3A_3326 = arith.constant 1 : index
    %get3A_3327 = arith.constant 6 : index
    %get3A_3328 = memref.load %arg9[%get3A_3326, %get3A_3327] : memref<12x12xf32, #tpu.memory_space<smem>>
    %mul3A_3329 = vector.broadcast %get3A_3328 : f32 to vector<256x3xf32>
    %mul3A_3330 = arith.mulf %squeeze3A_3325, %mul3A_3329 : vector<256x3xf32>
    %add3A_3331 = arith.addf %mul3A_3323, %mul3A_3330 : vector<256x3xf32>
    %slice3A_3332 = vector.extract_strided_slice %reshape3A_2681 {offsets = [2, 0, 0], sizes = [1, 256, 3], strides = [1, 1, 1]} : vector<12x256x3xf32> to vector<1x256x3xf32>
    %squeeze3A_3333 = vector.shape_cast %slice3A_3332 : vector<1x256x3xf32> to vector<256x3xf32>
    %get3A_3334 = arith.constant 2 : index
    %get3A_3335 = arith.constant 6 : index
    %get3A_3336 = memref.load %arg9[%get3A_3334, %get3A_3335] : memref<12x12xf32, #tpu.memory_space<smem>>
    %mul3A_3337 = vector.broadcast %get3A_3336 : f32 to vector<256x3xf32>
    %mul3A_3338 = arith.mulf %squeeze3A_3333, %mul3A_3337 : vector<256x3xf32>
    %add3A_3339 = arith.addf %add3A_3331, %mul3A_3338 : vector<256x3xf32>
    %slice3A_3340 = vector.extract_strided_slice %reshape3A_2681 {offsets = [3, 0, 0], sizes = [1, 256, 3], strides = [1, 1, 1]} : vector<12x256x3xf32> to vector<1x256x3xf32>
    %squeeze3A_3341 = vector.shape_cast %slice3A_3340 : vector<1x256x3xf32> to vector<256x3xf32>
    %get3A_3342 = arith.constant 3 : index
    %get3A_3343 = arith.constant 6 : index
    %get3A_3344 = memref.load %arg9[%get3A_3342, %get3A_3343] : memref<12x12xf32, #tpu.memory_space<smem>>
    %mul3A_3345 = vector.broadcast %get3A_3344 : f32 to vector<256x3xf32>
    %mul3A_3346 = arith.mulf %squeeze3A_3341, %mul3A_3345 : vector<256x3xf32>
    %add3A_3347 = arith.addf %add3A_3339, %mul3A_3346 : vector<256x3xf32>
    %slice3A_3348 = vector.extract_strided_slice %reshape3A_2681 {offsets = [4, 0, 0], sizes = [1, 256, 3], strides = [1, 1, 1]} : vector<12x256x3xf32> to vector<1x256x3xf32>
    %squeeze3A_3349 = vector.shape_cast %slice3A_3348 : vector<1x256x3xf32> to vector<256x3xf32>
    %get3A_3350 = arith.constant 4 : index
    %get3A_3351 = arith.constant 6 : index
    %get3A_3352 = memref.load %arg9[%get3A_3350, %get3A_3351] : memref<12x12xf32, #tpu.memory_space<smem>>
    %mul3A_3353 = vector.broadcast %get3A_3352 : f32 to vector<256x3xf32>
    %mul3A_3354 = arith.mulf %squeeze3A_3349, %mul3A_3353 : vector<256x3xf32>
    %add3A_3355 = arith.addf %add3A_3347, %mul3A_3354 : vector<256x3xf32>
    %slice3A_3356 = vector.extract_strided_slice %reshape3A_2681 {offsets = [5, 0, 0], sizes = [1, 256, 3], strides = [1, 1, 1]} : vector<12x256x3xf32> to vector<1x256x3xf32>
    %squeeze3A_3357 = vector.shape_cast %slice3A_3356 : vector<1x256x3xf32> to vector<256x3xf32>
    %get3A_3358 = arith.constant 5 : index
    %get3A_3359 = arith.constant 6 : index
    %get3A_3360 = memref.load %arg9[%get3A_3358, %get3A_3359] : memref<12x12xf32, #tpu.memory_space<smem>>
    %mul3A_3361 = vector.broadcast %get3A_3360 : f32 to vector<256x3xf32>
    %mul3A_3362 = arith.mulf %squeeze3A_3357, %mul3A_3361 : vector<256x3xf32>
    %add3A_3363 = arith.addf %add3A_3355, %mul3A_3362 : vector<256x3xf32>
    %slice3A_3364 = vector.extract_strided_slice %reshape3A_2681 {offsets = [6, 0, 0], sizes = [1, 256, 3], strides = [1, 1, 1]} : vector<12x256x3xf32> to vector<1x256x3xf32>
    %squeeze3A_3365 = vector.shape_cast %slice3A_3364 : vector<1x256x3xf32> to vector<256x3xf32>
    %get3A_3366 = arith.constant 6 : index
    %get3A_3367 = arith.constant 6 : index
    %get3A_3368 = memref.load %arg9[%get3A_3366, %get3A_3367] : memref<12x12xf32, #tpu.memory_space<smem>>
    %mul3A_3369 = vector.broadcast %get3A_3368 : f32 to vector<256x3xf32>
    %mul3A_3370 = arith.mulf %squeeze3A_3365, %mul3A_3369 : vector<256x3xf32>
    %add3A_3371 = arith.addf %add3A_3363, %mul3A_3370 : vector<256x3xf32>
    %slice3A_3372 = vector.extract_strided_slice %reshape3A_2681 {offsets = [7, 0, 0], sizes = [1, 256, 3], strides = [1, 1, 1]} : vector<12x256x3xf32> to vector<1x256x3xf32>
    %squeeze3A_3373 = vector.shape_cast %slice3A_3372 : vector<1x256x3xf32> to vector<256x3xf32>
    %get3A_3374 = arith.constant 7 : index
    %get3A_3375 = arith.constant 6 : index
    %get3A_3376 = memref.load %arg9[%get3A_3374, %get3A_3375] : memref<12x12xf32, #tpu.memory_space<smem>>
    %mul3A_3377 = vector.broadcast %get3A_3376 : f32 to vector<256x3xf32>
    %mul3A_3378 = arith.mulf %squeeze3A_3373, %mul3A_3377 : vector<256x3xf32>
    %add3A_3379 = arith.addf %add3A_3371, %mul3A_3378 : vector<256x3xf32>
    %slice3A_3380 = vector.extract_strided_slice %reshape3A_2681 {offsets = [8, 0, 0], sizes = [1, 256, 3], strides = [1, 1, 1]} : vector<12x256x3xf32> to vector<1x256x3xf32>
    %squeeze3A_3381 = vector.shape_cast %slice3A_3380 : vector<1x256x3xf32> to vector<256x3xf32>
    %get3A_3382 = arith.constant 8 : index
    %get3A_3383 = arith.constant 6 : index
    %get3A_3384 = memref.load %arg9[%get3A_3382, %get3A_3383] : memref<12x12xf32, #tpu.memory_space<smem>>
    %mul3A_3385 = vector.broadcast %get3A_3384 : f32 to vector<256x3xf32>
    %mul3A_3386 = arith.mulf %squeeze3A_3381, %mul3A_3385 : vector<256x3xf32>
    %add3A_3387 = arith.addf %add3A_3379, %mul3A_3386 : vector<256x3xf32>
    %slice3A_3388 = vector.extract_strided_slice %reshape3A_2681 {offsets = [9, 0, 0], sizes = [1, 256, 3], strides = [1, 1, 1]} : vector<12x256x3xf32> to vector<1x256x3xf32>
    %squeeze3A_3389 = vector.shape_cast %slice3A_3388 : vector<1x256x3xf32> to vector<256x3xf32>
    %get3A_3390 = arith.constant 9 : index
    %get3A_3391 = arith.constant 6 : index
    %get3A_3392 = memref.load %arg9[%get3A_3390, %get3A_3391] : memref<12x12xf32, #tpu.memory_space<smem>>
    %mul3A_3393 = vector.broadcast %get3A_3392 : f32 to vector<256x3xf32>
    %mul3A_3394 = arith.mulf %squeeze3A_3389, %mul3A_3393 : vector<256x3xf32>
    %add3A_3395 = arith.addf %add3A_3387, %mul3A_3394 : vector<256x3xf32>
    %slice3A_3396 = vector.extract_strided_slice %reshape3A_2681 {offsets = [10, 0, 0], sizes = [1, 256, 3], strides = [1, 1, 1]} : vector<12x256x3xf32> to vector<1x256x3xf32>
    %squeeze3A_3397 = vector.shape_cast %slice3A_3396 : vector<1x256x3xf32> to vector<256x3xf32>
    %get3A_3398 = arith.constant 10 : index
    %get3A_3399 = arith.constant 6 : index
    %get3A_3400 = memref.load %arg9[%get3A_3398, %get3A_3399] : memref<12x12xf32, #tpu.memory_space<smem>>
    %mul3A_3401 = vector.broadcast %get3A_3400 : f32 to vector<256x3xf32>
    %mul3A_3402 = arith.mulf %squeeze3A_3397, %mul3A_3401 : vector<256x3xf32>
    %add3A_3403 = arith.addf %add3A_3395, %mul3A_3402 : vector<256x3xf32>
    %slice3A_3404 = vector.extract_strided_slice %reshape3A_2681 {offsets = [11, 0, 0], sizes = [1, 256, 3], strides = [1, 1, 1]} : vector<12x256x3xf32> to vector<1x256x3xf32>
    %squeeze3A_3405 = vector.shape_cast %slice3A_3404 : vector<1x256x3xf32> to vector<256x3xf32>
    %get3A_3406 = arith.constant 11 : index
    %get3A_3407 = arith.constant 6 : index
    %get3A_3408 = memref.load %arg9[%get3A_3406, %get3A_3407] : memref<12x12xf32, #tpu.memory_space<smem>>
    %mul3A_3409 = vector.broadcast %get3A_3408 : f32 to vector<256x3xf32>
    %mul3A_3410 = arith.mulf %squeeze3A_3405, %mul3A_3409 : vector<256x3xf32>
    %add3A_3411 = arith.addf %add3A_3403, %mul3A_3410 : vector<256x3xf32>
    %get3A_3412 = arith.constant 6 : index
    %get3A_3413 = memref.load %arg10[%get3A_3412] : memref<12xf32, #tpu.memory_space<smem>>
    %add3A_3414 = vector.broadcast %get3A_3413 : f32 to vector<256x3xf32>
    %add3A_3415 = arith.addf %add3A_3411, %add3A_3414 : vector<256x3xf32>
    %swap3A_3416 = arith.constant 0 : index
    %swap3A_3417 = arith.constant 6 : index
    %swap3A_3418 = arith.constant 0 : index
    %swap3A_3419 = arith.constant 0 : index
    %swap3A_3420 = vector.load %arg11[%swap3A_3416, %swap3A_3417, %swap3A_3418, %swap3A_3419] : memref<1x12x256x3xf32, #tpu.memory_space<vmem>>, vector<1x1x256x3xf32>
    %swap3A_3421 = vector.shape_cast %swap3A_3420 : vector<1x1x256x3xf32> to vector<256x3xf32>
    %swap3A_3422 = vector.shape_cast %add3A_3415 : vector<256x3xf32> to vector<1x1x256x3xf32>
    tpu.vector_store %arg11[%swap3A_3416, %swap3A_3417, %swap3A_3418, %swap3A_3419], %swap3A_3422 {strides = array<i32>} : memref<1x12x256x3xf32, #tpu.memory_space<vmem>>, vector<1x1x256x3xf32>,
    %slice3A_3423 = vector.extract_strided_slice %reshape3A_2681 {offsets = [0, 0, 0], sizes = [1, 256, 3], strides = [1, 1, 1]} : vector<12x256x3xf32> to vector<1x256x3xf32>
    %squeeze3A_3424 = vector.shape_cast %slice3A_3423 : vector<1x256x3xf32> to vector<256x3xf32>
    %get3A_3425 = arith.constant 0 : index
    %get3A_3426 = arith.constant 7 : index
    %get3A_3427 = memref.load %arg9[%get3A_3425, %get3A_3426] : memref<12x12xf32, #tpu.memory_space<smem>>
    %mul3A_3428 = vector.broadcast %get3A_3427 : f32 to vector<256x3xf32>
    %mul3A_3429 = arith.mulf %squeeze3A_3424, %mul3A_3428 : vector<256x3xf32>
    %slice3A_3430 = vector.extract_strided_slice %reshape3A_2681 {offsets = [1, 0, 0], sizes = [1, 256, 3], strides = [1, 1, 1]} : vector<12x256x3xf32> to vector<1x256x3xf32>
    %squeeze3A_3431 = vector.shape_cast %slice3A_3430 : vector<1x256x3xf32> to vector<256x3xf32>
    %get3A_3432 = arith.constant 1 : index
    %get3A_3433 = arith.constant 7 : index
    %get3A_3434 = memref.load %arg9[%get3A_3432, %get3A_3433] : memref<12x12xf32, #tpu.memory_space<smem>>
    %mul3A_3435 = vector.broadcast %get3A_3434 : f32 to vector<256x3xf32>
    %mul3A_3436 = arith.mulf %squeeze3A_3431, %mul3A_3435 : vector<256x3xf32>
    %add3A_3437 = arith.addf %mul3A_3429, %mul3A_3436 : vector<256x3xf32>
    %slice3A_3438 = vector.extract_strided_slice %reshape3A_2681 {offsets = [2, 0, 0], sizes = [1, 256, 3], strides = [1, 1, 1]} : vector<12x256x3xf32> to vector<1x256x3xf32>
    %squeeze3A_3439 = vector.shape_cast %slice3A_3438 : vector<1x256x3xf32> to vector<256x3xf32>
    %get3A_3440 = arith.constant 2 : index
    %get3A_3441 = arith.constant 7 : index
    %get3A_3442 = memref.load %arg9[%get3A_3440, %get3A_3441] : memref<12x12xf32, #tpu.memory_space<smem>>
    %mul3A_3443 = vector.broadcast %get3A_3442 : f32 to vector<256x3xf32>
    %mul3A_3444 = arith.mulf %squeeze3A_3439, %mul3A_3443 : vector<256x3xf32>
    %add3A_3445 = arith.addf %add3A_3437, %mul3A_3444 : vector<256x3xf32>
    %slice3A_3446 = vector.extract_strided_slice %reshape3A_2681 {offsets = [3, 0, 0], sizes = [1, 256, 3], strides = [1, 1, 1]} : vector<12x256x3xf32> to vector<1x256x3xf32>
    %squeeze3A_3447 = vector.shape_cast %slice3A_3446 : vector<1x256x3xf32> to vector<256x3xf32>
    %get3A_3448 = arith.constant 3 : index
    %get3A_3449 = arith.constant 7 : index
    %get3A_3450 = memref.load %arg9[%get3A_3448, %get3A_3449] : memref<12x12xf32, #tpu.memory_space<smem>>
    %mul3A_3451 = vector.broadcast %get3A_3450 : f32 to vector<256x3xf32>
    %mul3A_3452 = arith.mulf %squeeze3A_3447, %mul3A_3451 : vector<256x3xf32>
    %add3A_3453 = arith.addf %add3A_3445, %mul3A_3452 : vector<256x3xf32>
    %slice3A_3454 = vector.extract_strided_slice %reshape3A_2681 {offsets = [4, 0, 0], sizes = [1, 256, 3], strides = [1, 1, 1]} : vector<12x256x3xf32> to vector<1x256x3xf32>
    %squeeze3A_3455 = vector.shape_cast %slice3A_3454 : vector<1x256x3xf32> to vector<256x3xf32>
    %get3A_3456 = arith.constant 4 : index
    %get3A_3457 = arith.constant 7 : index
    %get3A_3458 = memref.load %arg9[%get3A_3456, %get3A_3457] : memref<12x12xf32, #tpu.memory_space<smem>>
    %mul3A_3459 = vector.broadcast %get3A_3458 : f32 to vector<256x3xf32>
    %mul3A_3460 = arith.mulf %squeeze3A_3455, %mul3A_3459 : vector<256x3xf32>
    %add3A_3461 = arith.addf %add3A_3453, %mul3A_3460 : vector<256x3xf32>
    %slice3A_3462 = vector.extract_strided_slice %reshape3A_2681 {offsets = [5, 0, 0], sizes = [1, 256, 3], strides = [1, 1, 1]} : vector<12x256x3xf32> to vector<1x256x3xf32>
    %squeeze3A_3463 = vector.shape_cast %slice3A_3462 : vector<1x256x3xf32> to vector<256x3xf32>
    %get3A_3464 = arith.constant 5 : index
    %get3A_3465 = arith.constant 7 : index
    %get3A_3466 = memref.load %arg9[%get3A_3464, %get3A_3465] : memref<12x12xf32, #tpu.memory_space<smem>>
    %mul3A_3467 = vector.broadcast %get3A_3466 : f32 to vector<256x3xf32>
    %mul3A_3468 = arith.mulf %squeeze3A_3463, %mul3A_3467 : vector<256x3xf32>
    %add3A_3469 = arith.addf %add3A_3461, %mul3A_3468 : vector<256x3xf32>
    %slice3A_3470 = vector.extract_strided_slice %reshape3A_2681 {offsets = [6, 0, 0], sizes = [1, 256, 3], strides = [1, 1, 1]} : vector<12x256x3xf32> to vector<1x256x3xf32>
    %squeeze3A_3471 = vector.shape_cast %slice3A_3470 : vector<1x256x3xf32> to vector<256x3xf32>
    %get3A_3472 = arith.constant 6 : index
    %get3A_3473 = arith.constant 7 : index
    %get3A_3474 = memref.load %arg9[%get3A_3472, %get3A_3473] : memref<12x12xf32, #tpu.memory_space<smem>>
    %mul3A_3475 = vector.broadcast %get3A_3474 : f32 to vector<256x3xf32>
    %mul3A_3476 = arith.mulf %squeeze3A_3471, %mul3A_3475 : vector<256x3xf32>
    %add3A_3477 = arith.addf %add3A_3469, %mul3A_3476 : vector<256x3xf32>
    %slice3A_3478 = vector.extract_strided_slice %reshape3A_2681 {offsets = [7, 0, 0], sizes = [1, 256, 3], strides = [1, 1, 1]} : vector<12x256x3xf32> to vector<1x256x3xf32>
    %squeeze3A_3479 = vector.shape_cast %slice3A_3478 : vector<1x256x3xf32> to vector<256x3xf32>
    %get3A_3480 = arith.constant 7 : index
    %get3A_3481 = arith.constant 7 : index
    %get3A_3482 = memref.load %arg9[%get3A_3480, %get3A_3481] : memref<12x12xf32, #tpu.memory_space<smem>>
    %mul3A_3483 = vector.broadcast %get3A_3482 : f32 to vector<256x3xf32>
    %mul3A_3484 = arith.mulf %squeeze3A_3479, %mul3A_3483 : vector<256x3xf32>
    %add3A_3485 = arith.addf %add3A_3477, %mul3A_3484 : vector<256x3xf32>
    %slice3A_3486 = vector.extract_strided_slice %reshape3A_2681 {offsets = [8, 0, 0], sizes = [1, 256, 3], strides = [1, 1, 1]} : vector<12x256x3xf32> to vector<1x256x3xf32>
    %squeeze3A_3487 = vector.shape_cast %slice3A_3486 : vector<1x256x3xf32> to vector<256x3xf32>
    %get3A_3488 = arith.constant 8 : index
    %get3A_3489 = arith.constant 7 : index
    %get3A_3490 = memref.load %arg9[%get3A_3488, %get3A_3489] : memref<12x12xf32, #tpu.memory_space<smem>>
    %mul3A_3491 = vector.broadcast %get3A_3490 : f32 to vector<256x3xf32>
    %mul3A_3492 = arith.mulf %squeeze3A_3487, %mul3A_3491 : vector<256x3xf32>
    %add3A_3493 = arith.addf %add3A_3485, %mul3A_3492 : vector<256x3xf32>
    %slice3A_3494 = vector.extract_strided_slice %reshape3A_2681 {offsets = [9, 0, 0], sizes = [1, 256, 3], strides = [1, 1, 1]} : vector<12x256x3xf32> to vector<1x256x3xf32>
    %squeeze3A_3495 = vector.shape_cast %slice3A_3494 : vector<1x256x3xf32> to vector<256x3xf32>
    %get3A_3496 = arith.constant 9 : index
    %get3A_3497 = arith.constant 7 : index
    %get3A_3498 = memref.load %arg9[%get3A_3496, %get3A_3497] : memref<12x12xf32, #tpu.memory_space<smem>>
    %mul3A_3499 = vector.broadcast %get3A_3498 : f32 to vector<256x3xf32>
    %mul3A_3500 = arith.mulf %squeeze3A_3495, %mul3A_3499 : vector<256x3xf32>
    %add3A_3501 = arith.addf %add3A_3493, %mul3A_3500 : vector<256x3xf32>
    %slice3A_3502 = vector.extract_strided_slice %reshape3A_2681 {offsets = [10, 0, 0], sizes = [1, 256, 3], strides = [1, 1, 1]} : vector<12x256x3xf32> to vector<1x256x3xf32>
    %squeeze3A_3503 = vector.shape_cast %slice3A_3502 : vector<1x256x3xf32> to vector<256x3xf32>
    %get3A_3504 = arith.constant 10 : index
    %get3A_3505 = arith.constant 7 : index
    %get3A_3506 = memref.load %arg9[%get3A_3504, %get3A_3505] : memref<12x12xf32, #tpu.memory_space<smem>>
    %mul3A_3507 = vector.broadcast %get3A_3506 : f32 to vector<256x3xf32>
    %mul3A_3508 = arith.mulf %squeeze3A_3503, %mul3A_3507 : vector<256x3xf32>
    %add3A_3509 = arith.addf %add3A_3501, %mul3A_3508 : vector<256x3xf32>
    %slice3A_3510 = vector.extract_strided_slice %reshape3A_2681 {offsets = [11, 0, 0], sizes = [1, 256, 3], strides = [1, 1, 1]} : vector<12x256x3xf32> to vector<1x256x3xf32>
    %squeeze3A_3511 = vector.shape_cast %slice3A_3510 : vector<1x256x3xf32> to vector<256x3xf32>
    %get3A_3512 = arith.constant 11 : index
    %get3A_3513 = arith.constant 7 : index
    %get3A_3514 = memref.load %arg9[%get3A_3512, %get3A_3513] : memref<12x12xf32, #tpu.memory_space<smem>>
    %mul3A_3515 = vector.broadcast %get3A_3514 : f32 to vector<256x3xf32>
    %mul3A_3516 = arith.mulf %squeeze3A_3511, %mul3A_3515 : vector<256x3xf32>
    %add3A_3517 = arith.addf %add3A_3509, %mul3A_3516 : vector<256x3xf32>
    %get3A_3518 = arith.constant 7 : index
    %get3A_3519 = memref.load %arg10[%get3A_3518] : memref<12xf32, #tpu.memory_space<smem>>
    %add3A_3520 = vector.broadcast %get3A_3519 : f32 to vector<256x3xf32>
    %add3A_3521 = arith.addf %add3A_3517, %add3A_3520 : vector<256x3xf32>
    %swap3A_3522 = arith.constant 0 : index
    %swap3A_3523 = arith.constant 7 : index
    %swap3A_3524 = arith.constant 0 : index
    %swap3A_3525 = arith.constant 0 : index
    %swap3A_3526 = vector.load %arg11[%swap3A_3522, %swap3A_3523, %swap3A_3524, %swap3A_3525] : memref<1x12x256x3xf32, #tpu.memory_space<vmem>>, vector<1x1x256x3xf32>
    %swap3A_3527 = vector.shape_cast %swap3A_3526 : vector<1x1x256x3xf32> to vector<256x3xf32>
    %swap3A_3528 = vector.shape_cast %add3A_3521 : vector<256x3xf32> to vector<1x1x256x3xf32>
    tpu.vector_store %arg11[%swap3A_3522, %swap3A_3523, %swap3A_3524, %swap3A_3525], %swap3A_3528 {strides = array<i32>} : memref<1x12x256x3xf32, #tpu.memory_space<vmem>>, vector<1x1x256x3xf32>,
    %slice3A_3529 = vector.extract_strided_slice %reshape3A_2681 {offsets = [0, 0, 0], sizes = [1, 256, 3], strides = [1, 1, 1]} : vector<12x256x3xf32> to vector<1x256x3xf32>
    %squeeze3A_3530 = vector.shape_cast %slice3A_3529 : vector<1x256x3xf32> to vector<256x3xf32>
    %get3A_3531 = arith.constant 0 : index
    %get3A_3532 = arith.constant 8 : index
    %get3A_3533 = memref.load %arg9[%get3A_3531, %get3A_3532] : memref<12x12xf32, #tpu.memory_space<smem>>
    %mul3A_3534 = vector.broadcast %get3A_3533 : f32 to vector<256x3xf32>
    %mul3A_3535 = arith.mulf %squeeze3A_3530, %mul3A_3534 : vector<256x3xf32>
    %slice3A_3536 = vector.extract_strided_slice %reshape3A_2681 {offsets = [1, 0, 0], sizes = [1, 256, 3], strides = [1, 1, 1]} : vector<12x256x3xf32> to vector<1x256x3xf32>
    %squeeze3A_3537 = vector.shape_cast %slice3A_3536 : vector<1x256x3xf32> to vector<256x3xf32>
    %get3A_3538 = arith.constant 1 : index
    %get3A_3539 = arith.constant 8 : index
    %get3A_3540 = memref.load %arg9[%get3A_3538, %get3A_3539] : memref<12x12xf32, #tpu.memory_space<smem>>
    %mul3A_3541 = vector.broadcast %get3A_3540 : f32 to vector<256x3xf32>
    %mul3A_3542 = arith.mulf %squeeze3A_3537, %mul3A_3541 : vector<256x3xf32>
    %add3A_3543 = arith.addf %mul3A_3535, %mul3A_3542 : vector<256x3xf32>
    %slice3A_3544 = vector.extract_strided_slice %reshape3A_2681 {offsets = [2, 0, 0], sizes = [1, 256, 3], strides = [1, 1, 1]} : vector<12x256x3xf32> to vector<1x256x3xf32>
    %squeeze3A_3545 = vector.shape_cast %slice3A_3544 : vector<1x256x3xf32> to vector<256x3xf32>
    %get3A_3546 = arith.constant 2 : index
    %get3A_3547 = arith.constant 8 : index
    %get3A_3548 = memref.load %arg9[%get3A_3546, %get3A_3547] : memref<12x12xf32, #tpu.memory_space<smem>>
    %mul3A_3549 = vector.broadcast %get3A_3548 : f32 to vector<256x3xf32>
    %mul3A_3550 = arith.mulf %squeeze3A_3545, %mul3A_3549 : vector<256x3xf32>
    %add3A_3551 = arith.addf %add3A_3543, %mul3A_3550 : vector<256x3xf32>
    %slice3A_3552 = vector.extract_strided_slice %reshape3A_2681 {offsets = [3, 0, 0], sizes = [1, 256, 3], strides = [1, 1, 1]} : vector<12x256x3xf32> to vector<1x256x3xf32>
    %squeeze3A_3553 = vector.shape_cast %slice3A_3552 : vector<1x256x3xf32> to vector<256x3xf32>
    %get3A_3554 = arith.constant 3 : index
    %get3A_3555 = arith.constant 8 : index
    %get3A_3556 = memref.load %arg9[%get3A_3554, %get3A_3555] : memref<12x12xf32, #tpu.memory_space<smem>>
    %mul3A_3557 = vector.broadcast %get3A_3556 : f32 to vector<256x3xf32>
    %mul3A_3558 = arith.mulf %squeeze3A_3553, %mul3A_3557 : vector<256x3xf32>
    %add3A_3559 = arith.addf %add3A_3551, %mul3A_3558 : vector<256x3xf32>
    %slice3A_3560 = vector.extract_strided_slice %reshape3A_2681 {offsets = [4, 0, 0], sizes = [1, 256, 3], strides = [1, 1, 1]} : vector<12x256x3xf32> to vector<1x256x3xf32>
    %squeeze3A_3561 = vector.shape_cast %slice3A_3560 : vector<1x256x3xf32> to vector<256x3xf32>
    %get3A_3562 = arith.constant 4 : index
    %get3A_3563 = arith.constant 8 : index
    %get3A_3564 = memref.load %arg9[%get3A_3562, %get3A_3563] : memref<12x12xf32, #tpu.memory_space<smem>>
    %mul3A_3565 = vector.broadcast %get3A_3564 : f32 to vector<256x3xf32>
    %mul3A_3566 = arith.mulf %squeeze3A_3561, %mul3A_3565 : vector<256x3xf32>
    %add3A_3567 = arith.addf %add3A_3559, %mul3A_3566 : vector<256x3xf32>
    %slice3A_3568 = vector.extract_strided_slice %reshape3A_2681 {offsets = [5, 0, 0], sizes = [1, 256, 3], strides = [1, 1, 1]} : vector<12x256x3xf32> to vector<1x256x3xf32>
    %squeeze3A_3569 = vector.shape_cast %slice3A_3568 : vector<1x256x3xf32> to vector<256x3xf32>
    %get3A_3570 = arith.constant 5 : index
    %get3A_3571 = arith.constant 8 : index
    %get3A_3572 = memref.load %arg9[%get3A_3570, %get3A_3571] : memref<12x12xf32, #tpu.memory_space<smem>>
    %mul3A_3573 = vector.broadcast %get3A_3572 : f32 to vector<256x3xf32>
    %mul3A_3574 = arith.mulf %squeeze3A_3569, %mul3A_3573 : vector<256x3xf32>
    %add3A_3575 = arith.addf %add3A_3567, %mul3A_3574 : vector<256x3xf32>
    %slice3A_3576 = vector.extract_strided_slice %reshape3A_2681 {offsets = [6, 0, 0], sizes = [1, 256, 3], strides = [1, 1, 1]} : vector<12x256x3xf32> to vector<1x256x3xf32>
    %squeeze3A_3577 = vector.shape_cast %slice3A_3576 : vector<1x256x3xf32> to vector<256x3xf32>
    %get3A_3578 = arith.constant 6 : index
    %get3A_3579 = arith.constant 8 : index
    %get3A_3580 = memref.load %arg9[%get3A_3578, %get3A_3579] : memref<12x12xf32, #tpu.memory_space<smem>>
    %mul3A_3581 = vector.broadcast %get3A_3580 : f32 to vector<256x3xf32>
    %mul3A_3582 = arith.mulf %squeeze3A_3577, %mul3A_3581 : vector<256x3xf32>
    %add3A_3583 = arith.addf %add3A_3575, %mul3A_3582 : vector<256x3xf32>
    %slice3A_3584 = vector.extract_strided_slice %reshape3A_2681 {offsets = [7, 0, 0], sizes = [1, 256, 3], strides = [1, 1, 1]} : vector<12x256x3xf32> to vector<1x256x3xf32>
    %squeeze3A_3585 = vector.shape_cast %slice3A_3584 : vector<1x256x3xf32> to vector<256x3xf32>
    %get3A_3586 = arith.constant 7 : index
    %get3A_3587 = arith.constant 8 : index
    %get3A_3588 = memref.load %arg9[%get3A_3586, %get3A_3587] : memref<12x12xf32, #tpu.memory_space<smem>>
    %mul3A_3589 = vector.broadcast %get3A_3588 : f32 to vector<256x3xf32>
    %mul3A_3590 = arith.mulf %squeeze3A_3585, %mul3A_3589 : vector<256x3xf32>
    %add3A_3591 = arith.addf %add3A_3583, %mul3A_3590 : vector<256x3xf32>
    %slice3A_3592 = vector.extract_strided_slice %reshape3A_2681 {offsets = [8, 0, 0], sizes = [1, 256, 3], strides = [1, 1, 1]} : vector<12x256x3xf32> to vector<1x256x3xf32>
    %squeeze3A_3593 = vector.shape_cast %slice3A_3592 : vector<1x256x3xf32> to vector<256x3xf32>
    %get3A_3594 = arith.constant 8 : index
    %get3A_3595 = arith.constant 8 : index
    %get3A_3596 = memref.load %arg9[%get3A_3594, %get3A_3595] : memref<12x12xf32, #tpu.memory_space<smem>>
    %mul3A_3597 = vector.broadcast %get3A_3596 : f32 to vector<256x3xf32>
    %mul3A_3598 = arith.mulf %squeeze3A_3593, %mul3A_3597 : vector<256x3xf32>
    %add3A_3599 = arith.addf %add3A_3591, %mul3A_3598 : vector<256x3xf32>
    %slice3A_3600 = vector.extract_strided_slice %reshape3A_2681 {offsets = [9, 0, 0], sizes = [1, 256, 3], strides = [1, 1, 1]} : vector<12x256x3xf32> to vector<1x256x3xf32>
    %squeeze3A_3601 = vector.shape_cast %slice3A_3600 : vector<1x256x3xf32> to vector<256x3xf32>
    %get3A_3602 = arith.constant 9 : index
    %get3A_3603 = arith.constant 8 : index
    %get3A_3604 = memref.load %arg9[%get3A_3602, %get3A_3603] : memref<12x12xf32, #tpu.memory_space<smem>>
    %mul3A_3605 = vector.broadcast %get3A_3604 : f32 to vector<256x3xf32>
    %mul3A_3606 = arith.mulf %squeeze3A_3601, %mul3A_3605 : vector<256x3xf32>
    %add3A_3607 = arith.addf %add3A_3599, %mul3A_3606 : vector<256x3xf32>
    %slice3A_3608 = vector.extract_strided_slice %reshape3A_2681 {offsets = [10, 0, 0], sizes = [1, 256, 3], strides = [1, 1, 1]} : vector<12x256x3xf32> to vector<1x256x3xf32>
    %squeeze3A_3609 = vector.shape_cast %slice3A_3608 : vector<1x256x3xf32> to vector<256x3xf32>
    %get3A_3610 = arith.constant 10 : index
    %get3A_3611 = arith.constant 8 : index
    %get3A_3612 = memref.load %arg9[%get3A_3610, %get3A_3611] : memref<12x12xf32, #tpu.memory_space<smem>>
    %mul3A_3613 = vector.broadcast %get3A_3612 : f32 to vector<256x3xf32>
    %mul3A_3614 = arith.mulf %squeeze3A_3609, %mul3A_3613 : vector<256x3xf32>
    %add3A_3615 = arith.addf %add3A_3607, %mul3A_3614 : vector<256x3xf32>
    %slice3A_3616 = vector.extract_strided_slice %reshape3A_2681 {offsets = [11, 0, 0], sizes = [1, 256, 3], strides = [1, 1, 1]} : vector<12x256x3xf32> to vector<1x256x3xf32>
    %squeeze3A_3617 = vector.shape_cast %slice3A_3616 : vector<1x256x3xf32> to vector<256x3xf32>
    %get3A_3618 = arith.constant 11 : index
    %get3A_3619 = arith.constant 8 : index
    %get3A_3620 = memref.load %arg9[%get3A_3618, %get3A_3619] : memref<12x12xf32, #tpu.memory_space<smem>>
    %mul3A_3621 = vector.broadcast %get3A_3620 : f32 to vector<256x3xf32>
    %mul3A_3622 = arith.mulf %squeeze3A_3617, %mul3A_3621 : vector<256x3xf32>
    %add3A_3623 = arith.addf %add3A_3615, %mul3A_3622 : vector<256x3xf32>
    %get3A_3624 = arith.constant 8 : index
    %get3A_3625 = memref.load %arg10[%get3A_3624] : memref<12xf32, #tpu.memory_space<smem>>
    %add3A_3626 = vector.broadcast %get3A_3625 : f32 to vector<256x3xf32>
    %add3A_3627 = arith.addf %add3A_3623, %add3A_3626 : vector<256x3xf32>
    %swap3A_3628 = arith.constant 0 : index
    %swap3A_3629 = arith.constant 8 : index
    %swap3A_3630 = arith.constant 0 : index
    %swap3A_3631 = arith.constant 0 : index
    %swap3A_3632 = vector.load %arg11[%swap3A_3628, %swap3A_3629, %swap3A_3630, %swap3A_3631] : memref<1x12x256x3xf32, #tpu.memory_space<vmem>>, vector<1x1x256x3xf32>
    %swap3A_3633 = vector.shape_cast %swap3A_3632 : vector<1x1x256x3xf32> to vector<256x3xf32>
    %swap3A_3634 = vector.shape_cast %add3A_3627 : vector<256x3xf32> to vector<1x1x256x3xf32>
    tpu.vector_store %arg11[%swap3A_3628, %swap3A_3629, %swap3A_3630, %swap3A_3631], %swap3A_3634 {strides = array<i32>} : memref<1x12x256x3xf32, #tpu.memory_space<vmem>>, vector<1x1x256x3xf32>,
    %slice3A_3635 = vector.extract_strided_slice %reshape3A_2681 {offsets = [0, 0, 0], sizes = [1, 256, 3], strides = [1, 1, 1]} : vector<12x256x3xf32> to vector<1x256x3xf32>
    %squeeze3A_3636 = vector.shape_cast %slice3A_3635 : vector<1x256x3xf32> to vector<256x3xf32>
    %get3A_3637 = arith.constant 0 : index
    %get3A_3638 = arith.constant 9 : index
    %get3A_3639 = memref.load %arg9[%get3A_3637, %get3A_3638] : memref<12x12xf32, #tpu.memory_space<smem>>
    %mul3A_3640 = vector.broadcast %get3A_3639 : f32 to vector<256x3xf32>
    %mul3A_3641 = arith.mulf %squeeze3A_3636, %mul3A_3640 : vector<256x3xf32>
    %slice3A_3642 = vector.extract_strided_slice %reshape3A_2681 {offsets = [1, 0, 0], sizes = [1, 256, 3], strides = [1, 1, 1]} : vector<12x256x3xf32> to vector<1x256x3xf32>
    %squeeze3A_3643 = vector.shape_cast %slice3A_3642 : vector<1x256x3xf32> to vector<256x3xf32>
    %get3A_3644 = arith.constant 1 : index
    %get3A_3645 = arith.constant 9 : index
    %get3A_3646 = memref.load %arg9[%get3A_3644, %get3A_3645] : memref<12x12xf32, #tpu.memory_space<smem>>
    %mul3A_3647 = vector.broadcast %get3A_3646 : f32 to vector<256x3xf32>
    %mul3A_3648 = arith.mulf %squeeze3A_3643, %mul3A_3647 : vector<256x3xf32>
    %add3A_3649 = arith.addf %mul3A_3641, %mul3A_3648 : vector<256x3xf32>
    %slice3A_3650 = vector.extract_strided_slice %reshape3A_2681 {offsets = [2, 0, 0], sizes = [1, 256, 3], strides = [1, 1, 1]} : vector<12x256x3xf32> to vector<1x256x3xf32>
    %squeeze3A_3651 = vector.shape_cast %slice3A_3650 : vector<1x256x3xf32> to vector<256x3xf32>
    %get3A_3652 = arith.constant 2 : index
    %get3A_3653 = arith.constant 9 : index
    %get3A_3654 = memref.load %arg9[%get3A_3652, %get3A_3653] : memref<12x12xf32, #tpu.memory_space<smem>>
    %mul3A_3655 = vector.broadcast %get3A_3654 : f32 to vector<256x3xf32>
    %mul3A_3656 = arith.mulf %squeeze3A_3651, %mul3A_3655 : vector<256x3xf32>
    %add3A_3657 = arith.addf %add3A_3649, %mul3A_3656 : vector<256x3xf32>
    %slice3A_3658 = vector.extract_strided_slice %reshape3A_2681 {offsets = [3, 0, 0], sizes = [1, 256, 3], strides = [1, 1, 1]} : vector<12x256x3xf32> to vector<1x256x3xf32>
    %squeeze3A_3659 = vector.shape_cast %slice3A_3658 : vector<1x256x3xf32> to vector<256x3xf32>
    %get3A_3660 = arith.constant 3 : index
    %get3A_3661 = arith.constant 9 : index
    %get3A_3662 = memref.load %arg9[%get3A_3660, %get3A_3661] : memref<12x12xf32, #tpu.memory_space<smem>>
    %mul3A_3663 = vector.broadcast %get3A_3662 : f32 to vector<256x3xf32>
    %mul3A_3664 = arith.mulf %squeeze3A_3659, %mul3A_3663 : vector<256x3xf32>
    %add3A_3665 = arith.addf %add3A_3657, %mul3A_3664 : vector<256x3xf32>
    %slice3A_3666 = vector.extract_strided_slice %reshape3A_2681 {offsets = [4, 0, 0], sizes = [1, 256, 3], strides = [1, 1, 1]} : vector<12x256x3xf32> to vector<1x256x3xf32>
    %squeeze3A_3667 = vector.shape_cast %slice3A_3666 : vector<1x256x3xf32> to vector<256x3xf32>
    %get3A_3668 = arith.constant 4 : index
    %get3A_3669 = arith.constant 9 : index
    %get3A_3670 = memref.load %arg9[%get3A_3668, %get3A_3669] : memref<12x12xf32, #tpu.memory_space<smem>>
    %mul3A_3671 = vector.broadcast %get3A_3670 : f32 to vector<256x3xf32>
    %mul3A_3672 = arith.mulf %squeeze3A_3667, %mul3A_3671 : vector<256x3xf32>
    %add3A_3673 = arith.addf %add3A_3665, %mul3A_3672 : vector<256x3xf32>
    %slice3A_3674 = vector.extract_strided_slice %reshape3A_2681 {offsets = [5, 0, 0], sizes = [1, 256, 3], strides = [1, 1, 1]} : vector<12x256x3xf32> to vector<1x256x3xf32>
    %squeeze3A_3675 = vector.shape_cast %slice3A_3674 : vector<1x256x3xf32> to vector<256x3xf32>
    %get3A_3676 = arith.constant 5 : index
    %get3A_3677 = arith.constant 9 : index
    %get3A_3678 = memref.load %arg9[%get3A_3676, %get3A_3677] : memref<12x12xf32, #tpu.memory_space<smem>>
    %mul3A_3679 = vector.broadcast %get3A_3678 : f32 to vector<256x3xf32>
    %mul3A_3680 = arith.mulf %squeeze3A_3675, %mul3A_3679 : vector<256x3xf32>
    %add3A_3681 = arith.addf %add3A_3673, %mul3A_3680 : vector<256x3xf32>
    %slice3A_3682 = vector.extract_strided_slice %reshape3A_2681 {offsets = [6, 0, 0], sizes = [1, 256, 3], strides = [1, 1, 1]} : vector<12x256x3xf32> to vector<1x256x3xf32>
    %squeeze3A_3683 = vector.shape_cast %slice3A_3682 : vector<1x256x3xf32> to vector<256x3xf32>
    %get3A_3684 = arith.constant 6 : index
    %get3A_3685 = arith.constant 9 : index
    %get3A_3686 = memref.load %arg9[%get3A_3684, %get3A_3685] : memref<12x12xf32, #tpu.memory_space<smem>>
    %mul3A_3687 = vector.broadcast %get3A_3686 : f32 to vector<256x3xf32>
    %mul3A_3688 = arith.mulf %squeeze3A_3683, %mul3A_3687 : vector<256x3xf32>
    %add3A_3689 = arith.addf %add3A_3681, %mul3A_3688 : vector<256x3xf32>
    %slice3A_3690 = vector.extract_strided_slice %reshape3A_2681 {offsets = [7, 0, 0], sizes = [1, 256, 3], strides = [1, 1, 1]} : vector<12x256x3xf32> to vector<1x256x3xf32>
    %squeeze3A_3691 = vector.shape_cast %slice3A_3690 : vector<1x256x3xf32> to vector<256x3xf32>
    %get3A_3692 = arith.constant 7 : index
    %get3A_3693 = arith.constant 9 : index
    %get3A_3694 = memref.load %arg9[%get3A_3692, %get3A_3693] : memref<12x12xf32, #tpu.memory_space<smem>>
    %mul3A_3695 = vector.broadcast %get3A_3694 : f32 to vector<256x3xf32>
    %mul3A_3696 = arith.mulf %squeeze3A_3691, %mul3A_3695 : vector<256x3xf32>
    %add3A_3697 = arith.addf %add3A_3689, %mul3A_3696 : vector<256x3xf32>
    %slice3A_3698 = vector.extract_strided_slice %reshape3A_2681 {offsets = [8, 0, 0], sizes = [1, 256, 3], strides = [1, 1, 1]} : vector<12x256x3xf32> to vector<1x256x3xf32>
    %squeeze3A_3699 = vector.shape_cast %slice3A_3698 : vector<1x256x3xf32> to vector<256x3xf32>
    %get3A_3700 = arith.constant 8 : index
    %get3A_3701 = arith.constant 9 : index
    %get3A_3702 = memref.load %arg9[%get3A_3700, %get3A_3701] : memref<12x12xf32, #tpu.memory_space<smem>>
    %mul3A_3703 = vector.broadcast %get3A_3702 : f32 to vector<256x3xf32>
    %mul3A_3704 = arith.mulf %squeeze3A_3699, %mul3A_3703 : vector<256x3xf32>
    %add3A_3705 = arith.addf %add3A_3697, %mul3A_3704 : vector<256x3xf32>
    %slice3A_3706 = vector.extract_strided_slice %reshape3A_2681 {offsets = [9, 0, 0], sizes = [1, 256, 3], strides = [1, 1, 1]} : vector<12x256x3xf32> to vector<1x256x3xf32>
    %squeeze3A_3707 = vector.shape_cast %slice3A_3706 : vector<1x256x3xf32> to vector<256x3xf32>
    %get3A_3708 = arith.constant 9 : index
    %get3A_3709 = arith.constant 9 : index
    %get3A_3710 = memref.load %arg9[%get3A_3708, %get3A_3709] : memref<12x12xf32, #tpu.memory_space<smem>>
    %mul3A_3711 = vector.broadcast %get3A_3710 : f32 to vector<256x3xf32>
    %mul3A_3712 = arith.mulf %squeeze3A_3707, %mul3A_3711 : vector<256x3xf32>
    %add3A_3713 = arith.addf %add3A_3705, %mul3A_3712 : vector<256x3xf32>
    %slice3A_3714 = vector.extract_strided_slice %reshape3A_2681 {offsets = [10, 0, 0], sizes = [1, 256, 3], strides = [1, 1, 1]} : vector<12x256x3xf32> to vector<1x256x3xf32>
    %squeeze3A_3715 = vector.shape_cast %slice3A_3714 : vector<1x256x3xf32> to vector<256x3xf32>
    %get3A_3716 = arith.constant 10 : index
    %get3A_3717 = arith.constant 9 : index
    %get3A_3718 = memref.load %arg9[%get3A_3716, %get3A_3717] : memref<12x12xf32, #tpu.memory_space<smem>>
    %mul3A_3719 = vector.broadcast %get3A_3718 : f32 to vector<256x3xf32>
    %mul3A_3720 = arith.mulf %squeeze3A_3715, %mul3A_3719 : vector<256x3xf32>
    %add3A_3721 = arith.addf %add3A_3713, %mul3A_3720 : vector<256x3xf32>
    %slice3A_3722 = vector.extract_strided_slice %reshape3A_2681 {offsets = [11, 0, 0], sizes = [1, 256, 3], strides = [1, 1, 1]} : vector<12x256x3xf32> to vector<1x256x3xf32>
    %squeeze3A_3723 = vector.shape_cast %slice3A_3722 : vector<1x256x3xf32> to vector<256x3xf32>
    %get3A_3724 = arith.constant 11 : index
    %get3A_3725 = arith.constant 9 : index
    %get3A_3726 = memref.load %arg9[%get3A_3724, %get3A_3725] : memref<12x12xf32, #tpu.memory_space<smem>>
    %mul3A_3727 = vector.broadcast %get3A_3726 : f32 to vector<256x3xf32>
    %mul3A_3728 = arith.mulf %squeeze3A_3723, %mul3A_3727 : vector<256x3xf32>
    %add3A_3729 = arith.addf %add3A_3721, %mul3A_3728 : vector<256x3xf32>
    %get3A_3730 = arith.constant 9 : index
    %get3A_3731 = memref.load %arg10[%get3A_3730] : memref<12xf32, #tpu.memory_space<smem>>
    %add3A_3732 = vector.broadcast %get3A_3731 : f32 to vector<256x3xf32>
    %add3A_3733 = arith.addf %add3A_3729, %add3A_3732 : vector<256x3xf32>
    %swap3A_3734 = arith.constant 0 : index
    %swap3A_3735 = arith.constant 9 : index
    %swap3A_3736 = arith.constant 0 : index
    %swap3A_3737 = arith.constant 0 : index
    %swap3A_3738 = vector.load %arg11[%swap3A_3734, %swap3A_3735, %swap3A_3736, %swap3A_3737] : memref<1x12x256x3xf32, #tpu.memory_space<vmem>>, vector<1x1x256x3xf32>
    %swap3A_3739 = vector.shape_cast %swap3A_3738 : vector<1x1x256x3xf32> to vector<256x3xf32>
    %swap3A_3740 = vector.shape_cast %add3A_3733 : vector<256x3xf32> to vector<1x1x256x3xf32>
    tpu.vector_store %arg11[%swap3A_3734, %swap3A_3735, %swap3A_3736, %swap3A_3737], %swap3A_3740 {strides = array<i32>} : memref<1x12x256x3xf32, #tpu.memory_space<vmem>>, vector<1x1x256x3xf32>,
    %slice3A_3741 = vector.extract_strided_slice %reshape3A_2681 {offsets = [0, 0, 0], sizes = [1, 256, 3], strides = [1, 1, 1]} : vector<12x256x3xf32> to vector<1x256x3xf32>
    %squeeze3A_3742 = vector.shape_cast %slice3A_3741 : vector<1x256x3xf32> to vector<256x3xf32>
    %get3A_3743 = arith.constant 0 : index
    %get3A_3744 = arith.constant 10 : index
    %get3A_3745 = memref.load %arg9[%get3A_3743, %get3A_3744] : memref<12x12xf32, #tpu.memory_space<smem>>
    %mul3A_3746 = vector.broadcast %get3A_3745 : f32 to vector<256x3xf32>
    %mul3A_3747 = arith.mulf %squeeze3A_3742, %mul3A_3746 : vector<256x3xf32>
    %slice3A_3748 = vector.extract_strided_slice %reshape3A_2681 {offsets = [1, 0, 0], sizes = [1, 256, 3], strides = [1, 1, 1]} : vector<12x256x3xf32> to vector<1x256x3xf32>
    %squeeze3A_3749 = vector.shape_cast %slice3A_3748 : vector<1x256x3xf32> to vector<256x3xf32>
    %get3A_3750 = arith.constant 1 : index
    %get3A_3751 = arith.constant 10 : index
    %get3A_3752 = memref.load %arg9[%get3A_3750, %get3A_3751] : memref<12x12xf32, #tpu.memory_space<smem>>
    %mul3A_3753 = vector.broadcast %get3A_3752 : f32 to vector<256x3xf32>
    %mul3A_3754 = arith.mulf %squeeze3A_3749, %mul3A_3753 : vector<256x3xf32>
    %add3A_3755 = arith.addf %mul3A_3747, %mul3A_3754 : vector<256x3xf32>
    %slice3A_3756 = vector.extract_strided_slice %reshape3A_2681 {offsets = [2, 0, 0], sizes = [1, 256, 3], strides = [1, 1, 1]} : vector<12x256x3xf32> to vector<1x256x3xf32>
    %squeeze3A_3757 = vector.shape_cast %slice3A_3756 : vector<1x256x3xf32> to vector<256x3xf32>
    %get3A_3758 = arith.constant 2 : index
    %get3A_3759 = arith.constant 10 : index
    %get3A_3760 = memref.load %arg9[%get3A_3758, %get3A_3759] : memref<12x12xf32, #tpu.memory_space<smem>>
    %mul3A_3761 = vector.broadcast %get3A_3760 : f32 to vector<256x3xf32>
    %mul3A_3762 = arith.mulf %squeeze3A_3757, %mul3A_3761 : vector<256x3xf32>
    %add3A_3763 = arith.addf %add3A_3755, %mul3A_3762 : vector<256x3xf32>
    %slice3A_3764 = vector.extract_strided_slice %reshape3A_2681 {offsets = [3, 0, 0], sizes = [1, 256, 3], strides = [1, 1, 1]} : vector<12x256x3xf32> to vector<1x256x3xf32>
    %squeeze3A_3765 = vector.shape_cast %slice3A_3764 : vector<1x256x3xf32> to vector<256x3xf32>
    %get3A_3766 = arith.constant 3 : index
    %get3A_3767 = arith.constant 10 : index
    %get3A_3768 = memref.load %arg9[%get3A_3766, %get3A_3767] : memref<12x12xf32, #tpu.memory_space<smem>>
    %mul3A_3769 = vector.broadcast %get3A_3768 : f32 to vector<256x3xf32>
    %mul3A_3770 = arith.mulf %squeeze3A_3765, %mul3A_3769 : vector<256x3xf32>
    %add3A_3771 = arith.addf %add3A_3763, %mul3A_3770 : vector<256x3xf32>
    %slice3A_3772 = vector.extract_strided_slice %reshape3A_2681 {offsets = [4, 0, 0], sizes = [1, 256, 3], strides = [1, 1, 1]} : vector<12x256x3xf32> to vector<1x256x3xf32>
    %squeeze3A_3773 = vector.shape_cast %slice3A_3772 : vector<1x256x3xf32> to vector<256x3xf32>
    %get3A_3774 = arith.constant 4 : index
    %get3A_3775 = arith.constant 10 : index
    %get3A_3776 = memref.load %arg9[%get3A_3774, %get3A_3775] : memref<12x12xf32, #tpu.memory_space<smem>>
    %mul3A_3777 = vector.broadcast %get3A_3776 : f32 to vector<256x3xf32>
    %mul3A_3778 = arith.mulf %squeeze3A_3773, %mul3A_3777 : vector<256x3xf32>
    %add3A_3779 = arith.addf %add3A_3771, %mul3A_3778 : vector<256x3xf32>
    %slice3A_3780 = vector.extract_strided_slice %reshape3A_2681 {offsets = [5, 0, 0], sizes = [1, 256, 3], strides = [1, 1, 1]} : vector<12x256x3xf32> to vector<1x256x3xf32>
    %squeeze3A_3781 = vector.shape_cast %slice3A_3780 : vector<1x256x3xf32> to vector<256x3xf32>
    %get3A_3782 = arith.constant 5 : index
    %get3A_3783 = arith.constant 10 : index
    %get3A_3784 = memref.load %arg9[%get3A_3782, %get3A_3783] : memref<12x12xf32, #tpu.memory_space<smem>>
    %mul3A_3785 = vector.broadcast %get3A_3784 : f32 to vector<256x3xf32>
    %mul3A_3786 = arith.mulf %squeeze3A_3781, %mul3A_3785 : vector<256x3xf32>
    %add3A_3787 = arith.addf %add3A_3779, %mul3A_3786 : vector<256x3xf32>
    %slice3A_3788 = vector.extract_strided_slice %reshape3A_2681 {offsets = [6, 0, 0], sizes = [1, 256, 3], strides = [1, 1, 1]} : vector<12x256x3xf32> to vector<1x256x3xf32>
    %squeeze3A_3789 = vector.shape_cast %slice3A_3788 : vector<1x256x3xf32> to vector<256x3xf32>
    %get3A_3790 = arith.constant 6 : index
    %get3A_3791 = arith.constant 10 : index
    %get3A_3792 = memref.load %arg9[%get3A_3790, %get3A_3791] : memref<12x12xf32, #tpu.memory_space<smem>>
    %mul3A_3793 = vector.broadcast %get3A_3792 : f32 to vector<256x3xf32>
    %mul3A_3794 = arith.mulf %squeeze3A_3789, %mul3A_3793 : vector<256x3xf32>
    %add3A_3795 = arith.addf %add3A_3787, %mul3A_3794 : vector<256x3xf32>
    %slice3A_3796 = vector.extract_strided_slice %reshape3A_2681 {offsets = [7, 0, 0], sizes = [1, 256, 3], strides = [1, 1, 1]} : vector<12x256x3xf32> to vector<1x256x3xf32>
    %squeeze3A_3797 = vector.shape_cast %slice3A_3796 : vector<1x256x3xf32> to vector<256x3xf32>
    %get3A_3798 = arith.constant 7 : index
    %get3A_3799 = arith.constant 10 : index
    %get3A_3800 = memref.load %arg9[%get3A_3798, %get3A_3799] : memref<12x12xf32, #tpu.memory_space<smem>>
    %mul3A_3801 = vector.broadcast %get3A_3800 : f32 to vector<256x3xf32>
    %mul3A_3802 = arith.mulf %squeeze3A_3797, %mul3A_3801 : vector<256x3xf32>
    %add3A_3803 = arith.addf %add3A_3795, %mul3A_3802 : vector<256x3xf32>
    %slice3A_3804 = vector.extract_strided_slice %reshape3A_2681 {offsets = [8, 0, 0], sizes = [1, 256, 3], strides = [1, 1, 1]} : vector<12x256x3xf32> to vector<1x256x3xf32>
    %squeeze3A_3805 = vector.shape_cast %slice3A_3804 : vector<1x256x3xf32> to vector<256x3xf32>
    %get3A_3806 = arith.constant 8 : index
    %get3A_3807 = arith.constant 10 : index
    %get3A_3808 = memref.load %arg9[%get3A_3806, %get3A_3807] : memref<12x12xf32, #tpu.memory_space<smem>>
    %mul3A_3809 = vector.broadcast %get3A_3808 : f32 to vector<256x3xf32>
    %mul3A_3810 = arith.mulf %squeeze3A_3805, %mul3A_3809 : vector<256x3xf32>
    %add3A_3811 = arith.addf %add3A_3803, %mul3A_3810 : vector<256x3xf32>
    %slice3A_3812 = vector.extract_strided_slice %reshape3A_2681 {offsets = [9, 0, 0], sizes = [1, 256, 3], strides = [1, 1, 1]} : vector<12x256x3xf32> to vector<1x256x3xf32>
    %squeeze3A_3813 = vector.shape_cast %slice3A_3812 : vector<1x256x3xf32> to vector<256x3xf32>
    %get3A_3814 = arith.constant 9 : index
    %get3A_3815 = arith.constant 10 : index
    %get3A_3816 = memref.load %arg9[%get3A_3814, %get3A_3815] : memref<12x12xf32, #tpu.memory_space<smem>>
    %mul3A_3817 = vector.broadcast %get3A_3816 : f32 to vector<256x3xf32>
    %mul3A_3818 = arith.mulf %squeeze3A_3813, %mul3A_3817 : vector<256x3xf32>
    %add3A_3819 = arith.addf %add3A_3811, %mul3A_3818 : vector<256x3xf32>
    %slice3A_3820 = vector.extract_strided_slice %reshape3A_2681 {offsets = [10, 0, 0], sizes = [1, 256, 3], strides = [1, 1, 1]} : vector<12x256x3xf32> to vector<1x256x3xf32>
    %squeeze3A_3821 = vector.shape_cast %slice3A_3820 : vector<1x256x3xf32> to vector<256x3xf32>
    %get3A_3822 = arith.constant 10 : index
    %get3A_3823 = arith.constant 10 : index
    %get3A_3824 = memref.load %arg9[%get3A_3822, %get3A_3823] : memref<12x12xf32, #tpu.memory_space<smem>>
    %mul3A_3825 = vector.broadcast %get3A_3824 : f32 to vector<256x3xf32>
    %mul3A_3826 = arith.mulf %squeeze3A_3821, %mul3A_3825 : vector<256x3xf32>
    %add3A_3827 = arith.addf %add3A_3819, %mul3A_3826 : vector<256x3xf32>
    %slice3A_3828 = vector.extract_strided_slice %reshape3A_2681 {offsets = [11, 0, 0], sizes = [1, 256, 3], strides = [1, 1, 1]} : vector<12x256x3xf32> to vector<1x256x3xf32>
    %squeeze3A_3829 = vector.shape_cast %slice3A_3828 : vector<1x256x3xf32> to vector<256x3xf32>
    %get3A_3830 = arith.constant 11 : index
    %get3A_3831 = arith.constant 10 : index
    %get3A_3832 = memref.load %arg9[%get3A_3830, %get3A_3831] : memref<12x12xf32, #tpu.memory_space<smem>>
    %mul3A_3833 = vector.broadcast %get3A_3832 : f32 to vector<256x3xf32>
    %mul3A_3834 = arith.mulf %squeeze3A_3829, %mul3A_3833 : vector<256x3xf32>
    %add3A_3835 = arith.addf %add3A_3827, %mul3A_3834 : vector<256x3xf32>
    %get3A_3836 = arith.constant 10 : index
    %get3A_3837 = memref.load %arg10[%get3A_3836] : memref<12xf32, #tpu.memory_space<smem>>
    %add3A_3838 = vector.broadcast %get3A_3837 : f32 to vector<256x3xf32>
    %add3A_3839 = arith.addf %add3A_3835, %add3A_3838 : vector<256x3xf32>
    %swap3A_3840 = arith.constant 0 : index
    %swap3A_3841 = arith.constant 10 : index
    %swap3A_3842 = arith.constant 0 : index
    %swap3A_3843 = arith.constant 0 : index
    %swap3A_3844 = vector.load %arg11[%swap3A_3840, %swap3A_3841, %swap3A_3842, %swap3A_3843] : memref<1x12x256x3xf32, #tpu.memory_space<vmem>>, vector<1x1x256x3xf32>
    %swap3A_3845 = vector.shape_cast %swap3A_3844 : vector<1x1x256x3xf32> to vector<256x3xf32>
    %swap3A_3846 = vector.shape_cast %add3A_3839 : vector<256x3xf32> to vector<1x1x256x3xf32>
    tpu.vector_store %arg11[%swap3A_3840, %swap3A_3841, %swap3A_3842, %swap3A_3843], %swap3A_3846 {strides = array<i32>} : memref<1x12x256x3xf32, #tpu.memory_space<vmem>>, vector<1x1x256x3xf32>,
    %slice3A_3847 = vector.extract_strided_slice %reshape3A_2681 {offsets = [0, 0, 0], sizes = [1, 256, 3], strides = [1, 1, 1]} : vector<12x256x3xf32> to vector<1x256x3xf32>
    %squeeze3A_3848 = vector.shape_cast %slice3A_3847 : vector<1x256x3xf32> to vector<256x3xf32>
    %get3A_3849 = arith.constant 0 : index
    %get3A_3850 = arith.constant 11 : index
    %get3A_3851 = memref.load %arg9[%get3A_3849, %get3A_3850] : memref<12x12xf32, #tpu.memory_space<smem>>
    %mul3A_3852 = vector.broadcast %get3A_3851 : f32 to vector<256x3xf32>
    %mul3A_3853 = arith.mulf %squeeze3A_3848, %mul3A_3852 : vector<256x3xf32>
    %slice3A_3854 = vector.extract_strided_slice %reshape3A_2681 {offsets = [1, 0, 0], sizes = [1, 256, 3], strides = [1, 1, 1]} : vector<12x256x3xf32> to vector<1x256x3xf32>
    %squeeze3A_3855 = vector.shape_cast %slice3A_3854 : vector<1x256x3xf32> to vector<256x3xf32>
    %get3A_3856 = arith.constant 1 : index
    %get3A_3857 = arith.constant 11 : index
    %get3A_3858 = memref.load %arg9[%get3A_3856, %get3A_3857] : memref<12x12xf32, #tpu.memory_space<smem>>
    %mul3A_3859 = vector.broadcast %get3A_3858 : f32 to vector<256x3xf32>
    %mul3A_3860 = arith.mulf %squeeze3A_3855, %mul3A_3859 : vector<256x3xf32>
    %add3A_3861 = arith.addf %mul3A_3853, %mul3A_3860 : vector<256x3xf32>
    %slice3A_3862 = vector.extract_strided_slice %reshape3A_2681 {offsets = [2, 0, 0], sizes = [1, 256, 3], strides = [1, 1, 1]} : vector<12x256x3xf32> to vector<1x256x3xf32>
    %squeeze3A_3863 = vector.shape_cast %slice3A_3862 : vector<1x256x3xf32> to vector<256x3xf32>
    %get3A_3864 = arith.constant 2 : index
    %get3A_3865 = arith.constant 11 : index
    %get3A_3866 = memref.load %arg9[%get3A_3864, %get3A_3865] : memref<12x12xf32, #tpu.memory_space<smem>>
    %mul3A_3867 = vector.broadcast %get3A_3866 : f32 to vector<256x3xf32>
    %mul3A_3868 = arith.mulf %squeeze3A_3863, %mul3A_3867 : vector<256x3xf32>
    %add3A_3869 = arith.addf %add3A_3861, %mul3A_3868 : vector<256x3xf32>
    %slice3A_3870 = vector.extract_strided_slice %reshape3A_2681 {offsets = [3, 0, 0], sizes = [1, 256, 3], strides = [1, 1, 1]} : vector<12x256x3xf32> to vector<1x256x3xf32>
    %squeeze3A_3871 = vector.shape_cast %slice3A_3870 : vector<1x256x3xf32> to vector<256x3xf32>
    %get3A_3872 = arith.constant 3 : index
    %get3A_3873 = arith.constant 11 : index
    %get3A_3874 = memref.load %arg9[%get3A_3872, %get3A_3873] : memref<12x12xf32, #tpu.memory_space<smem>>
    %mul3A_3875 = vector.broadcast %get3A_3874 : f32 to vector<256x3xf32>
    %mul3A_3876 = arith.mulf %squeeze3A_3871, %mul3A_3875 : vector<256x3xf32>
    %add3A_3877 = arith.addf %add3A_3869, %mul3A_3876 : vector<256x3xf32>
    %slice3A_3878 = vector.extract_strided_slice %reshape3A_2681 {offsets = [4, 0, 0], sizes = [1, 256, 3], strides = [1, 1, 1]} : vector<12x256x3xf32> to vector<1x256x3xf32>
    %squeeze3A_3879 = vector.shape_cast %slice3A_3878 : vector<1x256x3xf32> to vector<256x3xf32>
    %get3A_3880 = arith.constant 4 : index
    %get3A_3881 = arith.constant 11 : index
    %get3A_3882 = memref.load %arg9[%get3A_3880, %get3A_3881] : memref<12x12xf32, #tpu.memory_space<smem>>
    %mul3A_3883 = vector.broadcast %get3A_3882 : f32 to vector<256x3xf32>
    %mul3A_3884 = arith.mulf %squeeze3A_3879, %mul3A_3883 : vector<256x3xf32>
    %add3A_3885 = arith.addf %add3A_3877, %mul3A_3884 : vector<256x3xf32>
    %slice3A_3886 = vector.extract_strided_slice %reshape3A_2681 {offsets = [5, 0, 0], sizes = [1, 256, 3], strides = [1, 1, 1]} : vector<12x256x3xf32> to vector<1x256x3xf32>
    %squeeze3A_3887 = vector.shape_cast %slice3A_3886 : vector<1x256x3xf32> to vector<256x3xf32>
    %get3A_3888 = arith.constant 5 : index
    %get3A_3889 = arith.constant 11 : index
    %get3A_3890 = memref.load %arg9[%get3A_3888, %get3A_3889] : memref<12x12xf32, #tpu.memory_space<smem>>
    %mul3A_3891 = vector.broadcast %get3A_3890 : f32 to vector<256x3xf32>
    %mul3A_3892 = arith.mulf %squeeze3A_3887, %mul3A_3891 : vector<256x3xf32>
    %add3A_3893 = arith.addf %add3A_3885, %mul3A_3892 : vector<256x3xf32>
    %slice3A_3894 = vector.extract_strided_slice %reshape3A_2681 {offsets = [6, 0, 0], sizes = [1, 256, 3], strides = [1, 1, 1]} : vector<12x256x3xf32> to vector<1x256x3xf32>
    %squeeze3A_3895 = vector.shape_cast %slice3A_3894 : vector<1x256x3xf32> to vector<256x3xf32>
    %get3A_3896 = arith.constant 6 : index
    %get3A_3897 = arith.constant 11 : index
    %get3A_3898 = memref.load %arg9[%get3A_3896, %get3A_3897] : memref<12x12xf32, #tpu.memory_space<smem>>
    %mul3A_3899 = vector.broadcast %get3A_3898 : f32 to vector<256x3xf32>
    %mul3A_3900 = arith.mulf %squeeze3A_3895, %mul3A_3899 : vector<256x3xf32>
    %add3A_3901 = arith.addf %add3A_3893, %mul3A_3900 : vector<256x3xf32>
    %slice3A_3902 = vector.extract_strided_slice %reshape3A_2681 {offsets = [7, 0, 0], sizes = [1, 256, 3], strides = [1, 1, 1]} : vector<12x256x3xf32> to vector<1x256x3xf32>
    %squeeze3A_3903 = vector.shape_cast %slice3A_3902 : vector<1x256x3xf32> to vector<256x3xf32>
    %get3A_3904 = arith.constant 7 : index
    %get3A_3905 = arith.constant 11 : index
    %get3A_3906 = memref.load %arg9[%get3A_3904, %get3A_3905] : memref<12x12xf32, #tpu.memory_space<smem>>
    %mul3A_3907 = vector.broadcast %get3A_3906 : f32 to vector<256x3xf32>
    %mul3A_3908 = arith.mulf %squeeze3A_3903, %mul3A_3907 : vector<256x3xf32>
    %add3A_3909 = arith.addf %add3A_3901, %mul3A_3908 : vector<256x3xf32>
    %slice3A_3910 = vector.extract_strided_slice %reshape3A_2681 {offsets = [8, 0, 0], sizes = [1, 256, 3], strides = [1, 1, 1]} : vector<12x256x3xf32> to vector<1x256x3xf32>
    %squeeze3A_3911 = vector.shape_cast %slice3A_3910 : vector<1x256x3xf32> to vector<256x3xf32>
    %get3A_3912 = arith.constant 8 : index
    %get3A_3913 = arith.constant 11 : index
    %get3A_3914 = memref.load %arg9[%get3A_3912, %get3A_3913] : memref<12x12xf32, #tpu.memory_space<smem>>
    %mul3A_3915 = vector.broadcast %get3A_3914 : f32 to vector<256x3xf32>
    %mul3A_3916 = arith.mulf %squeeze3A_3911, %mul3A_3915 : vector<256x3xf32>
    %add3A_3917 = arith.addf %add3A_3909, %mul3A_3916 : vector<256x3xf32>
    %slice3A_3918 = vector.extract_strided_slice %reshape3A_2681 {offsets = [9, 0, 0], sizes = [1, 256, 3], strides = [1, 1, 1]} : vector<12x256x3xf32> to vector<1x256x3xf32>
    %squeeze3A_3919 = vector.shape_cast %slice3A_3918 : vector<1x256x3xf32> to vector<256x3xf32>
    %get3A_3920 = arith.constant 9 : index
    %get3A_3921 = arith.constant 11 : index
    %get3A_3922 = memref.load %arg9[%get3A_3920, %get3A_3921] : memref<12x12xf32, #tpu.memory_space<smem>>
    %mul3A_3923 = vector.broadcast %get3A_3922 : f32 to vector<256x3xf32>
    %mul3A_3924 = arith.mulf %squeeze3A_3919, %mul3A_3923 : vector<256x3xf32>
    %add3A_3925 = arith.addf %add3A_3917, %mul3A_3924 : vector<256x3xf32>
    %slice3A_3926 = vector.extract_strided_slice %reshape3A_2681 {offsets = [10, 0, 0], sizes = [1, 256, 3], strides = [1, 1, 1]} : vector<12x256x3xf32> to vector<1x256x3xf32>
    %squeeze3A_3927 = vector.shape_cast %slice3A_3926 : vector<1x256x3xf32> to vector<256x3xf32>
    %get3A_3928 = arith.constant 10 : index
    %get3A_3929 = arith.constant 11 : index
    %get3A_3930 = memref.load %arg9[%get3A_3928, %get3A_3929] : memref<12x12xf32, #tpu.memory_space<smem>>
    %mul3A_3931 = vector.broadcast %get3A_3930 : f32 to vector<256x3xf32>
    %mul3A_3932 = arith.mulf %squeeze3A_3927, %mul3A_3931 : vector<256x3xf32>
    %add3A_3933 = arith.addf %add3A_3925, %mul3A_3932 : vector<256x3xf32>
    %slice3A_3934 = vector.extract_strided_slice %reshape3A_2681 {offsets = [11, 0, 0], sizes = [1, 256, 3], strides = [1, 1, 1]} : vector<12x256x3xf32> to vector<1x256x3xf32>
    %squeeze3A_3935 = vector.shape_cast %slice3A_3934 : vector<1x256x3xf32> to vector<256x3xf32>
    %get3A_3936 = arith.constant 11 : index
    %get3A_3937 = arith.constant 11 : index
    %get3A_3938 = memref.load %arg9[%get3A_3936, %get3A_3937] : memref<12x12xf32, #tpu.memory_space<smem>>
    %mul3A_3939 = vector.broadcast %get3A_3938 : f32 to vector<256x3xf32>
    %mul3A_3940 = arith.mulf %squeeze3A_3935, %mul3A_3939 : vector<256x3xf32>
    %add3A_3941 = arith.addf %add3A_3933, %mul3A_3940 : vector<256x3xf32>
    %get3A_3942 = arith.constant 11 : index
    %get3A_3943 = memref.load %arg10[%get3A_3942] : memref<12xf32, #tpu.memory_space<smem>>
    %add3A_3944 = vector.broadcast %get3A_3943 : f32 to vector<256x3xf32>
    %add3A_3945 = arith.addf %add3A_3941, %add3A_3944 : vector<256x3xf32>
    %swap3A_3946 = arith.constant 0 : index
    %swap3A_3947 = arith.constant 11 : index
    %swap3A_3948 = arith.constant 0 : index
    %swap3A_3949 = arith.constant 0 : index
    %swap3A_3950 = vector.load %arg11[%swap3A_3946, %swap3A_3947, %swap3A_3948, %swap3A_3949] : memref<1x12x256x3xf32, #tpu.memory_space<vmem>>, vector<1x1x256x3xf32>
    %swap3A_3951 = vector.shape_cast %swap3A_3950 : vector<1x1x256x3xf32> to vector<256x3xf32>
    %swap3A_3952 = vector.shape_cast %add3A_3945 : vector<256x3xf32> to vector<1x1x256x3xf32>
    tpu.vector_store %arg11[%swap3A_3946, %swap3A_3947, %swap3A_3948, %swap3A_3949], %swap3A_3952 {strides = array<i32>} : memref<1x12x256x3xf32, #tpu.memory_space<vmem>>, vector<1x1x256x3xf32>,
    return
  }
  func.func @transform_0(%arg0: i32, %arg1: i32) -> (i32, i32, i32, i32) {
    %c0_i32 = arith.constant 0 : i32
    %c0_i32_0 = arith.constant 0 : i32
    %c0_i32_1 = arith.constant 0 : i32
    return %arg0, %c0_i32, %arg1, %c0_i32_0 : i32, i32, i32, i32
  }
  func.func @transform_1(%arg0: i32, %arg1: i32) -> (i32, i32) {
    %c0_i32 = arith.constant 0 : i32
    %c0_i32_0 = arith.constant 0 : i32
    %c0_i32_1 = arith.constant 0 : i32
    return %c0_i32, %c0_i32_0 : i32, i32
  }
  func.func @transform_2(%arg0: i32, %arg1: i32) -> (i32, i32) {
    %c0_i32 = arith.constant 0 : i32
    %c0_i32_0 = arith.constant 0 : i32
    %c0_i32_1 = arith.constant 0 : i32
    return %c0_i32, %c0_i32_0 : i32, i32
  }
  func.func @transform_3(%arg0: i32, %arg1: i32) -> (i32, i32) {
    %c0_i32 = arith.constant 0 : i32
    %c0_i32_0 = arith.constant 0 : i32
    %c0_i32_1 = arith.constant 0 : i32
    return %c0_i32, %c0_i32_0 : i32, i32
  }
  func.func @transform_4(%arg0: i32, %arg1: i32) -> (i32, i32) {
    %c0_i32 = arith.constant 0 : i32
    %c0_i32_0 = arith.constant 0 : i32
    %c0_i32_1 = arith.constant 0 : i32
    return %c0_i32, %c0_i32_0 : i32, i32
  }
  func.func @transform_5(%arg0: i32, %arg1: i32) -> (i32, i32) {
    %c0_i32 = arith.constant 0 : i32
    %c0_i32_0 = arith.constant 0 : i32
    %c0_i32_1 = arith.constant 0 : i32
    return %c0_i32, %c0_i32_0 : i32, i32
  }
  func.func @transform_6(%arg0: i32, %arg1: i32) -> (i32, i32) {
    %c0_i32 = arith.constant 0 : i32
    %c0_i32_0 = arith.constant 0 : i32
    %c0_i32_1 = arith.constant 0 : i32
    return %c0_i32, %c0_i32_0 : i32, i32
  }
  func.func @transform_7(%arg0: i32, %arg1: i32) -> (i32, i32) {
    %c0_i32 = arith.constant 0 : i32
    %c0_i32_0 = arith.constant 0 : i32
    %c0_i32_1 = arith.constant 0 : i32
    return %c0_i32, %c0_i32_0 : i32, i32
  }
  func.func @transform_8(%arg0: i32, %arg1: i32) -> i32 {
    %c0_i32 = arith.constant 0 : i32
    %c0_i32_0 = arith.constant 0 : i32
    return %c0_i32 : i32
  }
  func.func @transform_9(%arg0: i32, %arg1: i32) -> (i32, i32, i32, i32) {
    %c0_i32 = arith.constant 0 : i32
    %c0_i32_0 = arith.constant 0 : i32
    %c0_i32_1 = arith.constant 0 : i32
    return %arg0, %c0_i32, %arg1, %c0_i32_0 : i32, i32, i32, i32
  }
}

</mosaic_0001>

<sc_bundles>
// kernel: kernel.5.cloned.1.call-start
scs
__scs_entry_jumppad:
0x0: {  	(pc) =	sbr.rel $0x88, $3  }
0x1: {  	(tag) =	ssettag $0x0;
	lr =	simm.s32 $0x1  }
0x2: {  	[smem:$0x3F90] =	sst lr;
	_ =	strace $0xD0000000  }
0x3: {  	_ = 	snop  }
0x4: {  	_ = 	snop  }
0x5: {  	_ = 	snop  }
0x6: {  	_ = 	snop  }
0x7: {  	_ = 	snop  }
__scs_overlays_trampoline_lowered:
0x8: {  	[smem:$0x3F9F] =	sst s0  }
0x9: {  	[smem:$0x3FA0] =	sst s1  }
0xa: {  	[smem:$0x3FA1] =	sst s2  }
0xb: {  	[smem:$0x3FA2] =	sst s3  }
0xc: {  	[smem:$0x3FA3] =	sst s4  }
0xd: {  	[smem:$0x3FA4] =	sst s5  }
0xe: {  	[smem:$0x3FA5] =	sst s6  }
0xf: {  	[smem:$0x3FA6] =	sst s7  }
0x10: {  	[smem:$0x3FA7] =	sst s8  }
0x11: {  	[smem:$0x3FA8] =	sst s9;
	s0 =	simm.s32 @!p0 $0x0  }
0x12: {  	s1 =	sld [smem:$0x3F8E];
	s0 =	simm.s32 @p0 $0x1  }
0x13: {  	[smem:$0x3FA9] =	sst s0;
	s0 =	simm.s32 @!p1 $0x0  }
0x14: {  	s2 =	sld [smem:$0x3F8D];
	s0 =	simm.s32 @p1 $0x1  }
0x15: {  	[smem:$0x3FAA] =	sst s0;
	s0 =	simm.s32 @!p2 $0x0  }
0x16: {  	s3 =	sld [smem:$0x3FDB];
	s0 =	simm.s32 @p2 $0x1  }
0x17: {  	s4 =	simm.s32 $0x1BF5;
	[smem:$0x3FAC] =	sst s0  }
0x18: {  	s0 =	sld [smem:$0x3F8F];
	_ =	swait.ge [sflag:s4], $0x0  }
0x19: {  	s7 =	sld [smem:$0x3F90]  }
0x1a: {  	s8 =	sadd.s32 $0xFFFFE003, lr  }
0x1b: {  	s9 =	sadd.s32 $0xFFFFFEF7, lr;
	s5 =	simm.s32 $0xFFFFFFFF;
	p2 =	slt.u32 s8, $0xFFFFF086  }
0x1c: {  	p1 =	slt.u32 s9, $0xF7A;
	s5 =	simm.s32 @!p2 $0x0  }
0x1d: {  	s5 =	simm.s32 @p1 $0x1;
	p0 =	seq.s32 s7, s2  }
0x1e: {  	s7 =	smul.u32 @!p0 $0xF7A, s2;
	p2 =	seq.s32 @!p0 s5, $0x0  }
0x1f: {  	s9 =	smul.u32 $0xF7A, s1;
	s8 =	simm.s32 @!p0 $0x1BF5;
	p2 =	por !p2, p0  }
0x20: {  	[sflag:s8] =	ssyncset.s32 @!p0 $0xFFFFF086;
	s6 =	sadd.s32 @!p0 s3, s7;
	s7 =	simm.s32 @!p0 $0x108  }
0x21: {  	s3 =	sadd.s32 s3, s9;
	s6 =	sadd.s32 @!p0 $0x88, s6;
	s7 =	simm.s32 @p2 $0x1082  }
0x22: {  	[simem:s7], [sflag:s8] =	dma.local @!p0 [hbm:s6], $0xF7A  }
0x23: {  	s9 =	sor.u32 $0xD0000000, s2;
	s6 =	simm.s32 $0x108;
	_ =	swait.ge @!p0 [sflag:s8], $0x0  }
0x24: {  	s3 =	sadd.s32 $0x88, s3;
	s6 =	simm.s32 @!p1 $0x1082;
	[sflag:s4] =	ssyncset.s32 $0xFFFFF086  }
0x25: {  	[simem:s6], [sflag:s4] =	dma.local [hbm:s3], $0xF7A  }
0x26: {  	[smem:$0x3F90] =	sst s1;
	(tag) =	ssettag s2;
	_ =	strace s9  }
0x27: {  	s1 =	sld [smem:$0x3FA0]  }
0x28: {  	s2 =	sld [smem:$0x3FA1]  }
0x29: {  	s4 =	sld [smem:$0x3FA3]  }
0x2a: {  	p0 =	seq.s32 s5, $0x0;
	s5 =	sld [smem:$0x3FA4]  }
0x2b: {  	s6 =	sld [smem:$0x3FA5]  }
0x2c: {  	s7 =	sld [smem:$0x3FA6]  }
0x2d: {  	s3 =	simm.s32 $0x108;
	s8 =	sld [smem:$0x3FA7]  }
0x2e: {  	s3 =	simm.s32 @!p0 $0x1082;
	s9 =	sld [smem:$0x3FA8]  }
0x2f: {  	lr =	sadd.s32 s0, s3;
	s0 =	sld [smem:$0x3F9F]  }
0x30: {  	s3 =	sld [smem:$0x3FA2]  }
0x31: {  	[smem:$0x3FAB] =	sst s10  }
0x32: {  	s10 =	sld [smem:$0x3FA9];
	_ =	sdelay $0x3  }
0x33: {  	p0 =	seq.s32 s10, $0x1;
	s10 =	sld [smem:$0x3FAB];
	_ =	sdelay $0x3  }
0x34: {  	[smem:$0x3FAB] =	sst s10  }
0x35: {  	s10 =	sld [smem:$0x3FAA];
	_ =	sdelay $0x3  }
0x36: {  	p1 =	seq.s32 s10, $0x1;
	s10 =	sld [smem:$0x3FAB];
	_ =	sdelay $0x3  }
0x37: {  	[smem:$0x3FAB] =	sst s10  }
0x38: {  	s10 =	sld [smem:$0x3FAC]  }
0x39: {  	_ = 	snop;
	(pc) =	sbr.ind lr, $3  }
0x3a: {  	_ = 	snop  }
0x3b: {  	_ = 	snop  }
0x3c: {  	p2 =	seq.s32 s10, $0x1;
	s10 =	sld [smem:$0x3FAB]  }
0x3d: {  	_ =	shalt  }
0x3e: {  	_ =	shalt  }
0x3f: {  	_ =	shalt  }
0x40: {  	_ =	shalt  }
0x41: {  	_ =	shalt  }
0x42: {  	_ =	shalt  }
0x43: {  	_ =	shalt  }
0x44: {  	_ =	shalt  }
0x45: {  	_ =	shalt  }
0x46: {  	_ =	shalt  }
0x47: {  	_ =	shalt  }
0x48: {  	_ =	shalt  }
0x49: {  	_ =	shalt  }
0x4a: {  	_ =	shalt  }
0x4b: {  	_ =	shalt  }
0x4c: {  	_ =	shalt  }
0x4d: {  	_ =	shalt  }
0x4e: {  	_ =	shalt  }
0x4f: {  	_ =	shalt  }
0x50: {  	_ =	shalt  }
0x51: {  	_ =	shalt  }
0x52: {  	_ =	shalt  }
0x53: {  	_ =	shalt  }
0x54: {  	_ =	shalt  }
0x55: {  	_ =	shalt  }
0x56: {  	_ =	shalt  }
0x57: {  	_ =	shalt  }
0x58: {  	_ =	shalt  }
0x59: {  	_ =	shalt  }
0x5a: {  	_ =	shalt  }
0x5b: {  	_ =	shalt  }
0x5c: {  	_ =	shalt  }
0x5d: {  	_ =	shalt  }
0x5e: {  	_ =	shalt  }
0x5f: {  	_ =	shalt  }
0x60: {  	_ =	shalt  }
0x61: {  	_ =	shalt  }
0x62: {  	_ =	shalt  }
0x63: {  	_ =	shalt  }
0x64: {  	_ =	shalt  }
0x65: {  	_ =	shalt  }
0x66: {  	_ =	shalt  }
0x67: {  	_ =	shalt  }
0x68: {  	_ =	shalt  }
0x69: {  	_ =	shalt  }
0x6a: {  	_ =	shalt  }
0x6b: {  	_ =	shalt  }
0x6c: {  	_ =	shalt  }
0x6d: {  	_ =	shalt  }
0x6e: {  	_ =	shalt  }
0x6f: {  	_ =	shalt  }
0x70: {  	_ =	shalt  }
0x71: {  	_ =	shalt  }
0x72: {  	_ =	shalt  }
0x73: {  	_ =	shalt  }
0x74: {  	_ =	shalt  }
0x75: {  	_ =	shalt  }
0x76: {  	_ =	shalt  }
0x77: {  	_ =	shalt  }
0x78: {  	_ =	shalt  }
0x79: {  	_ =	shalt  }
0x7a: {  	_ =	shalt  }
0x7b: {  	_ =	shalt  }
0x7c: {  	_ =	shalt  }
0x7d: {  	_ =	shalt  }
0x7e: {  	_ =	shalt  }
0x7f: {  	_ =	shalt  }
0x80: {  	_ =	shalt  }
0x81: {  	_ =	shalt  }
0x82: {  	_ =	shalt  }
0x83: {  	_ =	shalt  }
0x84: {  	_ =	shalt  }
0x85: {  	_ =	shalt  }
0x86: {  	_ =	shalt  }
0x87: {  	_ =	shalt  }
.Lfunc_end0:
.L_simem_size_0:
called_computation_lowered:
.L_overlay_start_0:
0x88: {  	s2 =	sld [smem:$0x3FD9]  }
0x89: {  	s3 =	sld [smem:$0x3FFE];
	_ =	sdelay $0x1  }
0x8a: {  	s1 =	srdreg.scid  }
0x8b: {  	s0 =	sand.u32 $0x1, s1  }
0x8c: {  	s17 =	sshll.u32 s0, $0xA;
	s2 =	sadd.s32 s3, s2  }
0x8d: {  	s2 =	sadd.s32 s2, s17  }
0x8e: {  	[smem:$0x3FB7] =	sst s2  }
0x8f: {  	_ = 	snop  }
0x90: {  	s2 =	sld [smem:$0x3FC7]  }
0x91: {  	s18 =	sld [smem:$0x3FD0];
	(tm) =	ssettm $0x1  }
0x92: {  	s4 =	sld [smem:$0x3FFB];
	_ =	sdelay $0x3  }
0x93: {  	_ =	strace s4  }
0x94: {  	s4 =	sld [smem:$0x3FFC];
	_ =	sdelay $0x3  }
0x95: {  	_ =	strace s4  }
0x96: {  	s4 =	sld [smem:$0x3FFD];
	_ =	sdelay $0x3  }
0x97: {  	_ =	strace s4  }
0x98: {  	_ =	strace $0x8FFFFFFF  }
0x99: {  	s19 =	sld [smem:$0x3FDB];
	_ =	sdelay $0x1  }
0x9a: {  	s5 =	simm.s32 $_scs_section_size  }
0x9b: {  	s6 =	simm.s32 $_size__tile_overlayer_lowered;
	s7 =	simm.s32 $_tile_overlayer_lowered  }
0x9c: {  	s22 =	simm.s32 $0x1BFF;
	s21 =	sshll.u32 s7, $0x1;
	s4 =	sadd.s32 s5, s19  }
0x9d: {  	s8 =	simm.s32 $0x0;
	s20 =	sshll.u32 s6, $0x1;
	s6 =	sadd.s32 s21, s4  }
0x9e: {  	[timem:s8], [sflag:s22] =	dma.local [hbm:s6], s20  }
0x9f: {  	_ =	swait.ge [sflag:s22], s20  }
0xa0: {  	s5 =	ssub.s32 $0x0, s20;
	[sflag:s22] =	ssyncset.done $0x0  }
0xa1: {  	[sflag:s22] =	ssyncadd.s32 s5;
	_ =	sdelay $0x1  }
0xa2: {  	s23 =	simm.s32 $0x1B8B  }
0xa3: {  	_ =	swait.ge [sflag:s23], $0x1  }
0xa4: {  	[sflag:s23] =	ssyncset.done $0x0  }
0xa5: {  	s25 =	simm.s32 $0x1B8E;
	s24 =	sld [smem:$0x3FFE];
	[sflag:s23] =	ssyncadd.s32 $0xFFFFFFFF  }
0xa6: {  	s26 =	simm.s32 $execute0_lowered;
	[smem:$0x3FD2] =	sst s25  }
0xa7: {  	s6 =	sshll.u32 s26, $0x1;
	_ =	strace $0x80000046;
	[dreg:$0x1] =	wrdreg $0xFFFFFFFF  }
0xa8: {  	s28 =	simm.s32 $_size_execute0_lowered;
	s4 =	sadd.s32 s4, s6;
	[dreg:$0x0] =	wrdreg $0x0  }
0xa9: {  	s6 =	sshll.u32 s28, $0x1;
	[dreg:$0x2] =	wrdreg s4  }
0xaa: {  	[dreg:$0x3] =	wrdreg s6  }
0xab: {  	[dreg:$0x4] =	wrdreg $0xC0  }
0xac: {  	_ =	task [dreg:s8], $0x5FFFF  }
0xad: {  	[dreg:$0x1] =	wrdreg $0xFFFFFFFF  }
0xae: {  	[dreg:$0x0] =	wrdreg $0x60  }
0xaf: {  	[dreg:$0x2] =	wrdreg s24  }
0xb0: {  	[dreg:$0x3] =	wrdreg s2  }
0xb1: {  	[dreg:$0x4] =	wrdreg s18  }
0xb2: {  	[dreg:$0x5] =	wrdreg $0x9  }
0xb3: {  	_ =	task.clear_ibuf [dreg:s8], $0x6FFFF;
	_ =	strace $0x90000046  }
0xb4: {  	s29 =	simm.s32 $0x9;
	_ =	strace $0x80000048  }
0xb5: {  	_ =	swait.ge [sflag:s29], $0x1  }
0xb6: {  	[sflag:s29] =	ssyncadd.s32 $0xFFFFFFFF  }
0xb7: {  	_ =	strace $0x90000048  }
0xb8: {  	_ =	sfence  }
0xb9: {  	s30 =	sld [smem:$0x0];
	_ =	sdelay $0x2  }
0xba: {  	s31 =	sshll.u32 s1, $0xD;
	s1 =	sshrl.u32 s1, $0x2  }
0xbb: {  	s3 =	sand.u32 $0x4000, s31;
	s1 =	sadd.s32 s1, s30  }
0xbc: {  	s0 =	sor.u32 s3, s0;
	s1 =	sshll.u32 s1, $0x11  }
0xbd: {  	s0 =	sor.u32 s1, s0  }
0xbe: {  	s0 =	sadd.s32 $0x8F2B, s0  }
0xbf: {  	[sflag:s0] =	ssyncadd.remote.s32 $0x1  }
0xc0: {  	_ =	sfence.sel $0xFFFF  }
0xc1: {  	[dreg:$0x0] =	wrdreg $0xFFFFFFFF;
	(pc) =	sbr.abs _section_cstart, $3  }
0xc2: {  	[dreg:$0x1] =	wrdreg $0xFFFFFFFF  }
0xc3: {  	_ =	task.clear_ibuf [dreg:s8], $0x2FFFF;
	_ =	strace $0x9FFFFFFF  }
0xc4: {  	(tm) =	ssettm $0x7FFFFFFF  }
0xc5: {  	_ =	shalt  }
tec
execute0_lowered:
.L_overlay_start_1:
0x0: {  	(tag) =	ssettag $0x1  }
0x1: {  	s7 =	rddreg [dreg:$0x0]  }
0x2: {  	s1 =	rddreg [dreg:$0x1]  }
0x3: {  	s3 =	rddreg [dreg:$0x2]  }
0x4: {  	s0 =	rddreg [dreg:$0x3]  }
0x5: {  	s4 =	simm.s32 $0x0;
	s5 =	srdreg.scid;
	s2 =	stileid.u32  }
0x6: {  	s13 =	simm.s32 $0x0;
	[smem:$0x7FF] =	sst s4;
	s8 =	sand.u32 $0x1, s5  }
0x7: {  	s6 =	sshll.u32 s2, $0x1;
	s5 =	sadd.s32 $0x2E00, s7;
	_ =	strace $0x80000047  }
0x8: {  	s9 =	sor.u32 s8, s6;
	s6 =	sadd.s32 $0x2A00, s7;
	s8 =	ssub.s32 $0x2, s8  }
0x9: {  	s10 =	sshll.u32 s9, $0xC;
	s31 =	sshrl.u32 s8, $0x1;
	s11 =	sshll.u32 s9, $0x5  }
0xa: {  	s9 =	simm.s32 $0x1;
	s7 =	sadd.s32 s10, s7;
	s8 =	ssub.s32 s8, s31  }
0xb: {  	s12 =	sadd.s32 $0x20, s11;
	s10 =	simm.s32 $0x2000;
	v0 =	vmov s11;
	s11 =	simm.s32 $0x4000  }
0xc: {  	s7 =	sadd.s32 $0x3200, s7;
	s8 =	smax.u32 s8, $0x1;
	v1 =	vmov s12;
	s12 =	simm.s32 $0x6000  }
.LBB2_1:
0xd: {  	[tilespmem:s4], [sflag:$0x1] =	stream.linear.gather [hbm4b:s5+s4], $0x2000, $0x38;
	[tilespmem:$0xE000] =	vst v63  }
0xe: {  	_ =	swait.ge [sflag:s9], $0x2000  }
0xf: {  	[sflag:s9] =	ssyncset.done $0x0  }
0x10: {  	[sflag:s9] =	ssyncadd.s32 $0xFFFFE000  }
0x11: {  	[tilespmem:s10], [sflag:$0x1] =	stream.linear.gather [hbm4b:s6+s4], $0x2000, $0x38;
	[tilespmem:$0xE000] =	vst v63  }
0x12: {  	_ =	swait.ge [sflag:s9], $0x2000  }
0x13: {  	[sflag:s9] =	ssyncset.done $0x0  }
0x14: {  	[sflag:s9] =	ssyncadd.s32 $0xFFFFE000  }
0x15: {  	[tilespmem:s11], [sflag:$0x1] =	stream.linear.gather [hbm4b:s1+s4], $0x2000, $0x38;
	[tilespmem:$0xE000] =	vst v63  }
0x16: {  	_ =	swait.ge [sflag:s9], $0x2000  }
0x17: {  	[sflag:s9] =	ssyncset.done $0x0  }
0x18: {  	[sflag:s9] =	ssyncadd.s32 $0xFFFFE000  }
0x19: {  	[tilespmem:s12], [sflag:$0x1] =	stream.linear.gather [hbm4b:s3+s4], $0x8000, $0x38;
	[tilespmem:$0xE000] =	vst v63  }
0x1a: {  	_ =	swait.ge [sflag:s9], $0x8000  }
0x1b: {  	[sflag:s9] =	ssyncset.done $0x0  }
0x1c: {  	s14 =	simm.s32 $0x0;
	s15 =	simm.s32 $0x40;
	[sflag:s9] =	ssyncadd.s32 $0xFFFF8000  }
.LBB2_2:
0x1d: {  	p0 =	sne.s32 s15, $0x7FC0;
	v2 =	vld [tilespmem:s14+$0x2000];
	_ =	sdelay $0x1  }
0x1e: {  	v3 =	vld [tilespmem:s14+$0x0];
	_ =	sdelay $0x2  }
0x1f: {  	vm0 =	vge.s32 v2, v0;
	vm1 =	vlt.s32 v2, v1;
	v2 =	vsub.s32 v2, v0  }
0x20: {  	vm0 =	vmand vm0, vm1;
	v2 =	vshll.u32 v2, $0xA  }
0x21: {  	v4 =	vld [tilespmem:s14+$0x4000];
	v2 =	vadd.s32 v3, v2  }
.Ltmp0:
0x22: {  	(pc) =	sbr.rel @p0 .LBB2_2-.Ltmp0, $2  }
0x23: {  	_ =	sdelay $0x2  }
0x24: {  	s14 =	sshra.s32 s15, $0x2;
	s15 =	sadd.s32 $0x40, s15;
	[tilespmem:v2+s12+$0x0] =	vst.idx.add.f32.msk vm0, v4  }
0x25: {  	v2 =	vld [tilespmem:s14+$0x2000];
	_ =	sdelay $0x1  }
0x26: {  	v3 =	vld [tilespmem:s14+$0x0];
	_ =	sdelay $0x2  }
0x27: {  	vm0 =	vge.s32 v2, v0;
	vm1 =	vlt.s32 v2, v1;
	v2 =	vsub.s32 v2, v0  }
0x28: {  	vm0 =	vmand vm0, vm1;
	v2 =	vshll.u32 v2, $0xA  }
0x29: {  	v4 =	vld [tilespmem:s14+$0x4000];
	v2 =	vadd.s32 v3, v2;
	_ =	sdelay $0x2  }
0x2a: {  	s13 =	sadd.s32 $0x1, s13  }
0x2b: {  	p0 =	sne.s32 s13, s8  }
.Ltmp1:
0x2c: {  	[tilespmem:v2+s12+$0x0] =	vst.idx.add.f32.msk vm0, v4;
	(pc) =	sbr.rel @p0 .LBB2_1-.Ltmp1, $4  }
0x2d: {  	[hbm4b:s7+s4] =	stream.linear.scatter [tilespmem:s12], [sflag:$0x1], $0x8000, $0x38;
	[tilespmem:$0xE000] =	vst v63  }
0x2e: {  	_ =	swait.ge [sflag:s9], $0x8000  }
0x2f: {  	[sflag:s9] =	ssyncset.done $0x0  }
0x30: {  	[sflag:s9] =	ssyncadd.s32 $0xFFFF8000  }
0x31: {  	_ =	sfence.sel $0x180000  }
0x32: {  	[bflag:$0x0] =	sbarrier.arrive $0xFFFF  }
0x33: {  	p0 =	sne.s32 s2, $0x0;
	_ =	strace $0x90000047  }
0x34: {  	s0 =	sadd.s32 @!p0 $0x100000, s0;
	[bflag:$0x2] =	sbarrier.arrive $0xFFFF  }
0x35: {  	[sflag:s0] =	ssyncadd.tile.s32 @!p0 $0x1;
	_ =	shalt  }
.Lfunc_end2:
_tile_overlayer_lowered:
.L_overlay_start_2:
0x36: {  	(tag) =	ssettag $0x2  }
0x37: {  	s0 =	rddreg [dreg:$0x0];
	s2 =	stileid.u32  }
0x38: {  	s1 =	rddreg [dreg:$0x1];
	p0 =	sne.s32 s2, $0x0  }
0x39: {  	s3 =	rddreg [dreg:$0x2];
	[bflag:$0x3] =	sbarrier.arrive $0xFFFF;
	s2 =	simm.s32 @!p0 $0x1C01  }
0x3a: {  	[timem:s3], [sflag:s2] =	dma.local @!p0 [hbm:s0], s1  }
0x3b: {  	s0 =	simm.s32 @!p0 $0x1  }
0x3c: {  	_ =	swait.ge @!p0 [sflag:s0], s1  }
0x3d: {  	s1 =	ssub.s32 @!p0 $0x0, s1;
	[sflag:s0] =	ssyncset.done @!p0 $0x0  }
0x3e: {  	[sflag:s0] =	ssyncadd.s32 @!p0 s1  }
0x3f: {  	[bflag:$0x3] =	sbarrier.arrive $0xFFFF  }
0x40: {  	_ =	shalt  }

</sc_bundles>
